<compile_context>
chip_gen: v7x
topology: tpu7x:2x2x1
jax: 0.10.2.dev20260603
libtpu: 0.0.44.dev20260713+nightly
codegen_flags: <defaults>
</compile_context>

<pallas_src>
import functools

import jax
import jax.numpy as jnp
from jax import lax
from jax.experimental import pallas as pl
from jax.experimental.pallas import tpu as pltpu, tpu_sc as plsc

N = 10000
E = 320000
D = 128
NPAD = 10240
TRASH = 10000
NW = 32
EW = E // NW
R = 1000
GRID = N // R

_mesh = plsc.VectorSubcoreMesh(core_axis_name="c", subcore_axis_name="s")

_CH = 2000


@functools.partial(
    pl.kernel,
    out_type=[
        jax.ShapeDtypeStruct((E,), jnp.int32),
        jax.ShapeDtypeStruct((2, NPAD), jnp.float32),
    ],
    scratch_types=[
        pltpu.VMEM((_CH,), jnp.int32),
        pltpu.VMEM((_CH,), jnp.int32),
        pltpu.VMEM((_CH,), jnp.int32),
        pltpu.VMEM((NPAD,), jnp.float32),
        pltpu.VMEM((640,), jnp.float32),
        pltpu.VMEM((640,), jnp.float32),
        pltpu.VMEM_SHARED((16, NPAD), jnp.float32),
    ],
    mesh=_mesh,
    compiler_params=pltpu.CompilerParams(needs_layout_passes=False),
)
def _prep(src_hbm, dst_hbm, dstr_hbm, degp_hbm, sbuf, dbuf, obuf, acc, rbuf,
          sumbuf, shacc):
    c = lax.axis_index("c")
    s = lax.axis_index("s")
    w = s * 2 + c
    zero16 = jnp.zeros((16,), jnp.float32)
    ones16 = jnp.ones((16,), jnp.float32)
    trash16 = jnp.full((16,), TRASH, jnp.int32)

    def zbody(i, _):
        acc[pl.ds(i * 16, 16)] = zero16
        return 0
    lax.fori_loop(0, NPAD // 16, zbody, 0)

    base0 = w * EW
    for j in range(EW // _CH):
        base = base0 + j * _CH
        pltpu.sync_copy(src_hbm.at[pl.ds(base, _CH)], sbuf)
        pltpu.sync_copy(dst_hbm.at[pl.ds(base, _CH)], dbuf)

        def body(i, _):
            s16 = sbuf[pl.ds(i * 16, 16)]
            d16 = dbuf[pl.ds(i * 16, 16)]
            m = s16 != d16
            obuf[pl.ds(i * 16, 16)] = jnp.where(m, d16, trash16)
            plsc.addupdate_scatter(acc, [s16], ones16, mask=m)
            return 0
        lax.fori_loop(0, _CH // 16, body, 0)
        pltpu.sync_copy(obuf, dstr_hbm.at[pl.ds(base, _CH)])

    pltpu.sync_copy(acc, shacc.at[s])
    plsc.subcore_barrier()
    col0 = s * (NPAD // 16)

    def zb2(i, _):
        sumbuf[pl.ds(i * 16, 16)] = zero16
        return 0
    lax.fori_loop(0, 640 // 16, zb2, 0)
    for r in range(16):
        pltpu.sync_copy(shacc.at[r, pl.ds(col0, 640)], rbuf)

        def ab(i, _):
            sumbuf[pl.ds(i * 16, 16)] = sumbuf[pl.ds(i * 16, 16)] + rbuf[pl.ds(i * 16, 16)]
            return 0
        lax.fori_loop(0, 640 // 16, ab, 0)
    pltpu.sync_copy(sumbuf, degp_hbm.at[c, pl.ds(col0, 640)])


_B = 125
_G = EW // _B


@functools.partial(
    pl.kernel,
    out_type=jax.ShapeDtypeStruct((2, NPAD, D), jnp.float32),
    scratch_types=[
        pltpu.VMEM((_B,), jnp.int32),
        pltpu.VMEM((_B,), jnp.int32),
        pltpu.VMEM((_B,), jnp.int32),
        pltpu.VMEM((_B,), jnp.int32),
        pltpu.VMEM((_B, D), jnp.float32),
        pltpu.VMEM((_B, D), jnp.float32),
        pltpu.VMEM_SHARED((NPAD, D), jnp.float32),
        pltpu.SemaphoreType.DMA,
        pltpu.SemaphoreType.DMA,
        pltpu.SemaphoreType.DMA,
        pltpu.SemaphoreType.DMA,
    ],
    mesh=_mesh,
    compiler_params=pltpu.CompilerParams(needs_layout_passes=False),
)
def _prop(y_hbm, src_hbm, dstr_hbm, zp_hbm, sidx0, sidx1, didx0, didx1,
          rows0, rows1, acc, gsem0, gsem1, isem0, isem1):
    c = lax.axis_index("c")
    s = lax.axis_index("s")
    w = s * 2 + c
    zero16 = jnp.zeros((16,), jnp.float32)

    def zb(i, _):
        rows0[i // 8, pl.ds((i % 8) * 16, 16)] = zero16
        return 0
    lax.fori_loop(0, 64 * 8, zb, 0)
    r0 = s * (NPAD // 16)
    for q in range(10):
        pltpu.sync_copy(rows0.at[pl.ds(0, 64)], acc.at[pl.ds(r0 + q * 64, 64)])
    plsc.subcore_barrier()

    pltpu.sync_copy(src_hbm.at[w, 0], sidx0)
    pltpu.sync_copy(dstr_hbm.at[w, 0], didx0)
    pltpu.async_copy(y_hbm.at[sidx0], rows0, gsem0)
    pltpu.async_copy(src_hbm.at[w, 1], sidx1, isem1)
    pltpu.async_copy(dstr_hbm.at[w, 1], didx1, isem1)

    def gbody(i, _):
        g0 = 2 * i
        g1 = g0 + 1
        pltpu.make_async_copy(y_hbm.at[sidx0], rows0, gsem0).wait()
        pltpu.make_async_copy(src_hbm.at[w, g1], sidx1, isem1).wait()
        pltpu.make_async_copy(dstr_hbm.at[w, g1], didx1, isem1).wait()
        pltpu.async_copy(y_hbm.at[sidx1], rows1, gsem1)
        pltpu.sync_copy(rows0, acc.at[didx0], add=True)

        @pl.when(g0 + 2 < _G)
        def _pf0():
            pltpu.async_copy(src_hbm.at[w, g0 + 2], sidx0, isem0)
            pltpu.async_copy(dstr_hbm.at[w, g0 + 2], didx0, isem0)

        pltpu.make_async_copy(y_hbm.at[sidx1], rows1, gsem1).wait()

        @pl.when(g0 + 2 < _G)
        def _g2():
            pltpu.make_async_copy(src_hbm.at[w, g0 + 2], sidx0, isem0).wait()
            pltpu.make_async_copy(dstr_hbm.at[w, g0 + 2], didx0, isem0).wait()
            pltpu.async_copy(y_hbm.at[sidx0], rows0, gsem0)

        pltpu.sync_copy(rows1, acc.at[didx1], add=True)

        @pl.when(g0 + 3 < _G)
        def _pf1():
            pltpu.async_copy(src_hbm.at[w, g0 + 3], sidx1, isem1)
            pltpu.async_copy(dstr_hbm.at[w, g0 + 3], didx1, isem1)
        return 0
    lax.fori_loop(0, _G // 2, gbody, 0)
    plsc.subcore_barrier()

    rt0 = s * (NPAD // 16)
    for q in range(10):
        rr = rt0 + q * 64
        pltpu.sync_copy(acc.at[pl.ds(rr, 64)], rows0.at[pl.ds(0, 64)])
        pltpu.sync_copy(rows0.at[pl.ds(0, 64)], zp_hbm.at[c, pl.ds(rr, 64)])


def _k2_body(dp_ref, x_ref, dinv_ref, y1_ref):
    d = dp_ref[0] + dp_ref[1]
    good = d > 0.0
    dinv = jnp.where(good, lax.rsqrt(jnp.where(good, d, 1.0)), 0.0)
    dinv_ref[...] = dinv
    y1_ref[...] = dinv * x_ref[...]


_k2 = pl.pallas_call(
    _k2_body,
    grid=(GRID,),
    in_specs=[
        pl.BlockSpec((2, R, 1), lambda i: (0, i, 0)),
        pl.BlockSpec((R, D), lambda i: (i, 0)),
    ],
    out_specs=[
        pl.BlockSpec((R, 1), lambda i: (i, 0)),
        pl.BlockSpec((R, D), lambda i: (i, 0)),
    ],
    out_shape=[
        jax.ShapeDtypeStruct((N, 1), jnp.float32),
        jax.ShapeDtypeStruct((N, D), jnp.float32),
    ],
)


def _k4_body(zp_ref, dinv_ref, tx1_ref, y2_ref):
    z = zp_ref[0] + zp_ref[1]
    dinv = dinv_ref[...]
    tx1 = -dinv * z
    tx1_ref[...] = tx1
    y2_ref[...] = dinv * tx1


_k4 = pl.pallas_call(
    _k4_body,
    grid=(GRID,),
    in_specs=[
        pl.BlockSpec((2, R, D), lambda i: (0, i, 0)),
        pl.BlockSpec((R, 1), lambda i: (i, 0)),
    ],
    out_specs=[
        pl.BlockSpec((R, D), lambda i: (i, 0)),
        pl.BlockSpec((R, D), lambda i: (i, 0)),
    ],
    out_shape=[
        jax.ShapeDtypeStruct((N, D), jnp.float32),
        jax.ShapeDtypeStruct((N, D), jnp.float32),
    ],
)


def _k6_body(x_ref, tx1_ref, zp_ref, dinv_ref, w_ref, b_ref, out_ref):
    z = zp_ref[0] + zp_ref[1]
    x = x_ref[...]
    tx1 = tx1_ref[...]
    tx2 = -2.0 * dinv_ref[...] * z - x
    out = jnp.dot(x, w_ref[0], preferred_element_type=jnp.float32)
    out = out + jnp.dot(tx1, w_ref[1], preferred_element_type=jnp.float32)
    out = out + jnp.dot(tx2, w_ref[2], preferred_element_type=jnp.float32)
    out_ref[...] = out + b_ref[...]


_k6 = pl.pallas_call(
    _k6_body,
    grid=(GRID,),
    in_specs=[
        pl.BlockSpec((R, D), lambda i: (i, 0)),
        pl.BlockSpec((R, D), lambda i: (i, 0)),
        pl.BlockSpec((2, R, D), lambda i: (0, i, 0)),
        pl.BlockSpec((R, 1), lambda i: (i, 0)),
        pl.BlockSpec((3, D, D), lambda i: (0, 0, 0)),
        pl.BlockSpec((1, D), lambda i: (0, 0)),
    ],
    out_specs=pl.BlockSpec((R, D), lambda i: (i, 0)),
    out_shape=jax.ShapeDtypeStruct((N, D), jnp.float32),
)


def kernel(x, edge_index, weight, bias):
    x = x.astype(jnp.float32)
    src = edge_index[0]
    dst = edge_index[1]
    dstr, degp = _prep(src, dst)
    src3 = src.reshape(NW, _G, _B)
    dst3 = dstr.reshape(NW, _G, _B)
    dp = degp[:, :, None]
    dinv, y1 = _k2(dp, x)
    zp1 = _prop(y1, src3, dst3)
    tx1, y2 = _k4(zp1, dinv)
    zp2 = _prop(y2, src3, dst3)
    out = _k6(x, tx1, zp2, dinv, weight, bias.reshape(1, D))
    ixz = jnp.zeros((N,), jnp.float32)
    skl = jnp.zeros((), jnp.float32)
    return out, ixz, skl

# --- scband reference (transcript-rebuilt; emitter-appended) ---
"""Pipeline reference for scband-grafair-12713103197320 (READ-ONLY COPY).

The authoritative reference and input builder live on the scoring server;
editing this copy changes nothing except your own understanding.
"""

import jax, jax.numpy as jnp
import numpy as np

N = 10000
E = 320000
D_IN = 128
D_OUT = 128
K = 3


def setup_inputs(seed: int = 0) -> dict:
    key = jax.random.key(seed)
    k1, k2, k3 = jax.random.split(key, 3)
    x = jax.random.normal(k1, (N, D_IN), dtype=jnp.float32)
    edge_index = jax.random.randint(k2, (2, E), 0, N, dtype=jnp.int32)
    # glorot init for weight [K, in, out]: fan based on last two dims
    stdv = float(np.sqrt(6.0 / (D_IN + D_OUT)))
    weight = jax.random.uniform(k3, (K, D_IN, D_OUT), dtype=jnp.float32,
                                minval=-stdv, maxval=stdv)
    bias = jnp.zeros((D_OUT,), dtype=jnp.float32)
    return {"x": x, "edge_index": edge_index, "weight": weight, "bias": bias}


def reference(x, edge_index, weight, bias):
    # ChebConv forward with normalization='sym', edge_weight=None, lambda_max=2.0
    x = x.astype(jnp.float32)
    src = edge_index[0]
    dst = edge_index[1]
    # remove_self_loops: zero-weight self-loop edges (equivalent under sum aggregation)
    ew = jnp.where(src != dst, 1.0, 0.0).astype(jnp.float32)
    # get_laplacian 'sym': deg from row (src)
    deg = jnp.zeros((N,), dtype=jnp.float32).at[src].add(ew)
    deg_inv_sqrt = jnp.where(deg > 0, 1.0 / jnp.sqrt(jnp.where(deg > 0, deg, 1.0)), 0.0)
    # L = I - D^{-1/2} A D^{-1/2}; off-diagonal weights:
    lap_w = -deg_inv_sqrt[src] * ew * deg_inv_sqrt[dst]
    # scale: 2*w/lambda_max with lambda_max=2 -> unchanged.
    # diagonal: +1 (from Laplacian I) then add_self_loops fill_value=-1 -> net 0,
    # so diagonal contributes nothing to propagation.
    norm = lap_w

    def propagate(h):
        # message: norm.view(-1,1) * x_j  (x_j = h[src]); aggr='add' at dst
        msg = norm[:, None] * h[src]
        return jnp.zeros_like(h).at[dst].add(msg)

    Tx_0 = x
    out = jnp.matmul(Tx_0, weight[0])
    Tx_1 = propagate(x)
    out = out + jnp.matmul(Tx_1, weight[1])
    for k in range(2, K):
        Tx_2 = 2.0 * propagate(Tx_1) - Tx_0
        out = out + jnp.matmul(Tx_2, weight[k])
        Tx_0, Tx_1 = Tx_1, Tx_2
    out = out + bias
    # reparam_mode is None -> ixz zeros, structure_kl_loss zeros
    ixz = jnp.zeros((x.shape[0],), dtype=jnp.float32)
    structure_kl_loss = jnp.zeros([], dtype=jnp.float32)
    return (out, ixz, structure_kl_loss)

if __name__ == "__main__":
    import jax
    _d = setup_inputs()
    print(jax.jit(kernel)(*tuple(_d.values())))

</pallas_src>

<mosaic_0001>
#map = affine_map<(d0, d1) -> (0, 0)>
#map1 = affine_map<(d0, d1) -> (0, 0, 0)>
module attributes {stable_mosaic.version = 14 : i64} {
  func.func @_prop(%arg0: i32, %arg1: i32, %arg2: memref<10000x128xf32, #tpu.memory_space<hbm>>, %arg3: memref<32x80x125xi32, #tpu.memory_space<hbm>>, %arg4: memref<32x80x125xi32, #tpu.memory_space<hbm>>, %arg5: memref<2x10240x128xf32, #tpu.memory_space<hbm>>, %arg6: memref<125xi32, #tpu.memory_space<vmem>>, %arg7: memref<125xi32, #tpu.memory_space<vmem>>, %arg8: memref<125xi32, #tpu.memory_space<vmem>>, %arg9: memref<125xi32, #tpu.memory_space<vmem>>, %arg10: memref<125x128xf32, #tpu.memory_space<vmem>>, %arg11: memref<125x128xf32, #tpu.memory_space<vmem>>, %arg12: memref<10240x128xf32, #tpu.memory_space<vmem_shared>>, %arg13: memref<!tpu.dma_semaphore, #tpu.memory_space<semaphore_mem>>, %arg14: memref<!tpu.dma_semaphore, #tpu.memory_space<semaphore_mem>>, %arg15: memref<!tpu.dma_semaphore, #tpu.memory_space<semaphore_mem>>, %arg16: memref<!tpu.dma_semaphore, #tpu.memory_space<semaphore_mem>>) attributes {dimension_semantics = [#tpu.dimension_semantics<core_parallel>, #tpu.dimension_semantics<subcore_parallel>], iteration_bounds = array<i64: 2, 16>, scalar_prefetch = 0 : i64, scratch_operands = 11 : i64, tpu.core_type = #tpu.core_type<sc_vector_subcore>, window_params = [{transform_indices = #map}, {transform_indices = #map1}, {transform_indices = #map1}, {transform_indices = #map1}]} {
    %mul3A = arith.constant 2 : i32
    %mul3A_0 = arith.muli %arg1, %mul3A : i32
    %add3A = arith.addi %mul3A_0, %arg0 : i32
    %broadcast_in_dim3A = arith.constant 0.000000e+00 : f32
    %broadcast_in_dim3A_1 = vector.broadcast %broadcast_in_dim3A : f32 to vector<16xf32>
    %scan3A = arith.constant 0 : i32
    %scan3A_2 = arith.constant 0 : i32
    %scan3A_3 = arith.constant 512 : i32
    %scan3A_4 = arith.addi %scan3A_2, %scan3A_3 : i32
    %scan3A_5 = arith.constant 1 : i32
    %scan3A_6 = scf.for %scan3A_77 = %scan3A_2 to %scan3A_4 step %scan3A_5 iter_args(%scan3A_78 = %scan3A) -> (i32)  : i32 {
      %jit3A = arith.constant 8 : i32
      %div3A = arith.divsi %scan3A_77, %jit3A : i32
      %sign3A = arith.constant 0 : i32
      %sign3A_79 = arith.cmpi sgt, %scan3A_77, %sign3A : i32
      %sign3A_80 = arith.extui %sign3A_79 : i1 to i32
      %sign3A_81 = arith.constant 0 : i32
      %sign3A_82 = arith.cmpi slt, %scan3A_77, %sign3A_81 : i32
      %sign3A_83 = arith.extui %sign3A_82 : i1 to i32
      %sign3A_84 = arith.subi %sign3A_80, %sign3A_83 : i32
      %sign3A_85 = arith.constant 0 : i32
      %sign3A_86 = arith.cmpi sgt, %jit3A, %sign3A_85 : i32
      %sign3A_87 = arith.extui %sign3A_86 : i1 to i32
      %sign3A_88 = arith.constant 0 : i32
      %sign3A_89 = arith.cmpi slt, %jit3A, %sign3A_88 : i32
      %sign3A_90 = arith.extui %sign3A_89 : i1 to i32
      %sign3A_91 = arith.subi %sign3A_87, %sign3A_90 : i32
      %ne3A = arith.cmpi ne, %sign3A_84, %sign3A_91 : i32
      %rem3A = arith.remsi %scan3A_77, %jit3A : i32
      %ne3A_92 = arith.constant 0 : i32
      %ne3A_93 = arith.cmpi ne, %rem3A, %ne3A_92 : i32
      %and3A = arith.andi %ne3A, %ne3A_93 : i1
      %sub3A = arith.constant 1 : i32
      %sub3A_94 = arith.subi %div3A, %sub3A : i32
      %select_n3A = arith.select %and3A, %sub3A_94, %div3A : i32
      %jit3A_95 = arith.constant 8 : i32
      %eq3A = arith.constant 0 : i32
      %eq3A_96 = arith.cmpi eq, %jit3A_95, %eq3A : i32
      %jit3A_97 = arith.constant 1 : i32
      %select_n3A_98 = arith.select %eq3A_96, %jit3A_97, %jit3A_95 : i32
      %rem3A_99 = arith.remsi %scan3A_77, %select_n3A_98 : i32
      %ne3A_100 = arith.constant 0 : i32
      %ne3A_101 = arith.cmpi ne, %rem3A_99, %ne3A_100 : i32
      %lt3A = arith.constant 0 : i32
      %lt3A_102 = arith.cmpi slt, %rem3A_99, %lt3A : i32
      %lt3A_103 = arith.constant 0 : i32
      %lt3A_104 = arith.cmpi slt, %select_n3A_98, %lt3A_103 : i32
      %ne3A_105 = arith.xori %lt3A_102, %lt3A_104 : i1
      %and3A_106 = arith.andi %ne3A_105, %ne3A_101 : i1
      %add3A_107 = arith.addi %rem3A_99, %select_n3A_98 : i32
      %select_n3A_108 = arith.select %and3A_106, %add3A_107, %rem3A_99 : i32
      %mul3A_109 = arith.constant 16 : i32
      %mul3A_110 = arith.muli %select_n3A_108, %mul3A_109 : i32
      %swap3A = arith.index_cast %select_n3A : i32 to index
      %swap3A_111 = arith.index_cast %mul3A_110 : i32 to index
      %swap3A_112 = tpu.vector_load %arg10[%swap3A, %swap3A_111] {strides = array<i32>} : memref<125x128xf32, #tpu.memory_space<vmem>>, vector<16xf32>,
      tpu.vector_store %arg10[%swap3A, %swap3A_111], %broadcast_in_dim3A_1 {strides = array<i32>} : memref<125x128xf32, #tpu.memory_space<vmem>>, vector<16xf32>,
      %scan3A_113 = arith.constant 0 : i32
      scf.yield %scan3A_113 : i32
    }
    %scan3A_7 = arith.constant 512 : i32
    %mul3A_8 = arith.constant 640 : i32
    %mul3A_9 = arith.muli %arg1, %mul3A_8 : i32
    %add3A_10 = arith.constant 0 : i32
    %add3A_11 = arith.addi %mul3A_9, %add3A_10 : i32
    "tpu.region"() ({
      %run_scoped3A_77 = tpu.sem_alloc : memref<!tpu.dma_semaphore, #tpu.memory_space<semaphore_mem>>
      %dma_start3A_78 = arith.constant 0 : i32
      %dma_start3A_79 = arith.constant 0 : i32
      %dma_start3A_80 = tpu.memref_slice %arg10[%dma_start3A_78, %dma_start3A_79] : memref<125x128xf32, #tpu.memory_space<vmem>> -> memref<64x128xf32, #tpu.memory_space<vmem>>
      %dma_start3A_81 = arith.constant 0 : i32
      %dma_start3A_82 = tpu.memref_slice %arg12[%add3A_11, %dma_start3A_81] : memref<10240x128xf32, #tpu.memory_space<vmem_shared>> -> memref<64x128xf32, #tpu.memory_space<vmem_shared>>
      %dma_start3A_83 = arith.constant 0 : i32
      %dma_start3A_84 = tpu.memref_slice %arg12[%add3A_11, %dma_start3A_83] : memref<10240x128xf32, #tpu.memory_space<vmem_shared>> -> memref<64x128xf32, #tpu.memory_space<vmem_shared>>
      %dma_start3A_85 = arith.constant 0 : i32
      %dma_start3A_86 = arith.constant 0 : i32
      %dma_start3A_87 = tpu.memref_slice %arg10[%dma_start3A_85, %dma_start3A_86] : memref<125x128xf32, #tpu.memory_space<vmem>> -> memref<64x128xf32, #tpu.memory_space<vmem>>
      tpu.enqueue_dma source(%dma_start3A_87 : memref<64x128xf32, #tpu.memory_space<vmem>>) target(%dma_start3A_84 : memref<64x128xf32, #tpu.memory_space<vmem_shared>>) target_semaphore(%run_scoped3A_77 : memref<!tpu.dma_semaphore, #tpu.memory_space<semaphore_mem>>)
      %dma_wait3A = arith.constant 0 : i32
      %dma_wait3A_88 = arith.constant 0 : i32
      %dma_wait3A_89 = tpu.memref_slice %arg10[%dma_wait3A, %dma_wait3A_88] : memref<125x128xf32, #tpu.memory_space<vmem>> -> memref<64x128xf32, #tpu.memory_space<vmem>>
      %dma_wait3A_90 = arith.constant 0 : i32
      %dma_wait3A_91 = tpu.memref_slice %arg12[%add3A_11, %dma_wait3A_90] : memref<10240x128xf32, #tpu.memory_space<vmem_shared>> -> memref<64x128xf32, #tpu.memory_space<vmem_shared>>
      %dma_wait3A_92 = arith.constant 0 : i32
      %dma_wait3A_93 = tpu.memref_slice %arg12[%add3A_11, %dma_wait3A_92] : memref<10240x128xf32, #tpu.memory_space<vmem_shared>> -> memref<64x128xf32, #tpu.memory_space<vmem_shared>>
      %dma_wait3A_94 = arith.constant 0 : i32
      %dma_wait3A_95 = arith.constant 0 : i32
      %dma_wait3A_96 = tpu.memref_slice %arg10[%dma_wait3A_94, %dma_wait3A_95] : memref<125x128xf32, #tpu.memory_space<vmem>> -> memref<64x128xf32, #tpu.memory_space<vmem>>
      tpu.wait_dma2 semaphore(%run_scoped3A_77 : memref<!tpu.dma_semaphore, #tpu.memory_space<semaphore_mem>>) src(%dma_wait3A_96 : memref<64x128xf32, #tpu.memory_space<vmem>>) dst(%dma_wait3A_93 : memref<64x128xf32, #tpu.memory_space<vmem_shared>>)
      tpu.yield
    }) : () -> ()
    %add3A_12 = arith.constant 64 : i32
    %add3A_13 = arith.addi %mul3A_9, %add3A_12 : i32
    "tpu.region"() ({
      %run_scoped3A_77 = tpu.sem_alloc : memref<!tpu.dma_semaphore, #tpu.memory_space<semaphore_mem>>
      %dma_start3A_78 = arith.constant 0 : i32
      %dma_start3A_79 = arith.constant 0 : i32
      %dma_start3A_80 = tpu.memref_slice %arg10[%dma_start3A_78, %dma_start3A_79] : memref<125x128xf32, #tpu.memory_space<vmem>> -> memref<64x128xf32, #tpu.memory_space<vmem>>
      %dma_start3A_81 = arith.constant 0 : i32
      %dma_start3A_82 = tpu.memref_slice %arg12[%add3A_13, %dma_start3A_81] : memref<10240x128xf32, #tpu.memory_space<vmem_shared>> -> memref<64x128xf32, #tpu.memory_space<vmem_shared>>
      %dma_start3A_83 = arith.constant 0 : i32
      %dma_start3A_84 = tpu.memref_slice %arg12[%add3A_13, %dma_start3A_83] : memref<10240x128xf32, #tpu.memory_space<vmem_shared>> -> memref<64x128xf32, #tpu.memory_space<vmem_shared>>
      %dma_start3A_85 = arith.constant 0 : i32
      %dma_start3A_86 = arith.constant 0 : i32
      %dma_start3A_87 = tpu.memref_slice %arg10[%dma_start3A_85, %dma_start3A_86] : memref<125x128xf32, #tpu.memory_space<vmem>> -> memref<64x128xf32, #tpu.memory_space<vmem>>
      tpu.enqueue_dma source(%dma_start3A_87 : memref<64x128xf32, #tpu.memory_space<vmem>>) target(%dma_start3A_84 : memref<64x128xf32, #tpu.memory_space<vmem_shared>>) target_semaphore(%run_scoped3A_77 : memref<!tpu.dma_semaphore, #tpu.memory_space<semaphore_mem>>)
      %dma_wait3A = arith.constant 0 : i32
      %dma_wait3A_88 = arith.constant 0 : i32
      %dma_wait3A_89 = tpu.memref_slice %arg10[%dma_wait3A, %dma_wait3A_88] : memref<125x128xf32, #tpu.memory_space<vmem>> -> memref<64x128xf32, #tpu.memory_space<vmem>>
      %dma_wait3A_90 = arith.constant 0 : i32
      %dma_wait3A_91 = tpu.memref_slice %arg12[%add3A_13, %dma_wait3A_90] : memref<10240x128xf32, #tpu.memory_space<vmem_shared>> -> memref<64x128xf32, #tpu.memory_space<vmem_shared>>
      %dma_wait3A_92 = arith.constant 0 : i32
      %dma_wait3A_93 = tpu.memref_slice %arg12[%add3A_13, %dma_wait3A_92] : memref<10240x128xf32, #tpu.memory_space<vmem_shared>> -> memref<64x128xf32, #tpu.memory_space<vmem_shared>>
      %dma_wait3A_94 = arith.constant 0 : i32
      %dma_wait3A_95 = arith.constant 0 : i32
      %dma_wait3A_96 = tpu.memref_slice %arg10[%dma_wait3A_94, %dma_wait3A_95] : memref<125x128xf32, #tpu.memory_space<vmem>> -> memref<64x128xf32, #tpu.memory_space<vmem>>
      tpu.wait_dma2 semaphore(%run_scoped3A_77 : memref<!tpu.dma_semaphore, #tpu.memory_space<semaphore_mem>>) src(%dma_wait3A_96 : memref<64x128xf32, #tpu.memory_space<vmem>>) dst(%dma_wait3A_93 : memref<64x128xf32, #tpu.memory_space<vmem_shared>>)
      tpu.yield
    }) : () -> ()
    %add3A_14 = arith.constant 128 : i32
    %add3A_15 = arith.addi %mul3A_9, %add3A_14 : i32
    "tpu.region"() ({
      %run_scoped3A_77 = tpu.sem_alloc : memref<!tpu.dma_semaphore, #tpu.memory_space<semaphore_mem>>
      %dma_start3A_78 = arith.constant 0 : i32
      %dma_start3A_79 = arith.constant 0 : i32
      %dma_start3A_80 = tpu.memref_slice %arg10[%dma_start3A_78, %dma_start3A_79] : memref<125x128xf32, #tpu.memory_space<vmem>> -> memref<64x128xf32, #tpu.memory_space<vmem>>
      %dma_start3A_81 = arith.constant 0 : i32
      %dma_start3A_82 = tpu.memref_slice %arg12[%add3A_15, %dma_start3A_81] : memref<10240x128xf32, #tpu.memory_space<vmem_shared>> -> memref<64x128xf32, #tpu.memory_space<vmem_shared>>
      %dma_start3A_83 = arith.constant 0 : i32
      %dma_start3A_84 = tpu.memref_slice %arg12[%add3A_15, %dma_start3A_83] : memref<10240x128xf32, #tpu.memory_space<vmem_shared>> -> memref<64x128xf32, #tpu.memory_space<vmem_shared>>
      %dma_start3A_85 = arith.constant 0 : i32
      %dma_start3A_86 = arith.constant 0 : i32
      %dma_start3A_87 = tpu.memref_slice %arg10[%dma_start3A_85, %dma_start3A_86] : memref<125x128xf32, #tpu.memory_space<vmem>> -> memref<64x128xf32, #tpu.memory_space<vmem>>
      tpu.enqueue_dma source(%dma_start3A_87 : memref<64x128xf32, #tpu.memory_space<vmem>>) target(%dma_start3A_84 : memref<64x128xf32, #tpu.memory_space<vmem_shared>>) target_semaphore(%run_scoped3A_77 : memref<!tpu.dma_semaphore, #tpu.memory_space<semaphore_mem>>)
      %dma_wait3A = arith.constant 0 : i32
      %dma_wait3A_88 = arith.constant 0 : i32
      %dma_wait3A_89 = tpu.memref_slice %arg10[%dma_wait3A, %dma_wait3A_88] : memref<125x128xf32, #tpu.memory_space<vmem>> -> memref<64x128xf32, #tpu.memory_space<vmem>>
      %dma_wait3A_90 = arith.constant 0 : i32
      %dma_wait3A_91 = tpu.memref_slice %arg12[%add3A_15, %dma_wait3A_90] : memref<10240x128xf32, #tpu.memory_space<vmem_shared>> -> memref<64x128xf32, #tpu.memory_space<vmem_shared>>
      %dma_wait3A_92 = arith.constant 0 : i32
      %dma_wait3A_93 = tpu.memref_slice %arg12[%add3A_15, %dma_wait3A_92] : memref<10240x128xf32, #tpu.memory_space<vmem_shared>> -> memref<64x128xf32, #tpu.memory_space<vmem_shared>>
      %dma_wait3A_94 = arith.constant 0 : i32
      %dma_wait3A_95 = arith.constant 0 : i32
      %dma_wait3A_96 = tpu.memref_slice %arg10[%dma_wait3A_94, %dma_wait3A_95] : memref<125x128xf32, #tpu.memory_space<vmem>> -> memref<64x128xf32, #tpu.memory_space<vmem>>
      tpu.wait_dma2 semaphore(%run_scoped3A_77 : memref<!tpu.dma_semaphore, #tpu.memory_space<semaphore_mem>>) src(%dma_wait3A_96 : memref<64x128xf32, #tpu.memory_space<vmem>>) dst(%dma_wait3A_93 : memref<64x128xf32, #tpu.memory_space<vmem_shared>>)
      tpu.yield
    }) : () -> ()
    %add3A_16 = arith.constant 192 : i32
    %add3A_17 = arith.addi %mul3A_9, %add3A_16 : i32
    "tpu.region"() ({
      %run_scoped3A_77 = tpu.sem_alloc : memref<!tpu.dma_semaphore, #tpu.memory_space<semaphore_mem>>
      %dma_start3A_78 = arith.constant 0 : i32
      %dma_start3A_79 = arith.constant 0 : i32
      %dma_start3A_80 = tpu.memref_slice %arg10[%dma_start3A_78, %dma_start3A_79] : memref<125x128xf32, #tpu.memory_space<vmem>> -> memref<64x128xf32, #tpu.memory_space<vmem>>
      %dma_start3A_81 = arith.constant 0 : i32
      %dma_start3A_82 = tpu.memref_slice %arg12[%add3A_17, %dma_start3A_81] : memref<10240x128xf32, #tpu.memory_space<vmem_shared>> -> memref<64x128xf32, #tpu.memory_space<vmem_shared>>
      %dma_start3A_83 = arith.constant 0 : i32
      %dma_start3A_84 = tpu.memref_slice %arg12[%add3A_17, %dma_start3A_83] : memref<10240x128xf32, #tpu.memory_space<vmem_shared>> -> memref<64x128xf32, #tpu.memory_space<vmem_shared>>
      %dma_start3A_85 = arith.constant 0 : i32
      %dma_start3A_86 = arith.constant 0 : i32
      %dma_start3A_87 = tpu.memref_slice %arg10[%dma_start3A_85, %dma_start3A_86] : memref<125x128xf32, #tpu.memory_space<vmem>> -> memref<64x128xf32, #tpu.memory_space<vmem>>
      tpu.enqueue_dma source(%dma_start3A_87 : memref<64x128xf32, #tpu.memory_space<vmem>>) target(%dma_start3A_84 : memref<64x128xf32, #tpu.memory_space<vmem_shared>>) target_semaphore(%run_scoped3A_77 : memref<!tpu.dma_semaphore, #tpu.memory_space<semaphore_mem>>)
      %dma_wait3A = arith.constant 0 : i32
      %dma_wait3A_88 = arith.constant 0 : i32
      %dma_wait3A_89 = tpu.memref_slice %arg10[%dma_wait3A, %dma_wait3A_88] : memref<125x128xf32, #tpu.memory_space<vmem>> -> memref<64x128xf32, #tpu.memory_space<vmem>>
      %dma_wait3A_90 = arith.constant 0 : i32
      %dma_wait3A_91 = tpu.memref_slice %arg12[%add3A_17, %dma_wait3A_90] : memref<10240x128xf32, #tpu.memory_space<vmem_shared>> -> memref<64x128xf32, #tpu.memory_space<vmem_shared>>
      %dma_wait3A_92 = arith.constant 0 : i32
      %dma_wait3A_93 = tpu.memref_slice %arg12[%add3A_17, %dma_wait3A_92] : memref<10240x128xf32, #tpu.memory_space<vmem_shared>> -> memref<64x128xf32, #tpu.memory_space<vmem_shared>>
      %dma_wait3A_94 = arith.constant 0 : i32
      %dma_wait3A_95 = arith.constant 0 : i32
      %dma_wait3A_96 = tpu.memref_slice %arg10[%dma_wait3A_94, %dma_wait3A_95] : memref<125x128xf32, #tpu.memory_space<vmem>> -> memref<64x128xf32, #tpu.memory_space<vmem>>
      tpu.wait_dma2 semaphore(%run_scoped3A_77 : memref<!tpu.dma_semaphore, #tpu.memory_space<semaphore_mem>>) src(%dma_wait3A_96 : memref<64x128xf32, #tpu.memory_space<vmem>>) dst(%dma_wait3A_93 : memref<64x128xf32, #tpu.memory_space<vmem_shared>>)
      tpu.yield
    }) : () -> ()
    %add3A_18 = arith.constant 256 : i32
    %add3A_19 = arith.addi %mul3A_9, %add3A_18 : i32
    "tpu.region"() ({
      %run_scoped3A_77 = tpu.sem_alloc : memref<!tpu.dma_semaphore, #tpu.memory_space<semaphore_mem>>
      %dma_start3A_78 = arith.constant 0 : i32
      %dma_start3A_79 = arith.constant 0 : i32
      %dma_start3A_80 = tpu.memref_slice %arg10[%dma_start3A_78, %dma_start3A_79] : memref<125x128xf32, #tpu.memory_space<vmem>> -> memref<64x128xf32, #tpu.memory_space<vmem>>
      %dma_start3A_81 = arith.constant 0 : i32
      %dma_start3A_82 = tpu.memref_slice %arg12[%add3A_19, %dma_start3A_81] : memref<10240x128xf32, #tpu.memory_space<vmem_shared>> -> memref<64x128xf32, #tpu.memory_space<vmem_shared>>
      %dma_start3A_83 = arith.constant 0 : i32
      %dma_start3A_84 = tpu.memref_slice %arg12[%add3A_19, %dma_start3A_83] : memref<10240x128xf32, #tpu.memory_space<vmem_shared>> -> memref<64x128xf32, #tpu.memory_space<vmem_shared>>
      %dma_start3A_85 = arith.constant 0 : i32
      %dma_start3A_86 = arith.constant 0 : i32
      %dma_start3A_87 = tpu.memref_slice %arg10[%dma_start3A_85, %dma_start3A_86] : memref<125x128xf32, #tpu.memory_space<vmem>> -> memref<64x128xf32, #tpu.memory_space<vmem>>
      tpu.enqueue_dma source(%dma_start3A_87 : memref<64x128xf32, #tpu.memory_space<vmem>>) target(%dma_start3A_84 : memref<64x128xf32, #tpu.memory_space<vmem_shared>>) target_semaphore(%run_scoped3A_77 : memref<!tpu.dma_semaphore, #tpu.memory_space<semaphore_mem>>)
      %dma_wait3A = arith.constant 0 : i32
      %dma_wait3A_88 = arith.constant 0 : i32
      %dma_wait3A_89 = tpu.memref_slice %arg10[%dma_wait3A, %dma_wait3A_88] : memref<125x128xf32, #tpu.memory_space<vmem>> -> memref<64x128xf32, #tpu.memory_space<vmem>>
      %dma_wait3A_90 = arith.constant 0 : i32
      %dma_wait3A_91 = tpu.memref_slice %arg12[%add3A_19, %dma_wait3A_90] : memref<10240x128xf32, #tpu.memory_space<vmem_shared>> -> memref<64x128xf32, #tpu.memory_space<vmem_shared>>
      %dma_wait3A_92 = arith.constant 0 : i32
      %dma_wait3A_93 = tpu.memref_slice %arg12[%add3A_19, %dma_wait3A_92] : memref<10240x128xf32, #tpu.memory_space<vmem_shared>> -> memref<64x128xf32, #tpu.memory_space<vmem_shared>>
      %dma_wait3A_94 = arith.constant 0 : i32
      %dma_wait3A_95 = arith.constant 0 : i32
      %dma_wait3A_96 = tpu.memref_slice %arg10[%dma_wait3A_94, %dma_wait3A_95] : memref<125x128xf32, #tpu.memory_space<vmem>> -> memref<64x128xf32, #tpu.memory_space<vmem>>
      tpu.wait_dma2 semaphore(%run_scoped3A_77 : memref<!tpu.dma_semaphore, #tpu.memory_space<semaphore_mem>>) src(%dma_wait3A_96 : memref<64x128xf32, #tpu.memory_space<vmem>>) dst(%dma_wait3A_93 : memref<64x128xf32, #tpu.memory_space<vmem_shared>>)
      tpu.yield
    }) : () -> ()
    %add3A_20 = arith.constant 320 : i32
    %add3A_21 = arith.addi %mul3A_9, %add3A_20 : i32
    "tpu.region"() ({
      %run_scoped3A_77 = tpu.sem_alloc : memref<!tpu.dma_semaphore, #tpu.memory_space<semaphore_mem>>
      %dma_start3A_78 = arith.constant 0 : i32
      %dma_start3A_79 = arith.constant 0 : i32
      %dma_start3A_80 = tpu.memref_slice %arg10[%dma_start3A_78, %dma_start3A_79] : memref<125x128xf32, #tpu.memory_space<vmem>> -> memref<64x128xf32, #tpu.memory_space<vmem>>
      %dma_start3A_81 = arith.constant 0 : i32
      %dma_start3A_82 = tpu.memref_slice %arg12[%add3A_21, %dma_start3A_81] : memref<10240x128xf32, #tpu.memory_space<vmem_shared>> -> memref<64x128xf32, #tpu.memory_space<vmem_shared>>
      %dma_start3A_83 = arith.constant 0 : i32
      %dma_start3A_84 = tpu.memref_slice %arg12[%add3A_21, %dma_start3A_83] : memref<10240x128xf32, #tpu.memory_space<vmem_shared>> -> memref<64x128xf32, #tpu.memory_space<vmem_shared>>
      %dma_start3A_85 = arith.constant 0 : i32
      %dma_start3A_86 = arith.constant 0 : i32
      %dma_start3A_87 = tpu.memref_slice %arg10[%dma_start3A_85, %dma_start3A_86] : memref<125x128xf32, #tpu.memory_space<vmem>> -> memref<64x128xf32, #tpu.memory_space<vmem>>
      tpu.enqueue_dma source(%dma_start3A_87 : memref<64x128xf32, #tpu.memory_space<vmem>>) target(%dma_start3A_84 : memref<64x128xf32, #tpu.memory_space<vmem_shared>>) target_semaphore(%run_scoped3A_77 : memref<!tpu.dma_semaphore, #tpu.memory_space<semaphore_mem>>)
      %dma_wait3A = arith.constant 0 : i32
      %dma_wait3A_88 = arith.constant 0 : i32
      %dma_wait3A_89 = tpu.memref_slice %arg10[%dma_wait3A, %dma_wait3A_88] : memref<125x128xf32, #tpu.memory_space<vmem>> -> memref<64x128xf32, #tpu.memory_space<vmem>>
      %dma_wait3A_90 = arith.constant 0 : i32
      %dma_wait3A_91 = tpu.memref_slice %arg12[%add3A_21, %dma_wait3A_90] : memref<10240x128xf32, #tpu.memory_space<vmem_shared>> -> memref<64x128xf32, #tpu.memory_space<vmem_shared>>
      %dma_wait3A_92 = arith.constant 0 : i32
      %dma_wait3A_93 = tpu.memref_slice %arg12[%add3A_21, %dma_wait3A_92] : memref<10240x128xf32, #tpu.memory_space<vmem_shared>> -> memref<64x128xf32, #tpu.memory_space<vmem_shared>>
      %dma_wait3A_94 = arith.constant 0 : i32
      %dma_wait3A_95 = arith.constant 0 : i32
      %dma_wait3A_96 = tpu.memref_slice %arg10[%dma_wait3A_94, %dma_wait3A_95] : memref<125x128xf32, #tpu.memory_space<vmem>> -> memref<64x128xf32, #tpu.memory_space<vmem>>
      tpu.wait_dma2 semaphore(%run_scoped3A_77 : memref<!tpu.dma_semaphore, #tpu.memory_space<semaphore_mem>>) src(%dma_wait3A_96 : memref<64x128xf32, #tpu.memory_space<vmem>>) dst(%dma_wait3A_93 : memref<64x128xf32, #tpu.memory_space<vmem_shared>>)
      tpu.yield
    }) : () -> ()
    %add3A_22 = arith.constant 384 : i32
    %add3A_23 = arith.addi %mul3A_9, %add3A_22 : i32
    "tpu.region"() ({
      %run_scoped3A_77 = tpu.sem_alloc : memref<!tpu.dma_semaphore, #tpu.memory_space<semaphore_mem>>
      %dma_start3A_78 = arith.constant 0 : i32
      %dma_start3A_79 = arith.constant 0 : i32
      %dma_start3A_80 = tpu.memref_slice %arg10[%dma_start3A_78, %dma_start3A_79] : memref<125x128xf32, #tpu.memory_space<vmem>> -> memref<64x128xf32, #tpu.memory_space<vmem>>
      %dma_start3A_81 = arith.constant 0 : i32
      %dma_start3A_82 = tpu.memref_slice %arg12[%add3A_23, %dma_start3A_81] : memref<10240x128xf32, #tpu.memory_space<vmem_shared>> -> memref<64x128xf32, #tpu.memory_space<vmem_shared>>
      %dma_start3A_83 = arith.constant 0 : i32
      %dma_start3A_84 = tpu.memref_slice %arg12[%add3A_23, %dma_start3A_83] : memref<10240x128xf32, #tpu.memory_space<vmem_shared>> -> memref<64x128xf32, #tpu.memory_space<vmem_shared>>
      %dma_start3A_85 = arith.constant 0 : i32
      %dma_start3A_86 = arith.constant 0 : i32
      %dma_start3A_87 = tpu.memref_slice %arg10[%dma_start3A_85, %dma_start3A_86] : memref<125x128xf32, #tpu.memory_space<vmem>> -> memref<64x128xf32, #tpu.memory_space<vmem>>
      tpu.enqueue_dma source(%dma_start3A_87 : memref<64x128xf32, #tpu.memory_space<vmem>>) target(%dma_start3A_84 : memref<64x128xf32, #tpu.memory_space<vmem_shared>>) target_semaphore(%run_scoped3A_77 : memref<!tpu.dma_semaphore, #tpu.memory_space<semaphore_mem>>)
      %dma_wait3A = arith.constant 0 : i32
      %dma_wait3A_88 = arith.constant 0 : i32
      %dma_wait3A_89 = tpu.memref_slice %arg10[%dma_wait3A, %dma_wait3A_88] : memref<125x128xf32, #tpu.memory_space<vmem>> -> memref<64x128xf32, #tpu.memory_space<vmem>>
      %dma_wait3A_90 = arith.constant 0 : i32
      %dma_wait3A_91 = tpu.memref_slice %arg12[%add3A_23, %dma_wait3A_90] : memref<10240x128xf32, #tpu.memory_space<vmem_shared>> -> memref<64x128xf32, #tpu.memory_space<vmem_shared>>
      %dma_wait3A_92 = arith.constant 0 : i32
      %dma_wait3A_93 = tpu.memref_slice %arg12[%add3A_23, %dma_wait3A_92] : memref<10240x128xf32, #tpu.memory_space<vmem_shared>> -> memref<64x128xf32, #tpu.memory_space<vmem_shared>>
      %dma_wait3A_94 = arith.constant 0 : i32
      %dma_wait3A_95 = arith.constant 0 : i32
      %dma_wait3A_96 = tpu.memref_slice %arg10[%dma_wait3A_94, %dma_wait3A_95] : memref<125x128xf32, #tpu.memory_space<vmem>> -> memref<64x128xf32, #tpu.memory_space<vmem>>
      tpu.wait_dma2 semaphore(%run_scoped3A_77 : memref<!tpu.dma_semaphore, #tpu.memory_space<semaphore_mem>>) src(%dma_wait3A_96 : memref<64x128xf32, #tpu.memory_space<vmem>>) dst(%dma_wait3A_93 : memref<64x128xf32, #tpu.memory_space<vmem_shared>>)
      tpu.yield
    }) : () -> ()
    %add3A_24 = arith.constant 448 : i32
    %add3A_25 = arith.addi %mul3A_9, %add3A_24 : i32
    "tpu.region"() ({
      %run_scoped3A_77 = tpu.sem_alloc : memref<!tpu.dma_semaphore, #tpu.memory_space<semaphore_mem>>
      %dma_start3A_78 = arith.constant 0 : i32
      %dma_start3A_79 = arith.constant 0 : i32
      %dma_start3A_80 = tpu.memref_slice %arg10[%dma_start3A_78, %dma_start3A_79] : memref<125x128xf32, #tpu.memory_space<vmem>> -> memref<64x128xf32, #tpu.memory_space<vmem>>
      %dma_start3A_81 = arith.constant 0 : i32
      %dma_start3A_82 = tpu.memref_slice %arg12[%add3A_25, %dma_start3A_81] : memref<10240x128xf32, #tpu.memory_space<vmem_shared>> -> memref<64x128xf32, #tpu.memory_space<vmem_shared>>
      %dma_start3A_83 = arith.constant 0 : i32
      %dma_start3A_84 = tpu.memref_slice %arg12[%add3A_25, %dma_start3A_83] : memref<10240x128xf32, #tpu.memory_space<vmem_shared>> -> memref<64x128xf32, #tpu.memory_space<vmem_shared>>
      %dma_start3A_85 = arith.constant 0 : i32
      %dma_start3A_86 = arith.constant 0 : i32
      %dma_start3A_87 = tpu.memref_slice %arg10[%dma_start3A_85, %dma_start3A_86] : memref<125x128xf32, #tpu.memory_space<vmem>> -> memref<64x128xf32, #tpu.memory_space<vmem>>
      tpu.enqueue_dma source(%dma_start3A_87 : memref<64x128xf32, #tpu.memory_space<vmem>>) target(%dma_start3A_84 : memref<64x128xf32, #tpu.memory_space<vmem_shared>>) target_semaphore(%run_scoped3A_77 : memref<!tpu.dma_semaphore, #tpu.memory_space<semaphore_mem>>)
      %dma_wait3A = arith.constant 0 : i32
      %dma_wait3A_88 = arith.constant 0 : i32
      %dma_wait3A_89 = tpu.memref_slice %arg10[%dma_wait3A, %dma_wait3A_88] : memref<125x128xf32, #tpu.memory_space<vmem>> -> memref<64x128xf32, #tpu.memory_space<vmem>>
      %dma_wait3A_90 = arith.constant 0 : i32
      %dma_wait3A_91 = tpu.memref_slice %arg12[%add3A_25, %dma_wait3A_90] : memref<10240x128xf32, #tpu.memory_space<vmem_shared>> -> memref<64x128xf32, #tpu.memory_space<vmem_shared>>
      %dma_wait3A_92 = arith.constant 0 : i32
      %dma_wait3A_93 = tpu.memref_slice %arg12[%add3A_25, %dma_wait3A_92] : memref<10240x128xf32, #tpu.memory_space<vmem_shared>> -> memref<64x128xf32, #tpu.memory_space<vmem_shared>>
      %dma_wait3A_94 = arith.constant 0 : i32
      %dma_wait3A_95 = arith.constant 0 : i32
      %dma_wait3A_96 = tpu.memref_slice %arg10[%dma_wait3A_94, %dma_wait3A_95] : memref<125x128xf32, #tpu.memory_space<vmem>> -> memref<64x128xf32, #tpu.memory_space<vmem>>
      tpu.wait_dma2 semaphore(%run_scoped3A_77 : memref<!tpu.dma_semaphore, #tpu.memory_space<semaphore_mem>>) src(%dma_wait3A_96 : memref<64x128xf32, #tpu.memory_space<vmem>>) dst(%dma_wait3A_93 : memref<64x128xf32, #tpu.memory_space<vmem_shared>>)
      tpu.yield
    }) : () -> ()
    %add3A_26 = arith.constant 512 : i32
    %add3A_27 = arith.addi %mul3A_9, %add3A_26 : i32
    "tpu.region"() ({
      %run_scoped3A_77 = tpu.sem_alloc : memref<!tpu.dma_semaphore, #tpu.memory_space<semaphore_mem>>
      %dma_start3A_78 = arith.constant 0 : i32
      %dma_start3A_79 = arith.constant 0 : i32
      %dma_start3A_80 = tpu.memref_slice %arg10[%dma_start3A_78, %dma_start3A_79] : memref<125x128xf32, #tpu.memory_space<vmem>> -> memref<64x128xf32, #tpu.memory_space<vmem>>
      %dma_start3A_81 = arith.constant 0 : i32
      %dma_start3A_82 = tpu.memref_slice %arg12[%add3A_27, %dma_start3A_81] : memref<10240x128xf32, #tpu.memory_space<vmem_shared>> -> memref<64x128xf32, #tpu.memory_space<vmem_shared>>
      %dma_start3A_83 = arith.constant 0 : i32
      %dma_start3A_84 = tpu.memref_slice %arg12[%add3A_27, %dma_start3A_83] : memref<10240x128xf32, #tpu.memory_space<vmem_shared>> -> memref<64x128xf32, #tpu.memory_space<vmem_shared>>
      %dma_start3A_85 = arith.constant 0 : i32
      %dma_start3A_86 = arith.constant 0 : i32
      %dma_start3A_87 = tpu.memref_slice %arg10[%dma_start3A_85, %dma_start3A_86] : memref<125x128xf32, #tpu.memory_space<vmem>> -> memref<64x128xf32, #tpu.memory_space<vmem>>
      tpu.enqueue_dma source(%dma_start3A_87 : memref<64x128xf32, #tpu.memory_space<vmem>>) target(%dma_start3A_84 : memref<64x128xf32, #tpu.memory_space<vmem_shared>>) target_semaphore(%run_scoped3A_77 : memref<!tpu.dma_semaphore, #tpu.memory_space<semaphore_mem>>)
      %dma_wait3A = arith.constant 0 : i32
      %dma_wait3A_88 = arith.constant 0 : i32
      %dma_wait3A_89 = tpu.memref_slice %arg10[%dma_wait3A, %dma_wait3A_88] : memref<125x128xf32, #tpu.memory_space<vmem>> -> memref<64x128xf32, #tpu.memory_space<vmem>>
      %dma_wait3A_90 = arith.constant 0 : i32
      %dma_wait3A_91 = tpu.memref_slice %arg12[%add3A_27, %dma_wait3A_90] : memref<10240x128xf32, #tpu.memory_space<vmem_shared>> -> memref<64x128xf32, #tpu.memory_space<vmem_shared>>
      %dma_wait3A_92 = arith.constant 0 : i32
      %dma_wait3A_93 = tpu.memref_slice %arg12[%add3A_27, %dma_wait3A_92] : memref<10240x128xf32, #tpu.memory_space<vmem_shared>> -> memref<64x128xf32, #tpu.memory_space<vmem_shared>>
      %dma_wait3A_94 = arith.constant 0 : i32
      %dma_wait3A_95 = arith.constant 0 : i32
      %dma_wait3A_96 = tpu.memref_slice %arg10[%dma_wait3A_94, %dma_wait3A_95] : memref<125x128xf32, #tpu.memory_space<vmem>> -> memref<64x128xf32, #tpu.memory_space<vmem>>
      tpu.wait_dma2 semaphore(%run_scoped3A_77 : memref<!tpu.dma_semaphore, #tpu.memory_space<semaphore_mem>>) src(%dma_wait3A_96 : memref<64x128xf32, #tpu.memory_space<vmem>>) dst(%dma_wait3A_93 : memref<64x128xf32, #tpu.memory_space<vmem_shared>>)
      tpu.yield
    }) : () -> ()
    %add3A_28 = arith.constant 576 : i32
    %add3A_29 = arith.addi %mul3A_9, %add3A_28 : i32
    "tpu.region"() ({
      %run_scoped3A_77 = tpu.sem_alloc : memref<!tpu.dma_semaphore, #tpu.memory_space<semaphore_mem>>
      %dma_start3A_78 = arith.constant 0 : i32
      %dma_start3A_79 = arith.constant 0 : i32
      %dma_start3A_80 = tpu.memref_slice %arg10[%dma_start3A_78, %dma_start3A_79] : memref<125x128xf32, #tpu.memory_space<vmem>> -> memref<64x128xf32, #tpu.memory_space<vmem>>
      %dma_start3A_81 = arith.constant 0 : i32
      %dma_start3A_82 = tpu.memref_slice %arg12[%add3A_29, %dma_start3A_81] : memref<10240x128xf32, #tpu.memory_space<vmem_shared>> -> memref<64x128xf32, #tpu.memory_space<vmem_shared>>
      %dma_start3A_83 = arith.constant 0 : i32
      %dma_start3A_84 = tpu.memref_slice %arg12[%add3A_29, %dma_start3A_83] : memref<10240x128xf32, #tpu.memory_space<vmem_shared>> -> memref<64x128xf32, #tpu.memory_space<vmem_shared>>
      %dma_start3A_85 = arith.constant 0 : i32
      %dma_start3A_86 = arith.constant 0 : i32
      %dma_start3A_87 = tpu.memref_slice %arg10[%dma_start3A_85, %dma_start3A_86] : memref<125x128xf32, #tpu.memory_space<vmem>> -> memref<64x128xf32, #tpu.memory_space<vmem>>
      tpu.enqueue_dma source(%dma_start3A_87 : memref<64x128xf32, #tpu.memory_space<vmem>>) target(%dma_start3A_84 : memref<64x128xf32, #tpu.memory_space<vmem_shared>>) target_semaphore(%run_scoped3A_77 : memref<!tpu.dma_semaphore, #tpu.memory_space<semaphore_mem>>)
      %dma_wait3A = arith.constant 0 : i32
      %dma_wait3A_88 = arith.constant 0 : i32
      %dma_wait3A_89 = tpu.memref_slice %arg10[%dma_wait3A, %dma_wait3A_88] : memref<125x128xf32, #tpu.memory_space<vmem>> -> memref<64x128xf32, #tpu.memory_space<vmem>>
      %dma_wait3A_90 = arith.constant 0 : i32
      %dma_wait3A_91 = tpu.memref_slice %arg12[%add3A_29, %dma_wait3A_90] : memref<10240x128xf32, #tpu.memory_space<vmem_shared>> -> memref<64x128xf32, #tpu.memory_space<vmem_shared>>
      %dma_wait3A_92 = arith.constant 0 : i32
      %dma_wait3A_93 = tpu.memref_slice %arg12[%add3A_29, %dma_wait3A_92] : memref<10240x128xf32, #tpu.memory_space<vmem_shared>> -> memref<64x128xf32, #tpu.memory_space<vmem_shared>>
      %dma_wait3A_94 = arith.constant 0 : i32
      %dma_wait3A_95 = arith.constant 0 : i32
      %dma_wait3A_96 = tpu.memref_slice %arg10[%dma_wait3A_94, %dma_wait3A_95] : memref<125x128xf32, #tpu.memory_space<vmem>> -> memref<64x128xf32, #tpu.memory_space<vmem>>
      tpu.wait_dma2 semaphore(%run_scoped3A_77 : memref<!tpu.dma_semaphore, #tpu.memory_space<semaphore_mem>>) src(%dma_wait3A_96 : memref<64x128xf32, #tpu.memory_space<vmem>>) dst(%dma_wait3A_93 : memref<64x128xf32, #tpu.memory_space<vmem_shared>>)
      tpu.yield
    }) : () -> ()
    %barrier3A = arith.constant 0 : index
    tpu.barrier barrier_id(%barrier3A)
    %run_scoped3A = arith.constant 0 : i32
    "tpu.region"() ({
      %run_scoped3A_77 = tpu.sem_alloc : memref<!tpu.dma_semaphore, #tpu.memory_space<semaphore_mem>>
      %dma_start3A_78 = arith.constant 0 : i32
      %dma_start3A_79 = tpu.memref_slice %arg3[%add3A, %run_scoped3A, %dma_start3A_78] : memref<32x80x125xi32, #tpu.memory_space<hbm>> -> memref<1x1x125xi32, #tpu.memory_space<hbm>>
      %dma_start3A_80 = tpu.memref_squeeze %dma_start3A_79 : memref<1x1x125xi32, #tpu.memory_space<hbm>> -> memref<125xi32, #tpu.memory_space<hbm>>
      %dma_start3A_81 = arith.constant 0 : i32
      %dma_start3A_82 = tpu.memref_slice %arg3[%add3A, %run_scoped3A, %dma_start3A_81] : memref<32x80x125xi32, #tpu.memory_space<hbm>> -> memref<1x1x125xi32, #tpu.memory_space<hbm>>
      %dma_start3A_83 = tpu.memref_squeeze %dma_start3A_82 : memref<1x1x125xi32, #tpu.memory_space<hbm>> -> memref<125xi32, #tpu.memory_space<hbm>>
      tpu.enqueue_dma source(%dma_start3A_83 : memref<125xi32, #tpu.memory_space<hbm>>) target(%arg6 : memref<125xi32, #tpu.memory_space<vmem>>) target_semaphore(%run_scoped3A_77 : memref<!tpu.dma_semaphore, #tpu.memory_space<semaphore_mem>>)
      %dma_wait3A = arith.constant 0 : i32
      %dma_wait3A_84 = tpu.memref_slice %arg3[%add3A, %run_scoped3A, %dma_wait3A] : memref<32x80x125xi32, #tpu.memory_space<hbm>> -> memref<1x1x125xi32, #tpu.memory_space<hbm>>
      %dma_wait3A_85 = tpu.memref_squeeze %dma_wait3A_84 : memref<1x1x125xi32, #tpu.memory_space<hbm>> -> memref<125xi32, #tpu.memory_space<hbm>>
      %dma_wait3A_86 = arith.constant 0 : i32
      %dma_wait3A_87 = tpu.memref_slice %arg3[%add3A, %run_scoped3A, %dma_wait3A_86] : memref<32x80x125xi32, #tpu.memory_space<hbm>> -> memref<1x1x125xi32, #tpu.memory_space<hbm>>
      %dma_wait3A_88 = tpu.memref_squeeze %dma_wait3A_87 : memref<1x1x125xi32, #tpu.memory_space<hbm>> -> memref<125xi32, #tpu.memory_space<hbm>>
      tpu.wait_dma2 semaphore(%run_scoped3A_77 : memref<!tpu.dma_semaphore, #tpu.memory_space<semaphore_mem>>) src(%dma_wait3A_88 : memref<125xi32, #tpu.memory_space<hbm>>) dst(%arg6 : memref<125xi32, #tpu.memory_space<vmem>>)
      tpu.yield
    }) : () -> ()
    %run_scoped3A_30 = arith.constant 0 : i32
    "tpu.region"() ({
      %run_scoped3A_77 = tpu.sem_alloc : memref<!tpu.dma_semaphore, #tpu.memory_space<semaphore_mem>>
      %dma_start3A_78 = arith.constant 0 : i32
      %dma_start3A_79 = tpu.memref_slice %arg4[%add3A, %run_scoped3A_30, %dma_start3A_78] : memref<32x80x125xi32, #tpu.memory_space<hbm>> -> memref<1x1x125xi32, #tpu.memory_space<hbm>>
      %dma_start3A_80 = tpu.memref_squeeze %dma_start3A_79 : memref<1x1x125xi32, #tpu.memory_space<hbm>> -> memref<125xi32, #tpu.memory_space<hbm>>
      %dma_start3A_81 = arith.constant 0 : i32
      %dma_start3A_82 = tpu.memref_slice %arg4[%add3A, %run_scoped3A_30, %dma_start3A_81] : memref<32x80x125xi32, #tpu.memory_space<hbm>> -> memref<1x1x125xi32, #tpu.memory_space<hbm>>
      %dma_start3A_83 = tpu.memref_squeeze %dma_start3A_82 : memref<1x1x125xi32, #tpu.memory_space<hbm>> -> memref<125xi32, #tpu.memory_space<hbm>>
      tpu.enqueue_dma source(%dma_start3A_83 : memref<125xi32, #tpu.memory_space<hbm>>) target(%arg8 : memref<125xi32, #tpu.memory_space<vmem>>) target_semaphore(%run_scoped3A_77 : memref<!tpu.dma_semaphore, #tpu.memory_space<semaphore_mem>>)
      %dma_wait3A = arith.constant 0 : i32
      %dma_wait3A_84 = tpu.memref_slice %arg4[%add3A, %run_scoped3A_30, %dma_wait3A] : memref<32x80x125xi32, #tpu.memory_space<hbm>> -> memref<1x1x125xi32, #tpu.memory_space<hbm>>
      %dma_wait3A_85 = tpu.memref_squeeze %dma_wait3A_84 : memref<1x1x125xi32, #tpu.memory_space<hbm>> -> memref<125xi32, #tpu.memory_space<hbm>>
      %dma_wait3A_86 = arith.constant 0 : i32
      %dma_wait3A_87 = tpu.memref_slice %arg4[%add3A, %run_scoped3A_30, %dma_wait3A_86] : memref<32x80x125xi32, #tpu.memory_space<hbm>> -> memref<1x1x125xi32, #tpu.memory_space<hbm>>
      %dma_wait3A_88 = tpu.memref_squeeze %dma_wait3A_87 : memref<1x1x125xi32, #tpu.memory_space<hbm>> -> memref<125xi32, #tpu.memory_space<hbm>>
      tpu.wait_dma2 semaphore(%run_scoped3A_77 : memref<!tpu.dma_semaphore, #tpu.memory_space<semaphore_mem>>) src(%dma_wait3A_88 : memref<125xi32, #tpu.memory_space<hbm>>) dst(%arg8 : memref<125xi32, #tpu.memory_space<vmem>>)
      tpu.yield
    }) : () -> ()
    %dma_start3A = arith.constant 0 : i32
    %dma_start3A_31 = arith.constant 0 : i32
    %dma_start3A_32 = tpu.memref_slice %arg2[%dma_start3A, %dma_start3A_31] : memref<10000x128xf32, #tpu.memory_space<hbm>> -> memref<10000x128xf32, #tpu.memory_space<hbm>>
    tpu.enqueue_indirect_dma source(%dma_start3A_32 : memref<10000x128xf32, #tpu.memory_space<hbm>>) target(%arg10 : memref<125x128xf32, #tpu.memory_space<vmem>>) offsets(%arg6 : memref<125xi32, #tpu.memory_space<vmem>>) semaphore(%arg13 : memref<!tpu.dma_semaphore, #tpu.memory_space<semaphore_mem>>)
    %dma_start3A_33 = arith.constant 1 : i32
    %dma_start3A_34 = arith.constant 0 : i32
    %dma_start3A_35 = tpu.memref_slice %arg3[%add3A, %dma_start3A_33, %dma_start3A_34] : memref<32x80x125xi32, #tpu.memory_space<hbm>> -> memref<1x1x125xi32, #tpu.memory_space<hbm>>
    %dma_start3A_36 = tpu.memref_squeeze %dma_start3A_35 : memref<1x1x125xi32, #tpu.memory_space<hbm>> -> memref<125xi32, #tpu.memory_space<hbm>>
    %dma_start3A_37 = arith.constant 0 : i32
    %dma_start3A_38 = tpu.memref_slice %arg3[%add3A, %dma_start3A_33, %dma_start3A_37] : memref<32x80x125xi32, #tpu.memory_space<hbm>> -> memref<1x1x125xi32, #tpu.memory_space<hbm>>
    %dma_start3A_39 = tpu.memref_squeeze %dma_start3A_38 : memref<1x1x125xi32, #tpu.memory_space<hbm>> -> memref<125xi32, #tpu.memory_space<hbm>>
    tpu.enqueue_dma source(%dma_start3A_39 : memref<125xi32, #tpu.memory_space<hbm>>) target(%arg7 : memref<125xi32, #tpu.memory_space<vmem>>) target_semaphore(%arg16 : memref<!tpu.dma_semaphore, #tpu.memory_space<semaphore_mem>>)
    %dma_start3A_40 = arith.constant 1 : i32
    %dma_start3A_41 = arith.constant 0 : i32
    %dma_start3A_42 = tpu.memref_slice %arg4[%add3A, %dma_start3A_40, %dma_start3A_41] : memref<32x80x125xi32, #tpu.memory_space<hbm>> -> memref<1x1x125xi32, #tpu.memory_space<hbm>>
    %dma_start3A_43 = tpu.memref_squeeze %dma_start3A_42 : memref<1x1x125xi32, #tpu.memory_space<hbm>> -> memref<125xi32, #tpu.memory_space<hbm>>
    %dma_start3A_44 = arith.constant 0 : i32
    %dma_start3A_45 = tpu.memref_slice %arg4[%add3A, %dma_start3A_40, %dma_start3A_44] : memref<32x80x125xi32, #tpu.memory_space<hbm>> -> memref<1x1x125xi32, #tpu.memory_space<hbm>>
    %dma_start3A_46 = tpu.memref_squeeze %dma_start3A_45 : memref<1x1x125xi32, #tpu.memory_space<hbm>> -> memref<125xi32, #tpu.memory_space<hbm>>
    tpu.enqueue_dma source(%dma_start3A_46 : memref<125xi32, #tpu.memory_space<hbm>>) target(%arg9 : memref<125xi32, #tpu.memory_space<vmem>>) target_semaphore(%arg16 : memref<!tpu.dma_semaphore, #tpu.memory_space<semaphore_mem>>)
    %scan3A_47 = arith.constant 0 : i32
    %scan3A_48 = arith.constant 0 : i32
    %scan3A_49 = arith.constant 40 : i32
    %scan3A_50 = arith.addi %scan3A_48, %scan3A_49 : i32
    %scan3A_51 = arith.constant 1 : i32
    %scan3A_52 = scf.for %scan3A_77 = %scan3A_48 to %scan3A_50 step %scan3A_51 iter_args(%scan3A_78 = %scan3A_47) -> (i32)  : i32 {
      %mul3A_79 = arith.constant 2 : i32
      %mul3A_80 = arith.muli %mul3A_79, %scan3A_77 : i32
      %add3A_81 = arith.constant 1 : i32
      %add3A_82 = arith.addi %mul3A_80, %add3A_81 : i32
      %dma_wait3A = arith.constant 0 : i32
      %dma_wait3A_83 = arith.constant 0 : i32
      %dma_wait3A_84 = tpu.memref_slice %arg2[%dma_wait3A, %dma_wait3A_83] : memref<10000x128xf32, #tpu.memory_space<hbm>> -> memref<10000x128xf32, #tpu.memory_space<hbm>>
      tpu.wait_indirect_dma semaphore(%arg13 : memref<!tpu.dma_semaphore, #tpu.memory_space<semaphore_mem>>) src(%dma_wait3A_84 : memref<10000x128xf32, #tpu.memory_space<hbm>>) dst(%arg10 : memref<125x128xf32, #tpu.memory_space<vmem>>)
      %dma_wait3A_85 = arith.constant 0 : i32
      %dma_wait3A_86 = tpu.memref_slice %arg3[%add3A, %add3A_82, %dma_wait3A_85] : memref<32x80x125xi32, #tpu.memory_space<hbm>> -> memref<1x1x125xi32, #tpu.memory_space<hbm>>
      %dma_wait3A_87 = tpu.memref_squeeze %dma_wait3A_86 : memref<1x1x125xi32, #tpu.memory_space<hbm>> -> memref<125xi32, #tpu.memory_space<hbm>>
      %dma_wait3A_88 = arith.constant 0 : i32
      %dma_wait3A_89 = tpu.memref_slice %arg3[%add3A, %add3A_82, %dma_wait3A_88] : memref<32x80x125xi32, #tpu.memory_space<hbm>> -> memref<1x1x125xi32, #tpu.memory_space<hbm>>
      %dma_wait3A_90 = tpu.memref_squeeze %dma_wait3A_89 : memref<1x1x125xi32, #tpu.memory_space<hbm>> -> memref<125xi32, #tpu.memory_space<hbm>>
      tpu.wait_dma2 semaphore(%arg16 : memref<!tpu.dma_semaphore, #tpu.memory_space<semaphore_mem>>) src(%dma_wait3A_90 : memref<125xi32, #tpu.memory_space<hbm>>) dst(%arg7 : memref<125xi32, #tpu.memory_space<vmem>>)
      %dma_wait3A_91 = arith.constant 0 : i32
      %dma_wait3A_92 = tpu.memref_slice %arg4[%add3A, %add3A_82, %dma_wait3A_91] : memref<32x80x125xi32, #tpu.memory_space<hbm>> -> memref<1x1x125xi32, #tpu.memory_space<hbm>>
      %dma_wait3A_93 = tpu.memref_squeeze %dma_wait3A_92 : memref<1x1x125xi32, #tpu.memory_space<hbm>> -> memref<125xi32, #tpu.memory_space<hbm>>
      %dma_wait3A_94 = arith.constant 0 : i32
      %dma_wait3A_95 = tpu.memref_slice %arg4[%add3A, %add3A_82, %dma_wait3A_94] : memref<32x80x125xi32, #tpu.memory_space<hbm>> -> memref<1x1x125xi32, #tpu.memory_space<hbm>>
      %dma_wait3A_96 = tpu.memref_squeeze %dma_wait3A_95 : memref<1x1x125xi32, #tpu.memory_space<hbm>> -> memref<125xi32, #tpu.memory_space<hbm>>
      tpu.wait_dma2 semaphore(%arg16 : memref<!tpu.dma_semaphore, #tpu.memory_space<semaphore_mem>>) src(%dma_wait3A_96 : memref<125xi32, #tpu.memory_space<hbm>>) dst(%arg9 : memref<125xi32, #tpu.memory_space<vmem>>)
      %dma_start3A_97 = arith.constant 0 : i32
      %dma_start3A_98 = arith.constant 0 : i32
      %dma_start3A_99 = tpu.memref_slice %arg2[%dma_start3A_97, %dma_start3A_98] : memref<10000x128xf32, #tpu.memory_space<hbm>> -> memref<10000x128xf32, #tpu.memory_space<hbm>>
      tpu.enqueue_indirect_dma source(%dma_start3A_99 : memref<10000x128xf32, #tpu.memory_space<hbm>>) target(%arg11 : memref<125x128xf32, #tpu.memory_space<vmem>>) offsets(%arg7 : memref<125xi32, #tpu.memory_space<vmem>>) semaphore(%arg14 : memref<!tpu.dma_semaphore, #tpu.memory_space<semaphore_mem>>)
      "tpu.region"() ({
        %run_scoped3A_122 = tpu.sem_alloc : memref<!tpu.dma_semaphore, #tpu.memory_space<semaphore_mem>>
        %dma_start3A_123 = arith.constant 0 : i32
        %dma_start3A_124 = arith.constant 0 : i32
        %dma_start3A_125 = tpu.memref_slice %arg12[%dma_start3A_123, %dma_start3A_124] : memref<10240x128xf32, #tpu.memory_space<vmem_shared>> -> memref<10240x128xf32, #tpu.memory_space<vmem_shared>>
        tpu.enqueue_indirect_dma source(%arg10 : memref<125x128xf32, #tpu.memory_space<vmem>>) target(%dma_start3A_125 : memref<10240x128xf32, #tpu.memory_space<vmem_shared>>) offsets(%arg8 : memref<125xi32, #tpu.memory_space<vmem>>) semaphore(%run_scoped3A_122 : memref<!tpu.dma_semaphore, #tpu.memory_space<semaphore_mem>>) {add = true}
        %dma_wait3A_126 = arith.constant 0 : i32
        %dma_wait3A_127 = arith.constant 0 : i32
        %dma_wait3A_128 = tpu.memref_slice %arg12[%dma_wait3A_126, %dma_wait3A_127] : memref<10240x128xf32, #tpu.memory_space<vmem_shared>> -> memref<10240x128xf32, #tpu.memory_space<vmem_shared>>
        tpu.wait_indirect_dma semaphore(%run_scoped3A_122 : memref<!tpu.dma_semaphore, #tpu.memory_space<semaphore_mem>>) src(%arg10 : memref<125x128xf32, #tpu.memory_space<vmem>>) dst(%dma_wait3A_128 : memref<10240x128xf32, #tpu.memory_space<vmem_shared>>)
        tpu.yield
      }) : () -> ()
      %add3A_100 = arith.constant 2 : i32
      %add3A_101 = arith.addi %mul3A_80, %add3A_100 : i32
      %lt3A = arith.constant 80 : i32
      %lt3A_102 = arith.cmpi slt, %add3A_101, %lt3A : i32
      %convert_element_type3A = arith.extui %lt3A_102 : i1 to i32
      %cond3A = arith.constant 0 : i32
      %cond3A_103 = arith.cmpi ne, %convert_element_type3A, %cond3A : i32
      scf.if %cond3A_103 {
        %add3A_122 = arith.constant 2 : i32
        %add3A_123 = arith.addi %mul3A_80, %add3A_122 : i32
        %dma_start3A_124 = arith.constant 0 : i32
        %dma_start3A_125 = tpu.memref_slice %arg3[%add3A, %add3A_123, %dma_start3A_124] : memref<32x80x125xi32, #tpu.memory_space<hbm>> -> memref<1x1x125xi32, #tpu.memory_space<hbm>>
        %dma_start3A_126 = tpu.memref_squeeze %dma_start3A_125 : memref<1x1x125xi32, #tpu.memory_space<hbm>> -> memref<125xi32, #tpu.memory_space<hbm>>
        %dma_start3A_127 = arith.constant 0 : i32
        %dma_start3A_128 = tpu.memref_slice %arg3[%add3A, %add3A_123, %dma_start3A_127] : memref<32x80x125xi32, #tpu.memory_space<hbm>> -> memref<1x1x125xi32, #tpu.memory_space<hbm>>
        %dma_start3A_129 = tpu.memref_squeeze %dma_start3A_128 : memref<1x1x125xi32, #tpu.memory_space<hbm>> -> memref<125xi32, #tpu.memory_space<hbm>>
        tpu.enqueue_dma source(%dma_start3A_129 : memref<125xi32, #tpu.memory_space<hbm>>) target(%arg6 : memref<125xi32, #tpu.memory_space<vmem>>) target_semaphore(%arg15 : memref<!tpu.dma_semaphore, #tpu.memory_space<semaphore_mem>>)
        %add3A_130 = arith.constant 2 : i32
        %add3A_131 = arith.addi %mul3A_80, %add3A_130 : i32
        %dma_start3A_132 = arith.constant 0 : i32
        %dma_start3A_133 = tpu.memref_slice %arg4[%add3A, %add3A_131, %dma_start3A_132] : memref<32x80x125xi32, #tpu.memory_space<hbm>> -> memref<1x1x125xi32, #tpu.memory_space<hbm>>
        %dma_start3A_134 = tpu.memref_squeeze %dma_start3A_133 : memref<1x1x125xi32, #tpu.memory_space<hbm>> -> memref<125xi32, #tpu.memory_space<hbm>>
        %dma_start3A_135 = arith.constant 0 : i32
        %dma_start3A_136 = tpu.memref_slice %arg4[%add3A, %add3A_131, %dma_start3A_135] : memref<32x80x125xi32, #tpu.memory_space<hbm>> -> memref<1x1x125xi32, #tpu.memory_space<hbm>>
        %dma_start3A_137 = tpu.memref_squeeze %dma_start3A_136 : memref<1x1x125xi32, #tpu.memory_space<hbm>> -> memref<125xi32, #tpu.memory_space<hbm>>
        tpu.enqueue_dma source(%dma_start3A_137 : memref<125xi32, #tpu.memory_space<hbm>>) target(%arg8 : memref<125xi32, #tpu.memory_space<vmem>>) target_semaphore(%arg15 : memref<!tpu.dma_semaphore, #tpu.memory_space<semaphore_mem>>)
      } else {
      }
      %dma_wait3A_104 = arith.constant 0 : i32
      %dma_wait3A_105 = arith.constant 0 : i32
      %dma_wait3A_106 = tpu.memref_slice %arg2[%dma_wait3A_104, %dma_wait3A_105] : memref<10000x128xf32, #tpu.memory_space<hbm>> -> memref<10000x128xf32, #tpu.memory_space<hbm>>
      tpu.wait_indirect_dma semaphore(%arg14 : memref<!tpu.dma_semaphore, #tpu.memory_space<semaphore_mem>>) src(%dma_wait3A_106 : memref<10000x128xf32, #tpu.memory_space<hbm>>) dst(%arg11 : memref<125x128xf32, #tpu.memory_space<vmem>>)
      %add3A_107 = arith.constant 2 : i32
      %add3A_108 = arith.addi %mul3A_80, %add3A_107 : i32
      %lt3A_109 = arith.constant 80 : i32
      %lt3A_110 = arith.cmpi slt, %add3A_108, %lt3A_109 : i32
      %convert_element_type3A_111 = arith.extui %lt3A_110 : i1 to i32
      %cond3A_112 = arith.constant 0 : i32
      %cond3A_113 = arith.cmpi ne, %convert_element_type3A_111, %cond3A_112 : i32
      scf.if %cond3A_113 {
        %add3A_122 = arith.constant 2 : i32
        %add3A_123 = arith.addi %mul3A_80, %add3A_122 : i32
        %dma_wait3A_124 = arith.constant 0 : i32
        %dma_wait3A_125 = tpu.memref_slice %arg3[%add3A, %add3A_123, %dma_wait3A_124] : memref<32x80x125xi32, #tpu.memory_space<hbm>> -> memref<1x1x125xi32, #tpu.memory_space<hbm>>
        %dma_wait3A_126 = tpu.memref_squeeze %dma_wait3A_125 : memref<1x1x125xi32, #tpu.memory_space<hbm>> -> memref<125xi32, #tpu.memory_space<hbm>>
        %dma_wait3A_127 = arith.constant 0 : i32
        %dma_wait3A_128 = tpu.memref_slice %arg3[%add3A, %add3A_123, %dma_wait3A_127] : memref<32x80x125xi32, #tpu.memory_space<hbm>> -> memref<1x1x125xi32, #tpu.memory_space<hbm>>
        %dma_wait3A_129 = tpu.memref_squeeze %dma_wait3A_128 : memref<1x1x125xi32, #tpu.memory_space<hbm>> -> memref<125xi32, #tpu.memory_space<hbm>>
        tpu.wait_dma2 semaphore(%arg15 : memref<!tpu.dma_semaphore, #tpu.memory_space<semaphore_mem>>) src(%dma_wait3A_129 : memref<125xi32, #tpu.memory_space<hbm>>) dst(%arg6 : memref<125xi32, #tpu.memory_space<vmem>>)
        %add3A_130 = arith.constant 2 : i32
        %add3A_131 = arith.addi %mul3A_80, %add3A_130 : i32
        %dma_wait3A_132 = arith.constant 0 : i32
        %dma_wait3A_133 = tpu.memref_slice %arg4[%add3A, %add3A_131, %dma_wait3A_132] : memref<32x80x125xi32, #tpu.memory_space<hbm>> -> memref<1x1x125xi32, #tpu.memory_space<hbm>>
        %dma_wait3A_134 = tpu.memref_squeeze %dma_wait3A_133 : memref<1x1x125xi32, #tpu.memory_space<hbm>> -> memref<125xi32, #tpu.memory_space<hbm>>
        %dma_wait3A_135 = arith.constant 0 : i32
        %dma_wait3A_136 = tpu.memref_slice %arg4[%add3A, %add3A_131, %dma_wait3A_135] : memref<32x80x125xi32, #tpu.memory_space<hbm>> -> memref<1x1x125xi32, #tpu.memory_space<hbm>>
        %dma_wait3A_137 = tpu.memref_squeeze %dma_wait3A_136 : memref<1x1x125xi32, #tpu.memory_space<hbm>> -> memref<125xi32, #tpu.memory_space<hbm>>
        tpu.wait_dma2 semaphore(%arg15 : memref<!tpu.dma_semaphore, #tpu.memory_space<semaphore_mem>>) src(%dma_wait3A_137 : memref<125xi32, #tpu.memory_space<hbm>>) dst(%arg8 : memref<125xi32, #tpu.memory_space<vmem>>)
        %dma_start3A_138 = arith.constant 0 : i32
        %dma_start3A_139 = arith.constant 0 : i32
        %dma_start3A_140 = tpu.memref_slice %arg2[%dma_start3A_138, %dma_start3A_139] : memref<10000x128xf32, #tpu.memory_space<hbm>> -> memref<10000x128xf32, #tpu.memory_space<hbm>>
        tpu.enqueue_indirect_dma source(%dma_start3A_140 : memref<10000x128xf32, #tpu.memory_space<hbm>>) target(%arg10 : memref<125x128xf32, #tpu.memory_space<vmem>>) offsets(%arg6 : memref<125xi32, #tpu.memory_space<vmem>>) semaphore(%arg13 : memref<!tpu.dma_semaphore, #tpu.memory_space<semaphore_mem>>)
      } else {
      }
      "tpu.region"() ({
        %run_scoped3A_122 = tpu.sem_alloc : memref<!tpu.dma_semaphore, #tpu.memory_space<semaphore_mem>>
        %dma_start3A_123 = arith.constant 0 : i32
        %dma_start3A_124 = arith.constant 0 : i32
        %dma_start3A_125 = tpu.memref_slice %arg12[%dma_start3A_123, %dma_start3A_124] : memref<10240x128xf32, #tpu.memory_space<vmem_shared>> -> memref<10240x128xf32, #tpu.memory_space<vmem_shared>>
        tpu.enqueue_indirect_dma source(%arg11 : memref<125x128xf32, #tpu.memory_space<vmem>>) target(%dma_start3A_125 : memref<10240x128xf32, #tpu.memory_space<vmem_shared>>) offsets(%arg9 : memref<125xi32, #tpu.memory_space<vmem>>) semaphore(%run_scoped3A_122 : memref<!tpu.dma_semaphore, #tpu.memory_space<semaphore_mem>>) {add = true}
        %dma_wait3A_126 = arith.constant 0 : i32
        %dma_wait3A_127 = arith.constant 0 : i32
        %dma_wait3A_128 = tpu.memref_slice %arg12[%dma_wait3A_126, %dma_wait3A_127] : memref<10240x128xf32, #tpu.memory_space<vmem_shared>> -> memref<10240x128xf32, #tpu.memory_space<vmem_shared>>
        tpu.wait_indirect_dma semaphore(%run_scoped3A_122 : memref<!tpu.dma_semaphore, #tpu.memory_space<semaphore_mem>>) src(%arg11 : memref<125x128xf32, #tpu.memory_space<vmem>>) dst(%dma_wait3A_128 : memref<10240x128xf32, #tpu.memory_space<vmem_shared>>)
        tpu.yield
      }) : () -> ()
      %add3A_114 = arith.constant 3 : i32
      %add3A_115 = arith.addi %mul3A_80, %add3A_114 : i32
      %lt3A_116 = arith.constant 80 : i32
      %lt3A_117 = arith.cmpi slt, %add3A_115, %lt3A_116 : i32
      %convert_element_type3A_118 = arith.extui %lt3A_117 : i1 to i32
      %cond3A_119 = arith.constant 0 : i32
      %cond3A_120 = arith.cmpi ne, %convert_element_type3A_118, %cond3A_119 : i32
      scf.if %cond3A_120 {
        %add3A_122 = arith.constant 3 : i32
        %add3A_123 = arith.addi %mul3A_80, %add3A_122 : i32
        %dma_start3A_124 = arith.constant 0 : i32
        %dma_start3A_125 = tpu.memref_slice %arg3[%add3A, %add3A_123, %dma_start3A_124] : memref<32x80x125xi32, #tpu.memory_space<hbm>> -> memref<1x1x125xi32, #tpu.memory_space<hbm>>
        %dma_start3A_126 = tpu.memref_squeeze %dma_start3A_125 : memref<1x1x125xi32, #tpu.memory_space<hbm>> -> memref<125xi32, #tpu.memory_space<hbm>>
        %dma_start3A_127 = arith.constant 0 : i32
        %dma_start3A_128 = tpu.memref_slice %arg3[%add3A, %add3A_123, %dma_start3A_127] : memref<32x80x125xi32, #tpu.memory_space<hbm>> -> memref<1x1x125xi32, #tpu.memory_space<hbm>>
        %dma_start3A_129 = tpu.memref_squeeze %dma_start3A_128 : memref<1x1x125xi32, #tpu.memory_space<hbm>> -> memref<125xi32, #tpu.memory_space<hbm>>
        tpu.enqueue_dma source(%dma_start3A_129 : memref<125xi32, #tpu.memory_space<hbm>>) target(%arg7 : memref<125xi32, #tpu.memory_space<vmem>>) target_semaphore(%arg16 : memref<!tpu.dma_semaphore, #tpu.memory_space<semaphore_mem>>)
        %add3A_130 = arith.constant 3 : i32
        %add3A_131 = arith.addi %mul3A_80, %add3A_130 : i32
        %dma_start3A_132 = arith.constant 0 : i32
        %dma_start3A_133 = tpu.memref_slice %arg4[%add3A, %add3A_131, %dma_start3A_132] : memref<32x80x125xi32, #tpu.memory_space<hbm>> -> memref<1x1x125xi32, #tpu.memory_space<hbm>>
        %dma_start3A_134 = tpu.memref_squeeze %dma_start3A_133 : memref<1x1x125xi32, #tpu.memory_space<hbm>> -> memref<125xi32, #tpu.memory_space<hbm>>
        %dma_start3A_135 = arith.constant 0 : i32
        %dma_start3A_136 = tpu.memref_slice %arg4[%add3A, %add3A_131, %dma_start3A_135] : memref<32x80x125xi32, #tpu.memory_space<hbm>> -> memref<1x1x125xi32, #tpu.memory_space<hbm>>
        %dma_start3A_137 = tpu.memref_squeeze %dma_start3A_136 : memref<1x1x125xi32, #tpu.memory_space<hbm>> -> memref<125xi32, #tpu.memory_space<hbm>>
        tpu.enqueue_dma source(%dma_start3A_137 : memref<125xi32, #tpu.memory_space<hbm>>) target(%arg9 : memref<125xi32, #tpu.memory_space<vmem>>) target_semaphore(%arg16 : memref<!tpu.dma_semaphore, #tpu.memory_space<semaphore_mem>>)
      } else {
      }
      %scan3A_121 = arith.constant 0 : i32
      scf.yield %scan3A_121 : i32
    }
    %scan3A_53 = arith.constant 40 : i32
    %barrier3A_54 = arith.constant 0 : index
    tpu.barrier barrier_id(%barrier3A_54)
    %mul3A_55 = arith.constant 640 : i32
    %mul3A_56 = arith.muli %arg1, %mul3A_55 : i32
    %add3A_57 = arith.constant 0 : i32
    %add3A_58 = arith.addi %mul3A_56, %add3A_57 : i32
    "tpu.region"() ({
      %run_scoped3A_77 = tpu.sem_alloc : memref<!tpu.dma_semaphore, #tpu.memory_space<semaphore_mem>>
      %dma_start3A_78 = arith.constant 0 : i32
      %dma_start3A_79 = arith.constant 0 : i32
      %dma_start3A_80 = tpu.memref_slice %arg10[%dma_start3A_78, %dma_start3A_79] : memref<125x128xf32, #tpu.memory_space<vmem>> -> memref<64x128xf32, #tpu.memory_space<vmem>>
      %dma_start3A_81 = arith.constant 0 : i32
      %dma_start3A_82 = tpu.memref_slice %arg12[%add3A_58, %dma_start3A_81] : memref<10240x128xf32, #tpu.memory_space<vmem_shared>> -> memref<64x128xf32, #tpu.memory_space<vmem_shared>>
      %dma_start3A_83 = arith.constant 0 : i32
      %dma_start3A_84 = arith.constant 0 : i32
      %dma_start3A_85 = tpu.memref_slice %arg10[%dma_start3A_83, %dma_start3A_84] : memref<125x128xf32, #tpu.memory_space<vmem>> -> memref<64x128xf32, #tpu.memory_space<vmem>>
      %dma_start3A_86 = arith.constant 0 : i32
      %dma_start3A_87 = tpu.memref_slice %arg12[%add3A_58, %dma_start3A_86] : memref<10240x128xf32, #tpu.memory_space<vmem_shared>> -> memref<64x128xf32, #tpu.memory_space<vmem_shared>>
      tpu.enqueue_dma source(%dma_start3A_87 : memref<64x128xf32, #tpu.memory_space<vmem_shared>>) target(%dma_start3A_85 : memref<64x128xf32, #tpu.memory_space<vmem>>) target_semaphore(%run_scoped3A_77 : memref<!tpu.dma_semaphore, #tpu.memory_space<semaphore_mem>>)
      %dma_wait3A = arith.constant 0 : i32
      %dma_wait3A_88 = arith.constant 0 : i32
      %dma_wait3A_89 = tpu.memref_slice %arg10[%dma_wait3A, %dma_wait3A_88] : memref<125x128xf32, #tpu.memory_space<vmem>> -> memref<64x128xf32, #tpu.memory_space<vmem>>
      %dma_wait3A_90 = arith.constant 0 : i32
      %dma_wait3A_91 = tpu.memref_slice %arg12[%add3A_58, %dma_wait3A_90] : memref<10240x128xf32, #tpu.memory_space<vmem_shared>> -> memref<64x128xf32, #tpu.memory_space<vmem_shared>>
      %dma_wait3A_92 = arith.constant 0 : i32
      %dma_wait3A_93 = arith.constant 0 : i32
      %dma_wait3A_94 = tpu.memref_slice %arg10[%dma_wait3A_92, %dma_wait3A_93] : memref<125x128xf32, #tpu.memory_space<vmem>> -> memref<64x128xf32, #tpu.memory_space<vmem>>
      %dma_wait3A_95 = arith.constant 0 : i32
      %dma_wait3A_96 = tpu.memref_slice %arg12[%add3A_58, %dma_wait3A_95] : memref<10240x128xf32, #tpu.memory_space<vmem_shared>> -> memref<64x128xf32, #tpu.memory_space<vmem_shared>>
      tpu.wait_dma2 semaphore(%run_scoped3A_77 : memref<!tpu.dma_semaphore, #tpu.memory_space<semaphore_mem>>) src(%dma_wait3A_96 : memref<64x128xf32, #tpu.memory_space<vmem_shared>>) dst(%dma_wait3A_94 : memref<64x128xf32, #tpu.memory_space<vmem>>)
      tpu.yield
    }) : () -> ()
    "tpu.region"() ({
      %run_scoped3A_77 = tpu.sem_alloc : memref<!tpu.dma_semaphore, #tpu.memory_space<semaphore_mem>>
      %dma_start3A_78 = arith.constant 0 : i32
      %dma_start3A_79 = arith.constant 0 : i32
      %dma_start3A_80 = tpu.memref_slice %arg10[%dma_start3A_78, %dma_start3A_79] : memref<125x128xf32, #tpu.memory_space<vmem>> -> memref<64x128xf32, #tpu.memory_space<vmem>>
      %dma_start3A_81 = arith.constant 0 : i32
      %dma_start3A_82 = tpu.memref_slice %arg5[%arg0, %add3A_58, %dma_start3A_81] : memref<2x10240x128xf32, #tpu.memory_space<hbm>> -> memref<1x64x128xf32, #tpu.memory_space<hbm>>
      %dma_start3A_83 = tpu.memref_squeeze %dma_start3A_82 : memref<1x64x128xf32, #tpu.memory_space<hbm>> -> memref<64x128xf32, #tpu.memory_space<hbm>>
      %dma_start3A_84 = arith.constant 0 : i32
      %dma_start3A_85 = tpu.memref_slice %arg5[%arg0, %add3A_58, %dma_start3A_84] : memref<2x10240x128xf32, #tpu.memory_space<hbm>> -> memref<1x64x128xf32, #tpu.memory_space<hbm>>
      %dma_start3A_86 = tpu.memref_squeeze %dma_start3A_85 : memref<1x64x128xf32, #tpu.memory_space<hbm>> -> memref<64x128xf32, #tpu.memory_space<hbm>>
      %dma_start3A_87 = arith.constant 0 : i32
      %dma_start3A_88 = arith.constant 0 : i32
      %dma_start3A_89 = tpu.memref_slice %arg10[%dma_start3A_87, %dma_start3A_88] : memref<125x128xf32, #tpu.memory_space<vmem>> -> memref<64x128xf32, #tpu.memory_space<vmem>>
      tpu.enqueue_dma source(%dma_start3A_89 : memref<64x128xf32, #tpu.memory_space<vmem>>) target(%dma_start3A_86 : memref<64x128xf32, #tpu.memory_space<hbm>>) target_semaphore(%run_scoped3A_77 : memref<!tpu.dma_semaphore, #tpu.memory_space<semaphore_mem>>)
      %dma_wait3A = arith.constant 0 : i32
      %dma_wait3A_90 = arith.constant 0 : i32
      %dma_wait3A_91 = tpu.memref_slice %arg10[%dma_wait3A, %dma_wait3A_90] : memref<125x128xf32, #tpu.memory_space<vmem>> -> memref<64x128xf32, #tpu.memory_space<vmem>>
      %dma_wait3A_92 = arith.constant 0 : i32
      %dma_wait3A_93 = tpu.memref_slice %arg5[%arg0, %add3A_58, %dma_wait3A_92] : memref<2x10240x128xf32, #tpu.memory_space<hbm>> -> memref<1x64x128xf32, #tpu.memory_space<hbm>>
      %dma_wait3A_94 = tpu.memref_squeeze %dma_wait3A_93 : memref<1x64x128xf32, #tpu.memory_space<hbm>> -> memref<64x128xf32, #tpu.memory_space<hbm>>
      %dma_wait3A_95 = arith.constant 0 : i32
      %dma_wait3A_96 = tpu.memref_slice %arg5[%arg0, %add3A_58, %dma_wait3A_95] : memref<2x10240x128xf32, #tpu.memory_space<hbm>> -> memref<1x64x128xf32, #tpu.memory_space<hbm>>
      %dma_wait3A_97 = tpu.memref_squeeze %dma_wait3A_96 : memref<1x64x128xf32, #tpu.memory_space<hbm>> -> memref<64x128xf32, #tpu.memory_space<hbm>>
      %dma_wait3A_98 = arith.constant 0 : i32
      %dma_wait3A_99 = arith.constant 0 : i32
      %dma_wait3A_100 = tpu.memref_slice %arg10[%dma_wait3A_98, %dma_wait3A_99] : memref<125x128xf32, #tpu.memory_space<vmem>> -> memref<64x128xf32, #tpu.memory_space<vmem>>
      tpu.wait_dma2 semaphore(%run_scoped3A_77 : memref<!tpu.dma_semaphore, #tpu.memory_space<semaphore_mem>>) src(%dma_wait3A_100 : memref<64x128xf32, #tpu.memory_space<vmem>>) dst(%dma_wait3A_97 : memref<64x128xf32, #tpu.memory_space<hbm>>)
      tpu.yield
    }) : () -> ()
    %add3A_59 = arith.constant 64 : i32
    %add3A_60 = arith.addi %mul3A_56, %add3A_59 : i32
    "tpu.region"() ({
      %run_scoped3A_77 = tpu.sem_alloc : memref<!tpu.dma_semaphore, #tpu.memory_space<semaphore_mem>>
      %dma_start3A_78 = arith.constant 0 : i32
      %dma_start3A_79 = arith.constant 0 : i32
      %dma_start3A_80 = tpu.memref_slice %arg10[%dma_start3A_78, %dma_start3A_79] : memref<125x128xf32, #tpu.memory_space<vmem>> -> memref<64x128xf32, #tpu.memory_space<vmem>>
      %dma_start3A_81 = arith.constant 0 : i32
      %dma_start3A_82 = tpu.memref_slice %arg12[%add3A_60, %dma_start3A_81] : memref<10240x128xf32, #tpu.memory_space<vmem_shared>> -> memref<64x128xf32, #tpu.memory_space<vmem_shared>>
      %dma_start3A_83 = arith.constant 0 : i32
      %dma_start3A_84 = arith.constant 0 : i32
      %dma_start3A_85 = tpu.memref_slice %arg10[%dma_start3A_83, %dma_start3A_84] : memref<125x128xf32, #tpu.memory_space<vmem>> -> memref<64x128xf32, #tpu.memory_space<vmem>>
      %dma_start3A_86 = arith.constant 0 : i32
      %dma_start3A_87 = tpu.memref_slice %arg12[%add3A_60, %dma_start3A_86] : memref<10240x128xf32, #tpu.memory_space<vmem_shared>> -> memref<64x128xf32, #tpu.memory_space<vmem_shared>>
      tpu.enqueue_dma source(%dma_start3A_87 : memref<64x128xf32, #tpu.memory_space<vmem_shared>>) target(%dma_start3A_85 : memref<64x128xf32, #tpu.memory_space<vmem>>) target_semaphore(%run_scoped3A_77 : memref<!tpu.dma_semaphore, #tpu.memory_space<semaphore_mem>>)
      %dma_wait3A = arith.constant 0 : i32
      %dma_wait3A_88 = arith.constant 0 : i32
      %dma_wait3A_89 = tpu.memref_slice %arg10[%dma_wait3A, %dma_wait3A_88] : memref<125x128xf32, #tpu.memory_space<vmem>> -> memref<64x128xf32, #tpu.memory_space<vmem>>
      %dma_wait3A_90 = arith.constant 0 : i32
      %dma_wait3A_91 = tpu.memref_slice %arg12[%add3A_60, %dma_wait3A_90] : memref<10240x128xf32, #tpu.memory_space<vmem_shared>> -> memref<64x128xf32, #tpu.memory_space<vmem_shared>>
      %dma_wait3A_92 = arith.constant 0 : i32
      %dma_wait3A_93 = arith.constant 0 : i32
      %dma_wait3A_94 = tpu.memref_slice %arg10[%dma_wait3A_92, %dma_wait3A_93] : memref<125x128xf32, #tpu.memory_space<vmem>> -> memref<64x128xf32, #tpu.memory_space<vmem>>
      %dma_wait3A_95 = arith.constant 0 : i32
      %dma_wait3A_96 = tpu.memref_slice %arg12[%add3A_60, %dma_wait3A_95] : memref<10240x128xf32, #tpu.memory_space<vmem_shared>> -> memref<64x128xf32, #tpu.memory_space<vmem_shared>>
      tpu.wait_dma2 semaphore(%run_scoped3A_77 : memref<!tpu.dma_semaphore, #tpu.memory_space<semaphore_mem>>) src(%dma_wait3A_96 : memref<64x128xf32, #tpu.memory_space<vmem_shared>>) dst(%dma_wait3A_94 : memref<64x128xf32, #tpu.memory_space<vmem>>)
      tpu.yield
    }) : () -> ()
    "tpu.region"() ({
      %run_scoped3A_77 = tpu.sem_alloc : memref<!tpu.dma_semaphore, #tpu.memory_space<semaphore_mem>>
      %dma_start3A_78 = arith.constant 0 : i32
      %dma_start3A_79 = arith.constant 0 : i32
      %dma_start3A_80 = tpu.memref_slice %arg10[%dma_start3A_78, %dma_start3A_79] : memref<125x128xf32, #tpu.memory_space<vmem>> -> memref<64x128xf32, #tpu.memory_space<vmem>>
      %dma_start3A_81 = arith.constant 0 : i32
      %dma_start3A_82 = tpu.memref_slice %arg5[%arg0, %add3A_60, %dma_start3A_81] : memref<2x10240x128xf32, #tpu.memory_space<hbm>> -> memref<1x64x128xf32, #tpu.memory_space<hbm>>
      %dma_start3A_83 = tpu.memref_squeeze %dma_start3A_82 : memref<1x64x128xf32, #tpu.memory_space<hbm>> -> memref<64x128xf32, #tpu.memory_space<hbm>>
      %dma_start3A_84 = arith.constant 0 : i32
      %dma_start3A_85 = tpu.memref_slice %arg5[%arg0, %add3A_60, %dma_start3A_84] : memref<2x10240x128xf32, #tpu.memory_space<hbm>> -> memref<1x64x128xf32, #tpu.memory_space<hbm>>
      %dma_start3A_86 = tpu.memref_squeeze %dma_start3A_85 : memref<1x64x128xf32, #tpu.memory_space<hbm>> -> memref<64x128xf32, #tpu.memory_space<hbm>>
      %dma_start3A_87 = arith.constant 0 : i32
      %dma_start3A_88 = arith.constant 0 : i32
      %dma_start3A_89 = tpu.memref_slice %arg10[%dma_start3A_87, %dma_start3A_88] : memref<125x128xf32, #tpu.memory_space<vmem>> -> memref<64x128xf32, #tpu.memory_space<vmem>>
      tpu.enqueue_dma source(%dma_start3A_89 : memref<64x128xf32, #tpu.memory_space<vmem>>) target(%dma_start3A_86 : memref<64x128xf32, #tpu.memory_space<hbm>>) target_semaphore(%run_scoped3A_77 : memref<!tpu.dma_semaphore, #tpu.memory_space<semaphore_mem>>)
      %dma_wait3A = arith.constant 0 : i32
      %dma_wait3A_90 = arith.constant 0 : i32
      %dma_wait3A_91 = tpu.memref_slice %arg10[%dma_wait3A, %dma_wait3A_90] : memref<125x128xf32, #tpu.memory_space<vmem>> -> memref<64x128xf32, #tpu.memory_space<vmem>>
      %dma_wait3A_92 = arith.constant 0 : i32
      %dma_wait3A_93 = tpu.memref_slice %arg5[%arg0, %add3A_60, %dma_wait3A_92] : memref<2x10240x128xf32, #tpu.memory_space<hbm>> -> memref<1x64x128xf32, #tpu.memory_space<hbm>>
      %dma_wait3A_94 = tpu.memref_squeeze %dma_wait3A_93 : memref<1x64x128xf32, #tpu.memory_space<hbm>> -> memref<64x128xf32, #tpu.memory_space<hbm>>
      %dma_wait3A_95 = arith.constant 0 : i32
      %dma_wait3A_96 = tpu.memref_slice %arg5[%arg0, %add3A_60, %dma_wait3A_95] : memref<2x10240x128xf32, #tpu.memory_space<hbm>> -> memref<1x64x128xf32, #tpu.memory_space<hbm>>
      %dma_wait3A_97 = tpu.memref_squeeze %dma_wait3A_96 : memref<1x64x128xf32, #tpu.memory_space<hbm>> -> memref<64x128xf32, #tpu.memory_space<hbm>>
      %dma_wait3A_98 = arith.constant 0 : i32
      %dma_wait3A_99 = arith.constant 0 : i32
      %dma_wait3A_100 = tpu.memref_slice %arg10[%dma_wait3A_98, %dma_wait3A_99] : memref<125x128xf32, #tpu.memory_space<vmem>> -> memref<64x128xf32, #tpu.memory_space<vmem>>
      tpu.wait_dma2 semaphore(%run_scoped3A_77 : memref<!tpu.dma_semaphore, #tpu.memory_space<semaphore_mem>>) src(%dma_wait3A_100 : memref<64x128xf32, #tpu.memory_space<vmem>>) dst(%dma_wait3A_97 : memref<64x128xf32, #tpu.memory_space<hbm>>)
      tpu.yield
    }) : () -> ()
    %add3A_61 = arith.constant 128 : i32
    %add3A_62 = arith.addi %mul3A_56, %add3A_61 : i32
    "tpu.region"() ({
      %run_scoped3A_77 = tpu.sem_alloc : memref<!tpu.dma_semaphore, #tpu.memory_space<semaphore_mem>>
      %dma_start3A_78 = arith.constant 0 : i32
      %dma_start3A_79 = arith.constant 0 : i32
      %dma_start3A_80 = tpu.memref_slice %arg10[%dma_start3A_78, %dma_start3A_79] : memref<125x128xf32, #tpu.memory_space<vmem>> -> memref<64x128xf32, #tpu.memory_space<vmem>>
      %dma_start3A_81 = arith.constant 0 : i32
      %dma_start3A_82 = tpu.memref_slice %arg12[%add3A_62, %dma_start3A_81] : memref<10240x128xf32, #tpu.memory_space<vmem_shared>> -> memref<64x128xf32, #tpu.memory_space<vmem_shared>>
      %dma_start3A_83 = arith.constant 0 : i32
      %dma_start3A_84 = arith.constant 0 : i32
      %dma_start3A_85 = tpu.memref_slice %arg10[%dma_start3A_83, %dma_start3A_84] : memref<125x128xf32, #tpu.memory_space<vmem>> -> memref<64x128xf32, #tpu.memory_space<vmem>>
      %dma_start3A_86 = arith.constant 0 : i32
      %dma_start3A_87 = tpu.memref_slice %arg12[%add3A_62, %dma_start3A_86] : memref<10240x128xf32, #tpu.memory_space<vmem_shared>> -> memref<64x128xf32, #tpu.memory_space<vmem_shared>>
      tpu.enqueue_dma source(%dma_start3A_87 : memref<64x128xf32, #tpu.memory_space<vmem_shared>>) target(%dma_start3A_85 : memref<64x128xf32, #tpu.memory_space<vmem>>) target_semaphore(%run_scoped3A_77 : memref<!tpu.dma_semaphore, #tpu.memory_space<semaphore_mem>>)
      %dma_wait3A = arith.constant 0 : i32
      %dma_wait3A_88 = arith.constant 0 : i32
      %dma_wait3A_89 = tpu.memref_slice %arg10[%dma_wait3A, %dma_wait3A_88] : memref<125x128xf32, #tpu.memory_space<vmem>> -> memref<64x128xf32, #tpu.memory_space<vmem>>
      %dma_wait3A_90 = arith.constant 0 : i32
      %dma_wait3A_91 = tpu.memref_slice %arg12[%add3A_62, %dma_wait3A_90] : memref<10240x128xf32, #tpu.memory_space<vmem_shared>> -> memref<64x128xf32, #tpu.memory_space<vmem_shared>>
      %dma_wait3A_92 = arith.constant 0 : i32
      %dma_wait3A_93 = arith.constant 0 : i32
      %dma_wait3A_94 = tpu.memref_slice %arg10[%dma_wait3A_92, %dma_wait3A_93] : memref<125x128xf32, #tpu.memory_space<vmem>> -> memref<64x128xf32, #tpu.memory_space<vmem>>
      %dma_wait3A_95 = arith.constant 0 : i32
      %dma_wait3A_96 = tpu.memref_slice %arg12[%add3A_62, %dma_wait3A_95] : memref<10240x128xf32, #tpu.memory_space<vmem_shared>> -> memref<64x128xf32, #tpu.memory_space<vmem_shared>>
      tpu.wait_dma2 semaphore(%run_scoped3A_77 : memref<!tpu.dma_semaphore, #tpu.memory_space<semaphore_mem>>) src(%dma_wait3A_96 : memref<64x128xf32, #tpu.memory_space<vmem_shared>>) dst(%dma_wait3A_94 : memref<64x128xf32, #tpu.memory_space<vmem>>)
      tpu.yield
    }) : () -> ()
    "tpu.region"() ({
      %run_scoped3A_77 = tpu.sem_alloc : memref<!tpu.dma_semaphore, #tpu.memory_space<semaphore_mem>>
      %dma_start3A_78 = arith.constant 0 : i32
      %dma_start3A_79 = arith.constant 0 : i32
      %dma_start3A_80 = tpu.memref_slice %arg10[%dma_start3A_78, %dma_start3A_79] : memref<125x128xf32, #tpu.memory_space<vmem>> -> memref<64x128xf32, #tpu.memory_space<vmem>>
      %dma_start3A_81 = arith.constant 0 : i32
      %dma_start3A_82 = tpu.memref_slice %arg5[%arg0, %add3A_62, %dma_start3A_81] : memref<2x10240x128xf32, #tpu.memory_space<hbm>> -> memref<1x64x128xf32, #tpu.memory_space<hbm>>
      %dma_start3A_83 = tpu.memref_squeeze %dma_start3A_82 : memref<1x64x128xf32, #tpu.memory_space<hbm>> -> memref<64x128xf32, #tpu.memory_space<hbm>>
      %dma_start3A_84 = arith.constant 0 : i32
      %dma_start3A_85 = tpu.memref_slice %arg5[%arg0, %add3A_62, %dma_start3A_84] : memref<2x10240x128xf32, #tpu.memory_space<hbm>> -> memref<1x64x128xf32, #tpu.memory_space<hbm>>
      %dma_start3A_86 = tpu.memref_squeeze %dma_start3A_85 : memref<1x64x128xf32, #tpu.memory_space<hbm>> -> memref<64x128xf32, #tpu.memory_space<hbm>>
      %dma_start3A_87 = arith.constant 0 : i32
      %dma_start3A_88 = arith.constant 0 : i32
      %dma_start3A_89 = tpu.memref_slice %arg10[%dma_start3A_87, %dma_start3A_88] : memref<125x128xf32, #tpu.memory_space<vmem>> -> memref<64x128xf32, #tpu.memory_space<vmem>>
      tpu.enqueue_dma source(%dma_start3A_89 : memref<64x128xf32, #tpu.memory_space<vmem>>) target(%dma_start3A_86 : memref<64x128xf32, #tpu.memory_space<hbm>>) target_semaphore(%run_scoped3A_77 : memref<!tpu.dma_semaphore, #tpu.memory_space<semaphore_mem>>)
      %dma_wait3A = arith.constant 0 : i32
      %dma_wait3A_90 = arith.constant 0 : i32
      %dma_wait3A_91 = tpu.memref_slice %arg10[%dma_wait3A, %dma_wait3A_90] : memref<125x128xf32, #tpu.memory_space<vmem>> -> memref<64x128xf32, #tpu.memory_space<vmem>>
      %dma_wait3A_92 = arith.constant 0 : i32
      %dma_wait3A_93 = tpu.memref_slice %arg5[%arg0, %add3A_62, %dma_wait3A_92] : memref<2x10240x128xf32, #tpu.memory_space<hbm>> -> memref<1x64x128xf32, #tpu.memory_space<hbm>>
      %dma_wait3A_94 = tpu.memref_squeeze %dma_wait3A_93 : memref<1x64x128xf32, #tpu.memory_space<hbm>> -> memref<64x128xf32, #tpu.memory_space<hbm>>
      %dma_wait3A_95 = arith.constant 0 : i32
      %dma_wait3A_96 = tpu.memref_slice %arg5[%arg0, %add3A_62, %dma_wait3A_95] : memref<2x10240x128xf32, #tpu.memory_space<hbm>> -> memref<1x64x128xf32, #tpu.memory_space<hbm>>
      %dma_wait3A_97 = tpu.memref_squeeze %dma_wait3A_96 : memref<1x64x128xf32, #tpu.memory_space<hbm>> -> memref<64x128xf32, #tpu.memory_space<hbm>>
      %dma_wait3A_98 = arith.constant 0 : i32
      %dma_wait3A_99 = arith.constant 0 : i32
      %dma_wait3A_100 = tpu.memref_slice %arg10[%dma_wait3A_98, %dma_wait3A_99] : memref<125x128xf32, #tpu.memory_space<vmem>> -> memref<64x128xf32, #tpu.memory_space<vmem>>
      tpu.wait_dma2 semaphore(%run_scoped3A_77 : memref<!tpu.dma_semaphore, #tpu.memory_space<semaphore_mem>>) src(%dma_wait3A_100 : memref<64x128xf32, #tpu.memory_space<vmem>>) dst(%dma_wait3A_97 : memref<64x128xf32, #tpu.memory_space<hbm>>)
      tpu.yield
    }) : () -> ()
    %add3A_63 = arith.constant 192 : i32
    %add3A_64 = arith.addi %mul3A_56, %add3A_63 : i32
    "tpu.region"() ({
      %run_scoped3A_77 = tpu.sem_alloc : memref<!tpu.dma_semaphore, #tpu.memory_space<semaphore_mem>>
      %dma_start3A_78 = arith.constant 0 : i32
      %dma_start3A_79 = arith.constant 0 : i32
      %dma_start3A_80 = tpu.memref_slice %arg10[%dma_start3A_78, %dma_start3A_79] : memref<125x128xf32, #tpu.memory_space<vmem>> -> memref<64x128xf32, #tpu.memory_space<vmem>>
      %dma_start3A_81 = arith.constant 0 : i32
      %dma_start3A_82 = tpu.memref_slice %arg12[%add3A_64, %dma_start3A_81] : memref<10240x128xf32, #tpu.memory_space<vmem_shared>> -> memref<64x128xf32, #tpu.memory_space<vmem_shared>>
      %dma_start3A_83 = arith.constant 0 : i32
      %dma_start3A_84 = arith.constant 0 : i32
      %dma_start3A_85 = tpu.memref_slice %arg10[%dma_start3A_83, %dma_start3A_84] : memref<125x128xf32, #tpu.memory_space<vmem>> -> memref<64x128xf32, #tpu.memory_space<vmem>>
      %dma_start3A_86 = arith.constant 0 : i32
      %dma_start3A_87 = tpu.memref_slice %arg12[%add3A_64, %dma_start3A_86] : memref<10240x128xf32, #tpu.memory_space<vmem_shared>> -> memref<64x128xf32, #tpu.memory_space<vmem_shared>>
      tpu.enqueue_dma source(%dma_start3A_87 : memref<64x128xf32, #tpu.memory_space<vmem_shared>>) target(%dma_start3A_85 : memref<64x128xf32, #tpu.memory_space<vmem>>) target_semaphore(%run_scoped3A_77 : memref<!tpu.dma_semaphore, #tpu.memory_space<semaphore_mem>>)
      %dma_wait3A = arith.constant 0 : i32
      %dma_wait3A_88 = arith.constant 0 : i32
      %dma_wait3A_89 = tpu.memref_slice %arg10[%dma_wait3A, %dma_wait3A_88] : memref<125x128xf32, #tpu.memory_space<vmem>> -> memref<64x128xf32, #tpu.memory_space<vmem>>
      %dma_wait3A_90 = arith.constant 0 : i32
      %dma_wait3A_91 = tpu.memref_slice %arg12[%add3A_64, %dma_wait3A_90] : memref<10240x128xf32, #tpu.memory_space<vmem_shared>> -> memref<64x128xf32, #tpu.memory_space<vmem_shared>>
      %dma_wait3A_92 = arith.constant 0 : i32
      %dma_wait3A_93 = arith.constant 0 : i32
      %dma_wait3A_94 = tpu.memref_slice %arg10[%dma_wait3A_92, %dma_wait3A_93] : memref<125x128xf32, #tpu.memory_space<vmem>> -> memref<64x128xf32, #tpu.memory_space<vmem>>
      %dma_wait3A_95 = arith.constant 0 : i32
      %dma_wait3A_96 = tpu.memref_slice %arg12[%add3A_64, %dma_wait3A_95] : memref<10240x128xf32, #tpu.memory_space<vmem_shared>> -> memref<64x128xf32, #tpu.memory_space<vmem_shared>>
      tpu.wait_dma2 semaphore(%run_scoped3A_77 : memref<!tpu.dma_semaphore, #tpu.memory_space<semaphore_mem>>) src(%dma_wait3A_96 : memref<64x128xf32, #tpu.memory_space<vmem_shared>>) dst(%dma_wait3A_94 : memref<64x128xf32, #tpu.memory_space<vmem>>)
      tpu.yield
    }) : () -> ()
    "tpu.region"() ({
      %run_scoped3A_77 = tpu.sem_alloc : memref<!tpu.dma_semaphore, #tpu.memory_space<semaphore_mem>>
      %dma_start3A_78 = arith.constant 0 : i32
      %dma_start3A_79 = arith.constant 0 : i32
      %dma_start3A_80 = tpu.memref_slice %arg10[%dma_start3A_78, %dma_start3A_79] : memref<125x128xf32, #tpu.memory_space<vmem>> -> memref<64x128xf32, #tpu.memory_space<vmem>>
      %dma_start3A_81 = arith.constant 0 : i32
      %dma_start3A_82 = tpu.memref_slice %arg5[%arg0, %add3A_64, %dma_start3A_81] : memref<2x10240x128xf32, #tpu.memory_space<hbm>> -> memref<1x64x128xf32, #tpu.memory_space<hbm>>
      %dma_start3A_83 = tpu.memref_squeeze %dma_start3A_82 : memref<1x64x128xf32, #tpu.memory_space<hbm>> -> memref<64x128xf32, #tpu.memory_space<hbm>>
      %dma_start3A_84 = arith.constant 0 : i32
      %dma_start3A_85 = tpu.memref_slice %arg5[%arg0, %add3A_64, %dma_start3A_84] : memref<2x10240x128xf32, #tpu.memory_space<hbm>> -> memref<1x64x128xf32, #tpu.memory_space<hbm>>
      %dma_start3A_86 = tpu.memref_squeeze %dma_start3A_85 : memref<1x64x128xf32, #tpu.memory_space<hbm>> -> memref<64x128xf32, #tpu.memory_space<hbm>>
      %dma_start3A_87 = arith.constant 0 : i32
      %dma_start3A_88 = arith.constant 0 : i32
      %dma_start3A_89 = tpu.memref_slice %arg10[%dma_start3A_87, %dma_start3A_88] : memref<125x128xf32, #tpu.memory_space<vmem>> -> memref<64x128xf32, #tpu.memory_space<vmem>>
      tpu.enqueue_dma source(%dma_start3A_89 : memref<64x128xf32, #tpu.memory_space<vmem>>) target(%dma_start3A_86 : memref<64x128xf32, #tpu.memory_space<hbm>>) target_semaphore(%run_scoped3A_77 : memref<!tpu.dma_semaphore, #tpu.memory_space<semaphore_mem>>)
      %dma_wait3A = arith.constant 0 : i32
      %dma_wait3A_90 = arith.constant 0 : i32
      %dma_wait3A_91 = tpu.memref_slice %arg10[%dma_wait3A, %dma_wait3A_90] : memref<125x128xf32, #tpu.memory_space<vmem>> -> memref<64x128xf32, #tpu.memory_space<vmem>>
      %dma_wait3A_92 = arith.constant 0 : i32
      %dma_wait3A_93 = tpu.memref_slice %arg5[%arg0, %add3A_64, %dma_wait3A_92] : memref<2x10240x128xf32, #tpu.memory_space<hbm>> -> memref<1x64x128xf32, #tpu.memory_space<hbm>>
      %dma_wait3A_94 = tpu.memref_squeeze %dma_wait3A_93 : memref<1x64x128xf32, #tpu.memory_space<hbm>> -> memref<64x128xf32, #tpu.memory_space<hbm>>
      %dma_wait3A_95 = arith.constant 0 : i32
      %dma_wait3A_96 = tpu.memref_slice %arg5[%arg0, %add3A_64, %dma_wait3A_95] : memref<2x10240x128xf32, #tpu.memory_space<hbm>> -> memref<1x64x128xf32, #tpu.memory_space<hbm>>
      %dma_wait3A_97 = tpu.memref_squeeze %dma_wait3A_96 : memref<1x64x128xf32, #tpu.memory_space<hbm>> -> memref<64x128xf32, #tpu.memory_space<hbm>>
      %dma_wait3A_98 = arith.constant 0 : i32
      %dma_wait3A_99 = arith.constant 0 : i32
      %dma_wait3A_100 = tpu.memref_slice %arg10[%dma_wait3A_98, %dma_wait3A_99] : memref<125x128xf32, #tpu.memory_space<vmem>> -> memref<64x128xf32, #tpu.memory_space<vmem>>
      tpu.wait_dma2 semaphore(%run_scoped3A_77 : memref<!tpu.dma_semaphore, #tpu.memory_space<semaphore_mem>>) src(%dma_wait3A_100 : memref<64x128xf32, #tpu.memory_space<vmem>>) dst(%dma_wait3A_97 : memref<64x128xf32, #tpu.memory_space<hbm>>)
      tpu.yield
    }) : () -> ()
    %add3A_65 = arith.constant 256 : i32
    %add3A_66 = arith.addi %mul3A_56, %add3A_65 : i32
    "tpu.region"() ({
      %run_scoped3A_77 = tpu.sem_alloc : memref<!tpu.dma_semaphore, #tpu.memory_space<semaphore_mem>>
      %dma_start3A_78 = arith.constant 0 : i32
      %dma_start3A_79 = arith.constant 0 : i32
      %dma_start3A_80 = tpu.memref_slice %arg10[%dma_start3A_78, %dma_start3A_79] : memref<125x128xf32, #tpu.memory_space<vmem>> -> memref<64x128xf32, #tpu.memory_space<vmem>>
      %dma_start3A_81 = arith.constant 0 : i32
      %dma_start3A_82 = tpu.memref_slice %arg12[%add3A_66, %dma_start3A_81] : memref<10240x128xf32, #tpu.memory_space<vmem_shared>> -> memref<64x128xf32, #tpu.memory_space<vmem_shared>>
      %dma_start3A_83 = arith.constant 0 : i32
      %dma_start3A_84 = arith.constant 0 : i32
      %dma_start3A_85 = tpu.memref_slice %arg10[%dma_start3A_83, %dma_start3A_84] : memref<125x128xf32, #tpu.memory_space<vmem>> -> memref<64x128xf32, #tpu.memory_space<vmem>>
      %dma_start3A_86 = arith.constant 0 : i32
      %dma_start3A_87 = tpu.memref_slice %arg12[%add3A_66, %dma_start3A_86] : memref<10240x128xf32, #tpu.memory_space<vmem_shared>> -> memref<64x128xf32, #tpu.memory_space<vmem_shared>>
      tpu.enqueue_dma source(%dma_start3A_87 : memref<64x128xf32, #tpu.memory_space<vmem_shared>>) target(%dma_start3A_85 : memref<64x128xf32, #tpu.memory_space<vmem>>) target_semaphore(%run_scoped3A_77 : memref<!tpu.dma_semaphore, #tpu.memory_space<semaphore_mem>>)
      %dma_wait3A = arith.constant 0 : i32
      %dma_wait3A_88 = arith.constant 0 : i32
      %dma_wait3A_89 = tpu.memref_slice %arg10[%dma_wait3A, %dma_wait3A_88] : memref<125x128xf32, #tpu.memory_space<vmem>> -> memref<64x128xf32, #tpu.memory_space<vmem>>
      %dma_wait3A_90 = arith.constant 0 : i32
      %dma_wait3A_91 = tpu.memref_slice %arg12[%add3A_66, %dma_wait3A_90] : memref<10240x128xf32, #tpu.memory_space<vmem_shared>> -> memref<64x128xf32, #tpu.memory_space<vmem_shared>>
      %dma_wait3A_92 = arith.constant 0 : i32
      %dma_wait3A_93 = arith.constant 0 : i32
      %dma_wait3A_94 = tpu.memref_slice %arg10[%dma_wait3A_92, %dma_wait3A_93] : memref<125x128xf32, #tpu.memory_space<vmem>> -> memref<64x128xf32, #tpu.memory_space<vmem>>
      %dma_wait3A_95 = arith.constant 0 : i32
      %dma_wait3A_96 = tpu.memref_slice %arg12[%add3A_66, %dma_wait3A_95] : memref<10240x128xf32, #tpu.memory_space<vmem_shared>> -> memref<64x128xf32, #tpu.memory_space<vmem_shared>>
      tpu.wait_dma2 semaphore(%run_scoped3A_77 : memref<!tpu.dma_semaphore, #tpu.memory_space<semaphore_mem>>) src(%dma_wait3A_96 : memref<64x128xf32, #tpu.memory_space<vmem_shared>>) dst(%dma_wait3A_94 : memref<64x128xf32, #tpu.memory_space<vmem>>)
      tpu.yield
    }) : () -> ()
    "tpu.region"() ({
      %run_scoped3A_77 = tpu.sem_alloc : memref<!tpu.dma_semaphore, #tpu.memory_space<semaphore_mem>>
      %dma_start3A_78 = arith.constant 0 : i32
      %dma_start3A_79 = arith.constant 0 : i32
      %dma_start3A_80 = tpu.memref_slice %arg10[%dma_start3A_78, %dma_start3A_79] : memref<125x128xf32, #tpu.memory_space<vmem>> -> memref<64x128xf32, #tpu.memory_space<vmem>>
      %dma_start3A_81 = arith.constant 0 : i32
      %dma_start3A_82 = tpu.memref_slice %arg5[%arg0, %add3A_66, %dma_start3A_81] : memref<2x10240x128xf32, #tpu.memory_space<hbm>> -> memref<1x64x128xf32, #tpu.memory_space<hbm>>
      %dma_start3A_83 = tpu.memref_squeeze %dma_start3A_82 : memref<1x64x128xf32, #tpu.memory_space<hbm>> -> memref<64x128xf32, #tpu.memory_space<hbm>>
      %dma_start3A_84 = arith.constant 0 : i32
      %dma_start3A_85 = tpu.memref_slice %arg5[%arg0, %add3A_66, %dma_start3A_84] : memref<2x10240x128xf32, #tpu.memory_space<hbm>> -> memref<1x64x128xf32, #tpu.memory_space<hbm>>
      %dma_start3A_86 = tpu.memref_squeeze %dma_start3A_85 : memref<1x64x128xf32, #tpu.memory_space<hbm>> -> memref<64x128xf32, #tpu.memory_space<hbm>>
      %dma_start3A_87 = arith.constant 0 : i32
      %dma_start3A_88 = arith.constant 0 : i32
      %dma_start3A_89 = tpu.memref_slice %arg10[%dma_start3A_87, %dma_start3A_88] : memref<125x128xf32, #tpu.memory_space<vmem>> -> memref<64x128xf32, #tpu.memory_space<vmem>>
      tpu.enqueue_dma source(%dma_start3A_89 : memref<64x128xf32, #tpu.memory_space<vmem>>) target(%dma_start3A_86 : memref<64x128xf32, #tpu.memory_space<hbm>>) target_semaphore(%run_scoped3A_77 : memref<!tpu.dma_semaphore, #tpu.memory_space<semaphore_mem>>)
      %dma_wait3A = arith.constant 0 : i32
      %dma_wait3A_90 = arith.constant 0 : i32
      %dma_wait3A_91 = tpu.memref_slice %arg10[%dma_wait3A, %dma_wait3A_90] : memref<125x128xf32, #tpu.memory_space<vmem>> -> memref<64x128xf32, #tpu.memory_space<vmem>>
      %dma_wait3A_92 = arith.constant 0 : i32
      %dma_wait3A_93 = tpu.memref_slice %arg5[%arg0, %add3A_66, %dma_wait3A_92] : memref<2x10240x128xf32, #tpu.memory_space<hbm>> -> memref<1x64x128xf32, #tpu.memory_space<hbm>>
      %dma_wait3A_94 = tpu.memref_squeeze %dma_wait3A_93 : memref<1x64x128xf32, #tpu.memory_space<hbm>> -> memref<64x128xf32, #tpu.memory_space<hbm>>
      %dma_wait3A_95 = arith.constant 0 : i32
      %dma_wait3A_96 = tpu.memref_slice %arg5[%arg0, %add3A_66, %dma_wait3A_95] : memref<2x10240x128xf32, #tpu.memory_space<hbm>> -> memref<1x64x128xf32, #tpu.memory_space<hbm>>
      %dma_wait3A_97 = tpu.memref_squeeze %dma_wait3A_96 : memref<1x64x128xf32, #tpu.memory_space<hbm>> -> memref<64x128xf32, #tpu.memory_space<hbm>>
      %dma_wait3A_98 = arith.constant 0 : i32
      %dma_wait3A_99 = arith.constant 0 : i32
      %dma_wait3A_100 = tpu.memref_slice %arg10[%dma_wait3A_98, %dma_wait3A_99] : memref<125x128xf32, #tpu.memory_space<vmem>> -> memref<64x128xf32, #tpu.memory_space<vmem>>
      tpu.wait_dma2 semaphore(%run_scoped3A_77 : memref<!tpu.dma_semaphore, #tpu.memory_space<semaphore_mem>>) src(%dma_wait3A_100 : memref<64x128xf32, #tpu.memory_space<vmem>>) dst(%dma_wait3A_97 : memref<64x128xf32, #tpu.memory_space<hbm>>)
      tpu.yield
    }) : () -> ()
    %add3A_67 = arith.constant 320 : i32
    %add3A_68 = arith.addi %mul3A_56, %add3A_67 : i32
    "tpu.region"() ({
      %run_scoped3A_77 = tpu.sem_alloc : memref<!tpu.dma_semaphore, #tpu.memory_space<semaphore_mem>>
      %dma_start3A_78 = arith.constant 0 : i32
      %dma_start3A_79 = arith.constant 0 : i32
      %dma_start3A_80 = tpu.memref_slice %arg10[%dma_start3A_78, %dma_start3A_79] : memref<125x128xf32, #tpu.memory_space<vmem>> -> memref<64x128xf32, #tpu.memory_space<vmem>>
      %dma_start3A_81 = arith.constant 0 : i32
      %dma_start3A_82 = tpu.memref_slice %arg12[%add3A_68, %dma_start3A_81] : memref<10240x128xf32, #tpu.memory_space<vmem_shared>> -> memref<64x128xf32, #tpu.memory_space<vmem_shared>>
      %dma_start3A_83 = arith.constant 0 : i32
      %dma_start3A_84 = arith.constant 0 : i32
      %dma_start3A_85 = tpu.memref_slice %arg10[%dma_start3A_83, %dma_start3A_84] : memref<125x128xf32, #tpu.memory_space<vmem>> -> memref<64x128xf32, #tpu.memory_space<vmem>>
      %dma_start3A_86 = arith.constant 0 : i32
      %dma_start3A_87 = tpu.memref_slice %arg12[%add3A_68, %dma_start3A_86] : memref<10240x128xf32, #tpu.memory_space<vmem_shared>> -> memref<64x128xf32, #tpu.memory_space<vmem_shared>>
      tpu.enqueue_dma source(%dma_start3A_87 : memref<64x128xf32, #tpu.memory_space<vmem_shared>>) target(%dma_start3A_85 : memref<64x128xf32, #tpu.memory_space<vmem>>) target_semaphore(%run_scoped3A_77 : memref<!tpu.dma_semaphore, #tpu.memory_space<semaphore_mem>>)
      %dma_wait3A = arith.constant 0 : i32
      %dma_wait3A_88 = arith.constant 0 : i32
      %dma_wait3A_89 = tpu.memref_slice %arg10[%dma_wait3A, %dma_wait3A_88] : memref<125x128xf32, #tpu.memory_space<vmem>> -> memref<64x128xf32, #tpu.memory_space<vmem>>
      %dma_wait3A_90 = arith.constant 0 : i32
      %dma_wait3A_91 = tpu.memref_slice %arg12[%add3A_68, %dma_wait3A_90] : memref<10240x128xf32, #tpu.memory_space<vmem_shared>> -> memref<64x128xf32, #tpu.memory_space<vmem_shared>>
      %dma_wait3A_92 = arith.constant 0 : i32
      %dma_wait3A_93 = arith.constant 0 : i32
      %dma_wait3A_94 = tpu.memref_slice %arg10[%dma_wait3A_92, %dma_wait3A_93] : memref<125x128xf32, #tpu.memory_space<vmem>> -> memref<64x128xf32, #tpu.memory_space<vmem>>
      %dma_wait3A_95 = arith.constant 0 : i32
      %dma_wait3A_96 = tpu.memref_slice %arg12[%add3A_68, %dma_wait3A_95] : memref<10240x128xf32, #tpu.memory_space<vmem_shared>> -> memref<64x128xf32, #tpu.memory_space<vmem_shared>>
      tpu.wait_dma2 semaphore(%run_scoped3A_77 : memref<!tpu.dma_semaphore, #tpu.memory_space<semaphore_mem>>) src(%dma_wait3A_96 : memref<64x128xf32, #tpu.memory_space<vmem_shared>>) dst(%dma_wait3A_94 : memref<64x128xf32, #tpu.memory_space<vmem>>)
      tpu.yield
    }) : () -> ()
    "tpu.region"() ({
      %run_scoped3A_77 = tpu.sem_alloc : memref<!tpu.dma_semaphore, #tpu.memory_space<semaphore_mem>>
      %dma_start3A_78 = arith.constant 0 : i32
      %dma_start3A_79 = arith.constant 0 : i32
      %dma_start3A_80 = tpu.memref_slice %arg10[%dma_start3A_78, %dma_start3A_79] : memref<125x128xf32, #tpu.memory_space<vmem>> -> memref<64x128xf32, #tpu.memory_space<vmem>>
      %dma_start3A_81 = arith.constant 0 : i32
      %dma_start3A_82 = tpu.memref_slice %arg5[%arg0, %add3A_68, %dma_start3A_81] : memref<2x10240x128xf32, #tpu.memory_space<hbm>> -> memref<1x64x128xf32, #tpu.memory_space<hbm>>
      %dma_start3A_83 = tpu.memref_squeeze %dma_start3A_82 : memref<1x64x128xf32, #tpu.memory_space<hbm>> -> memref<64x128xf32, #tpu.memory_space<hbm>>
      %dma_start3A_84 = arith.constant 0 : i32
      %dma_start3A_85 = tpu.memref_slice %arg5[%arg0, %add3A_68, %dma_start3A_84] : memref<2x10240x128xf32, #tpu.memory_space<hbm>> -> memref<1x64x128xf32, #tpu.memory_space<hbm>>
      %dma_start3A_86 = tpu.memref_squeeze %dma_start3A_85 : memref<1x64x128xf32, #tpu.memory_space<hbm>> -> memref<64x128xf32, #tpu.memory_space<hbm>>
      %dma_start3A_87 = arith.constant 0 : i32
      %dma_start3A_88 = arith.constant 0 : i32
      %dma_start3A_89 = tpu.memref_slice %arg10[%dma_start3A_87, %dma_start3A_88] : memref<125x128xf32, #tpu.memory_space<vmem>> -> memref<64x128xf32, #tpu.memory_space<vmem>>
      tpu.enqueue_dma source(%dma_start3A_89 : memref<64x128xf32, #tpu.memory_space<vmem>>) target(%dma_start3A_86 : memref<64x128xf32, #tpu.memory_space<hbm>>) target_semaphore(%run_scoped3A_77 : memref<!tpu.dma_semaphore, #tpu.memory_space<semaphore_mem>>)
      %dma_wait3A = arith.constant 0 : i32
      %dma_wait3A_90 = arith.constant 0 : i32
      %dma_wait3A_91 = tpu.memref_slice %arg10[%dma_wait3A, %dma_wait3A_90] : memref<125x128xf32, #tpu.memory_space<vmem>> -> memref<64x128xf32, #tpu.memory_space<vmem>>
      %dma_wait3A_92 = arith.constant 0 : i32
      %dma_wait3A_93 = tpu.memref_slice %arg5[%arg0, %add3A_68, %dma_wait3A_92] : memref<2x10240x128xf32, #tpu.memory_space<hbm>> -> memref<1x64x128xf32, #tpu.memory_space<hbm>>
      %dma_wait3A_94 = tpu.memref_squeeze %dma_wait3A_93 : memref<1x64x128xf32, #tpu.memory_space<hbm>> -> memref<64x128xf32, #tpu.memory_space<hbm>>
      %dma_wait3A_95 = arith.constant 0 : i32
      %dma_wait3A_96 = tpu.memref_slice %arg5[%arg0, %add3A_68, %dma_wait3A_95] : memref<2x10240x128xf32, #tpu.memory_space<hbm>> -> memref<1x64x128xf32, #tpu.memory_space<hbm>>
      %dma_wait3A_97 = tpu.memref_squeeze %dma_wait3A_96 : memref<1x64x128xf32, #tpu.memory_space<hbm>> -> memref<64x128xf32, #tpu.memory_space<hbm>>
      %dma_wait3A_98 = arith.constant 0 : i32
      %dma_wait3A_99 = arith.constant 0 : i32
      %dma_wait3A_100 = tpu.memref_slice %arg10[%dma_wait3A_98, %dma_wait3A_99] : memref<125x128xf32, #tpu.memory_space<vmem>> -> memref<64x128xf32, #tpu.memory_space<vmem>>
      tpu.wait_dma2 semaphore(%run_scoped3A_77 : memref<!tpu.dma_semaphore, #tpu.memory_space<semaphore_mem>>) src(%dma_wait3A_100 : memref<64x128xf32, #tpu.memory_space<vmem>>) dst(%dma_wait3A_97 : memref<64x128xf32, #tpu.memory_space<hbm>>)
      tpu.yield
    }) : () -> ()
    %add3A_69 = arith.constant 384 : i32
    %add3A_70 = arith.addi %mul3A_56, %add3A_69 : i32
    "tpu.region"() ({
      %run_scoped3A_77 = tpu.sem_alloc : memref<!tpu.dma_semaphore, #tpu.memory_space<semaphore_mem>>
      %dma_start3A_78 = arith.constant 0 : i32
      %dma_start3A_79 = arith.constant 0 : i32
      %dma_start3A_80 = tpu.memref_slice %arg10[%dma_start3A_78, %dma_start3A_79] : memref<125x128xf32, #tpu.memory_space<vmem>> -> memref<64x128xf32, #tpu.memory_space<vmem>>
      %dma_start3A_81 = arith.constant 0 : i32
      %dma_start3A_82 = tpu.memref_slice %arg12[%add3A_70, %dma_start3A_81] : memref<10240x128xf32, #tpu.memory_space<vmem_shared>> -> memref<64x128xf32, #tpu.memory_space<vmem_shared>>
      %dma_start3A_83 = arith.constant 0 : i32
      %dma_start3A_84 = arith.constant 0 : i32
      %dma_start3A_85 = tpu.memref_slice %arg10[%dma_start3A_83, %dma_start3A_84] : memref<125x128xf32, #tpu.memory_space<vmem>> -> memref<64x128xf32, #tpu.memory_space<vmem>>
      %dma_start3A_86 = arith.constant 0 : i32
      %dma_start3A_87 = tpu.memref_slice %arg12[%add3A_70, %dma_start3A_86] : memref<10240x128xf32, #tpu.memory_space<vmem_shared>> -> memref<64x128xf32, #tpu.memory_space<vmem_shared>>
      tpu.enqueue_dma source(%dma_start3A_87 : memref<64x128xf32, #tpu.memory_space<vmem_shared>>) target(%dma_start3A_85 : memref<64x128xf32, #tpu.memory_space<vmem>>) target_semaphore(%run_scoped3A_77 : memref<!tpu.dma_semaphore, #tpu.memory_space<semaphore_mem>>)
      %dma_wait3A = arith.constant 0 : i32
      %dma_wait3A_88 = arith.constant 0 : i32
      %dma_wait3A_89 = tpu.memref_slice %arg10[%dma_wait3A, %dma_wait3A_88] : memref<125x128xf32, #tpu.memory_space<vmem>> -> memref<64x128xf32, #tpu.memory_space<vmem>>
      %dma_wait3A_90 = arith.constant 0 : i32
      %dma_wait3A_91 = tpu.memref_slice %arg12[%add3A_70, %dma_wait3A_90] : memref<10240x128xf32, #tpu.memory_space<vmem_shared>> -> memref<64x128xf32, #tpu.memory_space<vmem_shared>>
      %dma_wait3A_92 = arith.constant 0 : i32
      %dma_wait3A_93 = arith.constant 0 : i32
      %dma_wait3A_94 = tpu.memref_slice %arg10[%dma_wait3A_92, %dma_wait3A_93] : memref<125x128xf32, #tpu.memory_space<vmem>> -> memref<64x128xf32, #tpu.memory_space<vmem>>
      %dma_wait3A_95 = arith.constant 0 : i32
      %dma_wait3A_96 = tpu.memref_slice %arg12[%add3A_70, %dma_wait3A_95] : memref<10240x128xf32, #tpu.memory_space<vmem_shared>> -> memref<64x128xf32, #tpu.memory_space<vmem_shared>>
      tpu.wait_dma2 semaphore(%run_scoped3A_77 : memref<!tpu.dma_semaphore, #tpu.memory_space<semaphore_mem>>) src(%dma_wait3A_96 : memref<64x128xf32, #tpu.memory_space<vmem_shared>>) dst(%dma_wait3A_94 : memref<64x128xf32, #tpu.memory_space<vmem>>)
      tpu.yield
    }) : () -> ()
    "tpu.region"() ({
      %run_scoped3A_77 = tpu.sem_alloc : memref<!tpu.dma_semaphore, #tpu.memory_space<semaphore_mem>>
      %dma_start3A_78 = arith.constant 0 : i32
      %dma_start3A_79 = arith.constant 0 : i32
      %dma_start3A_80 = tpu.memref_slice %arg10[%dma_start3A_78, %dma_start3A_79] : memref<125x128xf32, #tpu.memory_space<vmem>> -> memref<64x128xf32, #tpu.memory_space<vmem>>
      %dma_start3A_81 = arith.constant 0 : i32
      %dma_start3A_82 = tpu.memref_slice %arg5[%arg0, %add3A_70, %dma_start3A_81] : memref<2x10240x128xf32, #tpu.memory_space<hbm>> -> memref<1x64x128xf32, #tpu.memory_space<hbm>>
      %dma_start3A_83 = tpu.memref_squeeze %dma_start3A_82 : memref<1x64x128xf32, #tpu.memory_space<hbm>> -> memref<64x128xf32, #tpu.memory_space<hbm>>
      %dma_start3A_84 = arith.constant 0 : i32
      %dma_start3A_85 = tpu.memref_slice %arg5[%arg0, %add3A_70, %dma_start3A_84] : memref<2x10240x128xf32, #tpu.memory_space<hbm>> -> memref<1x64x128xf32, #tpu.memory_space<hbm>>
      %dma_start3A_86 = tpu.memref_squeeze %dma_start3A_85 : memref<1x64x128xf32, #tpu.memory_space<hbm>> -> memref<64x128xf32, #tpu.memory_space<hbm>>
      %dma_start3A_87 = arith.constant 0 : i32
      %dma_start3A_88 = arith.constant 0 : i32
      %dma_start3A_89 = tpu.memref_slice %arg10[%dma_start3A_87, %dma_start3A_88] : memref<125x128xf32, #tpu.memory_space<vmem>> -> memref<64x128xf32, #tpu.memory_space<vmem>>
      tpu.enqueue_dma source(%dma_start3A_89 : memref<64x128xf32, #tpu.memory_space<vmem>>) target(%dma_start3A_86 : memref<64x128xf32, #tpu.memory_space<hbm>>) target_semaphore(%run_scoped3A_77 : memref<!tpu.dma_semaphore, #tpu.memory_space<semaphore_mem>>)
      %dma_wait3A = arith.constant 0 : i32
      %dma_wait3A_90 = arith.constant 0 : i32
      %dma_wait3A_91 = tpu.memref_slice %arg10[%dma_wait3A, %dma_wait3A_90] : memref<125x128xf32, #tpu.memory_space<vmem>> -> memref<64x128xf32, #tpu.memory_space<vmem>>
      %dma_wait3A_92 = arith.constant 0 : i32
      %dma_wait3A_93 = tpu.memref_slice %arg5[%arg0, %add3A_70, %dma_wait3A_92] : memref<2x10240x128xf32, #tpu.memory_space<hbm>> -> memref<1x64x128xf32, #tpu.memory_space<hbm>>
      %dma_wait3A_94 = tpu.memref_squeeze %dma_wait3A_93 : memref<1x64x128xf32, #tpu.memory_space<hbm>> -> memref<64x128xf32, #tpu.memory_space<hbm>>
      %dma_wait3A_95 = arith.constant 0 : i32
      %dma_wait3A_96 = tpu.memref_slice %arg5[%arg0, %add3A_70, %dma_wait3A_95] : memref<2x10240x128xf32, #tpu.memory_space<hbm>> -> memref<1x64x128xf32, #tpu.memory_space<hbm>>
      %dma_wait3A_97 = tpu.memref_squeeze %dma_wait3A_96 : memref<1x64x128xf32, #tpu.memory_space<hbm>> -> memref<64x128xf32, #tpu.memory_space<hbm>>
      %dma_wait3A_98 = arith.constant 0 : i32
      %dma_wait3A_99 = arith.constant 0 : i32
      %dma_wait3A_100 = tpu.memref_slice %arg10[%dma_wait3A_98, %dma_wait3A_99] : memref<125x128xf32, #tpu.memory_space<vmem>> -> memref<64x128xf32, #tpu.memory_space<vmem>>
      tpu.wait_dma2 semaphore(%run_scoped3A_77 : memref<!tpu.dma_semaphore, #tpu.memory_space<semaphore_mem>>) src(%dma_wait3A_100 : memref<64x128xf32, #tpu.memory_space<vmem>>) dst(%dma_wait3A_97 : memref<64x128xf32, #tpu.memory_space<hbm>>)
      tpu.yield
    }) : () -> ()
    %add3A_71 = arith.constant 448 : i32
    %add3A_72 = arith.addi %mul3A_56, %add3A_71 : i32
    "tpu.region"() ({
      %run_scoped3A_77 = tpu.sem_alloc : memref<!tpu.dma_semaphore, #tpu.memory_space<semaphore_mem>>
      %dma_start3A_78 = arith.constant 0 : i32
      %dma_start3A_79 = arith.constant 0 : i32
      %dma_start3A_80 = tpu.memref_slice %arg10[%dma_start3A_78, %dma_start3A_79] : memref<125x128xf32, #tpu.memory_space<vmem>> -> memref<64x128xf32, #tpu.memory_space<vmem>>
      %dma_start3A_81 = arith.constant 0 : i32
      %dma_start3A_82 = tpu.memref_slice %arg12[%add3A_72, %dma_start3A_81] : memref<10240x128xf32, #tpu.memory_space<vmem_shared>> -> memref<64x128xf32, #tpu.memory_space<vmem_shared>>
      %dma_start3A_83 = arith.constant 0 : i32
      %dma_start3A_84 = arith.constant 0 : i32
      %dma_start3A_85 = tpu.memref_slice %arg10[%dma_start3A_83, %dma_start3A_84] : memref<125x128xf32, #tpu.memory_space<vmem>> -> memref<64x128xf32, #tpu.memory_space<vmem>>
      %dma_start3A_86 = arith.constant 0 : i32
      %dma_start3A_87 = tpu.memref_slice %arg12[%add3A_72, %dma_start3A_86] : memref<10240x128xf32, #tpu.memory_space<vmem_shared>> -> memref<64x128xf32, #tpu.memory_space<vmem_shared>>
      tpu.enqueue_dma source(%dma_start3A_87 : memref<64x128xf32, #tpu.memory_space<vmem_shared>>) target(%dma_start3A_85 : memref<64x128xf32, #tpu.memory_space<vmem>>) target_semaphore(%run_scoped3A_77 : memref<!tpu.dma_semaphore, #tpu.memory_space<semaphore_mem>>)
      %dma_wait3A = arith.constant 0 : i32
      %dma_wait3A_88 = arith.constant 0 : i32
      %dma_wait3A_89 = tpu.memref_slice %arg10[%dma_wait3A, %dma_wait3A_88] : memref<125x128xf32, #tpu.memory_space<vmem>> -> memref<64x128xf32, #tpu.memory_space<vmem>>
      %dma_wait3A_90 = arith.constant 0 : i32
      %dma_wait3A_91 = tpu.memref_slice %arg12[%add3A_72, %dma_wait3A_90] : memref<10240x128xf32, #tpu.memory_space<vmem_shared>> -> memref<64x128xf32, #tpu.memory_space<vmem_shared>>
      %dma_wait3A_92 = arith.constant 0 : i32
      %dma_wait3A_93 = arith.constant 0 : i32
      %dma_wait3A_94 = tpu.memref_slice %arg10[%dma_wait3A_92, %dma_wait3A_93] : memref<125x128xf32, #tpu.memory_space<vmem>> -> memref<64x128xf32, #tpu.memory_space<vmem>>
      %dma_wait3A_95 = arith.constant 0 : i32
      %dma_wait3A_96 = tpu.memref_slice %arg12[%add3A_72, %dma_wait3A_95] : memref<10240x128xf32, #tpu.memory_space<vmem_shared>> -> memref<64x128xf32, #tpu.memory_space<vmem_shared>>
      tpu.wait_dma2 semaphore(%run_scoped3A_77 : memref<!tpu.dma_semaphore, #tpu.memory_space<semaphore_mem>>) src(%dma_wait3A_96 : memref<64x128xf32, #tpu.memory_space<vmem_shared>>) dst(%dma_wait3A_94 : memref<64x128xf32, #tpu.memory_space<vmem>>)
      tpu.yield
    }) : () -> ()
    "tpu.region"() ({
      %run_scoped3A_77 = tpu.sem_alloc : memref<!tpu.dma_semaphore, #tpu.memory_space<semaphore_mem>>
      %dma_start3A_78 = arith.constant 0 : i32
      %dma_start3A_79 = arith.constant 0 : i32
      %dma_start3A_80 = tpu.memref_slice %arg10[%dma_start3A_78, %dma_start3A_79] : memref<125x128xf32, #tpu.memory_space<vmem>> -> memref<64x128xf32, #tpu.memory_space<vmem>>
      %dma_start3A_81 = arith.constant 0 : i32
      %dma_start3A_82 = tpu.memref_slice %arg5[%arg0, %add3A_72, %dma_start3A_81] : memref<2x10240x128xf32, #tpu.memory_space<hbm>> -> memref<1x64x128xf32, #tpu.memory_space<hbm>>
      %dma_start3A_83 = tpu.memref_squeeze %dma_start3A_82 : memref<1x64x128xf32, #tpu.memory_space<hbm>> -> memref<64x128xf32, #tpu.memory_space<hbm>>
      %dma_start3A_84 = arith.constant 0 : i32
      %dma_start3A_85 = tpu.memref_slice %arg5[%arg0, %add3A_72, %dma_start3A_84] : memref<2x10240x128xf32, #tpu.memory_space<hbm>> -> memref<1x64x128xf32, #tpu.memory_space<hbm>>
      %dma_start3A_86 = tpu.memref_squeeze %dma_start3A_85 : memref<1x64x128xf32, #tpu.memory_space<hbm>> -> memref<64x128xf32, #tpu.memory_space<hbm>>
      %dma_start3A_87 = arith.constant 0 : i32
      %dma_start3A_88 = arith.constant 0 : i32
      %dma_start3A_89 = tpu.memref_slice %arg10[%dma_start3A_87, %dma_start3A_88] : memref<125x128xf32, #tpu.memory_space<vmem>> -> memref<64x128xf32, #tpu.memory_space<vmem>>
      tpu.enqueue_dma source(%dma_start3A_89 : memref<64x128xf32, #tpu.memory_space<vmem>>) target(%dma_start3A_86 : memref<64x128xf32, #tpu.memory_space<hbm>>) target_semaphore(%run_scoped3A_77 : memref<!tpu.dma_semaphore, #tpu.memory_space<semaphore_mem>>)
      %dma_wait3A = arith.constant 0 : i32
      %dma_wait3A_90 = arith.constant 0 : i32
      %dma_wait3A_91 = tpu.memref_slice %arg10[%dma_wait3A, %dma_wait3A_90] : memref<125x128xf32, #tpu.memory_space<vmem>> -> memref<64x128xf32, #tpu.memory_space<vmem>>
      %dma_wait3A_92 = arith.constant 0 : i32
      %dma_wait3A_93 = tpu.memref_slice %arg5[%arg0, %add3A_72, %dma_wait3A_92] : memref<2x10240x128xf32, #tpu.memory_space<hbm>> -> memref<1x64x128xf32, #tpu.memory_space<hbm>>
      %dma_wait3A_94 = tpu.memref_squeeze %dma_wait3A_93 : memref<1x64x128xf32, #tpu.memory_space<hbm>> -> memref<64x128xf32, #tpu.memory_space<hbm>>
      %dma_wait3A_95 = arith.constant 0 : i32
      %dma_wait3A_96 = tpu.memref_slice %arg5[%arg0, %add3A_72, %dma_wait3A_95] : memref<2x10240x128xf32, #tpu.memory_space<hbm>> -> memref<1x64x128xf32, #tpu.memory_space<hbm>>
      %dma_wait3A_97 = tpu.memref_squeeze %dma_wait3A_96 : memref<1x64x128xf32, #tpu.memory_space<hbm>> -> memref<64x128xf32, #tpu.memory_space<hbm>>
      %dma_wait3A_98 = arith.constant 0 : i32
      %dma_wait3A_99 = arith.constant 0 : i32
      %dma_wait3A_100 = tpu.memref_slice %arg10[%dma_wait3A_98, %dma_wait3A_99] : memref<125x128xf32, #tpu.memory_space<vmem>> -> memref<64x128xf32, #tpu.memory_space<vmem>>
      tpu.wait_dma2 semaphore(%run_scoped3A_77 : memref<!tpu.dma_semaphore, #tpu.memory_space<semaphore_mem>>) src(%dma_wait3A_100 : memref<64x128xf32, #tpu.memory_space<vmem>>) dst(%dma_wait3A_97 : memref<64x128xf32, #tpu.memory_space<hbm>>)
      tpu.yield
    }) : () -> ()
    %add3A_73 = arith.constant 512 : i32
    %add3A_74 = arith.addi %mul3A_56, %add3A_73 : i32
    "tpu.region"() ({
      %run_scoped3A_77 = tpu.sem_alloc : memref<!tpu.dma_semaphore, #tpu.memory_space<semaphore_mem>>
      %dma_start3A_78 = arith.constant 0 : i32
      %dma_start3A_79 = arith.constant 0 : i32
      %dma_start3A_80 = tpu.memref_slice %arg10[%dma_start3A_78, %dma_start3A_79] : memref<125x128xf32, #tpu.memory_space<vmem>> -> memref<64x128xf32, #tpu.memory_space<vmem>>
      %dma_start3A_81 = arith.constant 0 : i32
      %dma_start3A_82 = tpu.memref_slice %arg12[%add3A_74, %dma_start3A_81] : memref<10240x128xf32, #tpu.memory_space<vmem_shared>> -> memref<64x128xf32, #tpu.memory_space<vmem_shared>>
      %dma_start3A_83 = arith.constant 0 : i32
      %dma_start3A_84 = arith.constant 0 : i32
      %dma_start3A_85 = tpu.memref_slice %arg10[%dma_start3A_83, %dma_start3A_84] : memref<125x128xf32, #tpu.memory_space<vmem>> -> memref<64x128xf32, #tpu.memory_space<vmem>>
      %dma_start3A_86 = arith.constant 0 : i32
      %dma_start3A_87 = tpu.memref_slice %arg12[%add3A_74, %dma_start3A_86] : memref<10240x128xf32, #tpu.memory_space<vmem_shared>> -> memref<64x128xf32, #tpu.memory_space<vmem_shared>>
      tpu.enqueue_dma source(%dma_start3A_87 : memref<64x128xf32, #tpu.memory_space<vmem_shared>>) target(%dma_start3A_85 : memref<64x128xf32, #tpu.memory_space<vmem>>) target_semaphore(%run_scoped3A_77 : memref<!tpu.dma_semaphore, #tpu.memory_space<semaphore_mem>>)
      %dma_wait3A = arith.constant 0 : i32
      %dma_wait3A_88 = arith.constant 0 : i32
      %dma_wait3A_89 = tpu.memref_slice %arg10[%dma_wait3A, %dma_wait3A_88] : memref<125x128xf32, #tpu.memory_space<vmem>> -> memref<64x128xf32, #tpu.memory_space<vmem>>
      %dma_wait3A_90 = arith.constant 0 : i32
      %dma_wait3A_91 = tpu.memref_slice %arg12[%add3A_74, %dma_wait3A_90] : memref<10240x128xf32, #tpu.memory_space<vmem_shared>> -> memref<64x128xf32, #tpu.memory_space<vmem_shared>>
      %dma_wait3A_92 = arith.constant 0 : i32
      %dma_wait3A_93 = arith.constant 0 : i32
      %dma_wait3A_94 = tpu.memref_slice %arg10[%dma_wait3A_92, %dma_wait3A_93] : memref<125x128xf32, #tpu.memory_space<vmem>> -> memref<64x128xf32, #tpu.memory_space<vmem>>
      %dma_wait3A_95 = arith.constant 0 : i32
      %dma_wait3A_96 = tpu.memref_slice %arg12[%add3A_74, %dma_wait3A_95] : memref<10240x128xf32, #tpu.memory_space<vmem_shared>> -> memref<64x128xf32, #tpu.memory_space<vmem_shared>>
      tpu.wait_dma2 semaphore(%run_scoped3A_77 : memref<!tpu.dma_semaphore, #tpu.memory_space<semaphore_mem>>) src(%dma_wait3A_96 : memref<64x128xf32, #tpu.memory_space<vmem_shared>>) dst(%dma_wait3A_94 : memref<64x128xf32, #tpu.memory_space<vmem>>)
      tpu.yield
    }) : () -> ()
    "tpu.region"() ({
      %run_scoped3A_77 = tpu.sem_alloc : memref<!tpu.dma_semaphore, #tpu.memory_space<semaphore_mem>>
      %dma_start3A_78 = arith.constant 0 : i32
      %dma_start3A_79 = arith.constant 0 : i32
      %dma_start3A_80 = tpu.memref_slice %arg10[%dma_start3A_78, %dma_start3A_79] : memref<125x128xf32, #tpu.memory_space<vmem>> -> memref<64x128xf32, #tpu.memory_space<vmem>>
      %dma_start3A_81 = arith.constant 0 : i32
      %dma_start3A_82 = tpu.memref_slice %arg5[%arg0, %add3A_74, %dma_start3A_81] : memref<2x10240x128xf32, #tpu.memory_space<hbm>> -> memref<1x64x128xf32, #tpu.memory_space<hbm>>
      %dma_start3A_83 = tpu.memref_squeeze %dma_start3A_82 : memref<1x64x128xf32, #tpu.memory_space<hbm>> -> memref<64x128xf32, #tpu.memory_space<hbm>>
      %dma_start3A_84 = arith.constant 0 : i32
      %dma_start3A_85 = tpu.memref_slice %arg5[%arg0, %add3A_74, %dma_start3A_84] : memref<2x10240x128xf32, #tpu.memory_space<hbm>> -> memref<1x64x128xf32, #tpu.memory_space<hbm>>
      %dma_start3A_86 = tpu.memref_squeeze %dma_start3A_85 : memref<1x64x128xf32, #tpu.memory_space<hbm>> -> memref<64x128xf32, #tpu.memory_space<hbm>>
      %dma_start3A_87 = arith.constant 0 : i32
      %dma_start3A_88 = arith.constant 0 : i32
      %dma_start3A_89 = tpu.memref_slice %arg10[%dma_start3A_87, %dma_start3A_88] : memref<125x128xf32, #tpu.memory_space<vmem>> -> memref<64x128xf32, #tpu.memory_space<vmem>>
      tpu.enqueue_dma source(%dma_start3A_89 : memref<64x128xf32, #tpu.memory_space<vmem>>) target(%dma_start3A_86 : memref<64x128xf32, #tpu.memory_space<hbm>>) target_semaphore(%run_scoped3A_77 : memref<!tpu.dma_semaphore, #tpu.memory_space<semaphore_mem>>)
      %dma_wait3A = arith.constant 0 : i32
      %dma_wait3A_90 = arith.constant 0 : i32
      %dma_wait3A_91 = tpu.memref_slice %arg10[%dma_wait3A, %dma_wait3A_90] : memref<125x128xf32, #tpu.memory_space<vmem>> -> memref<64x128xf32, #tpu.memory_space<vmem>>
      %dma_wait3A_92 = arith.constant 0 : i32
      %dma_wait3A_93 = tpu.memref_slice %arg5[%arg0, %add3A_74, %dma_wait3A_92] : memref<2x10240x128xf32, #tpu.memory_space<hbm>> -> memref<1x64x128xf32, #tpu.memory_space<hbm>>
      %dma_wait3A_94 = tpu.memref_squeeze %dma_wait3A_93 : memref<1x64x128xf32, #tpu.memory_space<hbm>> -> memref<64x128xf32, #tpu.memory_space<hbm>>
      %dma_wait3A_95 = arith.constant 0 : i32
      %dma_wait3A_96 = tpu.memref_slice %arg5[%arg0, %add3A_74, %dma_wait3A_95] : memref<2x10240x128xf32, #tpu.memory_space<hbm>> -> memref<1x64x128xf32, #tpu.memory_space<hbm>>
      %dma_wait3A_97 = tpu.memref_squeeze %dma_wait3A_96 : memref<1x64x128xf32, #tpu.memory_space<hbm>> -> memref<64x128xf32, #tpu.memory_space<hbm>>
      %dma_wait3A_98 = arith.constant 0 : i32
      %dma_wait3A_99 = arith.constant 0 : i32
      %dma_wait3A_100 = tpu.memref_slice %arg10[%dma_wait3A_98, %dma_wait3A_99] : memref<125x128xf32, #tpu.memory_space<vmem>> -> memref<64x128xf32, #tpu.memory_space<vmem>>
      tpu.wait_dma2 semaphore(%run_scoped3A_77 : memref<!tpu.dma_semaphore, #tpu.memory_space<semaphore_mem>>) src(%dma_wait3A_100 : memref<64x128xf32, #tpu.memory_space<vmem>>) dst(%dma_wait3A_97 : memref<64x128xf32, #tpu.memory_space<hbm>>)
      tpu.yield
    }) : () -> ()
    %add3A_75 = arith.constant 576 : i32
    %add3A_76 = arith.addi %mul3A_56, %add3A_75 : i32
    "tpu.region"() ({
      %run_scoped3A_77 = tpu.sem_alloc : memref<!tpu.dma_semaphore, #tpu.memory_space<semaphore_mem>>
      %dma_start3A_78 = arith.constant 0 : i32
      %dma_start3A_79 = arith.constant 0 : i32
      %dma_start3A_80 = tpu.memref_slice %arg10[%dma_start3A_78, %dma_start3A_79] : memref<125x128xf32, #tpu.memory_space<vmem>> -> memref<64x128xf32, #tpu.memory_space<vmem>>
      %dma_start3A_81 = arith.constant 0 : i32
      %dma_start3A_82 = tpu.memref_slice %arg12[%add3A_76, %dma_start3A_81] : memref<10240x128xf32, #tpu.memory_space<vmem_shared>> -> memref<64x128xf32, #tpu.memory_space<vmem_shared>>
      %dma_start3A_83 = arith.constant 0 : i32
      %dma_start3A_84 = arith.constant 0 : i32
      %dma_start3A_85 = tpu.memref_slice %arg10[%dma_start3A_83, %dma_start3A_84] : memref<125x128xf32, #tpu.memory_space<vmem>> -> memref<64x128xf32, #tpu.memory_space<vmem>>
      %dma_start3A_86 = arith.constant 0 : i32
      %dma_start3A_87 = tpu.memref_slice %arg12[%add3A_76, %dma_start3A_86] : memref<10240x128xf32, #tpu.memory_space<vmem_shared>> -> memref<64x128xf32, #tpu.memory_space<vmem_shared>>
      tpu.enqueue_dma source(%dma_start3A_87 : memref<64x128xf32, #tpu.memory_space<vmem_shared>>) target(%dma_start3A_85 : memref<64x128xf32, #tpu.memory_space<vmem>>) target_semaphore(%run_scoped3A_77 : memref<!tpu.dma_semaphore, #tpu.memory_space<semaphore_mem>>)
      %dma_wait3A = arith.constant 0 : i32
      %dma_wait3A_88 = arith.constant 0 : i32
      %dma_wait3A_89 = tpu.memref_slice %arg10[%dma_wait3A, %dma_wait3A_88] : memref<125x128xf32, #tpu.memory_space<vmem>> -> memref<64x128xf32, #tpu.memory_space<vmem>>
      %dma_wait3A_90 = arith.constant 0 : i32
      %dma_wait3A_91 = tpu.memref_slice %arg12[%add3A_76, %dma_wait3A_90] : memref<10240x128xf32, #tpu.memory_space<vmem_shared>> -> memref<64x128xf32, #tpu.memory_space<vmem_shared>>
      %dma_wait3A_92 = arith.constant 0 : i32
      %dma_wait3A_93 = arith.constant 0 : i32
      %dma_wait3A_94 = tpu.memref_slice %arg10[%dma_wait3A_92, %dma_wait3A_93] : memref<125x128xf32, #tpu.memory_space<vmem>> -> memref<64x128xf32, #tpu.memory_space<vmem>>
      %dma_wait3A_95 = arith.constant 0 : i32
      %dma_wait3A_96 = tpu.memref_slice %arg12[%add3A_76, %dma_wait3A_95] : memref<10240x128xf32, #tpu.memory_space<vmem_shared>> -> memref<64x128xf32, #tpu.memory_space<vmem_shared>>
      tpu.wait_dma2 semaphore(%run_scoped3A_77 : memref<!tpu.dma_semaphore, #tpu.memory_space<semaphore_mem>>) src(%dma_wait3A_96 : memref<64x128xf32, #tpu.memory_space<vmem_shared>>) dst(%dma_wait3A_94 : memref<64x128xf32, #tpu.memory_space<vmem>>)
      tpu.yield
    }) : () -> ()
    "tpu.region"() ({
      %run_scoped3A_77 = tpu.sem_alloc : memref<!tpu.dma_semaphore, #tpu.memory_space<semaphore_mem>>
      %dma_start3A_78 = arith.constant 0 : i32
      %dma_start3A_79 = arith.constant 0 : i32
      %dma_start3A_80 = tpu.memref_slice %arg10[%dma_start3A_78, %dma_start3A_79] : memref<125x128xf32, #tpu.memory_space<vmem>> -> memref<64x128xf32, #tpu.memory_space<vmem>>
      %dma_start3A_81 = arith.constant 0 : i32
      %dma_start3A_82 = tpu.memref_slice %arg5[%arg0, %add3A_76, %dma_start3A_81] : memref<2x10240x128xf32, #tpu.memory_space<hbm>> -> memref<1x64x128xf32, #tpu.memory_space<hbm>>
      %dma_start3A_83 = tpu.memref_squeeze %dma_start3A_82 : memref<1x64x128xf32, #tpu.memory_space<hbm>> -> memref<64x128xf32, #tpu.memory_space<hbm>>
      %dma_start3A_84 = arith.constant 0 : i32
      %dma_start3A_85 = tpu.memref_slice %arg5[%arg0, %add3A_76, %dma_start3A_84] : memref<2x10240x128xf32, #tpu.memory_space<hbm>> -> memref<1x64x128xf32, #tpu.memory_space<hbm>>
      %dma_start3A_86 = tpu.memref_squeeze %dma_start3A_85 : memref<1x64x128xf32, #tpu.memory_space<hbm>> -> memref<64x128xf32, #tpu.memory_space<hbm>>
      %dma_start3A_87 = arith.constant 0 : i32
      %dma_start3A_88 = arith.constant 0 : i32
      %dma_start3A_89 = tpu.memref_slice %arg10[%dma_start3A_87, %dma_start3A_88] : memref<125x128xf32, #tpu.memory_space<vmem>> -> memref<64x128xf32, #tpu.memory_space<vmem>>
      tpu.enqueue_dma source(%dma_start3A_89 : memref<64x128xf32, #tpu.memory_space<vmem>>) target(%dma_start3A_86 : memref<64x128xf32, #tpu.memory_space<hbm>>) target_semaphore(%run_scoped3A_77 : memref<!tpu.dma_semaphore, #tpu.memory_space<semaphore_mem>>)
      %dma_wait3A = arith.constant 0 : i32
      %dma_wait3A_90 = arith.constant 0 : i32
      %dma_wait3A_91 = tpu.memref_slice %arg10[%dma_wait3A, %dma_wait3A_90] : memref<125x128xf32, #tpu.memory_space<vmem>> -> memref<64x128xf32, #tpu.memory_space<vmem>>
      %dma_wait3A_92 = arith.constant 0 : i32
      %dma_wait3A_93 = tpu.memref_slice %arg5[%arg0, %add3A_76, %dma_wait3A_92] : memref<2x10240x128xf32, #tpu.memory_space<hbm>> -> memref<1x64x128xf32, #tpu.memory_space<hbm>>
      %dma_wait3A_94 = tpu.memref_squeeze %dma_wait3A_93 : memref<1x64x128xf32, #tpu.memory_space<hbm>> -> memref<64x128xf32, #tpu.memory_space<hbm>>
      %dma_wait3A_95 = arith.constant 0 : i32
      %dma_wait3A_96 = tpu.memref_slice %arg5[%arg0, %add3A_76, %dma_wait3A_95] : memref<2x10240x128xf32, #tpu.memory_space<hbm>> -> memref<1x64x128xf32, #tpu.memory_space<hbm>>
      %dma_wait3A_97 = tpu.memref_squeeze %dma_wait3A_96 : memref<1x64x128xf32, #tpu.memory_space<hbm>> -> memref<64x128xf32, #tpu.memory_space<hbm>>
      %dma_wait3A_98 = arith.constant 0 : i32
      %dma_wait3A_99 = arith.constant 0 : i32
      %dma_wait3A_100 = tpu.memref_slice %arg10[%dma_wait3A_98, %dma_wait3A_99] : memref<125x128xf32, #tpu.memory_space<vmem>> -> memref<64x128xf32, #tpu.memory_space<vmem>>
      tpu.wait_dma2 semaphore(%run_scoped3A_77 : memref<!tpu.dma_semaphore, #tpu.memory_space<semaphore_mem>>) src(%dma_wait3A_100 : memref<64x128xf32, #tpu.memory_space<vmem>>) dst(%dma_wait3A_97 : memref<64x128xf32, #tpu.memory_space<hbm>>)
      tpu.yield
    }) : () -> ()
    return
  }
}

#map = affine_map<(d0, d1) -> (0, 0)>
#map1 = affine_map<(d0, d1) -> (0, 0, 0)>
module attributes {stable_mosaic.version = 14 : i64} {
  func.func @_prop(%arg0: i32, %arg1: i32, %arg2: memref<10000x128xf32, #tpu.memory_space<hbm>>, %arg3: memref<32x80x125xi32, #tpu.memory_space<hbm>>, %arg4: memref<32x80x125xi32, #tpu.memory_space<hbm>>, %arg5: memref<2x10240x128xf32, #tpu.memory_space<hbm>>, %arg6: memref<125xi32, #tpu.memory_space<vmem>>, %arg7: memref<125xi32, #tpu.memory_space<vmem>>, %arg8: memref<125xi32, #tpu.memory_space<vmem>>, %arg9: memref<125xi32, #tpu.memory_space<vmem>>, %arg10: memref<125x128xf32, #tpu.memory_space<vmem>>, %arg11: memref<125x128xf32, #tpu.memory_space<vmem>>, %arg12: memref<10240x128xf32, #tpu.memory_space<vmem_shared>>, %arg13: memref<!tpu.dma_semaphore, #tpu.memory_space<semaphore_mem>>, %arg14: memref<!tpu.dma_semaphore, #tpu.memory_space<semaphore_mem>>, %arg15: memref<!tpu.dma_semaphore, #tpu.memory_space<semaphore_mem>>, %arg16: memref<!tpu.dma_semaphore, #tpu.memory_space<semaphore_mem>>) attributes {dimension_semantics = [#tpu.dimension_semantics<core_parallel>, #tpu.dimension_semantics<subcore_parallel>], iteration_bounds = array<i64: 2, 16>, scalar_prefetch = 0 : i64, scratch_operands = 11 : i64, tpu.core_type = #tpu.core_type<sc_vector_subcore>, window_params = [{transform_indices = #map}, {transform_indices = #map1}, {transform_indices = #map1}, {transform_indices = #map1}]} {
    %mul3A = arith.constant 2 : i32
    %mul3A_0 = arith.muli %arg1, %mul3A : i32
    %add3A = arith.addi %mul3A_0, %arg0 : i32
    %broadcast_in_dim3A = arith.constant 0.000000e+00 : f32
    %broadcast_in_dim3A_1 = vector.broadcast %broadcast_in_dim3A : f32 to vector<16xf32>
    %scan3A = arith.constant 0 : i32
    %scan3A_2 = arith.constant 0 : i32
    %scan3A_3 = arith.constant 512 : i32
    %scan3A_4 = arith.addi %scan3A_2, %scan3A_3 : i32
    %scan3A_5 = arith.constant 1 : i32
    %scan3A_6 = scf.for %scan3A_77 = %scan3A_2 to %scan3A_4 step %scan3A_5 iter_args(%scan3A_78 = %scan3A) -> (i32)  : i32 {
      %jit3A = arith.constant 8 : i32
      %div3A = arith.divsi %scan3A_77, %jit3A : i32
      %sign3A = arith.constant 0 : i32
      %sign3A_79 = arith.cmpi sgt, %scan3A_77, %sign3A : i32
      %sign3A_80 = arith.extui %sign3A_79 : i1 to i32
      %sign3A_81 = arith.constant 0 : i32
      %sign3A_82 = arith.cmpi slt, %scan3A_77, %sign3A_81 : i32
      %sign3A_83 = arith.extui %sign3A_82 : i1 to i32
      %sign3A_84 = arith.subi %sign3A_80, %sign3A_83 : i32
      %sign3A_85 = arith.constant 0 : i32
      %sign3A_86 = arith.cmpi sgt, %jit3A, %sign3A_85 : i32
      %sign3A_87 = arith.extui %sign3A_86 : i1 to i32
      %sign3A_88 = arith.constant 0 : i32
      %sign3A_89 = arith.cmpi slt, %jit3A, %sign3A_88 : i32
      %sign3A_90 = arith.extui %sign3A_89 : i1 to i32
      %sign3A_91 = arith.subi %sign3A_87, %sign3A_90 : i32
      %ne3A = arith.cmpi ne, %sign3A_84, %sign3A_91 : i32
      %rem3A = arith.remsi %scan3A_77, %jit3A : i32
      %ne3A_92 = arith.constant 0 : i32
      %ne3A_93 = arith.cmpi ne, %rem3A, %ne3A_92 : i32
      %and3A = arith.andi %ne3A, %ne3A_93 : i1
      %sub3A = arith.constant 1 : i32
      %sub3A_94 = arith.subi %div3A, %sub3A : i32
      %select_n3A = arith.select %and3A, %sub3A_94, %div3A : i32
      %jit3A_95 = arith.constant 8 : i32
      %eq3A = arith.constant 0 : i32
      %eq3A_96 = arith.cmpi eq, %jit3A_95, %eq3A : i32
      %jit3A_97 = arith.constant 1 : i32
      %select_n3A_98 = arith.select %eq3A_96, %jit3A_97, %jit3A_95 : i32
      %rem3A_99 = arith.remsi %scan3A_77, %select_n3A_98 : i32
      %ne3A_100 = arith.constant 0 : i32
      %ne3A_101 = arith.cmpi ne, %rem3A_99, %ne3A_100 : i32
      %lt3A = arith.constant 0 : i32
      %lt3A_102 = arith.cmpi slt, %rem3A_99, %lt3A : i32
      %lt3A_103 = arith.constant 0 : i32
      %lt3A_104 = arith.cmpi slt, %select_n3A_98, %lt3A_103 : i32
      %ne3A_105 = arith.xori %lt3A_102, %lt3A_104 : i1
      %and3A_106 = arith.andi %ne3A_105, %ne3A_101 : i1
      %add3A_107 = arith.addi %rem3A_99, %select_n3A_98 : i32
      %select_n3A_108 = arith.select %and3A_106, %add3A_107, %rem3A_99 : i32
      %mul3A_109 = arith.constant 16 : i32
      %mul3A_110 = arith.muli %select_n3A_108, %mul3A_109 : i32
      %swap3A = arith.index_cast %select_n3A : i32 to index
      %swap3A_111 = arith.index_cast %mul3A_110 : i32 to index
      %swap3A_112 = tpu.vector_load %arg10[%swap3A, %swap3A_111] {strides = array<i32>} : memref<125x128xf32, #tpu.memory_space<vmem>>, vector<16xf32>,
      tpu.vector_store %arg10[%swap3A, %swap3A_111], %broadcast_in_dim3A_1 {strides = array<i32>} : memref<125x128xf32, #tpu.memory_space<vmem>>, vector<16xf32>,
      %scan3A_113 = arith.constant 0 : i32
      scf.yield %scan3A_113 : i32
    }
    %scan3A_7 = arith.constant 512 : i32
    %mul3A_8 = arith.constant 640 : i32
    %mul3A_9 = arith.muli %arg1, %mul3A_8 : i32
    %add3A_10 = arith.constant 0 : i32
    %add3A_11 = arith.addi %mul3A_9, %add3A_10 : i32
    "tpu.region"() ({
      %run_scoped3A_77 = tpu.sem_alloc : memref<!tpu.dma_semaphore, #tpu.memory_space<semaphore_mem>>
      %dma_start3A_78 = arith.constant 0 : i32
      %dma_start3A_79 = arith.constant 0 : i32
      %dma_start3A_80 = tpu.memref_slice %arg10[%dma_start3A_78, %dma_start3A_79] : memref<125x128xf32, #tpu.memory_space<vmem>> -> memref<64x128xf32, #tpu.memory_space<vmem>>
      %dma_start3A_81 = arith.constant 0 : i32
      %dma_start3A_82 = tpu.memref_slice %arg12[%add3A_11, %dma_start3A_81] : memref<10240x128xf32, #tpu.memory_space<vmem_shared>> -> memref<64x128xf32, #tpu.memory_space<vmem_shared>>
      %dma_start3A_83 = arith.constant 0 : i32
      %dma_start3A_84 = tpu.memref_slice %arg12[%add3A_11, %dma_start3A_83] : memref<10240x128xf32, #tpu.memory_space<vmem_shared>> -> memref<64x128xf32, #tpu.memory_space<vmem_shared>>
      %dma_start3A_85 = arith.constant 0 : i32
      %dma_start3A_86 = arith.constant 0 : i32
      %dma_start3A_87 = tpu.memref_slice %arg10[%dma_start3A_85, %dma_start3A_86] : memref<125x128xf32, #tpu.memory_space<vmem>> -> memref<64x128xf32, #tpu.memory_space<vmem>>
      tpu.enqueue_dma source(%dma_start3A_87 : memref<64x128xf32, #tpu.memory_space<vmem>>) target(%dma_start3A_84 : memref<64x128xf32, #tpu.memory_space<vmem_shared>>) target_semaphore(%run_scoped3A_77 : memref<!tpu.dma_semaphore, #tpu.memory_space<semaphore_mem>>)
      %dma_wait3A = arith.constant 0 : i32
      %dma_wait3A_88 = arith.constant 0 : i32
      %dma_wait3A_89 = tpu.memref_slice %arg10[%dma_wait3A, %dma_wait3A_88] : memref<125x128xf32, #tpu.memory_space<vmem>> -> memref<64x128xf32, #tpu.memory_space<vmem>>
      %dma_wait3A_90 = arith.constant 0 : i32
      %dma_wait3A_91 = tpu.memref_slice %arg12[%add3A_11, %dma_wait3A_90] : memref<10240x128xf32, #tpu.memory_space<vmem_shared>> -> memref<64x128xf32, #tpu.memory_space<vmem_shared>>
      %dma_wait3A_92 = arith.constant 0 : i32
      %dma_wait3A_93 = tpu.memref_slice %arg12[%add3A_11, %dma_wait3A_92] : memref<10240x128xf32, #tpu.memory_space<vmem_shared>> -> memref<64x128xf32, #tpu.memory_space<vmem_shared>>
      %dma_wait3A_94 = arith.constant 0 : i32
      %dma_wait3A_95 = arith.constant 0 : i32
      %dma_wait3A_96 = tpu.memref_slice %arg10[%dma_wait3A_94, %dma_wait3A_95] : memref<125x128xf32, #tpu.memory_space<vmem>> -> memref<64x128xf32, #tpu.memory_space<vmem>>
      tpu.wait_dma2 semaphore(%run_scoped3A_77 : memref<!tpu.dma_semaphore, #tpu.memory_space<semaphore_mem>>) src(%dma_wait3A_96 : memref<64x128xf32, #tpu.memory_space<vmem>>) dst(%dma_wait3A_93 : memref<64x128xf32, #tpu.memory_space<vmem_shared>>)
      tpu.yield
    }) : () -> ()
    %add3A_12 = arith.constant 64 : i32
    %add3A_13 = arith.addi %mul3A_9, %add3A_12 : i32
    "tpu.region"() ({
      %run_scoped3A_77 = tpu.sem_alloc : memref<!tpu.dma_semaphore, #tpu.memory_space<semaphore_mem>>
      %dma_start3A_78 = arith.constant 0 : i32
      %dma_start3A_79 = arith.constant 0 : i32
      %dma_start3A_80 = tpu.memref_slice %arg10[%dma_start3A_78, %dma_start3A_79] : memref<125x128xf32, #tpu.memory_space<vmem>> -> memref<64x128xf32, #tpu.memory_space<vmem>>
      %dma_start3A_81 = arith.constant 0 : i32
      %dma_start3A_82 = tpu.memref_slice %arg12[%add3A_13, %dma_start3A_81] : memref<10240x128xf32, #tpu.memory_space<vmem_shared>> -> memref<64x128xf32, #tpu.memory_space<vmem_shared>>
      %dma_start3A_83 = arith.constant 0 : i32
      %dma_start3A_84 = tpu.memref_slice %arg12[%add3A_13, %dma_start3A_83] : memref<10240x128xf32, #tpu.memory_space<vmem_shared>> -> memref<64x128xf32, #tpu.memory_space<vmem_shared>>
      %dma_start3A_85 = arith.constant 0 : i32
      %dma_start3A_86 = arith.constant 0 : i32
      %dma_start3A_87 = tpu.memref_slice %arg10[%dma_start3A_85, %dma_start3A_86] : memref<125x128xf32, #tpu.memory_space<vmem>> -> memref<64x128xf32, #tpu.memory_space<vmem>>
      tpu.enqueue_dma source(%dma_start3A_87 : memref<64x128xf32, #tpu.memory_space<vmem>>) target(%dma_start3A_84 : memref<64x128xf32, #tpu.memory_space<vmem_shared>>) target_semaphore(%run_scoped3A_77 : memref<!tpu.dma_semaphore, #tpu.memory_space<semaphore_mem>>)
      %dma_wait3A = arith.constant 0 : i32
      %dma_wait3A_88 = arith.constant 0 : i32
      %dma_wait3A_89 = tpu.memref_slice %arg10[%dma_wait3A, %dma_wait3A_88] : memref<125x128xf32, #tpu.memory_space<vmem>> -> memref<64x128xf32, #tpu.memory_space<vmem>>
      %dma_wait3A_90 = arith.constant 0 : i32
      %dma_wait3A_91 = tpu.memref_slice %arg12[%add3A_13, %dma_wait3A_90] : memref<10240x128xf32, #tpu.memory_space<vmem_shared>> -> memref<64x128xf32, #tpu.memory_space<vmem_shared>>
      %dma_wait3A_92 = arith.constant 0 : i32
      %dma_wait3A_93 = tpu.memref_slice %arg12[%add3A_13, %dma_wait3A_92] : memref<10240x128xf32, #tpu.memory_space<vmem_shared>> -> memref<64x128xf32, #tpu.memory_space<vmem_shared>>
      %dma_wait3A_94 = arith.constant 0 : i32
      %dma_wait3A_95 = arith.constant 0 : i32
      %dma_wait3A_96 = tpu.memref_slice %arg10[%dma_wait3A_94, %dma_wait3A_95] : memref<125x128xf32, #tpu.memory_space<vmem>> -> memref<64x128xf32, #tpu.memory_space<vmem>>
      tpu.wait_dma2 semaphore(%run_scoped3A_77 : memref<!tpu.dma_semaphore, #tpu.memory_space<semaphore_mem>>) src(%dma_wait3A_96 : memref<64x128xf32, #tpu.memory_space<vmem>>) dst(%dma_wait3A_93 : memref<64x128xf32, #tpu.memory_space<vmem_shared>>)
      tpu.yield
    }) : () -> ()
    %add3A_14 = arith.constant 128 : i32
    %add3A_15 = arith.addi %mul3A_9, %add3A_14 : i32
    "tpu.region"() ({
      %run_scoped3A_77 = tpu.sem_alloc : memref<!tpu.dma_semaphore, #tpu.memory_space<semaphore_mem>>
      %dma_start3A_78 = arith.constant 0 : i32
      %dma_start3A_79 = arith.constant 0 : i32
      %dma_start3A_80 = tpu.memref_slice %arg10[%dma_start3A_78, %dma_start3A_79] : memref<125x128xf32, #tpu.memory_space<vmem>> -> memref<64x128xf32, #tpu.memory_space<vmem>>
      %dma_start3A_81 = arith.constant 0 : i32
      %dma_start3A_82 = tpu.memref_slice %arg12[%add3A_15, %dma_start3A_81] : memref<10240x128xf32, #tpu.memory_space<vmem_shared>> -> memref<64x128xf32, #tpu.memory_space<vmem_shared>>
      %dma_start3A_83 = arith.constant 0 : i32
      %dma_start3A_84 = tpu.memref_slice %arg12[%add3A_15, %dma_start3A_83] : memref<10240x128xf32, #tpu.memory_space<vmem_shared>> -> memref<64x128xf32, #tpu.memory_space<vmem_shared>>
      %dma_start3A_85 = arith.constant 0 : i32
      %dma_start3A_86 = arith.constant 0 : i32
      %dma_start3A_87 = tpu.memref_slice %arg10[%dma_start3A_85, %dma_start3A_86] : memref<125x128xf32, #tpu.memory_space<vmem>> -> memref<64x128xf32, #tpu.memory_space<vmem>>
      tpu.enqueue_dma source(%dma_start3A_87 : memref<64x128xf32, #tpu.memory_space<vmem>>) target(%dma_start3A_84 : memref<64x128xf32, #tpu.memory_space<vmem_shared>>) target_semaphore(%run_scoped3A_77 : memref<!tpu.dma_semaphore, #tpu.memory_space<semaphore_mem>>)
      %dma_wait3A = arith.constant 0 : i32
      %dma_wait3A_88 = arith.constant 0 : i32
      %dma_wait3A_89 = tpu.memref_slice %arg10[%dma_wait3A, %dma_wait3A_88] : memref<125x128xf32, #tpu.memory_space<vmem>> -> memref<64x128xf32, #tpu.memory_space<vmem>>
      %dma_wait3A_90 = arith.constant 0 : i32
      %dma_wait3A_91 = tpu.memref_slice %arg12[%add3A_15, %dma_wait3A_90] : memref<10240x128xf32, #tpu.memory_space<vmem_shared>> -> memref<64x128xf32, #tpu.memory_space<vmem_shared>>
      %dma_wait3A_92 = arith.constant 0 : i32
      %dma_wait3A_93 = tpu.memref_slice %arg12[%add3A_15, %dma_wait3A_92] : memref<10240x128xf32, #tpu.memory_space<vmem_shared>> -> memref<64x128xf32, #tpu.memory_space<vmem_shared>>
      %dma_wait3A_94 = arith.constant 0 : i32
      %dma_wait3A_95 = arith.constant 0 : i32
      %dma_wait3A_96 = tpu.memref_slice %arg10[%dma_wait3A_94, %dma_wait3A_95] : memref<125x128xf32, #tpu.memory_space<vmem>> -> memref<64x128xf32, #tpu.memory_space<vmem>>
      tpu.wait_dma2 semaphore(%run_scoped3A_77 : memref<!tpu.dma_semaphore, #tpu.memory_space<semaphore_mem>>) src(%dma_wait3A_96 : memref<64x128xf32, #tpu.memory_space<vmem>>) dst(%dma_wait3A_93 : memref<64x128xf32, #tpu.memory_space<vmem_shared>>)
      tpu.yield
    }) : () -> ()
    %add3A_16 = arith.constant 192 : i32
    %add3A_17 = arith.addi %mul3A_9, %add3A_16 : i32
    "tpu.region"() ({
      %run_scoped3A_77 = tpu.sem_alloc : memref<!tpu.dma_semaphore, #tpu.memory_space<semaphore_mem>>
      %dma_start3A_78 = arith.constant 0 : i32
      %dma_start3A_79 = arith.constant 0 : i32
      %dma_start3A_80 = tpu.memref_slice %arg10[%dma_start3A_78, %dma_start3A_79] : memref<125x128xf32, #tpu.memory_space<vmem>> -> memref<64x128xf32, #tpu.memory_space<vmem>>
      %dma_start3A_81 = arith.constant 0 : i32
      %dma_start3A_82 = tpu.memref_slice %arg12[%add3A_17, %dma_start3A_81] : memref<10240x128xf32, #tpu.memory_space<vmem_shared>> -> memref<64x128xf32, #tpu.memory_space<vmem_shared>>
      %dma_start3A_83 = arith.constant 0 : i32
      %dma_start3A_84 = tpu.memref_slice %arg12[%add3A_17, %dma_start3A_83] : memref<10240x128xf32, #tpu.memory_space<vmem_shared>> -> memref<64x128xf32, #tpu.memory_space<vmem_shared>>
      %dma_start3A_85 = arith.constant 0 : i32
      %dma_start3A_86 = arith.constant 0 : i32
      %dma_start3A_87 = tpu.memref_slice %arg10[%dma_start3A_85, %dma_start3A_86] : memref<125x128xf32, #tpu.memory_space<vmem>> -> memref<64x128xf32, #tpu.memory_space<vmem>>
      tpu.enqueue_dma source(%dma_start3A_87 : memref<64x128xf32, #tpu.memory_space<vmem>>) target(%dma_start3A_84 : memref<64x128xf32, #tpu.memory_space<vmem_shared>>) target_semaphore(%run_scoped3A_77 : memref<!tpu.dma_semaphore, #tpu.memory_space<semaphore_mem>>)
      %dma_wait3A = arith.constant 0 : i32
      %dma_wait3A_88 = arith.constant 0 : i32
      %dma_wait3A_89 = tpu.memref_slice %arg10[%dma_wait3A, %dma_wait3A_88] : memref<125x128xf32, #tpu.memory_space<vmem>> -> memref<64x128xf32, #tpu.memory_space<vmem>>
      %dma_wait3A_90 = arith.constant 0 : i32
      %dma_wait3A_91 = tpu.memref_slice %arg12[%add3A_17, %dma_wait3A_90] : memref<10240x128xf32, #tpu.memory_space<vmem_shared>> -> memref<64x128xf32, #tpu.memory_space<vmem_shared>>
      %dma_wait3A_92 = arith.constant 0 : i32
      %dma_wait3A_93 = tpu.memref_slice %arg12[%add3A_17, %dma_wait3A_92] : memref<10240x128xf32, #tpu.memory_space<vmem_shared>> -> memref<64x128xf32, #tpu.memory_space<vmem_shared>>
      %dma_wait3A_94 = arith.constant 0 : i32
      %dma_wait3A_95 = arith.constant 0 : i32
      %dma_wait3A_96 = tpu.memref_slice %arg10[%dma_wait3A_94, %dma_wait3A_95] : memref<125x128xf32, #tpu.memory_space<vmem>> -> memref<64x128xf32, #tpu.memory_space<vmem>>
      tpu.wait_dma2 semaphore(%run_scoped3A_77 : memref<!tpu.dma_semaphore, #tpu.memory_space<semaphore_mem>>) src(%dma_wait3A_96 : memref<64x128xf32, #tpu.memory_space<vmem>>) dst(%dma_wait3A_93 : memref<64x128xf32, #tpu.memory_space<vmem_shared>>)
      tpu.yield
    }) : () -> ()
    %add3A_18 = arith.constant 256 : i32
    %add3A_19 = arith.addi %mul3A_9, %add3A_18 : i32
    "tpu.region"() ({
      %run_scoped3A_77 = tpu.sem_alloc : memref<!tpu.dma_semaphore, #tpu.memory_space<semaphore_mem>>
      %dma_start3A_78 = arith.constant 0 : i32
      %dma_start3A_79 = arith.constant 0 : i32
      %dma_start3A_80 = tpu.memref_slice %arg10[%dma_start3A_78, %dma_start3A_79] : memref<125x128xf32, #tpu.memory_space<vmem>> -> memref<64x128xf32, #tpu.memory_space<vmem>>
      %dma_start3A_81 = arith.constant 0 : i32
      %dma_start3A_82 = tpu.memref_slice %arg12[%add3A_19, %dma_start3A_81] : memref<10240x128xf32, #tpu.memory_space<vmem_shared>> -> memref<64x128xf32, #tpu.memory_space<vmem_shared>>
      %dma_start3A_83 = arith.constant 0 : i32
      %dma_start3A_84 = tpu.memref_slice %arg12[%add3A_19, %dma_start3A_83] : memref<10240x128xf32, #tpu.memory_space<vmem_shared>> -> memref<64x128xf32, #tpu.memory_space<vmem_shared>>
      %dma_start3A_85 = arith.constant 0 : i32
      %dma_start3A_86 = arith.constant 0 : i32
      %dma_start3A_87 = tpu.memref_slice %arg10[%dma_start3A_85, %dma_start3A_86] : memref<125x128xf32, #tpu.memory_space<vmem>> -> memref<64x128xf32, #tpu.memory_space<vmem>>
      tpu.enqueue_dma source(%dma_start3A_87 : memref<64x128xf32, #tpu.memory_space<vmem>>) target(%dma_start3A_84 : memref<64x128xf32, #tpu.memory_space<vmem_shared>>) target_semaphore(%run_scoped3A_77 : memref<!tpu.dma_semaphore, #tpu.memory_space<semaphore_mem>>)
      %dma_wait3A = arith.constant 0 : i32
      %dma_wait3A_88 = arith.constant 0 : i32
      %dma_wait3A_89 = tpu.memref_slice %arg10[%dma_wait3A, %dma_wait3A_88] : memref<125x128xf32, #tpu.memory_space<vmem>> -> memref<64x128xf32, #tpu.memory_space<vmem>>
      %dma_wait3A_90 = arith.constant 0 : i32
      %dma_wait3A_91 = tpu.memref_slice %arg12[%add3A_19, %dma_wait3A_90] : memref<10240x128xf32, #tpu.memory_space<vmem_shared>> -> memref<64x128xf32, #tpu.memory_space<vmem_shared>>
      %dma_wait3A_92 = arith.constant 0 : i32
      %dma_wait3A_93 = tpu.memref_slice %arg12[%add3A_19, %dma_wait3A_92] : memref<10240x128xf32, #tpu.memory_space<vmem_shared>> -> memref<64x128xf32, #tpu.memory_space<vmem_shared>>
      %dma_wait3A_94 = arith.constant 0 : i32
      %dma_wait3A_95 = arith.constant 0 : i32
      %dma_wait3A_96 = tpu.memref_slice %arg10[%dma_wait3A_94, %dma_wait3A_95] : memref<125x128xf32, #tpu.memory_space<vmem>> -> memref<64x128xf32, #tpu.memory_space<vmem>>
      tpu.wait_dma2 semaphore(%run_scoped3A_77 : memref<!tpu.dma_semaphore, #tpu.memory_space<semaphore_mem>>) src(%dma_wait3A_96 : memref<64x128xf32, #tpu.memory_space<vmem>>) dst(%dma_wait3A_93 : memref<64x128xf32, #tpu.memory_space<vmem_shared>>)
      tpu.yield
    }) : () -> ()
    %add3A_20 = arith.constant 320 : i32
    %add3A_21 = arith.addi %mul3A_9, %add3A_20 : i32
    "tpu.region"() ({
      %run_scoped3A_77 = tpu.sem_alloc : memref<!tpu.dma_semaphore, #tpu.memory_space<semaphore_mem>>
      %dma_start3A_78 = arith.constant 0 : i32
      %dma_start3A_79 = arith.constant 0 : i32
      %dma_start3A_80 = tpu.memref_slice %arg10[%dma_start3A_78, %dma_start3A_79] : memref<125x128xf32, #tpu.memory_space<vmem>> -> memref<64x128xf32, #tpu.memory_space<vmem>>
      %dma_start3A_81 = arith.constant 0 : i32
      %dma_start3A_82 = tpu.memref_slice %arg12[%add3A_21, %dma_start3A_81] : memref<10240x128xf32, #tpu.memory_space<vmem_shared>> -> memref<64x128xf32, #tpu.memory_space<vmem_shared>>
      %dma_start3A_83 = arith.constant 0 : i32
      %dma_start3A_84 = tpu.memref_slice %arg12[%add3A_21, %dma_start3A_83] : memref<10240x128xf32, #tpu.memory_space<vmem_shared>> -> memref<64x128xf32, #tpu.memory_space<vmem_shared>>
      %dma_start3A_85 = arith.constant 0 : i32
      %dma_start3A_86 = arith.constant 0 : i32
      %dma_start3A_87 = tpu.memref_slice %arg10[%dma_start3A_85, %dma_start3A_86] : memref<125x128xf32, #tpu.memory_space<vmem>> -> memref<64x128xf32, #tpu.memory_space<vmem>>
      tpu.enqueue_dma source(%dma_start3A_87 : memref<64x128xf32, #tpu.memory_space<vmem>>) target(%dma_start3A_84 : memref<64x128xf32, #tpu.memory_space<vmem_shared>>) target_semaphore(%run_scoped3A_77 : memref<!tpu.dma_semaphore, #tpu.memory_space<semaphore_mem>>)
      %dma_wait3A = arith.constant 0 : i32
      %dma_wait3A_88 = arith.constant 0 : i32
      %dma_wait3A_89 = tpu.memref_slice %arg10[%dma_wait3A, %dma_wait3A_88] : memref<125x128xf32, #tpu.memory_space<vmem>> -> memref<64x128xf32, #tpu.memory_space<vmem>>
      %dma_wait3A_90 = arith.constant 0 : i32
      %dma_wait3A_91 = tpu.memref_slice %arg12[%add3A_21, %dma_wait3A_90] : memref<10240x128xf32, #tpu.memory_space<vmem_shared>> -> memref<64x128xf32, #tpu.memory_space<vmem_shared>>
      %dma_wait3A_92 = arith.constant 0 : i32
      %dma_wait3A_93 = tpu.memref_slice %arg12[%add3A_21, %dma_wait3A_92] : memref<10240x128xf32, #tpu.memory_space<vmem_shared>> -> memref<64x128xf32, #tpu.memory_space<vmem_shared>>
      %dma_wait3A_94 = arith.constant 0 : i32
      %dma_wait3A_95 = arith.constant 0 : i32
      %dma_wait3A_96 = tpu.memref_slice %arg10[%dma_wait3A_94, %dma_wait3A_95] : memref<125x128xf32, #tpu.memory_space<vmem>> -> memref<64x128xf32, #tpu.memory_space<vmem>>
      tpu.wait_dma2 semaphore(%run_scoped3A_77 : memref<!tpu.dma_semaphore, #tpu.memory_space<semaphore_mem>>) src(%dma_wait3A_96 : memref<64x128xf32, #tpu.memory_space<vmem>>) dst(%dma_wait3A_93 : memref<64x128xf32, #tpu.memory_space<vmem_shared>>)
      tpu.yield
    }) : () -> ()
    %add3A_22 = arith.constant 384 : i32
    %add3A_23 = arith.addi %mul3A_9, %add3A_22 : i32
    "tpu.region"() ({
      %run_scoped3A_77 = tpu.sem_alloc : memref<!tpu.dma_semaphore, #tpu.memory_space<semaphore_mem>>
      %dma_start3A_78 = arith.constant 0 : i32
      %dma_start3A_79 = arith.constant 0 : i32
      %dma_start3A_80 = tpu.memref_slice %arg10[%dma_start3A_78, %dma_start3A_79] : memref<125x128xf32, #tpu.memory_space<vmem>> -> memref<64x128xf32, #tpu.memory_space<vmem>>
      %dma_start3A_81 = arith.constant 0 : i32
      %dma_start3A_82 = tpu.memref_slice %arg12[%add3A_23, %dma_start3A_81] : memref<10240x128xf32, #tpu.memory_space<vmem_shared>> -> memref<64x128xf32, #tpu.memory_space<vmem_shared>>
      %dma_start3A_83 = arith.constant 0 : i32
      %dma_start3A_84 = tpu.memref_slice %arg12[%add3A_23, %dma_start3A_83] : memref<10240x128xf32, #tpu.memory_space<vmem_shared>> -> memref<64x128xf32, #tpu.memory_space<vmem_shared>>
      %dma_start3A_85 = arith.constant 0 : i32
      %dma_start3A_86 = arith.constant 0 : i32
      %dma_start3A_87 = tpu.memref_slice %arg10[%dma_start3A_85, %dma_start3A_86] : memref<125x128xf32, #tpu.memory_space<vmem>> -> memref<64x128xf32, #tpu.memory_space<vmem>>
      tpu.enqueue_dma source(%dma_start3A_87 : memref<64x128xf32, #tpu.memory_space<vmem>>) target(%dma_start3A_84 : memref<64x128xf32, #tpu.memory_space<vmem_shared>>) target_semaphore(%run_scoped3A_77 : memref<!tpu.dma_semaphore, #tpu.memory_space<semaphore_mem>>)
      %dma_wait3A = arith.constant 0 : i32
      %dma_wait3A_88 = arith.constant 0 : i32
      %dma_wait3A_89 = tpu.memref_slice %arg10[%dma_wait3A, %dma_wait3A_88] : memref<125x128xf32, #tpu.memory_space<vmem>> -> memref<64x128xf32, #tpu.memory_space<vmem>>
      %dma_wait3A_90 = arith.constant 0 : i32
      %dma_wait3A_91 = tpu.memref_slice %arg12[%add3A_23, %dma_wait3A_90] : memref<10240x128xf32, #tpu.memory_space<vmem_shared>> -> memref<64x128xf32, #tpu.memory_space<vmem_shared>>
      %dma_wait3A_92 = arith.constant 0 : i32
      %dma_wait3A_93 = tpu.memref_slice %arg12[%add3A_23, %dma_wait3A_92] : memref<10240x128xf32, #tpu.memory_space<vmem_shared>> -> memref<64x128xf32, #tpu.memory_space<vmem_shared>>
      %dma_wait3A_94 = arith.constant 0 : i32
      %dma_wait3A_95 = arith.constant 0 : i32
      %dma_wait3A_96 = tpu.memref_slice %arg10[%dma_wait3A_94, %dma_wait3A_95] : memref<125x128xf32, #tpu.memory_space<vmem>> -> memref<64x128xf32, #tpu.memory_space<vmem>>
      tpu.wait_dma2 semaphore(%run_scoped3A_77 : memref<!tpu.dma_semaphore, #tpu.memory_space<semaphore_mem>>) src(%dma_wait3A_96 : memref<64x128xf32, #tpu.memory_space<vmem>>) dst(%dma_wait3A_93 : memref<64x128xf32, #tpu.memory_space<vmem_shared>>)
      tpu.yield
    }) : () -> ()
    %add3A_24 = arith.constant 448 : i32
    %add3A_25 = arith.addi %mul3A_9, %add3A_24 : i32
    "tpu.region"() ({
      %run_scoped3A_77 = tpu.sem_alloc : memref<!tpu.dma_semaphore, #tpu.memory_space<semaphore_mem>>
      %dma_start3A_78 = arith.constant 0 : i32
      %dma_start3A_79 = arith.constant 0 : i32
      %dma_start3A_80 = tpu.memref_slice %arg10[%dma_start3A_78, %dma_start3A_79] : memref<125x128xf32, #tpu.memory_space<vmem>> -> memref<64x128xf32, #tpu.memory_space<vmem>>
      %dma_start3A_81 = arith.constant 0 : i32
      %dma_start3A_82 = tpu.memref_slice %arg12[%add3A_25, %dma_start3A_81] : memref<10240x128xf32, #tpu.memory_space<vmem_shared>> -> memref<64x128xf32, #tpu.memory_space<vmem_shared>>
      %dma_start3A_83 = arith.constant 0 : i32
      %dma_start3A_84 = tpu.memref_slice %arg12[%add3A_25, %dma_start3A_83] : memref<10240x128xf32, #tpu.memory_space<vmem_shared>> -> memref<64x128xf32, #tpu.memory_space<vmem_shared>>
      %dma_start3A_85 = arith.constant 0 : i32
      %dma_start3A_86 = arith.constant 0 : i32
      %dma_start3A_87 = tpu.memref_slice %arg10[%dma_start3A_85, %dma_start3A_86] : memref<125x128xf32, #tpu.memory_space<vmem>> -> memref<64x128xf32, #tpu.memory_space<vmem>>
      tpu.enqueue_dma source(%dma_start3A_87 : memref<64x128xf32, #tpu.memory_space<vmem>>) target(%dma_start3A_84 : memref<64x128xf32, #tpu.memory_space<vmem_shared>>) target_semaphore(%run_scoped3A_77 : memref<!tpu.dma_semaphore, #tpu.memory_space<semaphore_mem>>)
      %dma_wait3A = arith.constant 0 : i32
      %dma_wait3A_88 = arith.constant 0 : i32
      %dma_wait3A_89 = tpu.memref_slice %arg10[%dma_wait3A, %dma_wait3A_88] : memref<125x128xf32, #tpu.memory_space<vmem>> -> memref<64x128xf32, #tpu.memory_space<vmem>>
      %dma_wait3A_90 = arith.constant 0 : i32
      %dma_wait3A_91 = tpu.memref_slice %arg12[%add3A_25, %dma_wait3A_90] : memref<10240x128xf32, #tpu.memory_space<vmem_shared>> -> memref<64x128xf32, #tpu.memory_space<vmem_shared>>
      %dma_wait3A_92 = arith.constant 0 : i32
      %dma_wait3A_93 = tpu.memref_slice %arg12[%add3A_25, %dma_wait3A_92] : memref<10240x128xf32, #tpu.memory_space<vmem_shared>> -> memref<64x128xf32, #tpu.memory_space<vmem_shared>>
      %dma_wait3A_94 = arith.constant 0 : i32
      %dma_wait3A_95 = arith.constant 0 : i32
      %dma_wait3A_96 = tpu.memref_slice %arg10[%dma_wait3A_94, %dma_wait3A_95] : memref<125x128xf32, #tpu.memory_space<vmem>> -> memref<64x128xf32, #tpu.memory_space<vmem>>
      tpu.wait_dma2 semaphore(%run_scoped3A_77 : memref<!tpu.dma_semaphore, #tpu.memory_space<semaphore_mem>>) src(%dma_wait3A_96 : memref<64x128xf32, #tpu.memory_space<vmem>>) dst(%dma_wait3A_93 : memref<64x128xf32, #tpu.memory_space<vmem_shared>>)
      tpu.yield
    }) : () -> ()
    %add3A_26 = arith.constant 512 : i32
    %add3A_27 = arith.addi %mul3A_9, %add3A_26 : i32
    "tpu.region"() ({
      %run_scoped3A_77 = tpu.sem_alloc : memref<!tpu.dma_semaphore, #tpu.memory_space<semaphore_mem>>
      %dma_start3A_78 = arith.constant 0 : i32
      %dma_start3A_79 = arith.constant 0 : i32
      %dma_start3A_80 = tpu.memref_slice %arg10[%dma_start3A_78, %dma_start3A_79] : memref<125x128xf32, #tpu.memory_space<vmem>> -> memref<64x128xf32, #tpu.memory_space<vmem>>
      %dma_start3A_81 = arith.constant 0 : i32
      %dma_start3A_82 = tpu.memref_slice %arg12[%add3A_27, %dma_start3A_81] : memref<10240x128xf32, #tpu.memory_space<vmem_shared>> -> memref<64x128xf32, #tpu.memory_space<vmem_shared>>
      %dma_start3A_83 = arith.constant 0 : i32
      %dma_start3A_84 = tpu.memref_slice %arg12[%add3A_27, %dma_start3A_83] : memref<10240x128xf32, #tpu.memory_space<vmem_shared>> -> memref<64x128xf32, #tpu.memory_space<vmem_shared>>
      %dma_start3A_85 = arith.constant 0 : i32
      %dma_start3A_86 = arith.constant 0 : i32
      %dma_start3A_87 = tpu.memref_slice %arg10[%dma_start3A_85, %dma_start3A_86] : memref<125x128xf32, #tpu.memory_space<vmem>> -> memref<64x128xf32, #tpu.memory_space<vmem>>
      tpu.enqueue_dma source(%dma_start3A_87 : memref<64x128xf32, #tpu.memory_space<vmem>>) target(%dma_start3A_84 : memref<64x128xf32, #tpu.memory_space<vmem_shared>>) target_semaphore(%run_scoped3A_77 : memref<!tpu.dma_semaphore, #tpu.memory_space<semaphore_mem>>)
      %dma_wait3A = arith.constant 0 : i32
      %dma_wait3A_88 = arith.constant 0 : i32
      %dma_wait3A_89 = tpu.memref_slice %arg10[%dma_wait3A, %dma_wait3A_88] : memref<125x128xf32, #tpu.memory_space<vmem>> -> memref<64x128xf32, #tpu.memory_space<vmem>>
      %dma_wait3A_90 = arith.constant 0 : i32
      %dma_wait3A_91 = tpu.memref_slice %arg12[%add3A_27, %dma_wait3A_90] : memref<10240x128xf32, #tpu.memory_space<vmem_shared>> -> memref<64x128xf32, #tpu.memory_space<vmem_shared>>
      %dma_wait3A_92 = arith.constant 0 : i32
      %dma_wait3A_93 = tpu.memref_slice %arg12[%add3A_27, %dma_wait3A_92] : memref<10240x128xf32, #tpu.memory_space<vmem_shared>> -> memref<64x128xf32, #tpu.memory_space<vmem_shared>>
      %dma_wait3A_94 = arith.constant 0 : i32
      %dma_wait3A_95 = arith.constant 0 : i32
      %dma_wait3A_96 = tpu.memref_slice %arg10[%dma_wait3A_94, %dma_wait3A_95] : memref<125x128xf32, #tpu.memory_space<vmem>> -> memref<64x128xf32, #tpu.memory_space<vmem>>
      tpu.wait_dma2 semaphore(%run_scoped3A_77 : memref<!tpu.dma_semaphore, #tpu.memory_space<semaphore_mem>>) src(%dma_wait3A_96 : memref<64x128xf32, #tpu.memory_space<vmem>>) dst(%dma_wait3A_93 : memref<64x128xf32, #tpu.memory_space<vmem_shared>>)
      tpu.yield
    }) : () -> ()
    %add3A_28 = arith.constant 576 : i32
    %add3A_29 = arith.addi %mul3A_9, %add3A_28 : i32
    "tpu.region"() ({
      %run_scoped3A_77 = tpu.sem_alloc : memref<!tpu.dma_semaphore, #tpu.memory_space<semaphore_mem>>
      %dma_start3A_78 = arith.constant 0 : i32
      %dma_start3A_79 = arith.constant 0 : i32
      %dma_start3A_80 = tpu.memref_slice %arg10[%dma_start3A_78, %dma_start3A_79] : memref<125x128xf32, #tpu.memory_space<vmem>> -> memref<64x128xf32, #tpu.memory_space<vmem>>
      %dma_start3A_81 = arith.constant 0 : i32
      %dma_start3A_82 = tpu.memref_slice %arg12[%add3A_29, %dma_start3A_81] : memref<10240x128xf32, #tpu.memory_space<vmem_shared>> -> memref<64x128xf32, #tpu.memory_space<vmem_shared>>
      %dma_start3A_83 = arith.constant 0 : i32
      %dma_start3A_84 = tpu.memref_slice %arg12[%add3A_29, %dma_start3A_83] : memref<10240x128xf32, #tpu.memory_space<vmem_shared>> -> memref<64x128xf32, #tpu.memory_space<vmem_shared>>
      %dma_start3A_85 = arith.constant 0 : i32
      %dma_start3A_86 = arith.constant 0 : i32
      %dma_start3A_87 = tpu.memref_slice %arg10[%dma_start3A_85, %dma_start3A_86] : memref<125x128xf32, #tpu.memory_space<vmem>> -> memref<64x128xf32, #tpu.memory_space<vmem>>
      tpu.enqueue_dma source(%dma_start3A_87 : memref<64x128xf32, #tpu.memory_space<vmem>>) target(%dma_start3A_84 : memref<64x128xf32, #tpu.memory_space<vmem_shared>>) target_semaphore(%run_scoped3A_77 : memref<!tpu.dma_semaphore, #tpu.memory_space<semaphore_mem>>)
      %dma_wait3A = arith.constant 0 : i32
      %dma_wait3A_88 = arith.constant 0 : i32
      %dma_wait3A_89 = tpu.memref_slice %arg10[%dma_wait3A, %dma_wait3A_88] : memref<125x128xf32, #tpu.memory_space<vmem>> -> memref<64x128xf32, #tpu.memory_space<vmem>>
      %dma_wait3A_90 = arith.constant 0 : i32
      %dma_wait3A_91 = tpu.memref_slice %arg12[%add3A_29, %dma_wait3A_90] : memref<10240x128xf32, #tpu.memory_space<vmem_shared>> -> memref<64x128xf32, #tpu.memory_space<vmem_shared>>
      %dma_wait3A_92 = arith.constant 0 : i32
      %dma_wait3A_93 = tpu.memref_slice %arg12[%add3A_29, %dma_wait3A_92] : memref<10240x128xf32, #tpu.memory_space<vmem_shared>> -> memref<64x128xf32, #tpu.memory_space<vmem_shared>>
      %dma_wait3A_94 = arith.constant 0 : i32
      %dma_wait3A_95 = arith.constant 0 : i32
      %dma_wait3A_96 = tpu.memref_slice %arg10[%dma_wait3A_94, %dma_wait3A_95] : memref<125x128xf32, #tpu.memory_space<vmem>> -> memref<64x128xf32, #tpu.memory_space<vmem>>
      tpu.wait_dma2 semaphore(%run_scoped3A_77 : memref<!tpu.dma_semaphore, #tpu.memory_space<semaphore_mem>>) src(%dma_wait3A_96 : memref<64x128xf32, #tpu.memory_space<vmem>>) dst(%dma_wait3A_93 : memref<64x128xf32, #tpu.memory_space<vmem_shared>>)
      tpu.yield
    }) : () -> ()
    %barrier3A = arith.constant 0 : index
    tpu.barrier barrier_id(%barrier3A)
    %run_scoped3A = arith.constant 0 : i32
    "tpu.region"() ({
      %run_scoped3A_77 = tpu.sem_alloc : memref<!tpu.dma_semaphore, #tpu.memory_space<semaphore_mem>>
      %dma_start3A_78 = arith.constant 0 : i32
      %dma_start3A_79 = tpu.memref_slice %arg3[%add3A, %run_scoped3A, %dma_start3A_78] : memref<32x80x125xi32, #tpu.memory_space<hbm>> -> memref<1x1x125xi32, #tpu.memory_space<hbm>>
      %dma_start3A_80 = tpu.memref_squeeze %dma_start3A_79 : memref<1x1x125xi32, #tpu.memory_space<hbm>> -> memref<125xi32, #tpu.memory_space<hbm>>
      %dma_start3A_81 = arith.constant 0 : i32
      %dma_start3A_82 = tpu.memref_slice %arg3[%add3A, %run_scoped3A, %dma_start3A_81] : memref<32x80x125xi32, #tpu.memory_space<hbm>> -> memref<1x1x125xi32, #tpu.memory_space<hbm>>
      %dma_start3A_83 = tpu.memref_squeeze %dma_start3A_82 : memref<1x1x125xi32, #tpu.memory_space<hbm>> -> memref<125xi32, #tpu.memory_space<hbm>>
      tpu.enqueue_dma source(%dma_start3A_83 : memref<125xi32, #tpu.memory_space<hbm>>) target(%arg6 : memref<125xi32, #tpu.memory_space<vmem>>) target_semaphore(%run_scoped3A_77 : memref<!tpu.dma_semaphore, #tpu.memory_space<semaphore_mem>>)
      %dma_wait3A = arith.constant 0 : i32
      %dma_wait3A_84 = tpu.memref_slice %arg3[%add3A, %run_scoped3A, %dma_wait3A] : memref<32x80x125xi32, #tpu.memory_space<hbm>> -> memref<1x1x125xi32, #tpu.memory_space<hbm>>
      %dma_wait3A_85 = tpu.memref_squeeze %dma_wait3A_84 : memref<1x1x125xi32, #tpu.memory_space<hbm>> -> memref<125xi32, #tpu.memory_space<hbm>>
      %dma_wait3A_86 = arith.constant 0 : i32
      %dma_wait3A_87 = tpu.memref_slice %arg3[%add3A, %run_scoped3A, %dma_wait3A_86] : memref<32x80x125xi32, #tpu.memory_space<hbm>> -> memref<1x1x125xi32, #tpu.memory_space<hbm>>
      %dma_wait3A_88 = tpu.memref_squeeze %dma_wait3A_87 : memref<1x1x125xi32, #tpu.memory_space<hbm>> -> memref<125xi32, #tpu.memory_space<hbm>>
      tpu.wait_dma2 semaphore(%run_scoped3A_77 : memref<!tpu.dma_semaphore, #tpu.memory_space<semaphore_mem>>) src(%dma_wait3A_88 : memref<125xi32, #tpu.memory_space<hbm>>) dst(%arg6 : memref<125xi32, #tpu.memory_space<vmem>>)
      tpu.yield
    }) : () -> ()
    %run_scoped3A_30 = arith.constant 0 : i32
    "tpu.region"() ({
      %run_scoped3A_77 = tpu.sem_alloc : memref<!tpu.dma_semaphore, #tpu.memory_space<semaphore_mem>>
      %dma_start3A_78 = arith.constant 0 : i32
      %dma_start3A_79 = tpu.memref_slice %arg4[%add3A, %run_scoped3A_30, %dma_start3A_78] : memref<32x80x125xi32, #tpu.memory_space<hbm>> -> memref<1x1x125xi32, #tpu.memory_space<hbm>>
      %dma_start3A_80 = tpu.memref_squeeze %dma_start3A_79 : memref<1x1x125xi32, #tpu.memory_space<hbm>> -> memref<125xi32, #tpu.memory_space<hbm>>
      %dma_start3A_81 = arith.constant 0 : i32
      %dma_start3A_82 = tpu.memref_slice %arg4[%add3A, %run_scoped3A_30, %dma_start3A_81] : memref<32x80x125xi32, #tpu.memory_space<hbm>> -> memref<1x1x125xi32, #tpu.memory_space<hbm>>
      %dma_start3A_83 = tpu.memref_squeeze %dma_start3A_82 : memref<1x1x125xi32, #tpu.memory_space<hbm>> -> memref<125xi32, #tpu.memory_space<hbm>>
      tpu.enqueue_dma source(%dma_start3A_83 : memref<125xi32, #tpu.memory_space<hbm>>) target(%arg8 : memref<125xi32, #tpu.memory_space<vmem>>) target_semaphore(%run_scoped3A_77 : memref<!tpu.dma_semaphore, #tpu.memory_space<semaphore_mem>>)
      %dma_wait3A = arith.constant 0 : i32
      %dma_wait3A_84 = tpu.memref_slice %arg4[%add3A, %run_scoped3A_30, %dma_wait3A] : memref<32x80x125xi32, #tpu.memory_space<hbm>> -> memref<1x1x125xi32, #tpu.memory_space<hbm>>
      %dma_wait3A_85 = tpu.memref_squeeze %dma_wait3A_84 : memref<1x1x125xi32, #tpu.memory_space<hbm>> -> memref<125xi32, #tpu.memory_space<hbm>>
      %dma_wait3A_86 = arith.constant 0 : i32
      %dma_wait3A_87 = tpu.memref_slice %arg4[%add3A, %run_scoped3A_30, %dma_wait3A_86] : memref<32x80x125xi32, #tpu.memory_space<hbm>> -> memref<1x1x125xi32, #tpu.memory_space<hbm>>
      %dma_wait3A_88 = tpu.memref_squeeze %dma_wait3A_87 : memref<1x1x125xi32, #tpu.memory_space<hbm>> -> memref<125xi32, #tpu.memory_space<hbm>>
      tpu.wait_dma2 semaphore(%run_scoped3A_77 : memref<!tpu.dma_semaphore, #tpu.memory_space<semaphore_mem>>) src(%dma_wait3A_88 : memref<125xi32, #tpu.memory_space<hbm>>) dst(%arg8 : memref<125xi32, #tpu.memory_space<vmem>>)
      tpu.yield
    }) : () -> ()
    %dma_start3A = arith.constant 0 : i32
    %dma_start3A_31 = arith.constant 0 : i32
    %dma_start3A_32 = tpu.memref_slice %arg2[%dma_start3A, %dma_start3A_31] : memref<10000x128xf32, #tpu.memory_space<hbm>> -> memref<10000x128xf32, #tpu.memory_space<hbm>>
    tpu.enqueue_indirect_dma source(%dma_start3A_32 : memref<10000x128xf32, #tpu.memory_space<hbm>>) target(%arg10 : memref<125x128xf32, #tpu.memory_space<vmem>>) offsets(%arg6 : memref<125xi32, #tpu.memory_space<vmem>>) semaphore(%arg13 : memref<!tpu.dma_semaphore, #tpu.memory_space<semaphore_mem>>)
    %dma_start3A_33 = arith.constant 1 : i32
    %dma_start3A_34 = arith.constant 0 : i32
    %dma_start3A_35 = tpu.memref_slice %arg3[%add3A, %dma_start3A_33, %dma_start3A_34] : memref<32x80x125xi32, #tpu.memory_space<hbm>> -> memref<1x1x125xi32, #tpu.memory_space<hbm>>
    %dma_start3A_36 = tpu.memref_squeeze %dma_start3A_35 : memref<1x1x125xi32, #tpu.memory_space<hbm>> -> memref<125xi32, #tpu.memory_space<hbm>>
    %dma_start3A_37 = arith.constant 0 : i32
    %dma_start3A_38 = tpu.memref_slice %arg3[%add3A, %dma_start3A_33, %dma_start3A_37] : memref<32x80x125xi32, #tpu.memory_space<hbm>> -> memref<1x1x125xi32, #tpu.memory_space<hbm>>
    %dma_start3A_39 = tpu.memref_squeeze %dma_start3A_38 : memref<1x1x125xi32, #tpu.memory_space<hbm>> -> memref<125xi32, #tpu.memory_space<hbm>>
    tpu.enqueue_dma source(%dma_start3A_39 : memref<125xi32, #tpu.memory_space<hbm>>) target(%arg7 : memref<125xi32, #tpu.memory_space<vmem>>) target_semaphore(%arg16 : memref<!tpu.dma_semaphore, #tpu.memory_space<semaphore_mem>>)
    %dma_start3A_40 = arith.constant 1 : i32
    %dma_start3A_41 = arith.constant 0 : i32
    %dma_start3A_42 = tpu.memref_slice %arg4[%add3A, %dma_start3A_40, %dma_start3A_41] : memref<32x80x125xi32, #tpu.memory_space<hbm>> -> memref<1x1x125xi32, #tpu.memory_space<hbm>>
    %dma_start3A_43 = tpu.memref_squeeze %dma_start3A_42 : memref<1x1x125xi32, #tpu.memory_space<hbm>> -> memref<125xi32, #tpu.memory_space<hbm>>
    %dma_start3A_44 = arith.constant 0 : i32
    %dma_start3A_45 = tpu.memref_slice %arg4[%add3A, %dma_start3A_40, %dma_start3A_44] : memref<32x80x125xi32, #tpu.memory_space<hbm>> -> memref<1x1x125xi32, #tpu.memory_space<hbm>>
    %dma_start3A_46 = tpu.memref_squeeze %dma_start3A_45 : memref<1x1x125xi32, #tpu.memory_space<hbm>> -> memref<125xi32, #tpu.memory_space<hbm>>
    tpu.enqueue_dma source(%dma_start3A_46 : memref<125xi32, #tpu.memory_space<hbm>>) target(%arg9 : memref<125xi32, #tpu.memory_space<vmem>>) target_semaphore(%arg16 : memref<!tpu.dma_semaphore, #tpu.memory_space<semaphore_mem>>)
    %scan3A_47 = arith.constant 0 : i32
    %scan3A_48 = arith.constant 0 : i32
    %scan3A_49 = arith.constant 40 : i32
    %scan3A_50 = arith.addi %scan3A_48, %scan3A_49 : i32
    %scan3A_51 = arith.constant 1 : i32
    %scan3A_52 = scf.for %scan3A_77 = %scan3A_48 to %scan3A_50 step %scan3A_51 iter_args(%scan3A_78 = %scan3A_47) -> (i32)  : i32 {
      %mul3A_79 = arith.constant 2 : i32
      %mul3A_80 = arith.muli %mul3A_79, %scan3A_77 : i32
      %add3A_81 = arith.constant 1 : i32
      %add3A_82 = arith.addi %mul3A_80, %add3A_81 : i32
      %dma_wait3A = arith.constant 0 : i32
      %dma_wait3A_83 = arith.constant 0 : i32
      %dma_wait3A_84 = tpu.memref_slice %arg2[%dma_wait3A, %dma_wait3A_83] : memref<10000x128xf32, #tpu.memory_space<hbm>> -> memref<10000x128xf32, #tpu.memory_space<hbm>>
      tpu.wait_indirect_dma semaphore(%arg13 : memref<!tpu.dma_semaphore, #tpu.memory_space<semaphore_mem>>) src(%dma_wait3A_84 : memref<10000x128xf32, #tpu.memory_space<hbm>>) dst(%arg10 : memref<125x128xf32, #tpu.memory_space<vmem>>)
      %dma_wait3A_85 = arith.constant 0 : i32
      %dma_wait3A_86 = tpu.memref_slice %arg3[%add3A, %add3A_82, %dma_wait3A_85] : memref<32x80x125xi32, #tpu.memory_space<hbm>> -> memref<1x1x125xi32, #tpu.memory_space<hbm>>
      %dma_wait3A_87 = tpu.memref_squeeze %dma_wait3A_86 : memref<1x1x125xi32, #tpu.memory_space<hbm>> -> memref<125xi32, #tpu.memory_space<hbm>>
      %dma_wait3A_88 = arith.constant 0 : i32
      %dma_wait3A_89 = tpu.memref_slice %arg3[%add3A, %add3A_82, %dma_wait3A_88] : memref<32x80x125xi32, #tpu.memory_space<hbm>> -> memref<1x1x125xi32, #tpu.memory_space<hbm>>
      %dma_wait3A_90 = tpu.memref_squeeze %dma_wait3A_89 : memref<1x1x125xi32, #tpu.memory_space<hbm>> -> memref<125xi32, #tpu.memory_space<hbm>>
      tpu.wait_dma2 semaphore(%arg16 : memref<!tpu.dma_semaphore, #tpu.memory_space<semaphore_mem>>) src(%dma_wait3A_90 : memref<125xi32, #tpu.memory_space<hbm>>) dst(%arg7 : memref<125xi32, #tpu.memory_space<vmem>>)
      %dma_wait3A_91 = arith.constant 0 : i32
      %dma_wait3A_92 = tpu.memref_slice %arg4[%add3A, %add3A_82, %dma_wait3A_91] : memref<32x80x125xi32, #tpu.memory_space<hbm>> -> memref<1x1x125xi32, #tpu.memory_space<hbm>>
      %dma_wait3A_93 = tpu.memref_squeeze %dma_wait3A_92 : memref<1x1x125xi32, #tpu.memory_space<hbm>> -> memref<125xi32, #tpu.memory_space<hbm>>
      %dma_wait3A_94 = arith.constant 0 : i32
      %dma_wait3A_95 = tpu.memref_slice %arg4[%add3A, %add3A_82, %dma_wait3A_94] : memref<32x80x125xi32, #tpu.memory_space<hbm>> -> memref<1x1x125xi32, #tpu.memory_space<hbm>>
      %dma_wait3A_96 = tpu.memref_squeeze %dma_wait3A_95 : memref<1x1x125xi32, #tpu.memory_space<hbm>> -> memref<125xi32, #tpu.memory_space<hbm>>
      tpu.wait_dma2 semaphore(%arg16 : memref<!tpu.dma_semaphore, #tpu.memory_space<semaphore_mem>>) src(%dma_wait3A_96 : memref<125xi32, #tpu.memory_space<hbm>>) dst(%arg9 : memref<125xi32, #tpu.memory_space<vmem>>)
      %dma_start3A_97 = arith.constant 0 : i32
      %dma_start3A_98 = arith.constant 0 : i32
      %dma_start3A_99 = tpu.memref_slice %arg2[%dma_start3A_97, %dma_start3A_98] : memref<10000x128xf32, #tpu.memory_space<hbm>> -> memref<10000x128xf32, #tpu.memory_space<hbm>>
      tpu.enqueue_indirect_dma source(%dma_start3A_99 : memref<10000x128xf32, #tpu.memory_space<hbm>>) target(%arg11 : memref<125x128xf32, #tpu.memory_space<vmem>>) offsets(%arg7 : memref<125xi32, #tpu.memory_space<vmem>>) semaphore(%arg14 : memref<!tpu.dma_semaphore, #tpu.memory_space<semaphore_mem>>)
      "tpu.region"() ({
        %run_scoped3A_122 = tpu.sem_alloc : memref<!tpu.dma_semaphore, #tpu.memory_space<semaphore_mem>>
        %dma_start3A_123 = arith.constant 0 : i32
        %dma_start3A_124 = arith.constant 0 : i32
        %dma_start3A_125 = tpu.memref_slice %arg12[%dma_start3A_123, %dma_start3A_124] : memref<10240x128xf32, #tpu.memory_space<vmem_shared>> -> memref<10240x128xf32, #tpu.memory_space<vmem_shared>>
        tpu.enqueue_indirect_dma source(%arg10 : memref<125x128xf32, #tpu.memory_space<vmem>>) target(%dma_start3A_125 : memref<10240x128xf32, #tpu.memory_space<vmem_shared>>) offsets(%arg8 : memref<125xi32, #tpu.memory_space<vmem>>) semaphore(%run_scoped3A_122 : memref<!tpu.dma_semaphore, #tpu.memory_space<semaphore_mem>>) {add = true}
        %dma_wait3A_126 = arith.constant 0 : i32
        %dma_wait3A_127 = arith.constant 0 : i32
        %dma_wait3A_128 = tpu.memref_slice %arg12[%dma_wait3A_126, %dma_wait3A_127] : memref<10240x128xf32, #tpu.memory_space<vmem_shared>> -> memref<10240x128xf32, #tpu.memory_space<vmem_shared>>
        tpu.wait_indirect_dma semaphore(%run_scoped3A_122 : memref<!tpu.dma_semaphore, #tpu.memory_space<semaphore_mem>>) src(%arg10 : memref<125x128xf32, #tpu.memory_space<vmem>>) dst(%dma_wait3A_128 : memref<10240x128xf32, #tpu.memory_space<vmem_shared>>)
        tpu.yield
      }) : () -> ()
      %add3A_100 = arith.constant 2 : i32
      %add3A_101 = arith.addi %mul3A_80, %add3A_100 : i32
      %lt3A = arith.constant 80 : i32
      %lt3A_102 = arith.cmpi slt, %add3A_101, %lt3A : i32
      %convert_element_type3A = arith.extui %lt3A_102 : i1 to i32
      %cond3A = arith.constant 0 : i32
      %cond3A_103 = arith.cmpi ne, %convert_element_type3A, %cond3A : i32
      scf.if %cond3A_103 {
        %add3A_122 = arith.constant 2 : i32
        %add3A_123 = arith.addi %mul3A_80, %add3A_122 : i32
        %dma_start3A_124 = arith.constant 0 : i32
        %dma_start3A_125 = tpu.memref_slice %arg3[%add3A, %add3A_123, %dma_start3A_124] : memref<32x80x125xi32, #tpu.memory_space<hbm>> -> memref<1x1x125xi32, #tpu.memory_space<hbm>>
        %dma_start3A_126 = tpu.memref_squeeze %dma_start3A_125 : memref<1x1x125xi32, #tpu.memory_space<hbm>> -> memref<125xi32, #tpu.memory_space<hbm>>
        %dma_start3A_127 = arith.constant 0 : i32
        %dma_start3A_128 = tpu.memref_slice %arg3[%add3A, %add3A_123, %dma_start3A_127] : memref<32x80x125xi32, #tpu.memory_space<hbm>> -> memref<1x1x125xi32, #tpu.memory_space<hbm>>
        %dma_start3A_129 = tpu.memref_squeeze %dma_start3A_128 : memref<1x1x125xi32, #tpu.memory_space<hbm>> -> memref<125xi32, #tpu.memory_space<hbm>>
        tpu.enqueue_dma source(%dma_start3A_129 : memref<125xi32, #tpu.memory_space<hbm>>) target(%arg6 : memref<125xi32, #tpu.memory_space<vmem>>) target_semaphore(%arg15 : memref<!tpu.dma_semaphore, #tpu.memory_space<semaphore_mem>>)
        %add3A_130 = arith.constant 2 : i32
        %add3A_131 = arith.addi %mul3A_80, %add3A_130 : i32
        %dma_start3A_132 = arith.constant 0 : i32
        %dma_start3A_133 = tpu.memref_slice %arg4[%add3A, %add3A_131, %dma_start3A_132] : memref<32x80x125xi32, #tpu.memory_space<hbm>> -> memref<1x1x125xi32, #tpu.memory_space<hbm>>
        %dma_start3A_134 = tpu.memref_squeeze %dma_start3A_133 : memref<1x1x125xi32, #tpu.memory_space<hbm>> -> memref<125xi32, #tpu.memory_space<hbm>>
        %dma_start3A_135 = arith.constant 0 : i32
        %dma_start3A_136 = tpu.memref_slice %arg4[%add3A, %add3A_131, %dma_start3A_135] : memref<32x80x125xi32, #tpu.memory_space<hbm>> -> memref<1x1x125xi32, #tpu.memory_space<hbm>>
        %dma_start3A_137 = tpu.memref_squeeze %dma_start3A_136 : memref<1x1x125xi32, #tpu.memory_space<hbm>> -> memref<125xi32, #tpu.memory_space<hbm>>
        tpu.enqueue_dma source(%dma_start3A_137 : memref<125xi32, #tpu.memory_space<hbm>>) target(%arg8 : memref<125xi32, #tpu.memory_space<vmem>>) target_semaphore(%arg15 : memref<!tpu.dma_semaphore, #tpu.memory_space<semaphore_mem>>)
      } else {
      }
      %dma_wait3A_104 = arith.constant 0 : i32
      %dma_wait3A_105 = arith.constant 0 : i32
      %dma_wait3A_106 = tpu.memref_slice %arg2[%dma_wait3A_104, %dma_wait3A_105] : memref<10000x128xf32, #tpu.memory_space<hbm>> -> memref<10000x128xf32, #tpu.memory_space<hbm>>
      tpu.wait_indirect_dma semaphore(%arg14 : memref<!tpu.dma_semaphore, #tpu.memory_space<semaphore_mem>>) src(%dma_wait3A_106 : memref<10000x128xf32, #tpu.memory_space<hbm>>) dst(%arg11 : memref<125x128xf32, #tpu.memory_space<vmem>>)
      %add3A_107 = arith.constant 2 : i32
      %add3A_108 = arith.addi %mul3A_80, %add3A_107 : i32
      %lt3A_109 = arith.constant 80 : i32
      %lt3A_110 = arith.cmpi slt, %add3A_108, %lt3A_109 : i32
      %convert_element_type3A_111 = arith.extui %lt3A_110 : i1 to i32
      %cond3A_112 = arith.constant 0 : i32
      %cond3A_113 = arith.cmpi ne, %convert_element_type3A_111, %cond3A_112 : i32
      scf.if %cond3A_113 {
        %add3A_122 = arith.constant 2 : i32
        %add3A_123 = arith.addi %mul3A_80, %add3A_122 : i32
        %dma_wait3A_124 = arith.constant 0 : i32
        %dma_wait3A_125 = tpu.memref_slice %arg3[%add3A, %add3A_123, %dma_wait3A_124] : memref<32x80x125xi32, #tpu.memory_space<hbm>> -> memref<1x1x125xi32, #tpu.memory_space<hbm>>
        %dma_wait3A_126 = tpu.memref_squeeze %dma_wait3A_125 : memref<1x1x125xi32, #tpu.memory_space<hbm>> -> memref<125xi32, #tpu.memory_space<hbm>>
        %dma_wait3A_127 = arith.constant 0 : i32
        %dma_wait3A_128 = tpu.memref_slice %arg3[%add3A, %add3A_123, %dma_wait3A_127] : memref<32x80x125xi32, #tpu.memory_space<hbm>> -> memref<1x1x125xi32, #tpu.memory_space<hbm>>
        %dma_wait3A_129 = tpu.memref_squeeze %dma_wait3A_128 : memref<1x1x125xi32, #tpu.memory_space<hbm>> -> memref<125xi32, #tpu.memory_space<hbm>>
        tpu.wait_dma2 semaphore(%arg15 : memref<!tpu.dma_semaphore, #tpu.memory_space<semaphore_mem>>) src(%dma_wait3A_129 : memref<125xi32, #tpu.memory_space<hbm>>) dst(%arg6 : memref<125xi32, #tpu.memory_space<vmem>>)
        %add3A_130 = arith.constant 2 : i32
        %add3A_131 = arith.addi %mul3A_80, %add3A_130 : i32
        %dma_wait3A_132 = arith.constant 0 : i32
        %dma_wait3A_133 = tpu.memref_slice %arg4[%add3A, %add3A_131, %dma_wait3A_132] : memref<32x80x125xi32, #tpu.memory_space<hbm>> -> memref<1x1x125xi32, #tpu.memory_space<hbm>>
        %dma_wait3A_134 = tpu.memref_squeeze %dma_wait3A_133 : memref<1x1x125xi32, #tpu.memory_space<hbm>> -> memref<125xi32, #tpu.memory_space<hbm>>
        %dma_wait3A_135 = arith.constant 0 : i32
        %dma_wait3A_136 = tpu.memref_slice %arg4[%add3A, %add3A_131, %dma_wait3A_135] : memref<32x80x125xi32, #tpu.memory_space<hbm>> -> memref<1x1x125xi32, #tpu.memory_space<hbm>>
        %dma_wait3A_137 = tpu.memref_squeeze %dma_wait3A_136 : memref<1x1x125xi32, #tpu.memory_space<hbm>> -> memref<125xi32, #tpu.memory_space<hbm>>
        tpu.wait_dma2 semaphore(%arg15 : memref<!tpu.dma_semaphore, #tpu.memory_space<semaphore_mem>>) src(%dma_wait3A_137 : memref<125xi32, #tpu.memory_space<hbm>>) dst(%arg8 : memref<125xi32, #tpu.memory_space<vmem>>)
        %dma_start3A_138 = arith.constant 0 : i32
        %dma_start3A_139 = arith.constant 0 : i32
        %dma_start3A_140 = tpu.memref_slice %arg2[%dma_start3A_138, %dma_start3A_139] : memref<10000x128xf32, #tpu.memory_space<hbm>> -> memref<10000x128xf32, #tpu.memory_space<hbm>>
        tpu.enqueue_indirect_dma source(%dma_start3A_140 : memref<10000x128xf32, #tpu.memory_space<hbm>>) target(%arg10 : memref<125x128xf32, #tpu.memory_space<vmem>>) offsets(%arg6 : memref<125xi32, #tpu.memory_space<vmem>>) semaphore(%arg13 : memref<!tpu.dma_semaphore, #tpu.memory_space<semaphore_mem>>)
      } else {
      }
      "tpu.region"() ({
        %run_scoped3A_122 = tpu.sem_alloc : memref<!tpu.dma_semaphore, #tpu.memory_space<semaphore_mem>>
        %dma_start3A_123 = arith.constant 0 : i32
        %dma_start3A_124 = arith.constant 0 : i32
        %dma_start3A_125 = tpu.memref_slice %arg12[%dma_start3A_123, %dma_start3A_124] : memref<10240x128xf32, #tpu.memory_space<vmem_shared>> -> memref<10240x128xf32, #tpu.memory_space<vmem_shared>>
        tpu.enqueue_indirect_dma source(%arg11 : memref<125x128xf32, #tpu.memory_space<vmem>>) target(%dma_start3A_125 : memref<10240x128xf32, #tpu.memory_space<vmem_shared>>) offsets(%arg9 : memref<125xi32, #tpu.memory_space<vmem>>) semaphore(%run_scoped3A_122 : memref<!tpu.dma_semaphore, #tpu.memory_space<semaphore_mem>>) {add = true}
        %dma_wait3A_126 = arith.constant 0 : i32
        %dma_wait3A_127 = arith.constant 0 : i32
        %dma_wait3A_128 = tpu.memref_slice %arg12[%dma_wait3A_126, %dma_wait3A_127] : memref<10240x128xf32, #tpu.memory_space<vmem_shared>> -> memref<10240x128xf32, #tpu.memory_space<vmem_shared>>
        tpu.wait_indirect_dma semaphore(%run_scoped3A_122 : memref<!tpu.dma_semaphore, #tpu.memory_space<semaphore_mem>>) src(%arg11 : memref<125x128xf32, #tpu.memory_space<vmem>>) dst(%dma_wait3A_128 : memref<10240x128xf32, #tpu.memory_space<vmem_shared>>)
        tpu.yield
      }) : () -> ()
      %add3A_114 = arith.constant 3 : i32
      %add3A_115 = arith.addi %mul3A_80, %add3A_114 : i32
      %lt3A_116 = arith.constant 80 : i32
      %lt3A_117 = arith.cmpi slt, %add3A_115, %lt3A_116 : i32
      %convert_element_type3A_118 = arith.extui %lt3A_117 : i1 to i32
      %cond3A_119 = arith.constant 0 : i32
      %cond3A_120 = arith.cmpi ne, %convert_element_type3A_118, %cond3A_119 : i32
      scf.if %cond3A_120 {
        %add3A_122 = arith.constant 3 : i32
        %add3A_123 = arith.addi %mul3A_80, %add3A_122 : i32
        %dma_start3A_124 = arith.constant 0 : i32
        %dma_start3A_125 = tpu.memref_slice %arg3[%add3A, %add3A_123, %dma_start3A_124] : memref<32x80x125xi32, #tpu.memory_space<hbm>> -> memref<1x1x125xi32, #tpu.memory_space<hbm>>
        %dma_start3A_126 = tpu.memref_squeeze %dma_start3A_125 : memref<1x1x125xi32, #tpu.memory_space<hbm>> -> memref<125xi32, #tpu.memory_space<hbm>>
        %dma_start3A_127 = arith.constant 0 : i32
        %dma_start3A_128 = tpu.memref_slice %arg3[%add3A, %add3A_123, %dma_start3A_127] : memref<32x80x125xi32, #tpu.memory_space<hbm>> -> memref<1x1x125xi32, #tpu.memory_space<hbm>>
        %dma_start3A_129 = tpu.memref_squeeze %dma_start3A_128 : memref<1x1x125xi32, #tpu.memory_space<hbm>> -> memref<125xi32, #tpu.memory_space<hbm>>
        tpu.enqueue_dma source(%dma_start3A_129 : memref<125xi32, #tpu.memory_space<hbm>>) target(%arg7 : memref<125xi32, #tpu.memory_space<vmem>>) target_semaphore(%arg16 : memref<!tpu.dma_semaphore, #tpu.memory_space<semaphore_mem>>)
        %add3A_130 = arith.constant 3 : i32
        %add3A_131 = arith.addi %mul3A_80, %add3A_130 : i32
        %dma_start3A_132 = arith.constant 0 : i32
        %dma_start3A_133 = tpu.memref_slice %arg4[%add3A, %add3A_131, %dma_start3A_132] : memref<32x80x125xi32, #tpu.memory_space<hbm>> -> memref<1x1x125xi32, #tpu.memory_space<hbm>>
        %dma_start3A_134 = tpu.memref_squeeze %dma_start3A_133 : memref<1x1x125xi32, #tpu.memory_space<hbm>> -> memref<125xi32, #tpu.memory_space<hbm>>
        %dma_start3A_135 = arith.constant 0 : i32
        %dma_start3A_136 = tpu.memref_slice %arg4[%add3A, %add3A_131, %dma_start3A_135] : memref<32x80x125xi32, #tpu.memory_space<hbm>> -> memref<1x1x125xi32, #tpu.memory_space<hbm>>
        %dma_start3A_137 = tpu.memref_squeeze %dma_start3A_136 : memref<1x1x125xi32, #tpu.memory_space<hbm>> -> memref<125xi32, #tpu.memory_space<hbm>>
        tpu.enqueue_dma source(%dma_start3A_137 : memref<125xi32, #tpu.memory_space<hbm>>) target(%arg9 : memref<125xi32, #tpu.memory_space<vmem>>) target_semaphore(%arg16 : memref<!tpu.dma_semaphore, #tpu.memory_space<semaphore_mem>>)
      } else {
      }
      %scan3A_121 = arith.constant 0 : i32
      scf.yield %scan3A_121 : i32
    }
    %scan3A_53 = arith.constant 40 : i32
    %barrier3A_54 = arith.constant 0 : index
    tpu.barrier barrier_id(%barrier3A_54)
    %mul3A_55 = arith.constant 640 : i32
    %mul3A_56 = arith.muli %arg1, %mul3A_55 : i32
    %add3A_57 = arith.constant 0 : i32
    %add3A_58 = arith.addi %mul3A_56, %add3A_57 : i32
    "tpu.region"() ({
      %run_scoped3A_77 = tpu.sem_alloc : memref<!tpu.dma_semaphore, #tpu.memory_space<semaphore_mem>>
      %dma_start3A_78 = arith.constant 0 : i32
      %dma_start3A_79 = arith.constant 0 : i32
      %dma_start3A_80 = tpu.memref_slice %arg10[%dma_start3A_78, %dma_start3A_79] : memref<125x128xf32, #tpu.memory_space<vmem>> -> memref<64x128xf32, #tpu.memory_space<vmem>>
      %dma_start3A_81 = arith.constant 0 : i32
      %dma_start3A_82 = tpu.memref_slice %arg12[%add3A_58, %dma_start3A_81] : memref<10240x128xf32, #tpu.memory_space<vmem_shared>> -> memref<64x128xf32, #tpu.memory_space<vmem_shared>>
      %dma_start3A_83 = arith.constant 0 : i32
      %dma_start3A_84 = arith.constant 0 : i32
      %dma_start3A_85 = tpu.memref_slice %arg10[%dma_start3A_83, %dma_start3A_84] : memref<125x128xf32, #tpu.memory_space<vmem>> -> memref<64x128xf32, #tpu.memory_space<vmem>>
      %dma_start3A_86 = arith.constant 0 : i32
      %dma_start3A_87 = tpu.memref_slice %arg12[%add3A_58, %dma_start3A_86] : memref<10240x128xf32, #tpu.memory_space<vmem_shared>> -> memref<64x128xf32, #tpu.memory_space<vmem_shared>>
      tpu.enqueue_dma source(%dma_start3A_87 : memref<64x128xf32, #tpu.memory_space<vmem_shared>>) target(%dma_start3A_85 : memref<64x128xf32, #tpu.memory_space<vmem>>) target_semaphore(%run_scoped3A_77 : memref<!tpu.dma_semaphore, #tpu.memory_space<semaphore_mem>>)
      %dma_wait3A = arith.constant 0 : i32
      %dma_wait3A_88 = arith.constant 0 : i32
      %dma_wait3A_89 = tpu.memref_slice %arg10[%dma_wait3A, %dma_wait3A_88] : memref<125x128xf32, #tpu.memory_space<vmem>> -> memref<64x128xf32, #tpu.memory_space<vmem>>
      %dma_wait3A_90 = arith.constant 0 : i32
      %dma_wait3A_91 = tpu.memref_slice %arg12[%add3A_58, %dma_wait3A_90] : memref<10240x128xf32, #tpu.memory_space<vmem_shared>> -> memref<64x128xf32, #tpu.memory_space<vmem_shared>>
      %dma_wait3A_92 = arith.constant 0 : i32
      %dma_wait3A_93 = arith.constant 0 : i32
      %dma_wait3A_94 = tpu.memref_slice %arg10[%dma_wait3A_92, %dma_wait3A_93] : memref<125x128xf32, #tpu.memory_space<vmem>> -> memref<64x128xf32, #tpu.memory_space<vmem>>
      %dma_wait3A_95 = arith.constant 0 : i32
      %dma_wait3A_96 = tpu.memref_slice %arg12[%add3A_58, %dma_wait3A_95] : memref<10240x128xf32, #tpu.memory_space<vmem_shared>> -> memref<64x128xf32, #tpu.memory_space<vmem_shared>>
      tpu.wait_dma2 semaphore(%run_scoped3A_77 : memref<!tpu.dma_semaphore, #tpu.memory_space<semaphore_mem>>) src(%dma_wait3A_96 : memref<64x128xf32, #tpu.memory_space<vmem_shared>>) dst(%dma_wait3A_94 : memref<64x128xf32, #tpu.memory_space<vmem>>)
      tpu.yield
    }) : () -> ()
    "tpu.region"() ({
      %run_scoped3A_77 = tpu.sem_alloc : memref<!tpu.dma_semaphore, #tpu.memory_space<semaphore_mem>>
      %dma_start3A_78 = arith.constant 0 : i32
      %dma_start3A_79 = arith.constant 0 : i32
      %dma_start3A_80 = tpu.memref_slice %arg10[%dma_start3A_78, %dma_start3A_79] : memref<125x128xf32, #tpu.memory_space<vmem>> -> memref<64x128xf32, #tpu.memory_space<vmem>>
      %dma_start3A_81 = arith.constant 0 : i32
      %dma_start3A_82 = tpu.memref_slice %arg5[%arg0, %add3A_58, %dma_start3A_81] : memref<2x10240x128xf32, #tpu.memory_space<hbm>> -> memref<1x64x128xf32, #tpu.memory_space<hbm>>
      %dma_start3A_83 = tpu.memref_squeeze %dma_start3A_82 : memref<1x64x128xf32, #tpu.memory_space<hbm>> -> memref<64x128xf32, #tpu.memory_space<hbm>>
      %dma_start3A_84 = arith.constant 0 : i32
      %dma_start3A_85 = tpu.memref_slice %arg5[%arg0, %add3A_58, %dma_start3A_84] : memref<2x10240x128xf32, #tpu.memory_space<hbm>> -> memref<1x64x128xf32, #tpu.memory_space<hbm>>
      %dma_start3A_86 = tpu.memref_squeeze %dma_start3A_85 : memref<1x64x128xf32, #tpu.memory_space<hbm>> -> memref<64x128xf32, #tpu.memory_space<hbm>>
      %dma_start3A_87 = arith.constant 0 : i32
      %dma_start3A_88 = arith.constant 0 : i32
      %dma_start3A_89 = tpu.memref_slice %arg10[%dma_start3A_87, %dma_start3A_88] : memref<125x128xf32, #tpu.memory_space<vmem>> -> memref<64x128xf32, #tpu.memory_space<vmem>>
      tpu.enqueue_dma source(%dma_start3A_89 : memref<64x128xf32, #tpu.memory_space<vmem>>) target(%dma_start3A_86 : memref<64x128xf32, #tpu.memory_space<hbm>>) target_semaphore(%run_scoped3A_77 : memref<!tpu.dma_semaphore, #tpu.memory_space<semaphore_mem>>)
      %dma_wait3A = arith.constant 0 : i32
      %dma_wait3A_90 = arith.constant 0 : i32
      %dma_wait3A_91 = tpu.memref_slice %arg10[%dma_wait3A, %dma_wait3A_90] : memref<125x128xf32, #tpu.memory_space<vmem>> -> memref<64x128xf32, #tpu.memory_space<vmem>>
      %dma_wait3A_92 = arith.constant 0 : i32
      %dma_wait3A_93 = tpu.memref_slice %arg5[%arg0, %add3A_58, %dma_wait3A_92] : memref<2x10240x128xf32, #tpu.memory_space<hbm>> -> memref<1x64x128xf32, #tpu.memory_space<hbm>>
      %dma_wait3A_94 = tpu.memref_squeeze %dma_wait3A_93 : memref<1x64x128xf32, #tpu.memory_space<hbm>> -> memref<64x128xf32, #tpu.memory_space<hbm>>
      %dma_wait3A_95 = arith.constant 0 : i32
      %dma_wait3A_96 = tpu.memref_slice %arg5[%arg0, %add3A_58, %dma_wait3A_95] : memref<2x10240x128xf32, #tpu.memory_space<hbm>> -> memref<1x64x128xf32, #tpu.memory_space<hbm>>
      %dma_wait3A_97 = tpu.memref_squeeze %dma_wait3A_96 : memref<1x64x128xf32, #tpu.memory_space<hbm>> -> memref<64x128xf32, #tpu.memory_space<hbm>>
      %dma_wait3A_98 = arith.constant 0 : i32
      %dma_wait3A_99 = arith.constant 0 : i32
      %dma_wait3A_100 = tpu.memref_slice %arg10[%dma_wait3A_98, %dma_wait3A_99] : memref<125x128xf32, #tpu.memory_space<vmem>> -> memref<64x128xf32, #tpu.memory_space<vmem>>
      tpu.wait_dma2 semaphore(%run_scoped3A_77 : memref<!tpu.dma_semaphore, #tpu.memory_space<semaphore_mem>>) src(%dma_wait3A_100 : memref<64x128xf32, #tpu.memory_space<vmem>>) dst(%dma_wait3A_97 : memref<64x128xf32, #tpu.memory_space<hbm>>)
      tpu.yield
    }) : () -> ()
    %add3A_59 = arith.constant 64 : i32
    %add3A_60 = arith.addi %mul3A_56, %add3A_59 : i32
    "tpu.region"() ({
      %run_scoped3A_77 = tpu.sem_alloc : memref<!tpu.dma_semaphore, #tpu.memory_space<semaphore_mem>>
      %dma_start3A_78 = arith.constant 0 : i32
      %dma_start3A_79 = arith.constant 0 : i32
      %dma_start3A_80 = tpu.memref_slice %arg10[%dma_start3A_78, %dma_start3A_79] : memref<125x128xf32, #tpu.memory_space<vmem>> -> memref<64x128xf32, #tpu.memory_space<vmem>>
      %dma_start3A_81 = arith.constant 0 : i32
      %dma_start3A_82 = tpu.memref_slice %arg12[%add3A_60, %dma_start3A_81] : memref<10240x128xf32, #tpu.memory_space<vmem_shared>> -> memref<64x128xf32, #tpu.memory_space<vmem_shared>>
      %dma_start3A_83 = arith.constant 0 : i32
      %dma_start3A_84 = arith.constant 0 : i32
      %dma_start3A_85 = tpu.memref_slice %arg10[%dma_start3A_83, %dma_start3A_84] : memref<125x128xf32, #tpu.memory_space<vmem>> -> memref<64x128xf32, #tpu.memory_space<vmem>>
      %dma_start3A_86 = arith.constant 0 : i32
      %dma_start3A_87 = tpu.memref_slice %arg12[%add3A_60, %dma_start3A_86] : memref<10240x128xf32, #tpu.memory_space<vmem_shared>> -> memref<64x128xf32, #tpu.memory_space<vmem_shared>>
      tpu.enqueue_dma source(%dma_start3A_87 : memref<64x128xf32, #tpu.memory_space<vmem_shared>>) target(%dma_start3A_85 : memref<64x128xf32, #tpu.memory_space<vmem>>) target_semaphore(%run_scoped3A_77 : memref<!tpu.dma_semaphore, #tpu.memory_space<semaphore_mem>>)
      %dma_wait3A = arith.constant 0 : i32
      %dma_wait3A_88 = arith.constant 0 : i32
      %dma_wait3A_89 = tpu.memref_slice %arg10[%dma_wait3A, %dma_wait3A_88] : memref<125x128xf32, #tpu.memory_space<vmem>> -> memref<64x128xf32, #tpu.memory_space<vmem>>
      %dma_wait3A_90 = arith.constant 0 : i32
      %dma_wait3A_91 = tpu.memref_slice %arg12[%add3A_60, %dma_wait3A_90] : memref<10240x128xf32, #tpu.memory_space<vmem_shared>> -> memref<64x128xf32, #tpu.memory_space<vmem_shared>>
      %dma_wait3A_92 = arith.constant 0 : i32
      %dma_wait3A_93 = arith.constant 0 : i32
      %dma_wait3A_94 = tpu.memref_slice %arg10[%dma_wait3A_92, %dma_wait3A_93] : memref<125x128xf32, #tpu.memory_space<vmem>> -> memref<64x128xf32, #tpu.memory_space<vmem>>
      %dma_wait3A_95 = arith.constant 0 : i32
      %dma_wait3A_96 = tpu.memref_slice %arg12[%add3A_60, %dma_wait3A_95] : memref<10240x128xf32, #tpu.memory_space<vmem_shared>> -> memref<64x128xf32, #tpu.memory_space<vmem_shared>>
      tpu.wait_dma2 semaphore(%run_scoped3A_77 : memref<!tpu.dma_semaphore, #tpu.memory_space<semaphore_mem>>) src(%dma_wait3A_96 : memref<64x128xf32, #tpu.memory_space<vmem_shared>>) dst(%dma_wait3A_94 : memref<64x128xf32, #tpu.memory_space<vmem>>)
      tpu.yield
    }) : () -> ()
    "tpu.region"() ({
      %run_scoped3A_77 = tpu.sem_alloc : memref<!tpu.dma_semaphore, #tpu.memory_space<semaphore_mem>>
      %dma_start3A_78 = arith.constant 0 : i32
      %dma_start3A_79 = arith.constant 0 : i32
      %dma_start3A_80 = tpu.memref_slice %arg10[%dma_start3A_78, %dma_start3A_79] : memref<125x128xf32, #tpu.memory_space<vmem>> -> memref<64x128xf32, #tpu.memory_space<vmem>>
      %dma_start3A_81 = arith.constant 0 : i32
      %dma_start3A_82 = tpu.memref_slice %arg5[%arg0, %add3A_60, %dma_start3A_81] : memref<2x10240x128xf32, #tpu.memory_space<hbm>> -> memref<1x64x128xf32, #tpu.memory_space<hbm>>
      %dma_start3A_83 = tpu.memref_squeeze %dma_start3A_82 : memref<1x64x128xf32, #tpu.memory_space<hbm>> -> memref<64x128xf32, #tpu.memory_space<hbm>>
      %dma_start3A_84 = arith.constant 0 : i32
      %dma_start3A_85 = tpu.memref_slice %arg5[%arg0, %add3A_60, %dma_start3A_84] : memref<2x10240x128xf32, #tpu.memory_space<hbm>> -> memref<1x64x128xf32, #tpu.memory_space<hbm>>
      %dma_start3A_86 = tpu.memref_squeeze %dma_start3A_85 : memref<1x64x128xf32, #tpu.memory_space<hbm>> -> memref<64x128xf32, #tpu.memory_space<hbm>>
      %dma_start3A_87 = arith.constant 0 : i32
      %dma_start3A_88 = arith.constant 0 : i32
      %dma_start3A_89 = tpu.memref_slice %arg10[%dma_start3A_87, %dma_start3A_88] : memref<125x128xf32, #tpu.memory_space<vmem>> -> memref<64x128xf32, #tpu.memory_space<vmem>>
      tpu.enqueue_dma source(%dma_start3A_89 : memref<64x128xf32, #tpu.memory_space<vmem>>) target(%dma_start3A_86 : memref<64x128xf32, #tpu.memory_space<hbm>>) target_semaphore(%run_scoped3A_77 : memref<!tpu.dma_semaphore, #tpu.memory_space<semaphore_mem>>)
      %dma_wait3A = arith.constant 0 : i32
      %dma_wait3A_90 = arith.constant 0 : i32
      %dma_wait3A_91 = tpu.memref_slice %arg10[%dma_wait3A, %dma_wait3A_90] : memref<125x128xf32, #tpu.memory_space<vmem>> -> memref<64x128xf32, #tpu.memory_space<vmem>>
      %dma_wait3A_92 = arith.constant 0 : i32
      %dma_wait3A_93 = tpu.memref_slice %arg5[%arg0, %add3A_60, %dma_wait3A_92] : memref<2x10240x128xf32, #tpu.memory_space<hbm>> -> memref<1x64x128xf32, #tpu.memory_space<hbm>>
      %dma_wait3A_94 = tpu.memref_squeeze %dma_wait3A_93 : memref<1x64x128xf32, #tpu.memory_space<hbm>> -> memref<64x128xf32, #tpu.memory_space<hbm>>
      %dma_wait3A_95 = arith.constant 0 : i32
      %dma_wait3A_96 = tpu.memref_slice %arg5[%arg0, %add3A_60, %dma_wait3A_95] : memref<2x10240x128xf32, #tpu.memory_space<hbm>> -> memref<1x64x128xf32, #tpu.memory_space<hbm>>
      %dma_wait3A_97 = tpu.memref_squeeze %dma_wait3A_96 : memref<1x64x128xf32, #tpu.memory_space<hbm>> -> memref<64x128xf32, #tpu.memory_space<hbm>>
      %dma_wait3A_98 = arith.constant 0 : i32
      %dma_wait3A_99 = arith.constant 0 : i32
      %dma_wait3A_100 = tpu.memref_slice %arg10[%dma_wait3A_98, %dma_wait3A_99] : memref<125x128xf32, #tpu.memory_space<vmem>> -> memref<64x128xf32, #tpu.memory_space<vmem>>
      tpu.wait_dma2 semaphore(%run_scoped3A_77 : memref<!tpu.dma_semaphore, #tpu.memory_space<semaphore_mem>>) src(%dma_wait3A_100 : memref<64x128xf32, #tpu.memory_space<vmem>>) dst(%dma_wait3A_97 : memref<64x128xf32, #tpu.memory_space<hbm>>)
      tpu.yield
    }) : () -> ()
    %add3A_61 = arith.constant 128 : i32
    %add3A_62 = arith.addi %mul3A_56, %add3A_61 : i32
    "tpu.region"() ({
      %run_scoped3A_77 = tpu.sem_alloc : memref<!tpu.dma_semaphore, #tpu.memory_space<semaphore_mem>>
      %dma_start3A_78 = arith.constant 0 : i32
      %dma_start3A_79 = arith.constant 0 : i32
      %dma_start3A_80 = tpu.memref_slice %arg10[%dma_start3A_78, %dma_start3A_79] : memref<125x128xf32, #tpu.memory_space<vmem>> -> memref<64x128xf32, #tpu.memory_space<vmem>>
      %dma_start3A_81 = arith.constant 0 : i32
      %dma_start3A_82 = tpu.memref_slice %arg12[%add3A_62, %dma_start3A_81] : memref<10240x128xf32, #tpu.memory_space<vmem_shared>> -> memref<64x128xf32, #tpu.memory_space<vmem_shared>>
      %dma_start3A_83 = arith.constant 0 : i32
      %dma_start3A_84 = arith.constant 0 : i32
      %dma_start3A_85 = tpu.memref_slice %arg10[%dma_start3A_83, %dma_start3A_84] : memref<125x128xf32, #tpu.memory_space<vmem>> -> memref<64x128xf32, #tpu.memory_space<vmem>>
      %dma_start3A_86 = arith.constant 0 : i32
      %dma_start3A_87 = tpu.memref_slice %arg12[%add3A_62, %dma_start3A_86] : memref<10240x128xf32, #tpu.memory_space<vmem_shared>> -> memref<64x128xf32, #tpu.memory_space<vmem_shared>>
      tpu.enqueue_dma source(%dma_start3A_87 : memref<64x128xf32, #tpu.memory_space<vmem_shared>>) target(%dma_start3A_85 : memref<64x128xf32, #tpu.memory_space<vmem>>) target_semaphore(%run_scoped3A_77 : memref<!tpu.dma_semaphore, #tpu.memory_space<semaphore_mem>>)
      %dma_wait3A = arith.constant 0 : i32
      %dma_wait3A_88 = arith.constant 0 : i32
      %dma_wait3A_89 = tpu.memref_slice %arg10[%dma_wait3A, %dma_wait3A_88] : memref<125x128xf32, #tpu.memory_space<vmem>> -> memref<64x128xf32, #tpu.memory_space<vmem>>
      %dma_wait3A_90 = arith.constant 0 : i32
      %dma_wait3A_91 = tpu.memref_slice %arg12[%add3A_62, %dma_wait3A_90] : memref<10240x128xf32, #tpu.memory_space<vmem_shared>> -> memref<64x128xf32, #tpu.memory_space<vmem_shared>>
      %dma_wait3A_92 = arith.constant 0 : i32
      %dma_wait3A_93 = arith.constant 0 : i32
      %dma_wait3A_94 = tpu.memref_slice %arg10[%dma_wait3A_92, %dma_wait3A_93] : memref<125x128xf32, #tpu.memory_space<vmem>> -> memref<64x128xf32, #tpu.memory_space<vmem>>
      %dma_wait3A_95 = arith.constant 0 : i32
      %dma_wait3A_96 = tpu.memref_slice %arg12[%add3A_62, %dma_wait3A_95] : memref<10240x128xf32, #tpu.memory_space<vmem_shared>> -> memref<64x128xf32, #tpu.memory_space<vmem_shared>>
      tpu.wait_dma2 semaphore(%run_scoped3A_77 : memref<!tpu.dma_semaphore, #tpu.memory_space<semaphore_mem>>) src(%dma_wait3A_96 : memref<64x128xf32, #tpu.memory_space<vmem_shared>>) dst(%dma_wait3A_94 : memref<64x128xf32, #tpu.memory_space<vmem>>)
      tpu.yield
    }) : () -> ()
    "tpu.region"() ({
      %run_scoped3A_77 = tpu.sem_alloc : memref<!tpu.dma_semaphore, #tpu.memory_space<semaphore_mem>>
      %dma_start3A_78 = arith.constant 0 : i32
      %dma_start3A_79 = arith.constant 0 : i32
      %dma_start3A_80 = tpu.memref_slice %arg10[%dma_start3A_78, %dma_start3A_79] : memref<125x128xf32, #tpu.memory_space<vmem>> -> memref<64x128xf32, #tpu.memory_space<vmem>>
      %dma_start3A_81 = arith.constant 0 : i32
      %dma_start3A_82 = tpu.memref_slice %arg5[%arg0, %add3A_62, %dma_start3A_81] : memref<2x10240x128xf32, #tpu.memory_space<hbm>> -> memref<1x64x128xf32, #tpu.memory_space<hbm>>
      %dma_start3A_83 = tpu.memref_squeeze %dma_start3A_82 : memref<1x64x128xf32, #tpu.memory_space<hbm>> -> memref<64x128xf32, #tpu.memory_space<hbm>>
      %dma_start3A_84 = arith.constant 0 : i32
      %dma_start3A_85 = tpu.memref_slice %arg5[%arg0, %add3A_62, %dma_start3A_84] : memref<2x10240x128xf32, #tpu.memory_space<hbm>> -> memref<1x64x128xf32, #tpu.memory_space<hbm>>
      %dma_start3A_86 = tpu.memref_squeeze %dma_start3A_85 : memref<1x64x128xf32, #tpu.memory_space<hbm>> -> memref<64x128xf32, #tpu.memory_space<hbm>>
      %dma_start3A_87 = arith.constant 0 : i32
      %dma_start3A_88 = arith.constant 0 : i32
      %dma_start3A_89 = tpu.memref_slice %arg10[%dma_start3A_87, %dma_start3A_88] : memref<125x128xf32, #tpu.memory_space<vmem>> -> memref<64x128xf32, #tpu.memory_space<vmem>>
      tpu.enqueue_dma source(%dma_start3A_89 : memref<64x128xf32, #tpu.memory_space<vmem>>) target(%dma_start3A_86 : memref<64x128xf32, #tpu.memory_space<hbm>>) target_semaphore(%run_scoped3A_77 : memref<!tpu.dma_semaphore, #tpu.memory_space<semaphore_mem>>)
      %dma_wait3A = arith.constant 0 : i32
      %dma_wait3A_90 = arith.constant 0 : i32
      %dma_wait3A_91 = tpu.memref_slice %arg10[%dma_wait3A, %dma_wait3A_90] : memref<125x128xf32, #tpu.memory_space<vmem>> -> memref<64x128xf32, #tpu.memory_space<vmem>>
      %dma_wait3A_92 = arith.constant 0 : i32
      %dma_wait3A_93 = tpu.memref_slice %arg5[%arg0, %add3A_62, %dma_wait3A_92] : memref<2x10240x128xf32, #tpu.memory_space<hbm>> -> memref<1x64x128xf32, #tpu.memory_space<hbm>>
      %dma_wait3A_94 = tpu.memref_squeeze %dma_wait3A_93 : memref<1x64x128xf32, #tpu.memory_space<hbm>> -> memref<64x128xf32, #tpu.memory_space<hbm>>
      %dma_wait3A_95 = arith.constant 0 : i32
      %dma_wait3A_96 = tpu.memref_slice %arg5[%arg0, %add3A_62, %dma_wait3A_95] : memref<2x10240x128xf32, #tpu.memory_space<hbm>> -> memref<1x64x128xf32, #tpu.memory_space<hbm>>
      %dma_wait3A_97 = tpu.memref_squeeze %dma_wait3A_96 : memref<1x64x128xf32, #tpu.memory_space<hbm>> -> memref<64x128xf32, #tpu.memory_space<hbm>>
      %dma_wait3A_98 = arith.constant 0 : i32
      %dma_wait3A_99 = arith.constant 0 : i32
      %dma_wait3A_100 = tpu.memref_slice %arg10[%dma_wait3A_98, %dma_wait3A_99] : memref<125x128xf32, #tpu.memory_space<vmem>> -> memref<64x128xf32, #tpu.memory_space<vmem>>
      tpu.wait_dma2 semaphore(%run_scoped3A_77 : memref<!tpu.dma_semaphore, #tpu.memory_space<semaphore_mem>>) src(%dma_wait3A_100 : memref<64x128xf32, #tpu.memory_space<vmem>>) dst(%dma_wait3A_97 : memref<64x128xf32, #tpu.memory_space<hbm>>)
      tpu.yield
    }) : () -> ()
    %add3A_63 = arith.constant 192 : i32
    %add3A_64 = arith.addi %mul3A_56, %add3A_63 : i32
    "tpu.region"() ({
      %run_scoped3A_77 = tpu.sem_alloc : memref<!tpu.dma_semaphore, #tpu.memory_space<semaphore_mem>>
      %dma_start3A_78 = arith.constant 0 : i32
      %dma_start3A_79 = arith.constant 0 : i32
      %dma_start3A_80 = tpu.memref_slice %arg10[%dma_start3A_78, %dma_start3A_79] : memref<125x128xf32, #tpu.memory_space<vmem>> -> memref<64x128xf32, #tpu.memory_space<vmem>>
      %dma_start3A_81 = arith.constant 0 : i32
      %dma_start3A_82 = tpu.memref_slice %arg12[%add3A_64, %dma_start3A_81] : memref<10240x128xf32, #tpu.memory_space<vmem_shared>> -> memref<64x128xf32, #tpu.memory_space<vmem_shared>>
      %dma_start3A_83 = arith.constant 0 : i32
      %dma_start3A_84 = arith.constant 0 : i32
      %dma_start3A_85 = tpu.memref_slice %arg10[%dma_start3A_83, %dma_start3A_84] : memref<125x128xf32, #tpu.memory_space<vmem>> -> memref<64x128xf32, #tpu.memory_space<vmem>>
      %dma_start3A_86 = arith.constant 0 : i32
      %dma_start3A_87 = tpu.memref_slice %arg12[%add3A_64, %dma_start3A_86] : memref<10240x128xf32, #tpu.memory_space<vmem_shared>> -> memref<64x128xf32, #tpu.memory_space<vmem_shared>>
      tpu.enqueue_dma source(%dma_start3A_87 : memref<64x128xf32, #tpu.memory_space<vmem_shared>>) target(%dma_start3A_85 : memref<64x128xf32, #tpu.memory_space<vmem>>) target_semaphore(%run_scoped3A_77 : memref<!tpu.dma_semaphore, #tpu.memory_space<semaphore_mem>>)
      %dma_wait3A = arith.constant 0 : i32
      %dma_wait3A_88 = arith.constant 0 : i32
      %dma_wait3A_89 = tpu.memref_slice %arg10[%dma_wait3A, %dma_wait3A_88] : memref<125x128xf32, #tpu.memory_space<vmem>> -> memref<64x128xf32, #tpu.memory_space<vmem>>
      %dma_wait3A_90 = arith.constant 0 : i32
      %dma_wait3A_91 = tpu.memref_slice %arg12[%add3A_64, %dma_wait3A_90] : memref<10240x128xf32, #tpu.memory_space<vmem_shared>> -> memref<64x128xf32, #tpu.memory_space<vmem_shared>>
      %dma_wait3A_92 = arith.constant 0 : i32
      %dma_wait3A_93 = arith.constant 0 : i32
      %dma_wait3A_94 = tpu.memref_slice %arg10[%dma_wait3A_92, %dma_wait3A_93] : memref<125x128xf32, #tpu.memory_space<vmem>> -> memref<64x128xf32, #tpu.memory_space<vmem>>
      %dma_wait3A_95 = arith.constant 0 : i32
      %dma_wait3A_96 = tpu.memref_slice %arg12[%add3A_64, %dma_wait3A_95] : memref<10240x128xf32, #tpu.memory_space<vmem_shared>> -> memref<64x128xf32, #tpu.memory_space<vmem_shared>>
      tpu.wait_dma2 semaphore(%run_scoped3A_77 : memref<!tpu.dma_semaphore, #tpu.memory_space<semaphore_mem>>) src(%dma_wait3A_96 : memref<64x128xf32, #tpu.memory_space<vmem_shared>>) dst(%dma_wait3A_94 : memref<64x128xf32, #tpu.memory_space<vmem>>)
      tpu.yield
    }) : () -> ()
    "tpu.region"() ({
      %run_scoped3A_77 = tpu.sem_alloc : memref<!tpu.dma_semaphore, #tpu.memory_space<semaphore_mem>>
      %dma_start3A_78 = arith.constant 0 : i32
      %dma_start3A_79 = arith.constant 0 : i32
      %dma_start3A_80 = tpu.memref_slice %arg10[%dma_start3A_78, %dma_start3A_79] : memref<125x128xf32, #tpu.memory_space<vmem>> -> memref<64x128xf32, #tpu.memory_space<vmem>>
      %dma_start3A_81 = arith.constant 0 : i32
      %dma_start3A_82 = tpu.memref_slice %arg5[%arg0, %add3A_64, %dma_start3A_81] : memref<2x10240x128xf32, #tpu.memory_space<hbm>> -> memref<1x64x128xf32, #tpu.memory_space<hbm>>
      %dma_start3A_83 = tpu.memref_squeeze %dma_start3A_82 : memref<1x64x128xf32, #tpu.memory_space<hbm>> -> memref<64x128xf32, #tpu.memory_space<hbm>>
      %dma_start3A_84 = arith.constant 0 : i32
      %dma_start3A_85 = tpu.memref_slice %arg5[%arg0, %add3A_64, %dma_start3A_84] : memref<2x10240x128xf32, #tpu.memory_space<hbm>> -> memref<1x64x128xf32, #tpu.memory_space<hbm>>
      %dma_start3A_86 = tpu.memref_squeeze %dma_start3A_85 : memref<1x64x128xf32, #tpu.memory_space<hbm>> -> memref<64x128xf32, #tpu.memory_space<hbm>>
      %dma_start3A_87 = arith.constant 0 : i32
      %dma_start3A_88 = arith.constant 0 : i32
      %dma_start3A_89 = tpu.memref_slice %arg10[%dma_start3A_87, %dma_start3A_88] : memref<125x128xf32, #tpu.memory_space<vmem>> -> memref<64x128xf32, #tpu.memory_space<vmem>>
      tpu.enqueue_dma source(%dma_start3A_89 : memref<64x128xf32, #tpu.memory_space<vmem>>) target(%dma_start3A_86 : memref<64x128xf32, #tpu.memory_space<hbm>>) target_semaphore(%run_scoped3A_77 : memref<!tpu.dma_semaphore, #tpu.memory_space<semaphore_mem>>)
      %dma_wait3A = arith.constant 0 : i32
      %dma_wait3A_90 = arith.constant 0 : i32
      %dma_wait3A_91 = tpu.memref_slice %arg10[%dma_wait3A, %dma_wait3A_90] : memref<125x128xf32, #tpu.memory_space<vmem>> -> memref<64x128xf32, #tpu.memory_space<vmem>>
      %dma_wait3A_92 = arith.constant 0 : i32
      %dma_wait3A_93 = tpu.memref_slice %arg5[%arg0, %add3A_64, %dma_wait3A_92] : memref<2x10240x128xf32, #tpu.memory_space<hbm>> -> memref<1x64x128xf32, #tpu.memory_space<hbm>>
      %dma_wait3A_94 = tpu.memref_squeeze %dma_wait3A_93 : memref<1x64x128xf32, #tpu.memory_space<hbm>> -> memref<64x128xf32, #tpu.memory_space<hbm>>
      %dma_wait3A_95 = arith.constant 0 : i32
      %dma_wait3A_96 = tpu.memref_slice %arg5[%arg0, %add3A_64, %dma_wait3A_95] : memref<2x10240x128xf32, #tpu.memory_space<hbm>> -> memref<1x64x128xf32, #tpu.memory_space<hbm>>
      %dma_wait3A_97 = tpu.memref_squeeze %dma_wait3A_96 : memref<1x64x128xf32, #tpu.memory_space<hbm>> -> memref<64x128xf32, #tpu.memory_space<hbm>>
      %dma_wait3A_98 = arith.constant 0 : i32
      %dma_wait3A_99 = arith.constant 0 : i32
      %dma_wait3A_100 = tpu.memref_slice %arg10[%dma_wait3A_98, %dma_wait3A_99] : memref<125x128xf32, #tpu.memory_space<vmem>> -> memref<64x128xf32, #tpu.memory_space<vmem>>
      tpu.wait_dma2 semaphore(%run_scoped3A_77 : memref<!tpu.dma_semaphore, #tpu.memory_space<semaphore_mem>>) src(%dma_wait3A_100 : memref<64x128xf32, #tpu.memory_space<vmem>>) dst(%dma_wait3A_97 : memref<64x128xf32, #tpu.memory_space<hbm>>)
      tpu.yield
    }) : () -> ()
    %add3A_65 = arith.constant 256 : i32
    %add3A_66 = arith.addi %mul3A_56, %add3A_65 : i32
    "tpu.region"() ({
      %run_scoped3A_77 = tpu.sem_alloc : memref<!tpu.dma_semaphore, #tpu.memory_space<semaphore_mem>>
      %dma_start3A_78 = arith.constant 0 : i32
      %dma_start3A_79 = arith.constant 0 : i32
      %dma_start3A_80 = tpu.memref_slice %arg10[%dma_start3A_78, %dma_start3A_79] : memref<125x128xf32, #tpu.memory_space<vmem>> -> memref<64x128xf32, #tpu.memory_space<vmem>>
      %dma_start3A_81 = arith.constant 0 : i32
      %dma_start3A_82 = tpu.memref_slice %arg12[%add3A_66, %dma_start3A_81] : memref<10240x128xf32, #tpu.memory_space<vmem_shared>> -> memref<64x128xf32, #tpu.memory_space<vmem_shared>>
      %dma_start3A_83 = arith.constant 0 : i32
      %dma_start3A_84 = arith.constant 0 : i32
      %dma_start3A_85 = tpu.memref_slice %arg10[%dma_start3A_83, %dma_start3A_84] : memref<125x128xf32, #tpu.memory_space<vmem>> -> memref<64x128xf32, #tpu.memory_space<vmem>>
      %dma_start3A_86 = arith.constant 0 : i32
      %dma_start3A_87 = tpu.memref_slice %arg12[%add3A_66, %dma_start3A_86] : memref<10240x128xf32, #tpu.memory_space<vmem_shared>> -> memref<64x128xf32, #tpu.memory_space<vmem_shared>>
      tpu.enqueue_dma source(%dma_start3A_87 : memref<64x128xf32, #tpu.memory_space<vmem_shared>>) target(%dma_start3A_85 : memref<64x128xf32, #tpu.memory_space<vmem>>) target_semaphore(%run_scoped3A_77 : memref<!tpu.dma_semaphore, #tpu.memory_space<semaphore_mem>>)
      %dma_wait3A = arith.constant 0 : i32
      %dma_wait3A_88 = arith.constant 0 : i32
      %dma_wait3A_89 = tpu.memref_slice %arg10[%dma_wait3A, %dma_wait3A_88] : memref<125x128xf32, #tpu.memory_space<vmem>> -> memref<64x128xf32, #tpu.memory_space<vmem>>
      %dma_wait3A_90 = arith.constant 0 : i32
      %dma_wait3A_91 = tpu.memref_slice %arg12[%add3A_66, %dma_wait3A_90] : memref<10240x128xf32, #tpu.memory_space<vmem_shared>> -> memref<64x128xf32, #tpu.memory_space<vmem_shared>>
      %dma_wait3A_92 = arith.constant 0 : i32
      %dma_wait3A_93 = arith.constant 0 : i32
      %dma_wait3A_94 = tpu.memref_slice %arg10[%dma_wait3A_92, %dma_wait3A_93] : memref<125x128xf32, #tpu.memory_space<vmem>> -> memref<64x128xf32, #tpu.memory_space<vmem>>
      %dma_wait3A_95 = arith.constant 0 : i32
      %dma_wait3A_96 = tpu.memref_slice %arg12[%add3A_66, %dma_wait3A_95] : memref<10240x128xf32, #tpu.memory_space<vmem_shared>> -> memref<64x128xf32, #tpu.memory_space<vmem_shared>>
      tpu.wait_dma2 semaphore(%run_scoped3A_77 : memref<!tpu.dma_semaphore, #tpu.memory_space<semaphore_mem>>) src(%dma_wait3A_96 : memref<64x128xf32, #tpu.memory_space<vmem_shared>>) dst(%dma_wait3A_94 : memref<64x128xf32, #tpu.memory_space<vmem>>)
      tpu.yield
    }) : () -> ()
    "tpu.region"() ({
      %run_scoped3A_77 = tpu.sem_alloc : memref<!tpu.dma_semaphore, #tpu.memory_space<semaphore_mem>>
      %dma_start3A_78 = arith.constant 0 : i32
      %dma_start3A_79 = arith.constant 0 : i32
      %dma_start3A_80 = tpu.memref_slice %arg10[%dma_start3A_78, %dma_start3A_79] : memref<125x128xf32, #tpu.memory_space<vmem>> -> memref<64x128xf32, #tpu.memory_space<vmem>>
      %dma_start3A_81 = arith.constant 0 : i32
      %dma_start3A_82 = tpu.memref_slice %arg5[%arg0, %add3A_66, %dma_start3A_81] : memref<2x10240x128xf32, #tpu.memory_space<hbm>> -> memref<1x64x128xf32, #tpu.memory_space<hbm>>
      %dma_start3A_83 = tpu.memref_squeeze %dma_start3A_82 : memref<1x64x128xf32, #tpu.memory_space<hbm>> -> memref<64x128xf32, #tpu.memory_space<hbm>>
      %dma_start3A_84 = arith.constant 0 : i32
      %dma_start3A_85 = tpu.memref_slice %arg5[%arg0, %add3A_66, %dma_start3A_84] : memref<2x10240x128xf32, #tpu.memory_space<hbm>> -> memref<1x64x128xf32, #tpu.memory_space<hbm>>
      %dma_start3A_86 = tpu.memref_squeeze %dma_start3A_85 : memref<1x64x128xf32, #tpu.memory_space<hbm>> -> memref<64x128xf32, #tpu.memory_space<hbm>>
      %dma_start3A_87 = arith.constant 0 : i32
      %dma_start3A_88 = arith.constant 0 : i32
      %dma_start3A_89 = tpu.memref_slice %arg10[%dma_start3A_87, %dma_start3A_88] : memref<125x128xf32, #tpu.memory_space<vmem>> -> memref<64x128xf32, #tpu.memory_space<vmem>>
      tpu.enqueue_dma source(%dma_start3A_89 : memref<64x128xf32, #tpu.memory_space<vmem>>) target(%dma_start3A_86 : memref<64x128xf32, #tpu.memory_space<hbm>>) target_semaphore(%run_scoped3A_77 : memref<!tpu.dma_semaphore, #tpu.memory_space<semaphore_mem>>)
      %dma_wait3A = arith.constant 0 : i32
      %dma_wait3A_90 = arith.constant 0 : i32
      %dma_wait3A_91 = tpu.memref_slice %arg10[%dma_wait3A, %dma_wait3A_90] : memref<125x128xf32, #tpu.memory_space<vmem>> -> memref<64x128xf32, #tpu.memory_space<vmem>>
      %dma_wait3A_92 = arith.constant 0 : i32
      %dma_wait3A_93 = tpu.memref_slice %arg5[%arg0, %add3A_66, %dma_wait3A_92] : memref<2x10240x128xf32, #tpu.memory_space<hbm>> -> memref<1x64x128xf32, #tpu.memory_space<hbm>>
      %dma_wait3A_94 = tpu.memref_squeeze %dma_wait3A_93 : memref<1x64x128xf32, #tpu.memory_space<hbm>> -> memref<64x128xf32, #tpu.memory_space<hbm>>
      %dma_wait3A_95 = arith.constant 0 : i32
      %dma_wait3A_96 = tpu.memref_slice %arg5[%arg0, %add3A_66, %dma_wait3A_95] : memref<2x10240x128xf32, #tpu.memory_space<hbm>> -> memref<1x64x128xf32, #tpu.memory_space<hbm>>
      %dma_wait3A_97 = tpu.memref_squeeze %dma_wait3A_96 : memref<1x64x128xf32, #tpu.memory_space<hbm>> -> memref<64x128xf32, #tpu.memory_space<hbm>>
      %dma_wait3A_98 = arith.constant 0 : i32
      %dma_wait3A_99 = arith.constant 0 : i32
      %dma_wait3A_100 = tpu.memref_slice %arg10[%dma_wait3A_98, %dma_wait3A_99] : memref<125x128xf32, #tpu.memory_space<vmem>> -> memref<64x128xf32, #tpu.memory_space<vmem>>
      tpu.wait_dma2 semaphore(%run_scoped3A_77 : memref<!tpu.dma_semaphore, #tpu.memory_space<semaphore_mem>>) src(%dma_wait3A_100 : memref<64x128xf32, #tpu.memory_space<vmem>>) dst(%dma_wait3A_97 : memref<64x128xf32, #tpu.memory_space<hbm>>)
      tpu.yield
    }) : () -> ()
    %add3A_67 = arith.constant 320 : i32
    %add3A_68 = arith.addi %mul3A_56, %add3A_67 : i32
    "tpu.region"() ({
      %run_scoped3A_77 = tpu.sem_alloc : memref<!tpu.dma_semaphore, #tpu.memory_space<semaphore_mem>>
      %dma_start3A_78 = arith.constant 0 : i32
      %dma_start3A_79 = arith.constant 0 : i32
      %dma_start3A_80 = tpu.memref_slice %arg10[%dma_start3A_78, %dma_start3A_79] : memref<125x128xf32, #tpu.memory_space<vmem>> -> memref<64x128xf32, #tpu.memory_space<vmem>>
      %dma_start3A_81 = arith.constant 0 : i32
      %dma_start3A_82 = tpu.memref_slice %arg12[%add3A_68, %dma_start3A_81] : memref<10240x128xf32, #tpu.memory_space<vmem_shared>> -> memref<64x128xf32, #tpu.memory_space<vmem_shared>>
      %dma_start3A_83 = arith.constant 0 : i32
      %dma_start3A_84 = arith.constant 0 : i32
      %dma_start3A_85 = tpu.memref_slice %arg10[%dma_start3A_83, %dma_start3A_84] : memref<125x128xf32, #tpu.memory_space<vmem>> -> memref<64x128xf32, #tpu.memory_space<vmem>>
      %dma_start3A_86 = arith.constant 0 : i32
      %dma_start3A_87 = tpu.memref_slice %arg12[%add3A_68, %dma_start3A_86] : memref<10240x128xf32, #tpu.memory_space<vmem_shared>> -> memref<64x128xf32, #tpu.memory_space<vmem_shared>>
      tpu.enqueue_dma source(%dma_start3A_87 : memref<64x128xf32, #tpu.memory_space<vmem_shared>>) target(%dma_start3A_85 : memref<64x128xf32, #tpu.memory_space<vmem>>) target_semaphore(%run_scoped3A_77 : memref<!tpu.dma_semaphore, #tpu.memory_space<semaphore_mem>>)
      %dma_wait3A = arith.constant 0 : i32
      %dma_wait3A_88 = arith.constant 0 : i32
      %dma_wait3A_89 = tpu.memref_slice %arg10[%dma_wait3A, %dma_wait3A_88] : memref<125x128xf32, #tpu.memory_space<vmem>> -> memref<64x128xf32, #tpu.memory_space<vmem>>
      %dma_wait3A_90 = arith.constant 0 : i32
      %dma_wait3A_91 = tpu.memref_slice %arg12[%add3A_68, %dma_wait3A_90] : memref<10240x128xf32, #tpu.memory_space<vmem_shared>> -> memref<64x128xf32, #tpu.memory_space<vmem_shared>>
      %dma_wait3A_92 = arith.constant 0 : i32
      %dma_wait3A_93 = arith.constant 0 : i32
      %dma_wait3A_94 = tpu.memref_slice %arg10[%dma_wait3A_92, %dma_wait3A_93] : memref<125x128xf32, #tpu.memory_space<vmem>> -> memref<64x128xf32, #tpu.memory_space<vmem>>
      %dma_wait3A_95 = arith.constant 0 : i32
      %dma_wait3A_96 = tpu.memref_slice %arg12[%add3A_68, %dma_wait3A_95] : memref<10240x128xf32, #tpu.memory_space<vmem_shared>> -> memref<64x128xf32, #tpu.memory_space<vmem_shared>>
      tpu.wait_dma2 semaphore(%run_scoped3A_77 : memref<!tpu.dma_semaphore, #tpu.memory_space<semaphore_mem>>) src(%dma_wait3A_96 : memref<64x128xf32, #tpu.memory_space<vmem_shared>>) dst(%dma_wait3A_94 : memref<64x128xf32, #tpu.memory_space<vmem>>)
      tpu.yield
    }) : () -> ()
    "tpu.region"() ({
      %run_scoped3A_77 = tpu.sem_alloc : memref<!tpu.dma_semaphore, #tpu.memory_space<semaphore_mem>>
      %dma_start3A_78 = arith.constant 0 : i32
      %dma_start3A_79 = arith.constant 0 : i32
      %dma_start3A_80 = tpu.memref_slice %arg10[%dma_start3A_78, %dma_start3A_79] : memref<125x128xf32, #tpu.memory_space<vmem>> -> memref<64x128xf32, #tpu.memory_space<vmem>>
      %dma_start3A_81 = arith.constant 0 : i32
      %dma_start3A_82 = tpu.memref_slice %arg5[%arg0, %add3A_68, %dma_start3A_81] : memref<2x10240x128xf32, #tpu.memory_space<hbm>> -> memref<1x64x128xf32, #tpu.memory_space<hbm>>
      %dma_start3A_83 = tpu.memref_squeeze %dma_start3A_82 : memref<1x64x128xf32, #tpu.memory_space<hbm>> -> memref<64x128xf32, #tpu.memory_space<hbm>>
      %dma_start3A_84 = arith.constant 0 : i32
      %dma_start3A_85 = tpu.memref_slice %arg5[%arg0, %add3A_68, %dma_start3A_84] : memref<2x10240x128xf32, #tpu.memory_space<hbm>> -> memref<1x64x128xf32, #tpu.memory_space<hbm>>
      %dma_start3A_86 = tpu.memref_squeeze %dma_start3A_85 : memref<1x64x128xf32, #tpu.memory_space<hbm>> -> memref<64x128xf32, #tpu.memory_space<hbm>>
      %dma_start3A_87 = arith.constant 0 : i32
      %dma_start3A_88 = arith.constant 0 : i32
      %dma_start3A_89 = tpu.memref_slice %arg10[%dma_start3A_87, %dma_start3A_88] : memref<125x128xf32, #tpu.memory_space<vmem>> -> memref<64x128xf32, #tpu.memory_space<vmem>>
      tpu.enqueue_dma source(%dma_start3A_89 : memref<64x128xf32, #tpu.memory_space<vmem>>) target(%dma_start3A_86 : memref<64x128xf32, #tpu.memory_space<hbm>>) target_semaphore(%run_scoped3A_77 : memref<!tpu.dma_semaphore, #tpu.memory_space<semaphore_mem>>)
      %dma_wait3A = arith.constant 0 : i32
      %dma_wait3A_90 = arith.constant 0 : i32
      %dma_wait3A_91 = tpu.memref_slice %arg10[%dma_wait3A, %dma_wait3A_90] : memref<125x128xf32, #tpu.memory_space<vmem>> -> memref<64x128xf32, #tpu.memory_space<vmem>>
      %dma_wait3A_92 = arith.constant 0 : i32
      %dma_wait3A_93 = tpu.memref_slice %arg5[%arg0, %add3A_68, %dma_wait3A_92] : memref<2x10240x128xf32, #tpu.memory_space<hbm>> -> memref<1x64x128xf32, #tpu.memory_space<hbm>>
      %dma_wait3A_94 = tpu.memref_squeeze %dma_wait3A_93 : memref<1x64x128xf32, #tpu.memory_space<hbm>> -> memref<64x128xf32, #tpu.memory_space<hbm>>
      %dma_wait3A_95 = arith.constant 0 : i32
      %dma_wait3A_96 = tpu.memref_slice %arg5[%arg0, %add3A_68, %dma_wait3A_95] : memref<2x10240x128xf32, #tpu.memory_space<hbm>> -> memref<1x64x128xf32, #tpu.memory_space<hbm>>
      %dma_wait3A_97 = tpu.memref_squeeze %dma_wait3A_96 : memref<1x64x128xf32, #tpu.memory_space<hbm>> -> memref<64x128xf32, #tpu.memory_space<hbm>>
      %dma_wait3A_98 = arith.constant 0 : i32
      %dma_wait3A_99 = arith.constant 0 : i32
      %dma_wait3A_100 = tpu.memref_slice %arg10[%dma_wait3A_98, %dma_wait3A_99] : memref<125x128xf32, #tpu.memory_space<vmem>> -> memref<64x128xf32, #tpu.memory_space<vmem>>
      tpu.wait_dma2 semaphore(%run_scoped3A_77 : memref<!tpu.dma_semaphore, #tpu.memory_space<semaphore_mem>>) src(%dma_wait3A_100 : memref<64x128xf32, #tpu.memory_space<vmem>>) dst(%dma_wait3A_97 : memref<64x128xf32, #tpu.memory_space<hbm>>)
      tpu.yield
    }) : () -> ()
    %add3A_69 = arith.constant 384 : i32
    %add3A_70 = arith.addi %mul3A_56, %add3A_69 : i32
    "tpu.region"() ({
      %run_scoped3A_77 = tpu.sem_alloc : memref<!tpu.dma_semaphore, #tpu.memory_space<semaphore_mem>>
      %dma_start3A_78 = arith.constant 0 : i32
      %dma_start3A_79 = arith.constant 0 : i32
      %dma_start3A_80 = tpu.memref_slice %arg10[%dma_start3A_78, %dma_start3A_79] : memref<125x128xf32, #tpu.memory_space<vmem>> -> memref<64x128xf32, #tpu.memory_space<vmem>>
      %dma_start3A_81 = arith.constant 0 : i32
      %dma_start3A_82 = tpu.memref_slice %arg12[%add3A_70, %dma_start3A_81] : memref<10240x128xf32, #tpu.memory_space<vmem_shared>> -> memref<64x128xf32, #tpu.memory_space<vmem_shared>>
      %dma_start3A_83 = arith.constant 0 : i32
      %dma_start3A_84 = arith.constant 0 : i32
      %dma_start3A_85 = tpu.memref_slice %arg10[%dma_start3A_83, %dma_start3A_84] : memref<125x128xf32, #tpu.memory_space<vmem>> -> memref<64x128xf32, #tpu.memory_space<vmem>>
      %dma_start3A_86 = arith.constant 0 : i32
      %dma_start3A_87 = tpu.memref_slice %arg12[%add3A_70, %dma_start3A_86] : memref<10240x128xf32, #tpu.memory_space<vmem_shared>> -> memref<64x128xf32, #tpu.memory_space<vmem_shared>>
      tpu.enqueue_dma source(%dma_start3A_87 : memref<64x128xf32, #tpu.memory_space<vmem_shared>>) target(%dma_start3A_85 : memref<64x128xf32, #tpu.memory_space<vmem>>) target_semaphore(%run_scoped3A_77 : memref<!tpu.dma_semaphore, #tpu.memory_space<semaphore_mem>>)
      %dma_wait3A = arith.constant 0 : i32
      %dma_wait3A_88 = arith.constant 0 : i32
      %dma_wait3A_89 = tpu.memref_slice %arg10[%dma_wait3A, %dma_wait3A_88] : memref<125x128xf32, #tpu.memory_space<vmem>> -> memref<64x128xf32, #tpu.memory_space<vmem>>
      %dma_wait3A_90 = arith.constant 0 : i32
      %dma_wait3A_91 = tpu.memref_slice %arg12[%add3A_70, %dma_wait3A_90] : memref<10240x128xf32, #tpu.memory_space<vmem_shared>> -> memref<64x128xf32, #tpu.memory_space<vmem_shared>>
      %dma_wait3A_92 = arith.constant 0 : i32
      %dma_wait3A_93 = arith.constant 0 : i32
      %dma_wait3A_94 = tpu.memref_slice %arg10[%dma_wait3A_92, %dma_wait3A_93] : memref<125x128xf32, #tpu.memory_space<vmem>> -> memref<64x128xf32, #tpu.memory_space<vmem>>
      %dma_wait3A_95 = arith.constant 0 : i32
      %dma_wait3A_96 = tpu.memref_slice %arg12[%add3A_70, %dma_wait3A_95] : memref<10240x128xf32, #tpu.memory_space<vmem_shared>> -> memref<64x128xf32, #tpu.memory_space<vmem_shared>>
      tpu.wait_dma2 semaphore(%run_scoped3A_77 : memref<!tpu.dma_semaphore, #tpu.memory_space<semaphore_mem>>) src(%dma_wait3A_96 : memref<64x128xf32, #tpu.memory_space<vmem_shared>>) dst(%dma_wait3A_94 : memref<64x128xf32, #tpu.memory_space<vmem>>)
      tpu.yield
    }) : () -> ()
    "tpu.region"() ({
      %run_scoped3A_77 = tpu.sem_alloc : memref<!tpu.dma_semaphore, #tpu.memory_space<semaphore_mem>>
      %dma_start3A_78 = arith.constant 0 : i32
      %dma_start3A_79 = arith.constant 0 : i32
      %dma_start3A_80 = tpu.memref_slice %arg10[%dma_start3A_78, %dma_start3A_79] : memref<125x128xf32, #tpu.memory_space<vmem>> -> memref<64x128xf32, #tpu.memory_space<vmem>>
      %dma_start3A_81 = arith.constant 0 : i32
      %dma_start3A_82 = tpu.memref_slice %arg5[%arg0, %add3A_70, %dma_start3A_81] : memref<2x10240x128xf32, #tpu.memory_space<hbm>> -> memref<1x64x128xf32, #tpu.memory_space<hbm>>
      %dma_start3A_83 = tpu.memref_squeeze %dma_start3A_82 : memref<1x64x128xf32, #tpu.memory_space<hbm>> -> memref<64x128xf32, #tpu.memory_space<hbm>>
      %dma_start3A_84 = arith.constant 0 : i32
      %dma_start3A_85 = tpu.memref_slice %arg5[%arg0, %add3A_70, %dma_start3A_84] : memref<2x10240x128xf32, #tpu.memory_space<hbm>> -> memref<1x64x128xf32, #tpu.memory_space<hbm>>
      %dma_start3A_86 = tpu.memref_squeeze %dma_start3A_85 : memref<1x64x128xf32, #tpu.memory_space<hbm>> -> memref<64x128xf32, #tpu.memory_space<hbm>>
      %dma_start3A_87 = arith.constant 0 : i32
      %dma_start3A_88 = arith.constant 0 : i32
      %dma_start3A_89 = tpu.memref_slice %arg10[%dma_start3A_87, %dma_start3A_88] : memref<125x128xf32, #tpu.memory_space<vmem>> -> memref<64x128xf32, #tpu.memory_space<vmem>>
      tpu.enqueue_dma source(%dma_start3A_89 : memref<64x128xf32, #tpu.memory_space<vmem>>) target(%dma_start3A_86 : memref<64x128xf32, #tpu.memory_space<hbm>>) target_semaphore(%run_scoped3A_77 : memref<!tpu.dma_semaphore, #tpu.memory_space<semaphore_mem>>)
      %dma_wait3A = arith.constant 0 : i32
      %dma_wait3A_90 = arith.constant 0 : i32
      %dma_wait3A_91 = tpu.memref_slice %arg10[%dma_wait3A, %dma_wait3A_90] : memref<125x128xf32, #tpu.memory_space<vmem>> -> memref<64x128xf32, #tpu.memory_space<vmem>>
      %dma_wait3A_92 = arith.constant 0 : i32
      %dma_wait3A_93 = tpu.memref_slice %arg5[%arg0, %add3A_70, %dma_wait3A_92] : memref<2x10240x128xf32, #tpu.memory_space<hbm>> -> memref<1x64x128xf32, #tpu.memory_space<hbm>>
      %dma_wait3A_94 = tpu.memref_squeeze %dma_wait3A_93 : memref<1x64x128xf32, #tpu.memory_space<hbm>> -> memref<64x128xf32, #tpu.memory_space<hbm>>
      %dma_wait3A_95 = arith.constant 0 : i32
      %dma_wait3A_96 = tpu.memref_slice %arg5[%arg0, %add3A_70, %dma_wait3A_95] : memref<2x10240x128xf32, #tpu.memory_space<hbm>> -> memref<1x64x128xf32, #tpu.memory_space<hbm>>
      %dma_wait3A_97 = tpu.memref_squeeze %dma_wait3A_96 : memref<1x64x128xf32, #tpu.memory_space<hbm>> -> memref<64x128xf32, #tpu.memory_space<hbm>>
      %dma_wait3A_98 = arith.constant 0 : i32
      %dma_wait3A_99 = arith.constant 0 : i32
      %dma_wait3A_100 = tpu.memref_slice %arg10[%dma_wait3A_98, %dma_wait3A_99] : memref<125x128xf32, #tpu.memory_space<vmem>> -> memref<64x128xf32, #tpu.memory_space<vmem>>
      tpu.wait_dma2 semaphore(%run_scoped3A_77 : memref<!tpu.dma_semaphore, #tpu.memory_space<semaphore_mem>>) src(%dma_wait3A_100 : memref<64x128xf32, #tpu.memory_space<vmem>>) dst(%dma_wait3A_97 : memref<64x128xf32, #tpu.memory_space<hbm>>)
      tpu.yield
    }) : () -> ()
    %add3A_71 = arith.constant 448 : i32
    %add3A_72 = arith.addi %mul3A_56, %add3A_71 : i32
    "tpu.region"() ({
      %run_scoped3A_77 = tpu.sem_alloc : memref<!tpu.dma_semaphore, #tpu.memory_space<semaphore_mem>>
      %dma_start3A_78 = arith.constant 0 : i32
      %dma_start3A_79 = arith.constant 0 : i32
      %dma_start3A_80 = tpu.memref_slice %arg10[%dma_start3A_78, %dma_start3A_79] : memref<125x128xf32, #tpu.memory_space<vmem>> -> memref<64x128xf32, #tpu.memory_space<vmem>>
      %dma_start3A_81 = arith.constant 0 : i32
      %dma_start3A_82 = tpu.memref_slice %arg12[%add3A_72, %dma_start3A_81] : memref<10240x128xf32, #tpu.memory_space<vmem_shared>> -> memref<64x128xf32, #tpu.memory_space<vmem_shared>>
      %dma_start3A_83 = arith.constant 0 : i32
      %dma_start3A_84 = arith.constant 0 : i32
      %dma_start3A_85 = tpu.memref_slice %arg10[%dma_start3A_83, %dma_start3A_84] : memref<125x128xf32, #tpu.memory_space<vmem>> -> memref<64x128xf32, #tpu.memory_space<vmem>>
      %dma_start3A_86 = arith.constant 0 : i32
      %dma_start3A_87 = tpu.memref_slice %arg12[%add3A_72, %dma_start3A_86] : memref<10240x128xf32, #tpu.memory_space<vmem_shared>> -> memref<64x128xf32, #tpu.memory_space<vmem_shared>>
      tpu.enqueue_dma source(%dma_start3A_87 : memref<64x128xf32, #tpu.memory_space<vmem_shared>>) target(%dma_start3A_85 : memref<64x128xf32, #tpu.memory_space<vmem>>) target_semaphore(%run_scoped3A_77 : memref<!tpu.dma_semaphore, #tpu.memory_space<semaphore_mem>>)
      %dma_wait3A = arith.constant 0 : i32
      %dma_wait3A_88 = arith.constant 0 : i32
      %dma_wait3A_89 = tpu.memref_slice %arg10[%dma_wait3A, %dma_wait3A_88] : memref<125x128xf32, #tpu.memory_space<vmem>> -> memref<64x128xf32, #tpu.memory_space<vmem>>
      %dma_wait3A_90 = arith.constant 0 : i32
      %dma_wait3A_91 = tpu.memref_slice %arg12[%add3A_72, %dma_wait3A_90] : memref<10240x128xf32, #tpu.memory_space<vmem_shared>> -> memref<64x128xf32, #tpu.memory_space<vmem_shared>>
      %dma_wait3A_92 = arith.constant 0 : i32
      %dma_wait3A_93 = arith.constant 0 : i32
      %dma_wait3A_94 = tpu.memref_slice %arg10[%dma_wait3A_92, %dma_wait3A_93] : memref<125x128xf32, #tpu.memory_space<vmem>> -> memref<64x128xf32, #tpu.memory_space<vmem>>
      %dma_wait3A_95 = arith.constant 0 : i32
      %dma_wait3A_96 = tpu.memref_slice %arg12[%add3A_72, %dma_wait3A_95] : memref<10240x128xf32, #tpu.memory_space<vmem_shared>> -> memref<64x128xf32, #tpu.memory_space<vmem_shared>>
      tpu.wait_dma2 semaphore(%run_scoped3A_77 : memref<!tpu.dma_semaphore, #tpu.memory_space<semaphore_mem>>) src(%dma_wait3A_96 : memref<64x128xf32, #tpu.memory_space<vmem_shared>>) dst(%dma_wait3A_94 : memref<64x128xf32, #tpu.memory_space<vmem>>)
      tpu.yield
    }) : () -> ()
    "tpu.region"() ({
      %run_scoped3A_77 = tpu.sem_alloc : memref<!tpu.dma_semaphore, #tpu.memory_space<semaphore_mem>>
      %dma_start3A_78 = arith.constant 0 : i32
      %dma_start3A_79 = arith.constant 0 : i32
      %dma_start3A_80 = tpu.memref_slice %arg10[%dma_start3A_78, %dma_start3A_79] : memref<125x128xf32, #tpu.memory_space<vmem>> -> memref<64x128xf32, #tpu.memory_space<vmem>>
      %dma_start3A_81 = arith.constant 0 : i32
      %dma_start3A_82 = tpu.memref_slice %arg5[%arg0, %add3A_72, %dma_start3A_81] : memref<2x10240x128xf32, #tpu.memory_space<hbm>> -> memref<1x64x128xf32, #tpu.memory_space<hbm>>
      %dma_start3A_83 = tpu.memref_squeeze %dma_start3A_82 : memref<1x64x128xf32, #tpu.memory_space<hbm>> -> memref<64x128xf32, #tpu.memory_space<hbm>>
      %dma_start3A_84 = arith.constant 0 : i32
      %dma_start3A_85 = tpu.memref_slice %arg5[%arg0, %add3A_72, %dma_start3A_84] : memref<2x10240x128xf32, #tpu.memory_space<hbm>> -> memref<1x64x128xf32, #tpu.memory_space<hbm>>
      %dma_start3A_86 = tpu.memref_squeeze %dma_start3A_85 : memref<1x64x128xf32, #tpu.memory_space<hbm>> -> memref<64x128xf32, #tpu.memory_space<hbm>>
      %dma_start3A_87 = arith.constant 0 : i32
      %dma_start3A_88 = arith.constant 0 : i32
      %dma_start3A_89 = tpu.memref_slice %arg10[%dma_start3A_87, %dma_start3A_88] : memref<125x128xf32, #tpu.memory_space<vmem>> -> memref<64x128xf32, #tpu.memory_space<vmem>>
      tpu.enqueue_dma source(%dma_start3A_89 : memref<64x128xf32, #tpu.memory_space<vmem>>) target(%dma_start3A_86 : memref<64x128xf32, #tpu.memory_space<hbm>>) target_semaphore(%run_scoped3A_77 : memref<!tpu.dma_semaphore, #tpu.memory_space<semaphore_mem>>)
      %dma_wait3A = arith.constant 0 : i32
      %dma_wait3A_90 = arith.constant 0 : i32
      %dma_wait3A_91 = tpu.memref_slice %arg10[%dma_wait3A, %dma_wait3A_90] : memref<125x128xf32, #tpu.memory_space<vmem>> -> memref<64x128xf32, #tpu.memory_space<vmem>>
      %dma_wait3A_92 = arith.constant 0 : i32
      %dma_wait3A_93 = tpu.memref_slice %arg5[%arg0, %add3A_72, %dma_wait3A_92] : memref<2x10240x128xf32, #tpu.memory_space<hbm>> -> memref<1x64x128xf32, #tpu.memory_space<hbm>>
      %dma_wait3A_94 = tpu.memref_squeeze %dma_wait3A_93 : memref<1x64x128xf32, #tpu.memory_space<hbm>> -> memref<64x128xf32, #tpu.memory_space<hbm>>
      %dma_wait3A_95 = arith.constant 0 : i32
      %dma_wait3A_96 = tpu.memref_slice %arg5[%arg0, %add3A_72, %dma_wait3A_95] : memref<2x10240x128xf32, #tpu.memory_space<hbm>> -> memref<1x64x128xf32, #tpu.memory_space<hbm>>
      %dma_wait3A_97 = tpu.memref_squeeze %dma_wait3A_96 : memref<1x64x128xf32, #tpu.memory_space<hbm>> -> memref<64x128xf32, #tpu.memory_space<hbm>>
      %dma_wait3A_98 = arith.constant 0 : i32
      %dma_wait3A_99 = arith.constant 0 : i32
      %dma_wait3A_100 = tpu.memref_slice %arg10[%dma_wait3A_98, %dma_wait3A_99] : memref<125x128xf32, #tpu.memory_space<vmem>> -> memref<64x128xf32, #tpu.memory_space<vmem>>
      tpu.wait_dma2 semaphore(%run_scoped3A_77 : memref<!tpu.dma_semaphore, #tpu.memory_space<semaphore_mem>>) src(%dma_wait3A_100 : memref<64x128xf32, #tpu.memory_space<vmem>>) dst(%dma_wait3A_97 : memref<64x128xf32, #tpu.memory_space<hbm>>)
      tpu.yield
    }) : () -> ()
    %add3A_73 = arith.constant 512 : i32
    %add3A_74 = arith.addi %mul3A_56, %add3A_73 : i32
    "tpu.region"() ({
      %run_scoped3A_77 = tpu.sem_alloc : memref<!tpu.dma_semaphore, #tpu.memory_space<semaphore_mem>>
      %dma_start3A_78 = arith.constant 0 : i32
      %dma_start3A_79 = arith.constant 0 : i32
      %dma_start3A_80 = tpu.memref_slice %arg10[%dma_start3A_78, %dma_start3A_79] : memref<125x128xf32, #tpu.memory_space<vmem>> -> memref<64x128xf32, #tpu.memory_space<vmem>>
      %dma_start3A_81 = arith.constant 0 : i32
      %dma_start3A_82 = tpu.memref_slice %arg12[%add3A_74, %dma_start3A_81] : memref<10240x128xf32, #tpu.memory_space<vmem_shared>> -> memref<64x128xf32, #tpu.memory_space<vmem_shared>>
      %dma_start3A_83 = arith.constant 0 : i32
      %dma_start3A_84 = arith.constant 0 : i32
      %dma_start3A_85 = tpu.memref_slice %arg10[%dma_start3A_83, %dma_start3A_84] : memref<125x128xf32, #tpu.memory_space<vmem>> -> memref<64x128xf32, #tpu.memory_space<vmem>>
      %dma_start3A_86 = arith.constant 0 : i32
      %dma_start3A_87 = tpu.memref_slice %arg12[%add3A_74, %dma_start3A_86] : memref<10240x128xf32, #tpu.memory_space<vmem_shared>> -> memref<64x128xf32, #tpu.memory_space<vmem_shared>>
      tpu.enqueue_dma source(%dma_start3A_87 : memref<64x128xf32, #tpu.memory_space<vmem_shared>>) target(%dma_start3A_85 : memref<64x128xf32, #tpu.memory_space<vmem>>) target_semaphore(%run_scoped3A_77 : memref<!tpu.dma_semaphore, #tpu.memory_space<semaphore_mem>>)
      %dma_wait3A = arith.constant 0 : i32
      %dma_wait3A_88 = arith.constant 0 : i32
      %dma_wait3A_89 = tpu.memref_slice %arg10[%dma_wait3A, %dma_wait3A_88] : memref<125x128xf32, #tpu.memory_space<vmem>> -> memref<64x128xf32, #tpu.memory_space<vmem>>
      %dma_wait3A_90 = arith.constant 0 : i32
      %dma_wait3A_91 = tpu.memref_slice %arg12[%add3A_74, %dma_wait3A_90] : memref<10240x128xf32, #tpu.memory_space<vmem_shared>> -> memref<64x128xf32, #tpu.memory_space<vmem_shared>>
      %dma_wait3A_92 = arith.constant 0 : i32
      %dma_wait3A_93 = arith.constant 0 : i32
      %dma_wait3A_94 = tpu.memref_slice %arg10[%dma_wait3A_92, %dma_wait3A_93] : memref<125x128xf32, #tpu.memory_space<vmem>> -> memref<64x128xf32, #tpu.memory_space<vmem>>
      %dma_wait3A_95 = arith.constant 0 : i32
      %dma_wait3A_96 = tpu.memref_slice %arg12[%add3A_74, %dma_wait3A_95] : memref<10240x128xf32, #tpu.memory_space<vmem_shared>> -> memref<64x128xf32, #tpu.memory_space<vmem_shared>>
      tpu.wait_dma2 semaphore(%run_scoped3A_77 : memref<!tpu.dma_semaphore, #tpu.memory_space<semaphore_mem>>) src(%dma_wait3A_96 : memref<64x128xf32, #tpu.memory_space<vmem_shared>>) dst(%dma_wait3A_94 : memref<64x128xf32, #tpu.memory_space<vmem>>)
      tpu.yield
    }) : () -> ()
    "tpu.region"() ({
      %run_scoped3A_77 = tpu.sem_alloc : memref<!tpu.dma_semaphore, #tpu.memory_space<semaphore_mem>>
      %dma_start3A_78 = arith.constant 0 : i32
      %dma_start3A_79 = arith.constant 0 : i32
      %dma_start3A_80 = tpu.memref_slice %arg10[%dma_start3A_78, %dma_start3A_79] : memref<125x128xf32, #tpu.memory_space<vmem>> -> memref<64x128xf32, #tpu.memory_space<vmem>>
      %dma_start3A_81 = arith.constant 0 : i32
      %dma_start3A_82 = tpu.memref_slice %arg5[%arg0, %add3A_74, %dma_start3A_81] : memref<2x10240x128xf32, #tpu.memory_space<hbm>> -> memref<1x64x128xf32, #tpu.memory_space<hbm>>
      %dma_start3A_83 = tpu.memref_squeeze %dma_start3A_82 : memref<1x64x128xf32, #tpu.memory_space<hbm>> -> memref<64x128xf32, #tpu.memory_space<hbm>>
      %dma_start3A_84 = arith.constant 0 : i32
      %dma_start3A_85 = tpu.memref_slice %arg5[%arg0, %add3A_74, %dma_start3A_84] : memref<2x10240x128xf32, #tpu.memory_space<hbm>> -> memref<1x64x128xf32, #tpu.memory_space<hbm>>
      %dma_start3A_86 = tpu.memref_squeeze %dma_start3A_85 : memref<1x64x128xf32, #tpu.memory_space<hbm>> -> memref<64x128xf32, #tpu.memory_space<hbm>>
      %dma_start3A_87 = arith.constant 0 : i32
      %dma_start3A_88 = arith.constant 0 : i32
      %dma_start3A_89 = tpu.memref_slice %arg10[%dma_start3A_87, %dma_start3A_88] : memref<125x128xf32, #tpu.memory_space<vmem>> -> memref<64x128xf32, #tpu.memory_space<vmem>>
      tpu.enqueue_dma source(%dma_start3A_89 : memref<64x128xf32, #tpu.memory_space<vmem>>) target(%dma_start3A_86 : memref<64x128xf32, #tpu.memory_space<hbm>>) target_semaphore(%run_scoped3A_77 : memref<!tpu.dma_semaphore, #tpu.memory_space<semaphore_mem>>)
      %dma_wait3A = arith.constant 0 : i32
      %dma_wait3A_90 = arith.constant 0 : i32
      %dma_wait3A_91 = tpu.memref_slice %arg10[%dma_wait3A, %dma_wait3A_90] : memref<125x128xf32, #tpu.memory_space<vmem>> -> memref<64x128xf32, #tpu.memory_space<vmem>>
      %dma_wait3A_92 = arith.constant 0 : i32
      %dma_wait3A_93 = tpu.memref_slice %arg5[%arg0, %add3A_74, %dma_wait3A_92] : memref<2x10240x128xf32, #tpu.memory_space<hbm>> -> memref<1x64x128xf32, #tpu.memory_space<hbm>>
      %dma_wait3A_94 = tpu.memref_squeeze %dma_wait3A_93 : memref<1x64x128xf32, #tpu.memory_space<hbm>> -> memref<64x128xf32, #tpu.memory_space<hbm>>
      %dma_wait3A_95 = arith.constant 0 : i32
      %dma_wait3A_96 = tpu.memref_slice %arg5[%arg0, %add3A_74, %dma_wait3A_95] : memref<2x10240x128xf32, #tpu.memory_space<hbm>> -> memref<1x64x128xf32, #tpu.memory_space<hbm>>
      %dma_wait3A_97 = tpu.memref_squeeze %dma_wait3A_96 : memref<1x64x128xf32, #tpu.memory_space<hbm>> -> memref<64x128xf32, #tpu.memory_space<hbm>>
      %dma_wait3A_98 = arith.constant 0 : i32
      %dma_wait3A_99 = arith.constant 0 : i32
      %dma_wait3A_100 = tpu.memref_slice %arg10[%dma_wait3A_98, %dma_wait3A_99] : memref<125x128xf32, #tpu.memory_space<vmem>> -> memref<64x128xf32, #tpu.memory_space<vmem>>
      tpu.wait_dma2 semaphore(%run_scoped3A_77 : memref<!tpu.dma_semaphore, #tpu.memory_space<semaphore_mem>>) src(%dma_wait3A_100 : memref<64x128xf32, #tpu.memory_space<vmem>>) dst(%dma_wait3A_97 : memref<64x128xf32, #tpu.memory_space<hbm>>)
      tpu.yield
    }) : () -> ()
    %add3A_75 = arith.constant 576 : i32
    %add3A_76 = arith.addi %mul3A_56, %add3A_75 : i32
    "tpu.region"() ({
      %run_scoped3A_77 = tpu.sem_alloc : memref<!tpu.dma_semaphore, #tpu.memory_space<semaphore_mem>>
      %dma_start3A_78 = arith.constant 0 : i32
      %dma_start3A_79 = arith.constant 0 : i32
      %dma_start3A_80 = tpu.memref_slice %arg10[%dma_start3A_78, %dma_start3A_79] : memref<125x128xf32, #tpu.memory_space<vmem>> -> memref<64x128xf32, #tpu.memory_space<vmem>>
      %dma_start3A_81 = arith.constant 0 : i32
      %dma_start3A_82 = tpu.memref_slice %arg12[%add3A_76, %dma_start3A_81] : memref<10240x128xf32, #tpu.memory_space<vmem_shared>> -> memref<64x128xf32, #tpu.memory_space<vmem_shared>>
      %dma_start3A_83 = arith.constant 0 : i32
      %dma_start3A_84 = arith.constant 0 : i32
      %dma_start3A_85 = tpu.memref_slice %arg10[%dma_start3A_83, %dma_start3A_84] : memref<125x128xf32, #tpu.memory_space<vmem>> -> memref<64x128xf32, #tpu.memory_space<vmem>>
      %dma_start3A_86 = arith.constant 0 : i32
      %dma_start3A_87 = tpu.memref_slice %arg12[%add3A_76, %dma_start3A_86] : memref<10240x128xf32, #tpu.memory_space<vmem_shared>> -> memref<64x128xf32, #tpu.memory_space<vmem_shared>>
      tpu.enqueue_dma source(%dma_start3A_87 : memref<64x128xf32, #tpu.memory_space<vmem_shared>>) target(%dma_start3A_85 : memref<64x128xf32, #tpu.memory_space<vmem>>) target_semaphore(%run_scoped3A_77 : memref<!tpu.dma_semaphore, #tpu.memory_space<semaphore_mem>>)
      %dma_wait3A = arith.constant 0 : i32
      %dma_wait3A_88 = arith.constant 0 : i32
      %dma_wait3A_89 = tpu.memref_slice %arg10[%dma_wait3A, %dma_wait3A_88] : memref<125x128xf32, #tpu.memory_space<vmem>> -> memref<64x128xf32, #tpu.memory_space<vmem>>
      %dma_wait3A_90 = arith.constant 0 : i32
      %dma_wait3A_91 = tpu.memref_slice %arg12[%add3A_76, %dma_wait3A_90] : memref<10240x128xf32, #tpu.memory_space<vmem_shared>> -> memref<64x128xf32, #tpu.memory_space<vmem_shared>>
      %dma_wait3A_92 = arith.constant 0 : i32
      %dma_wait3A_93 = arith.constant 0 : i32
      %dma_wait3A_94 = tpu.memref_slice %arg10[%dma_wait3A_92, %dma_wait3A_93] : memref<125x128xf32, #tpu.memory_space<vmem>> -> memref<64x128xf32, #tpu.memory_space<vmem>>
      %dma_wait3A_95 = arith.constant 0 : i32
      %dma_wait3A_96 = tpu.memref_slice %arg12[%add3A_76, %dma_wait3A_95] : memref<10240x128xf32, #tpu.memory_space<vmem_shared>> -> memref<64x128xf32, #tpu.memory_space<vmem_shared>>
      tpu.wait_dma2 semaphore(%run_scoped3A_77 : memref<!tpu.dma_semaphore, #tpu.memory_space<semaphore_mem>>) src(%dma_wait3A_96 : memref<64x128xf32, #tpu.memory_space<vmem_shared>>) dst(%dma_wait3A_94 : memref<64x128xf32, #tpu.memory_space<vmem>>)
      tpu.yield
    }) : () -> ()
    "tpu.region"() ({
      %run_scoped3A_77 = tpu.sem_alloc : memref<!tpu.dma_semaphore, #tpu.memory_space<semaphore_mem>>
      %dma_start3A_78 = arith.constant 0 : i32
      %dma_start3A_79 = arith.constant 0 : i32
      %dma_start3A_80 = tpu.memref_slice %arg10[%dma_start3A_78, %dma_start3A_79] : memref<125x128xf32, #tpu.memory_space<vmem>> -> memref<64x128xf32, #tpu.memory_space<vmem>>
      %dma_start3A_81 = arith.constant 0 : i32
      %dma_start3A_82 = tpu.memref_slice %arg5[%arg0, %add3A_76, %dma_start3A_81] : memref<2x10240x128xf32, #tpu.memory_space<hbm>> -> memref<1x64x128xf32, #tpu.memory_space<hbm>>
      %dma_start3A_83 = tpu.memref_squeeze %dma_start3A_82 : memref<1x64x128xf32, #tpu.memory_space<hbm>> -> memref<64x128xf32, #tpu.memory_space<hbm>>
      %dma_start3A_84 = arith.constant 0 : i32
      %dma_start3A_85 = tpu.memref_slice %arg5[%arg0, %add3A_76, %dma_start3A_84] : memref<2x10240x128xf32, #tpu.memory_space<hbm>> -> memref<1x64x128xf32, #tpu.memory_space<hbm>>
      %dma_start3A_86 = tpu.memref_squeeze %dma_start3A_85 : memref<1x64x128xf32, #tpu.memory_space<hbm>> -> memref<64x128xf32, #tpu.memory_space<hbm>>
      %dma_start3A_87 = arith.constant 0 : i32
      %dma_start3A_88 = arith.constant 0 : i32
      %dma_start3A_89 = tpu.memref_slice %arg10[%dma_start3A_87, %dma_start3A_88] : memref<125x128xf32, #tpu.memory_space<vmem>> -> memref<64x128xf32, #tpu.memory_space<vmem>>
      tpu.enqueue_dma source(%dma_start3A_89 : memref<64x128xf32, #tpu.memory_space<vmem>>) target(%dma_start3A_86 : memref<64x128xf32, #tpu.memory_space<hbm>>) target_semaphore(%run_scoped3A_77 : memref<!tpu.dma_semaphore, #tpu.memory_space<semaphore_mem>>)
      %dma_wait3A = arith.constant 0 : i32
      %dma_wait3A_90 = arith.constant 0 : i32
      %dma_wait3A_91 = tpu.memref_slice %arg10[%dma_wait3A, %dma_wait3A_90] : memref<125x128xf32, #tpu.memory_space<vmem>> -> memref<64x128xf32, #tpu.memory_space<vmem>>
      %dma_wait3A_92 = arith.constant 0 : i32
      %dma_wait3A_93 = tpu.memref_slice %arg5[%arg0, %add3A_76, %dma_wait3A_92] : memref<2x10240x128xf32, #tpu.memory_space<hbm>> -> memref<1x64x128xf32, #tpu.memory_space<hbm>>
      %dma_wait3A_94 = tpu.memref_squeeze %dma_wait3A_93 : memref<1x64x128xf32, #tpu.memory_space<hbm>> -> memref<64x128xf32, #tpu.memory_space<hbm>>
      %dma_wait3A_95 = arith.constant 0 : i32
      %dma_wait3A_96 = tpu.memref_slice %arg5[%arg0, %add3A_76, %dma_wait3A_95] : memref<2x10240x128xf32, #tpu.memory_space<hbm>> -> memref<1x64x128xf32, #tpu.memory_space<hbm>>
      %dma_wait3A_97 = tpu.memref_squeeze %dma_wait3A_96 : memref<1x64x128xf32, #tpu.memory_space<hbm>> -> memref<64x128xf32, #tpu.memory_space<hbm>>
      %dma_wait3A_98 = arith.constant 0 : i32
      %dma_wait3A_99 = arith.constant 0 : i32
      %dma_wait3A_100 = tpu.memref_slice %arg10[%dma_wait3A_98, %dma_wait3A_99] : memref<125x128xf32, #tpu.memory_space<vmem>> -> memref<64x128xf32, #tpu.memory_space<vmem>>
      tpu.wait_dma2 semaphore(%run_scoped3A_77 : memref<!tpu.dma_semaphore, #tpu.memory_space<semaphore_mem>>) src(%dma_wait3A_100 : memref<64x128xf32, #tpu.memory_space<vmem>>) dst(%dma_wait3A_97 : memref<64x128xf32, #tpu.memory_space<hbm>>)
      tpu.yield
    }) : () -> ()
    return
  }
}

#map = affine_map<(d0, d1) -> (0)>
#map1 = affine_map<(d0, d1) -> (0, 0)>
module attributes {stable_mosaic.version = 14 : i64} {
  func.func @_prep(%arg0: i32, %arg1: i32, %arg2: memref<320000xi32, #tpu.memory_space<hbm>>, %arg3: memref<320000xi32, #tpu.memory_space<hbm>>, %arg4: memref<320000xi32, #tpu.memory_space<hbm>>, %arg5: memref<2x10240xf32, #tpu.memory_space<hbm>>, %arg6: memref<2000xi32, #tpu.memory_space<vmem>>, %arg7: memref<2000xi32, #tpu.memory_space<vmem>>, %arg8: memref<2000xi32, #tpu.memory_space<vmem>>, %arg9: memref<10240xf32, #tpu.memory_space<vmem>>, %arg10: memref<640xf32, #tpu.memory_space<vmem>>, %arg11: memref<640xf32, #tpu.memory_space<vmem>>, %arg12: memref<16x10240xf32, #tpu.memory_space<vmem_shared>>) attributes {dimension_semantics = [#tpu.dimension_semantics<core_parallel>, #tpu.dimension_semantics<subcore_parallel>], iteration_bounds = array<i64: 2, 16>, scalar_prefetch = 0 : i64, scratch_operands = 7 : i64, tpu.core_type = #tpu.core_type<sc_vector_subcore>, window_params = [{transform_indices = #map}, {transform_indices = #map}, {transform_indices = #map}, {transform_indices = #map1}]} {
    %mul3A = arith.constant 2 : i32
    %mul3A_0 = arith.muli %arg1, %mul3A : i32
    %add3A = arith.addi %mul3A_0, %arg0 : i32
    %broadcast_in_dim3A = arith.constant 0.000000e+00 : f32
    %broadcast_in_dim3A_1 = vector.broadcast %broadcast_in_dim3A : f32 to vector<16xf32>
    %broadcast_in_dim3A_2 = arith.constant 1.000000e+00 : f32
    %broadcast_in_dim3A_3 = vector.broadcast %broadcast_in_dim3A_2 : f32 to vector<16xf32>
    %broadcast_in_dim3A_4 = arith.constant 10000 : i32
    %broadcast_in_dim3A_5 = vector.broadcast %broadcast_in_dim3A_4 : i32 to vector<16xi32>
    %scan3A = arith.constant 0 : i32
    %scan3A_6 = arith.constant 0 : i32
    %scan3A_7 = arith.constant 640 : i32
    %scan3A_8 = arith.addi %scan3A_6, %scan3A_7 : i32
    %scan3A_9 = arith.constant 1 : i32
    %scan3A_10 = scf.for %scan3A_195 = %scan3A_6 to %scan3A_8 step %scan3A_9 iter_args(%scan3A_196 = %scan3A) -> (i32)  : i32 {
      %mul3A_197 = arith.constant 16 : i32
      %mul3A_198 = arith.muli %scan3A_195, %mul3A_197 : i32
      %swap3A = arith.index_cast %mul3A_198 : i32 to index
      %swap3A_199 = tpu.vector_load %arg9[%swap3A] {strides = array<i32>} : memref<10240xf32, #tpu.memory_space<vmem>>, vector<16xf32>,
      tpu.vector_store %arg9[%swap3A], %broadcast_in_dim3A_1 {strides = array<i32>} : memref<10240xf32, #tpu.memory_space<vmem>>, vector<16xf32>,
      %scan3A_200 = arith.constant 0 : i32
      scf.yield %scan3A_200 : i32
    }
    %scan3A_11 = arith.constant 640 : i32
    %mul3A_12 = arith.constant 10000 : i32
    %mul3A_13 = arith.muli %add3A, %mul3A_12 : i32
    %add3A_14 = arith.constant 0 : i32
    %add3A_15 = arith.addi %mul3A_13, %add3A_14 : i32
    "tpu.region"() ({
      %run_scoped3A_195 = tpu.sem_alloc : memref<!tpu.dma_semaphore, #tpu.memory_space<semaphore_mem>>
      %dma_start3A = tpu.memref_slice %arg2[%add3A_15] : memref<320000xi32, #tpu.memory_space<hbm>> -> memref<2000xi32, #tpu.memory_space<hbm>>
      %dma_start3A_196 = tpu.memref_slice %arg2[%add3A_15] : memref<320000xi32, #tpu.memory_space<hbm>> -> memref<2000xi32, #tpu.memory_space<hbm>>
      tpu.enqueue_dma source(%dma_start3A_196 : memref<2000xi32, #tpu.memory_space<hbm>>) target(%arg6 : memref<2000xi32, #tpu.memory_space<vmem>>) target_semaphore(%run_scoped3A_195 : memref<!tpu.dma_semaphore, #tpu.memory_space<semaphore_mem>>)
      %dma_wait3A = tpu.memref_slice %arg2[%add3A_15] : memref<320000xi32, #tpu.memory_space<hbm>> -> memref<2000xi32, #tpu.memory_space<hbm>>
      %dma_wait3A_197 = tpu.memref_slice %arg2[%add3A_15] : memref<320000xi32, #tpu.memory_space<hbm>> -> memref<2000xi32, #tpu.memory_space<hbm>>
      tpu.wait_dma2 semaphore(%run_scoped3A_195 : memref<!tpu.dma_semaphore, #tpu.memory_space<semaphore_mem>>) src(%dma_wait3A_197 : memref<2000xi32, #tpu.memory_space<hbm>>) dst(%arg6 : memref<2000xi32, #tpu.memory_space<vmem>>)
      tpu.yield
    }) : () -> ()
    "tpu.region"() ({
      %run_scoped3A_195 = tpu.sem_alloc : memref<!tpu.dma_semaphore, #tpu.memory_space<semaphore_mem>>
      %dma_start3A = tpu.memref_slice %arg3[%add3A_15] : memref<320000xi32, #tpu.memory_space<hbm>> -> memref<2000xi32, #tpu.memory_space<hbm>>
      %dma_start3A_196 = tpu.memref_slice %arg3[%add3A_15] : memref<320000xi32, #tpu.memory_space<hbm>> -> memref<2000xi32, #tpu.memory_space<hbm>>
      tpu.enqueue_dma source(%dma_start3A_196 : memref<2000xi32, #tpu.memory_space<hbm>>) target(%arg7 : memref<2000xi32, #tpu.memory_space<vmem>>) target_semaphore(%run_scoped3A_195 : memref<!tpu.dma_semaphore, #tpu.memory_space<semaphore_mem>>)
      %dma_wait3A = tpu.memref_slice %arg3[%add3A_15] : memref<320000xi32, #tpu.memory_space<hbm>> -> memref<2000xi32, #tpu.memory_space<hbm>>
      %dma_wait3A_197 = tpu.memref_slice %arg3[%add3A_15] : memref<320000xi32, #tpu.memory_space<hbm>> -> memref<2000xi32, #tpu.memory_space<hbm>>
      tpu.wait_dma2 semaphore(%run_scoped3A_195 : memref<!tpu.dma_semaphore, #tpu.memory_space<semaphore_mem>>) src(%dma_wait3A_197 : memref<2000xi32, #tpu.memory_space<hbm>>) dst(%arg7 : memref<2000xi32, #tpu.memory_space<vmem>>)
      tpu.yield
    }) : () -> ()
    %scan3A_16 = arith.constant 0 : i32
    %scan3A_17 = arith.constant 0 : i32
    %scan3A_18 = arith.constant 125 : i32
    %scan3A_19 = arith.addi %scan3A_17, %scan3A_18 : i32
    %scan3A_20 = arith.constant 1 : i32
    %scan3A_21 = scf.for %scan3A_195 = %scan3A_17 to %scan3A_19 step %scan3A_20 iter_args(%scan3A_196 = %scan3A_16) -> (i32)  : i32 {
      %mul3A_197 = arith.constant 16 : i32
      %mul3A_198 = arith.muli %scan3A_195, %mul3A_197 : i32
      %get3A = arith.index_cast %mul3A_198 : i32 to index
      %get3A_199 = tpu.vector_load %arg6[%get3A] {strides = array<i32>} : memref<2000xi32, #tpu.memory_space<vmem>>, vector<16xi32>,
      %mul3A_200 = arith.constant 16 : i32
      %mul3A_201 = arith.muli %scan3A_195, %mul3A_200 : i32
      %get3A_202 = arith.index_cast %mul3A_201 : i32 to index
      %get3A_203 = tpu.vector_load %arg7[%get3A_202] {strides = array<i32>} : memref<2000xi32, #tpu.memory_space<vmem>>, vector<16xi32>,
      %ne3A = arith.cmpi ne, %get3A_199, %get3A_203 : vector<16xi32>
      %select_n3A = arith.select %ne3A, %get3A_203, %broadcast_in_dim3A_5 : vector<16xi1>, vector<16xi32>
      %mul3A_204 = arith.constant 16 : i32
      %mul3A_205 = arith.muli %scan3A_195, %mul3A_204 : i32
      %swap3A = arith.index_cast %mul3A_205 : i32 to index
      %swap3A_206 = tpu.vector_load %arg8[%swap3A] {strides = array<i32>} : memref<2000xi32, #tpu.memory_space<vmem>>, vector<16xi32>,
      tpu.vector_store %arg8[%swap3A], %select_n3A {strides = array<i32>} : memref<2000xi32, #tpu.memory_space<vmem>>, vector<16xi32>,
      tpu.vector_store_idx %arg9[%get3A_199], %broadcast_in_dim3A_3 masked %ne3A {add = true} : memref<10240xf32, #tpu.memory_space<vmem>>[vector<16xi32>], vector<16xf32>, vector<16xi1>
      %scan3A_207 = arith.constant 0 : i32
      scf.yield %scan3A_207 : i32
    }
    %scan3A_22 = arith.constant 125 : i32
    "tpu.region"() ({
      %run_scoped3A_195 = tpu.sem_alloc : memref<!tpu.dma_semaphore, #tpu.memory_space<semaphore_mem>>
      %dma_start3A = tpu.memref_slice %arg4[%add3A_15] : memref<320000xi32, #tpu.memory_space<hbm>> -> memref<2000xi32, #tpu.memory_space<hbm>>
      %dma_start3A_196 = tpu.memref_slice %arg4[%add3A_15] : memref<320000xi32, #tpu.memory_space<hbm>> -> memref<2000xi32, #tpu.memory_space<hbm>>
      tpu.enqueue_dma source(%arg8 : memref<2000xi32, #tpu.memory_space<vmem>>) target(%dma_start3A_196 : memref<2000xi32, #tpu.memory_space<hbm>>) target_semaphore(%run_scoped3A_195 : memref<!tpu.dma_semaphore, #tpu.memory_space<semaphore_mem>>)
      %dma_wait3A = tpu.memref_slice %arg4[%add3A_15] : memref<320000xi32, #tpu.memory_space<hbm>> -> memref<2000xi32, #tpu.memory_space<hbm>>
      %dma_wait3A_197 = tpu.memref_slice %arg4[%add3A_15] : memref<320000xi32, #tpu.memory_space<hbm>> -> memref<2000xi32, #tpu.memory_space<hbm>>
      tpu.wait_dma2 semaphore(%run_scoped3A_195 : memref<!tpu.dma_semaphore, #tpu.memory_space<semaphore_mem>>) src(%arg8 : memref<2000xi32, #tpu.memory_space<vmem>>) dst(%dma_wait3A_197 : memref<2000xi32, #tpu.memory_space<hbm>>)
      tpu.yield
    }) : () -> ()
    %add3A_23 = arith.constant 2000 : i32
    %add3A_24 = arith.addi %mul3A_13, %add3A_23 : i32
    "tpu.region"() ({
      %run_scoped3A_195 = tpu.sem_alloc : memref<!tpu.dma_semaphore, #tpu.memory_space<semaphore_mem>>
      %dma_start3A = tpu.memref_slice %arg2[%add3A_24] : memref<320000xi32, #tpu.memory_space<hbm>> -> memref<2000xi32, #tpu.memory_space<hbm>>
      %dma_start3A_196 = tpu.memref_slice %arg2[%add3A_24] : memref<320000xi32, #tpu.memory_space<hbm>> -> memref<2000xi32, #tpu.memory_space<hbm>>
      tpu.enqueue_dma source(%dma_start3A_196 : memref<2000xi32, #tpu.memory_space<hbm>>) target(%arg6 : memref<2000xi32, #tpu.memory_space<vmem>>) target_semaphore(%run_scoped3A_195 : memref<!tpu.dma_semaphore, #tpu.memory_space<semaphore_mem>>)
      %dma_wait3A = tpu.memref_slice %arg2[%add3A_24] : memref<320000xi32, #tpu.memory_space<hbm>> -> memref<2000xi32, #tpu.memory_space<hbm>>
      %dma_wait3A_197 = tpu.memref_slice %arg2[%add3A_24] : memref<320000xi32, #tpu.memory_space<hbm>> -> memref<2000xi32, #tpu.memory_space<hbm>>
      tpu.wait_dma2 semaphore(%run_scoped3A_195 : memref<!tpu.dma_semaphore, #tpu.memory_space<semaphore_mem>>) src(%dma_wait3A_197 : memref<2000xi32, #tpu.memory_space<hbm>>) dst(%arg6 : memref<2000xi32, #tpu.memory_space<vmem>>)
      tpu.yield
    }) : () -> ()
    "tpu.region"() ({
      %run_scoped3A_195 = tpu.sem_alloc : memref<!tpu.dma_semaphore, #tpu.memory_space<semaphore_mem>>
      %dma_start3A = tpu.memref_slice %arg3[%add3A_24] : memref<320000xi32, #tpu.memory_space<hbm>> -> memref<2000xi32, #tpu.memory_space<hbm>>
      %dma_start3A_196 = tpu.memref_slice %arg3[%add3A_24] : memref<320000xi32, #tpu.memory_space<hbm>> -> memref<2000xi32, #tpu.memory_space<hbm>>
      tpu.enqueue_dma source(%dma_start3A_196 : memref<2000xi32, #tpu.memory_space<hbm>>) target(%arg7 : memref<2000xi32, #tpu.memory_space<vmem>>) target_semaphore(%run_scoped3A_195 : memref<!tpu.dma_semaphore, #tpu.memory_space<semaphore_mem>>)
      %dma_wait3A = tpu.memref_slice %arg3[%add3A_24] : memref<320000xi32, #tpu.memory_space<hbm>> -> memref<2000xi32, #tpu.memory_space<hbm>>
      %dma_wait3A_197 = tpu.memref_slice %arg3[%add3A_24] : memref<320000xi32, #tpu.memory_space<hbm>> -> memref<2000xi32, #tpu.memory_space<hbm>>
      tpu.wait_dma2 semaphore(%run_scoped3A_195 : memref<!tpu.dma_semaphore, #tpu.memory_space<semaphore_mem>>) src(%dma_wait3A_197 : memref<2000xi32, #tpu.memory_space<hbm>>) dst(%arg7 : memref<2000xi32, #tpu.memory_space<vmem>>)
      tpu.yield
    }) : () -> ()
    %scan3A_25 = arith.constant 0 : i32
    %scan3A_26 = arith.constant 0 : i32
    %scan3A_27 = arith.constant 125 : i32
    %scan3A_28 = arith.addi %scan3A_26, %scan3A_27 : i32
    %scan3A_29 = arith.constant 1 : i32
    %scan3A_30 = scf.for %scan3A_195 = %scan3A_26 to %scan3A_28 step %scan3A_29 iter_args(%scan3A_196 = %scan3A_25) -> (i32)  : i32 {
      %mul3A_197 = arith.constant 16 : i32
      %mul3A_198 = arith.muli %scan3A_195, %mul3A_197 : i32
      %get3A = arith.index_cast %mul3A_198 : i32 to index
      %get3A_199 = tpu.vector_load %arg6[%get3A] {strides = array<i32>} : memref<2000xi32, #tpu.memory_space<vmem>>, vector<16xi32>,
      %mul3A_200 = arith.constant 16 : i32
      %mul3A_201 = arith.muli %scan3A_195, %mul3A_200 : i32
      %get3A_202 = arith.index_cast %mul3A_201 : i32 to index
      %get3A_203 = tpu.vector_load %arg7[%get3A_202] {strides = array<i32>} : memref<2000xi32, #tpu.memory_space<vmem>>, vector<16xi32>,
      %ne3A = arith.cmpi ne, %get3A_199, %get3A_203 : vector<16xi32>
      %select_n3A = arith.select %ne3A, %get3A_203, %broadcast_in_dim3A_5 : vector<16xi1>, vector<16xi32>
      %mul3A_204 = arith.constant 16 : i32
      %mul3A_205 = arith.muli %scan3A_195, %mul3A_204 : i32
      %swap3A = arith.index_cast %mul3A_205 : i32 to index
      %swap3A_206 = tpu.vector_load %arg8[%swap3A] {strides = array<i32>} : memref<2000xi32, #tpu.memory_space<vmem>>, vector<16xi32>,
      tpu.vector_store %arg8[%swap3A], %select_n3A {strides = array<i32>} : memref<2000xi32, #tpu.memory_space<vmem>>, vector<16xi32>,
      tpu.vector_store_idx %arg9[%get3A_199], %broadcast_in_dim3A_3 masked %ne3A {add = true} : memref<10240xf32, #tpu.memory_space<vmem>>[vector<16xi32>], vector<16xf32>, vector<16xi1>
      %scan3A_207 = arith.constant 0 : i32
      scf.yield %scan3A_207 : i32
    }
    %scan3A_31 = arith.constant 125 : i32
    "tpu.region"() ({
      %run_scoped3A_195 = tpu.sem_alloc : memref<!tpu.dma_semaphore, #tpu.memory_space<semaphore_mem>>
      %dma_start3A = tpu.memref_slice %arg4[%add3A_24] : memref<320000xi32, #tpu.memory_space<hbm>> -> memref<2000xi32, #tpu.memory_space<hbm>>
      %dma_start3A_196 = tpu.memref_slice %arg4[%add3A_24] : memref<320000xi32, #tpu.memory_space<hbm>> -> memref<2000xi32, #tpu.memory_space<hbm>>
      tpu.enqueue_dma source(%arg8 : memref<2000xi32, #tpu.memory_space<vmem>>) target(%dma_start3A_196 : memref<2000xi32, #tpu.memory_space<hbm>>) target_semaphore(%run_scoped3A_195 : memref<!tpu.dma_semaphore, #tpu.memory_space<semaphore_mem>>)
      %dma_wait3A = tpu.memref_slice %arg4[%add3A_24] : memref<320000xi32, #tpu.memory_space<hbm>> -> memref<2000xi32, #tpu.memory_space<hbm>>
      %dma_wait3A_197 = tpu.memref_slice %arg4[%add3A_24] : memref<320000xi32, #tpu.memory_space<hbm>> -> memref<2000xi32, #tpu.memory_space<hbm>>
      tpu.wait_dma2 semaphore(%run_scoped3A_195 : memref<!tpu.dma_semaphore, #tpu.memory_space<semaphore_mem>>) src(%arg8 : memref<2000xi32, #tpu.memory_space<vmem>>) dst(%dma_wait3A_197 : memref<2000xi32, #tpu.memory_space<hbm>>)
      tpu.yield
    }) : () -> ()
    %add3A_32 = arith.constant 4000 : i32
    %add3A_33 = arith.addi %mul3A_13, %add3A_32 : i32
    "tpu.region"() ({
      %run_scoped3A_195 = tpu.sem_alloc : memref<!tpu.dma_semaphore, #tpu.memory_space<semaphore_mem>>
      %dma_start3A = tpu.memref_slice %arg2[%add3A_33] : memref<320000xi32, #tpu.memory_space<hbm>> -> memref<2000xi32, #tpu.memory_space<hbm>>
      %dma_start3A_196 = tpu.memref_slice %arg2[%add3A_33] : memref<320000xi32, #tpu.memory_space<hbm>> -> memref<2000xi32, #tpu.memory_space<hbm>>
      tpu.enqueue_dma source(%dma_start3A_196 : memref<2000xi32, #tpu.memory_space<hbm>>) target(%arg6 : memref<2000xi32, #tpu.memory_space<vmem>>) target_semaphore(%run_scoped3A_195 : memref<!tpu.dma_semaphore, #tpu.memory_space<semaphore_mem>>)
      %dma_wait3A = tpu.memref_slice %arg2[%add3A_33] : memref<320000xi32, #tpu.memory_space<hbm>> -> memref<2000xi32, #tpu.memory_space<hbm>>
      %dma_wait3A_197 = tpu.memref_slice %arg2[%add3A_33] : memref<320000xi32, #tpu.memory_space<hbm>> -> memref<2000xi32, #tpu.memory_space<hbm>>
      tpu.wait_dma2 semaphore(%run_scoped3A_195 : memref<!tpu.dma_semaphore, #tpu.memory_space<semaphore_mem>>) src(%dma_wait3A_197 : memref<2000xi32, #tpu.memory_space<hbm>>) dst(%arg6 : memref<2000xi32, #tpu.memory_space<vmem>>)
      tpu.yield
    }) : () -> ()
    "tpu.region"() ({
      %run_scoped3A_195 = tpu.sem_alloc : memref<!tpu.dma_semaphore, #tpu.memory_space<semaphore_mem>>
      %dma_start3A = tpu.memref_slice %arg3[%add3A_33] : memref<320000xi32, #tpu.memory_space<hbm>> -> memref<2000xi32, #tpu.memory_space<hbm>>
      %dma_start3A_196 = tpu.memref_slice %arg3[%add3A_33] : memref<320000xi32, #tpu.memory_space<hbm>> -> memref<2000xi32, #tpu.memory_space<hbm>>
      tpu.enqueue_dma source(%dma_start3A_196 : memref<2000xi32, #tpu.memory_space<hbm>>) target(%arg7 : memref<2000xi32, #tpu.memory_space<vmem>>) target_semaphore(%run_scoped3A_195 : memref<!tpu.dma_semaphore, #tpu.memory_space<semaphore_mem>>)
      %dma_wait3A = tpu.memref_slice %arg3[%add3A_33] : memref<320000xi32, #tpu.memory_space<hbm>> -> memref<2000xi32, #tpu.memory_space<hbm>>
      %dma_wait3A_197 = tpu.memref_slice %arg3[%add3A_33] : memref<320000xi32, #tpu.memory_space<hbm>> -> memref<2000xi32, #tpu.memory_space<hbm>>
      tpu.wait_dma2 semaphore(%run_scoped3A_195 : memref<!tpu.dma_semaphore, #tpu.memory_space<semaphore_mem>>) src(%dma_wait3A_197 : memref<2000xi32, #tpu.memory_space<hbm>>) dst(%arg7 : memref<2000xi32, #tpu.memory_space<vmem>>)
      tpu.yield
    }) : () -> ()
    %scan3A_34 = arith.constant 0 : i32
    %scan3A_35 = arith.constant 0 : i32
    %scan3A_36 = arith.constant 125 : i32
    %scan3A_37 = arith.addi %scan3A_35, %scan3A_36 : i32
    %scan3A_38 = arith.constant 1 : i32
    %scan3A_39 = scf.for %scan3A_195 = %scan3A_35 to %scan3A_37 step %scan3A_38 iter_args(%scan3A_196 = %scan3A_34) -> (i32)  : i32 {
      %mul3A_197 = arith.constant 16 : i32
      %mul3A_198 = arith.muli %scan3A_195, %mul3A_197 : i32
      %get3A = arith.index_cast %mul3A_198 : i32 to index
      %get3A_199 = tpu.vector_load %arg6[%get3A] {strides = array<i32>} : memref<2000xi32, #tpu.memory_space<vmem>>, vector<16xi32>,
      %mul3A_200 = arith.constant 16 : i32
      %mul3A_201 = arith.muli %scan3A_195, %mul3A_200 : i32
      %get3A_202 = arith.index_cast %mul3A_201 : i32 to index
      %get3A_203 = tpu.vector_load %arg7[%get3A_202] {strides = array<i32>} : memref<2000xi32, #tpu.memory_space<vmem>>, vector<16xi32>,
      %ne3A = arith.cmpi ne, %get3A_199, %get3A_203 : vector<16xi32>
      %select_n3A = arith.select %ne3A, %get3A_203, %broadcast_in_dim3A_5 : vector<16xi1>, vector<16xi32>
      %mul3A_204 = arith.constant 16 : i32
      %mul3A_205 = arith.muli %scan3A_195, %mul3A_204 : i32
      %swap3A = arith.index_cast %mul3A_205 : i32 to index
      %swap3A_206 = tpu.vector_load %arg8[%swap3A] {strides = array<i32>} : memref<2000xi32, #tpu.memory_space<vmem>>, vector<16xi32>,
      tpu.vector_store %arg8[%swap3A], %select_n3A {strides = array<i32>} : memref<2000xi32, #tpu.memory_space<vmem>>, vector<16xi32>,
      tpu.vector_store_idx %arg9[%get3A_199], %broadcast_in_dim3A_3 masked %ne3A {add = true} : memref<10240xf32, #tpu.memory_space<vmem>>[vector<16xi32>], vector<16xf32>, vector<16xi1>
      %scan3A_207 = arith.constant 0 : i32
      scf.yield %scan3A_207 : i32
    }
    %scan3A_40 = arith.constant 125 : i32
    "tpu.region"() ({
      %run_scoped3A_195 = tpu.sem_alloc : memref<!tpu.dma_semaphore, #tpu.memory_space<semaphore_mem>>
      %dma_start3A = tpu.memref_slice %arg4[%add3A_33] : memref<320000xi32, #tpu.memory_space<hbm>> -> memref<2000xi32, #tpu.memory_space<hbm>>
      %dma_start3A_196 = tpu.memref_slice %arg4[%add3A_33] : memref<320000xi32, #tpu.memory_space<hbm>> -> memref<2000xi32, #tpu.memory_space<hbm>>
      tpu.enqueue_dma source(%arg8 : memref<2000xi32, #tpu.memory_space<vmem>>) target(%dma_start3A_196 : memref<2000xi32, #tpu.memory_space<hbm>>) target_semaphore(%run_scoped3A_195 : memref<!tpu.dma_semaphore, #tpu.memory_space<semaphore_mem>>)
      %dma_wait3A = tpu.memref_slice %arg4[%add3A_33] : memref<320000xi32, #tpu.memory_space<hbm>> -> memref<2000xi32, #tpu.memory_space<hbm>>
      %dma_wait3A_197 = tpu.memref_slice %arg4[%add3A_33] : memref<320000xi32, #tpu.memory_space<hbm>> -> memref<2000xi32, #tpu.memory_space<hbm>>
      tpu.wait_dma2 semaphore(%run_scoped3A_195 : memref<!tpu.dma_semaphore, #tpu.memory_space<semaphore_mem>>) src(%arg8 : memref<2000xi32, #tpu.memory_space<vmem>>) dst(%dma_wait3A_197 : memref<2000xi32, #tpu.memory_space<hbm>>)
      tpu.yield
    }) : () -> ()
    %add3A_41 = arith.constant 6000 : i32
    %add3A_42 = arith.addi %mul3A_13, %add3A_41 : i32
    "tpu.region"() ({
      %run_scoped3A_195 = tpu.sem_alloc : memref<!tpu.dma_semaphore, #tpu.memory_space<semaphore_mem>>
      %dma_start3A = tpu.memref_slice %arg2[%add3A_42] : memref<320000xi32, #tpu.memory_space<hbm>> -> memref<2000xi32, #tpu.memory_space<hbm>>
      %dma_start3A_196 = tpu.memref_slice %arg2[%add3A_42] : memref<320000xi32, #tpu.memory_space<hbm>> -> memref<2000xi32, #tpu.memory_space<hbm>>
      tpu.enqueue_dma source(%dma_start3A_196 : memref<2000xi32, #tpu.memory_space<hbm>>) target(%arg6 : memref<2000xi32, #tpu.memory_space<vmem>>) target_semaphore(%run_scoped3A_195 : memref<!tpu.dma_semaphore, #tpu.memory_space<semaphore_mem>>)
      %dma_wait3A = tpu.memref_slice %arg2[%add3A_42] : memref<320000xi32, #tpu.memory_space<hbm>> -> memref<2000xi32, #tpu.memory_space<hbm>>
      %dma_wait3A_197 = tpu.memref_slice %arg2[%add3A_42] : memref<320000xi32, #tpu.memory_space<hbm>> -> memref<2000xi32, #tpu.memory_space<hbm>>
      tpu.wait_dma2 semaphore(%run_scoped3A_195 : memref<!tpu.dma_semaphore, #tpu.memory_space<semaphore_mem>>) src(%dma_wait3A_197 : memref<2000xi32, #tpu.memory_space<hbm>>) dst(%arg6 : memref<2000xi32, #tpu.memory_space<vmem>>)
      tpu.yield
    }) : () -> ()
    "tpu.region"() ({
      %run_scoped3A_195 = tpu.sem_alloc : memref<!tpu.dma_semaphore, #tpu.memory_space<semaphore_mem>>
      %dma_start3A = tpu.memref_slice %arg3[%add3A_42] : memref<320000xi32, #tpu.memory_space<hbm>> -> memref<2000xi32, #tpu.memory_space<hbm>>
      %dma_start3A_196 = tpu.memref_slice %arg3[%add3A_42] : memref<320000xi32, #tpu.memory_space<hbm>> -> memref<2000xi32, #tpu.memory_space<hbm>>
      tpu.enqueue_dma source(%dma_start3A_196 : memref<2000xi32, #tpu.memory_space<hbm>>) target(%arg7 : memref<2000xi32, #tpu.memory_space<vmem>>) target_semaphore(%run_scoped3A_195 : memref<!tpu.dma_semaphore, #tpu.memory_space<semaphore_mem>>)
      %dma_wait3A = tpu.memref_slice %arg3[%add3A_42] : memref<320000xi32, #tpu.memory_space<hbm>> -> memref<2000xi32, #tpu.memory_space<hbm>>
      %dma_wait3A_197 = tpu.memref_slice %arg3[%add3A_42] : memref<320000xi32, #tpu.memory_space<hbm>> -> memref<2000xi32, #tpu.memory_space<hbm>>
      tpu.wait_dma2 semaphore(%run_scoped3A_195 : memref<!tpu.dma_semaphore, #tpu.memory_space<semaphore_mem>>) src(%dma_wait3A_197 : memref<2000xi32, #tpu.memory_space<hbm>>) dst(%arg7 : memref<2000xi32, #tpu.memory_space<vmem>>)
      tpu.yield
    }) : () -> ()
    %scan3A_43 = arith.constant 0 : i32
    %scan3A_44 = arith.constant 0 : i32
    %scan3A_45 = arith.constant 125 : i32
    %scan3A_46 = arith.addi %scan3A_44, %scan3A_45 : i32
    %scan3A_47 = arith.constant 1 : i32
    %scan3A_48 = scf.for %scan3A_195 = %scan3A_44 to %scan3A_46 step %scan3A_47 iter_args(%scan3A_196 = %scan3A_43) -> (i32)  : i32 {
      %mul3A_197 = arith.constant 16 : i32
      %mul3A_198 = arith.muli %scan3A_195, %mul3A_197 : i32
      %get3A = arith.index_cast %mul3A_198 : i32 to index
      %get3A_199 = tpu.vector_load %arg6[%get3A] {strides = array<i32>} : memref<2000xi32, #tpu.memory_space<vmem>>, vector<16xi32>,
      %mul3A_200 = arith.constant 16 : i32
      %mul3A_201 = arith.muli %scan3A_195, %mul3A_200 : i32
      %get3A_202 = arith.index_cast %mul3A_201 : i32 to index
      %get3A_203 = tpu.vector_load %arg7[%get3A_202] {strides = array<i32>} : memref<2000xi32, #tpu.memory_space<vmem>>, vector<16xi32>,
      %ne3A = arith.cmpi ne, %get3A_199, %get3A_203 : vector<16xi32>
      %select_n3A = arith.select %ne3A, %get3A_203, %broadcast_in_dim3A_5 : vector<16xi1>, vector<16xi32>
      %mul3A_204 = arith.constant 16 : i32
      %mul3A_205 = arith.muli %scan3A_195, %mul3A_204 : i32
      %swap3A = arith.index_cast %mul3A_205 : i32 to index
      %swap3A_206 = tpu.vector_load %arg8[%swap3A] {strides = array<i32>} : memref<2000xi32, #tpu.memory_space<vmem>>, vector<16xi32>,
      tpu.vector_store %arg8[%swap3A], %select_n3A {strides = array<i32>} : memref<2000xi32, #tpu.memory_space<vmem>>, vector<16xi32>,
      tpu.vector_store_idx %arg9[%get3A_199], %broadcast_in_dim3A_3 masked %ne3A {add = true} : memref<10240xf32, #tpu.memory_space<vmem>>[vector<16xi32>], vector<16xf32>, vector<16xi1>
      %scan3A_207 = arith.constant 0 : i32
      scf.yield %scan3A_207 : i32
    }
    %scan3A_49 = arith.constant 125 : i32
    "tpu.region"() ({
      %run_scoped3A_195 = tpu.sem_alloc : memref<!tpu.dma_semaphore, #tpu.memory_space<semaphore_mem>>
      %dma_start3A = tpu.memref_slice %arg4[%add3A_42] : memref<320000xi32, #tpu.memory_space<hbm>> -> memref<2000xi32, #tpu.memory_space<hbm>>
      %dma_start3A_196 = tpu.memref_slice %arg4[%add3A_42] : memref<320000xi32, #tpu.memory_space<hbm>> -> memref<2000xi32, #tpu.memory_space<hbm>>
      tpu.enqueue_dma source(%arg8 : memref<2000xi32, #tpu.memory_space<vmem>>) target(%dma_start3A_196 : memref<2000xi32, #tpu.memory_space<hbm>>) target_semaphore(%run_scoped3A_195 : memref<!tpu.dma_semaphore, #tpu.memory_space<semaphore_mem>>)
      %dma_wait3A = tpu.memref_slice %arg4[%add3A_42] : memref<320000xi32, #tpu.memory_space<hbm>> -> memref<2000xi32, #tpu.memory_space<hbm>>
      %dma_wait3A_197 = tpu.memref_slice %arg4[%add3A_42] : memref<320000xi32, #tpu.memory_space<hbm>> -> memref<2000xi32, #tpu.memory_space<hbm>>
      tpu.wait_dma2 semaphore(%run_scoped3A_195 : memref<!tpu.dma_semaphore, #tpu.memory_space<semaphore_mem>>) src(%arg8 : memref<2000xi32, #tpu.memory_space<vmem>>) dst(%dma_wait3A_197 : memref<2000xi32, #tpu.memory_space<hbm>>)
      tpu.yield
    }) : () -> ()
    %add3A_50 = arith.constant 8000 : i32
    %add3A_51 = arith.addi %mul3A_13, %add3A_50 : i32
    "tpu.region"() ({
      %run_scoped3A_195 = tpu.sem_alloc : memref<!tpu.dma_semaphore, #tpu.memory_space<semaphore_mem>>
      %dma_start3A = tpu.memref_slice %arg2[%add3A_51] : memref<320000xi32, #tpu.memory_space<hbm>> -> memref<2000xi32, #tpu.memory_space<hbm>>
      %dma_start3A_196 = tpu.memref_slice %arg2[%add3A_51] : memref<320000xi32, #tpu.memory_space<hbm>> -> memref<2000xi32, #tpu.memory_space<hbm>>
      tpu.enqueue_dma source(%dma_start3A_196 : memref<2000xi32, #tpu.memory_space<hbm>>) target(%arg6 : memref<2000xi32, #tpu.memory_space<vmem>>) target_semaphore(%run_scoped3A_195 : memref<!tpu.dma_semaphore, #tpu.memory_space<semaphore_mem>>)
      %dma_wait3A = tpu.memref_slice %arg2[%add3A_51] : memref<320000xi32, #tpu.memory_space<hbm>> -> memref<2000xi32, #tpu.memory_space<hbm>>
      %dma_wait3A_197 = tpu.memref_slice %arg2[%add3A_51] : memref<320000xi32, #tpu.memory_space<hbm>> -> memref<2000xi32, #tpu.memory_space<hbm>>
      tpu.wait_dma2 semaphore(%run_scoped3A_195 : memref<!tpu.dma_semaphore, #tpu.memory_space<semaphore_mem>>) src(%dma_wait3A_197 : memref<2000xi32, #tpu.memory_space<hbm>>) dst(%arg6 : memref<2000xi32, #tpu.memory_space<vmem>>)
      tpu.yield
    }) : () -> ()
    "tpu.region"() ({
      %run_scoped3A_195 = tpu.sem_alloc : memref<!tpu.dma_semaphore, #tpu.memory_space<semaphore_mem>>
      %dma_start3A = tpu.memref_slice %arg3[%add3A_51] : memref<320000xi32, #tpu.memory_space<hbm>> -> memref<2000xi32, #tpu.memory_space<hbm>>
      %dma_start3A_196 = tpu.memref_slice %arg3[%add3A_51] : memref<320000xi32, #tpu.memory_space<hbm>> -> memref<2000xi32, #tpu.memory_space<hbm>>
      tpu.enqueue_dma source(%dma_start3A_196 : memref<2000xi32, #tpu.memory_space<hbm>>) target(%arg7 : memref<2000xi32, #tpu.memory_space<vmem>>) target_semaphore(%run_scoped3A_195 : memref<!tpu.dma_semaphore, #tpu.memory_space<semaphore_mem>>)
      %dma_wait3A = tpu.memref_slice %arg3[%add3A_51] : memref<320000xi32, #tpu.memory_space<hbm>> -> memref<2000xi32, #tpu.memory_space<hbm>>
      %dma_wait3A_197 = tpu.memref_slice %arg3[%add3A_51] : memref<320000xi32, #tpu.memory_space<hbm>> -> memref<2000xi32, #tpu.memory_space<hbm>>
      tpu.wait_dma2 semaphore(%run_scoped3A_195 : memref<!tpu.dma_semaphore, #tpu.memory_space<semaphore_mem>>) src(%dma_wait3A_197 : memref<2000xi32, #tpu.memory_space<hbm>>) dst(%arg7 : memref<2000xi32, #tpu.memory_space<vmem>>)
      tpu.yield
    }) : () -> ()
    %scan3A_52 = arith.constant 0 : i32
    %scan3A_53 = arith.constant 0 : i32
    %scan3A_54 = arith.constant 125 : i32
    %scan3A_55 = arith.addi %scan3A_53, %scan3A_54 : i32
    %scan3A_56 = arith.constant 1 : i32
    %scan3A_57 = scf.for %scan3A_195 = %scan3A_53 to %scan3A_55 step %scan3A_56 iter_args(%scan3A_196 = %scan3A_52) -> (i32)  : i32 {
      %mul3A_197 = arith.constant 16 : i32
      %mul3A_198 = arith.muli %scan3A_195, %mul3A_197 : i32
      %get3A = arith.index_cast %mul3A_198 : i32 to index
      %get3A_199 = tpu.vector_load %arg6[%get3A] {strides = array<i32>} : memref<2000xi32, #tpu.memory_space<vmem>>, vector<16xi32>,
      %mul3A_200 = arith.constant 16 : i32
      %mul3A_201 = arith.muli %scan3A_195, %mul3A_200 : i32
      %get3A_202 = arith.index_cast %mul3A_201 : i32 to index
      %get3A_203 = tpu.vector_load %arg7[%get3A_202] {strides = array<i32>} : memref<2000xi32, #tpu.memory_space<vmem>>, vector<16xi32>,
      %ne3A = arith.cmpi ne, %get3A_199, %get3A_203 : vector<16xi32>
      %select_n3A = arith.select %ne3A, %get3A_203, %broadcast_in_dim3A_5 : vector<16xi1>, vector<16xi32>
      %mul3A_204 = arith.constant 16 : i32
      %mul3A_205 = arith.muli %scan3A_195, %mul3A_204 : i32
      %swap3A = arith.index_cast %mul3A_205 : i32 to index
      %swap3A_206 = tpu.vector_load %arg8[%swap3A] {strides = array<i32>} : memref<2000xi32, #tpu.memory_space<vmem>>, vector<16xi32>,
      tpu.vector_store %arg8[%swap3A], %select_n3A {strides = array<i32>} : memref<2000xi32, #tpu.memory_space<vmem>>, vector<16xi32>,
      tpu.vector_store_idx %arg9[%get3A_199], %broadcast_in_dim3A_3 masked %ne3A {add = true} : memref<10240xf32, #tpu.memory_space<vmem>>[vector<16xi32>], vector<16xf32>, vector<16xi1>
      %scan3A_207 = arith.constant 0 : i32
      scf.yield %scan3A_207 : i32
    }
    %scan3A_58 = arith.constant 125 : i32
    "tpu.region"() ({
      %run_scoped3A_195 = tpu.sem_alloc : memref<!tpu.dma_semaphore, #tpu.memory_space<semaphore_mem>>
      %dma_start3A = tpu.memref_slice %arg4[%add3A_51] : memref<320000xi32, #tpu.memory_space<hbm>> -> memref<2000xi32, #tpu.memory_space<hbm>>
      %dma_start3A_196 = tpu.memref_slice %arg4[%add3A_51] : memref<320000xi32, #tpu.memory_space<hbm>> -> memref<2000xi32, #tpu.memory_space<hbm>>
      tpu.enqueue_dma source(%arg8 : memref<2000xi32, #tpu.memory_space<vmem>>) target(%dma_start3A_196 : memref<2000xi32, #tpu.memory_space<hbm>>) target_semaphore(%run_scoped3A_195 : memref<!tpu.dma_semaphore, #tpu.memory_space<semaphore_mem>>)
      %dma_wait3A = tpu.memref_slice %arg4[%add3A_51] : memref<320000xi32, #tpu.memory_space<hbm>> -> memref<2000xi32, #tpu.memory_space<hbm>>
      %dma_wait3A_197 = tpu.memref_slice %arg4[%add3A_51] : memref<320000xi32, #tpu.memory_space<hbm>> -> memref<2000xi32, #tpu.memory_space<hbm>>
      tpu.wait_dma2 semaphore(%run_scoped3A_195 : memref<!tpu.dma_semaphore, #tpu.memory_space<semaphore_mem>>) src(%arg8 : memref<2000xi32, #tpu.memory_space<vmem>>) dst(%dma_wait3A_197 : memref<2000xi32, #tpu.memory_space<hbm>>)
      tpu.yield
    }) : () -> ()
    "tpu.region"() ({
      %run_scoped3A_195 = tpu.sem_alloc : memref<!tpu.dma_semaphore, #tpu.memory_space<semaphore_mem>>
      %dma_start3A = arith.constant 0 : i32
      %dma_start3A_196 = tpu.memref_slice %arg12[%arg1, %dma_start3A] : memref<16x10240xf32, #tpu.memory_space<vmem_shared>> -> memref<1x10240xf32, #tpu.memory_space<vmem_shared>>
      %dma_start3A_197 = tpu.memref_squeeze %dma_start3A_196 : memref<1x10240xf32, #tpu.memory_space<vmem_shared>> -> memref<10240xf32, #tpu.memory_space<vmem_shared>>
      %dma_start3A_198 = arith.constant 0 : i32
      %dma_start3A_199 = tpu.memref_slice %arg12[%arg1, %dma_start3A_198] : memref<16x10240xf32, #tpu.memory_space<vmem_shared>> -> memref<1x10240xf32, #tpu.memory_space<vmem_shared>>
      %dma_start3A_200 = tpu.memref_squeeze %dma_start3A_199 : memref<1x10240xf32, #tpu.memory_space<vmem_shared>> -> memref<10240xf32, #tpu.memory_space<vmem_shared>>
      tpu.enqueue_dma source(%arg9 : memref<10240xf32, #tpu.memory_space<vmem>>) target(%dma_start3A_200 : memref<10240xf32, #tpu.memory_space<vmem_shared>>) target_semaphore(%run_scoped3A_195 : memref<!tpu.dma_semaphore, #tpu.memory_space<semaphore_mem>>)
      %dma_wait3A = arith.constant 0 : i32
      %dma_wait3A_201 = tpu.memref_slice %arg12[%arg1, %dma_wait3A] : memref<16x10240xf32, #tpu.memory_space<vmem_shared>> -> memref<1x10240xf32, #tpu.memory_space<vmem_shared>>
      %dma_wait3A_202 = tpu.memref_squeeze %dma_wait3A_201 : memref<1x10240xf32, #tpu.memory_space<vmem_shared>> -> memref<10240xf32, #tpu.memory_space<vmem_shared>>
      %dma_wait3A_203 = arith.constant 0 : i32
      %dma_wait3A_204 = tpu.memref_slice %arg12[%arg1, %dma_wait3A_203] : memref<16x10240xf32, #tpu.memory_space<vmem_shared>> -> memref<1x10240xf32, #tpu.memory_space<vmem_shared>>
      %dma_wait3A_205 = tpu.memref_squeeze %dma_wait3A_204 : memref<1x10240xf32, #tpu.memory_space<vmem_shared>> -> memref<10240xf32, #tpu.memory_space<vmem_shared>>
      tpu.wait_dma2 semaphore(%run_scoped3A_195 : memref<!tpu.dma_semaphore, #tpu.memory_space<semaphore_mem>>) src(%arg9 : memref<10240xf32, #tpu.memory_space<vmem>>) dst(%dma_wait3A_205 : memref<10240xf32, #tpu.memory_space<vmem_shared>>)
      tpu.yield
    }) : () -> ()
    %barrier3A = arith.constant 0 : index
    tpu.barrier barrier_id(%barrier3A)
    %mul3A_59 = arith.constant 640 : i32
    %mul3A_60 = arith.muli %arg1, %mul3A_59 : i32
    %scan3A_61 = arith.constant 0 : i32
    %scan3A_62 = arith.constant 0 : i32
    %scan3A_63 = arith.constant 40 : i32
    %scan3A_64 = arith.addi %scan3A_62, %scan3A_63 : i32
    %scan3A_65 = arith.constant 1 : i32
    %scan3A_66 = scf.for %scan3A_195 = %scan3A_62 to %scan3A_64 step %scan3A_65 iter_args(%scan3A_196 = %scan3A_61) -> (i32)  : i32 {
      %mul3A_197 = arith.constant 16 : i32
      %mul3A_198 = arith.muli %scan3A_195, %mul3A_197 : i32
      %swap3A = arith.index_cast %mul3A_198 : i32 to index
      %swap3A_199 = tpu.vector_load %arg11[%swap3A] {strides = array<i32>} : memref<640xf32, #tpu.memory_space<vmem>>, vector<16xf32>,
      tpu.vector_store %arg11[%swap3A], %broadcast_in_dim3A_1 {strides = array<i32>} : memref<640xf32, #tpu.memory_space<vmem>>, vector<16xf32>,
      %scan3A_200 = arith.constant 0 : i32
      scf.yield %scan3A_200 : i32
    }
    %scan3A_67 = arith.constant 40 : i32
    %run_scoped3A = arith.constant 0 : i32
    "tpu.region"() ({
      %run_scoped3A_195 = tpu.sem_alloc : memref<!tpu.dma_semaphore, #tpu.memory_space<semaphore_mem>>
      %dma_start3A = tpu.memref_slice %arg12[%run_scoped3A, %mul3A_60] : memref<16x10240xf32, #tpu.memory_space<vmem_shared>> -> memref<1x640xf32, #tpu.memory_space<vmem_shared>>
      %dma_start3A_196 = tpu.memref_squeeze %dma_start3A : memref<1x640xf32, #tpu.memory_space<vmem_shared>> -> memref<640xf32, #tpu.memory_space<vmem_shared>>
      %dma_start3A_197 = tpu.memref_slice %arg12[%run_scoped3A, %mul3A_60] : memref<16x10240xf32, #tpu.memory_space<vmem_shared>> -> memref<1x640xf32, #tpu.memory_space<vmem_shared>>
      %dma_start3A_198 = tpu.memref_squeeze %dma_start3A_197 : memref<1x640xf32, #tpu.memory_space<vmem_shared>> -> memref<640xf32, #tpu.memory_space<vmem_shared>>
      tpu.enqueue_dma source(%dma_start3A_198 : memref<640xf32, #tpu.memory_space<vmem_shared>>) target(%arg10 : memref<640xf32, #tpu.memory_space<vmem>>) target_semaphore(%run_scoped3A_195 : memref<!tpu.dma_semaphore, #tpu.memory_space<semaphore_mem>>)
      %dma_wait3A = tpu.memref_slice %arg12[%run_scoped3A, %mul3A_60] : memref<16x10240xf32, #tpu.memory_space<vmem_shared>> -> memref<1x640xf32, #tpu.memory_space<vmem_shared>>
      %dma_wait3A_199 = tpu.memref_squeeze %dma_wait3A : memref<1x640xf32, #tpu.memory_space<vmem_shared>> -> memref<640xf32, #tpu.memory_space<vmem_shared>>
      %dma_wait3A_200 = tpu.memref_slice %arg12[%run_scoped3A, %mul3A_60] : memref<16x10240xf32, #tpu.memory_space<vmem_shared>> -> memref<1x640xf32, #tpu.memory_space<vmem_shared>>
      %dma_wait3A_201 = tpu.memref_squeeze %dma_wait3A_200 : memref<1x640xf32, #tpu.memory_space<vmem_shared>> -> memref<640xf32, #tpu.memory_space<vmem_shared>>
      tpu.wait_dma2 semaphore(%run_scoped3A_195 : memref<!tpu.dma_semaphore, #tpu.memory_space<semaphore_mem>>) src(%dma_wait3A_201 : memref<640xf32, #tpu.memory_space<vmem_shared>>) dst(%arg10 : memref<640xf32, #tpu.memory_space<vmem>>)
      tpu.yield
    }) : () -> ()
    %scan3A_68 = arith.constant 0 : i32
    %scan3A_69 = arith.constant 0 : i32
    %scan3A_70 = arith.constant 40 : i32
    %scan3A_71 = arith.addi %scan3A_69, %scan3A_70 : i32
    %scan3A_72 = arith.constant 1 : i32
    %scan3A_73 = scf.for %scan3A_195 = %scan3A_69 to %scan3A_71 step %scan3A_72 iter_args(%scan3A_196 = %scan3A_68) -> (i32)  : i32 {
      %mul3A_197 = arith.constant 16 : i32
      %mul3A_198 = arith.muli %scan3A_195, %mul3A_197 : i32
      %get3A = arith.index_cast %mul3A_198 : i32 to index
      %get3A_199 = tpu.vector_load %arg11[%get3A] {strides = array<i32>} : memref<640xf32, #tpu.memory_space<vmem>>, vector<16xf32>,
      %mul3A_200 = arith.constant 16 : i32
      %mul3A_201 = arith.muli %scan3A_195, %mul3A_200 : i32
      %get3A_202 = arith.index_cast %mul3A_201 : i32 to index
      %get3A_203 = tpu.vector_load %arg10[%get3A_202] {strides = array<i32>} : memref<640xf32, #tpu.memory_space<vmem>>, vector<16xf32>,
      %add3A_204 = arith.addf %get3A_199, %get3A_203 : vector<16xf32>
      %mul3A_205 = arith.constant 16 : i32
      %mul3A_206 = arith.muli %scan3A_195, %mul3A_205 : i32
      %swap3A = arith.index_cast %mul3A_206 : i32 to index
      %swap3A_207 = tpu.vector_load %arg11[%swap3A] {strides = array<i32>} : memref<640xf32, #tpu.memory_space<vmem>>, vector<16xf32>,
      tpu.vector_store %arg11[%swap3A], %add3A_204 {strides = array<i32>} : memref<640xf32, #tpu.memory_space<vmem>>, vector<16xf32>,
      %scan3A_208 = arith.constant 0 : i32
      scf.yield %scan3A_208 : i32
    }
    %scan3A_74 = arith.constant 40 : i32
    %run_scoped3A_75 = arith.constant 1 : i32
    "tpu.region"() ({
      %run_scoped3A_195 = tpu.sem_alloc : memref<!tpu.dma_semaphore, #tpu.memory_space<semaphore_mem>>
      %dma_start3A = tpu.memref_slice %arg12[%run_scoped3A_75, %mul3A_60] : memref<16x10240xf32, #tpu.memory_space<vmem_shared>> -> memref<1x640xf32, #tpu.memory_space<vmem_shared>>
      %dma_start3A_196 = tpu.memref_squeeze %dma_start3A : memref<1x640xf32, #tpu.memory_space<vmem_shared>> -> memref<640xf32, #tpu.memory_space<vmem_shared>>
      %dma_start3A_197 = tpu.memref_slice %arg12[%run_scoped3A_75, %mul3A_60] : memref<16x10240xf32, #tpu.memory_space<vmem_shared>> -> memref<1x640xf32, #tpu.memory_space<vmem_shared>>
      %dma_start3A_198 = tpu.memref_squeeze %dma_start3A_197 : memref<1x640xf32, #tpu.memory_space<vmem_shared>> -> memref<640xf32, #tpu.memory_space<vmem_shared>>
      tpu.enqueue_dma source(%dma_start3A_198 : memref<640xf32, #tpu.memory_space<vmem_shared>>) target(%arg10 : memref<640xf32, #tpu.memory_space<vmem>>) target_semaphore(%run_scoped3A_195 : memref<!tpu.dma_semaphore, #tpu.memory_space<semaphore_mem>>)
      %dma_wait3A = tpu.memref_slice %arg12[%run_scoped3A_75, %mul3A_60] : memref<16x10240xf32, #tpu.memory_space<vmem_shared>> -> memref<1x640xf32, #tpu.memory_space<vmem_shared>>
      %dma_wait3A_199 = tpu.memref_squeeze %dma_wait3A : memref<1x640xf32, #tpu.memory_space<vmem_shared>> -> memref<640xf32, #tpu.memory_space<vmem_shared>>
      %dma_wait3A_200 = tpu.memref_slice %arg12[%run_scoped3A_75, %mul3A_60] : memref<16x10240xf32, #tpu.memory_space<vmem_shared>> -> memref<1x640xf32, #tpu.memory_space<vmem_shared>>
      %dma_wait3A_201 = tpu.memref_squeeze %dma_wait3A_200 : memref<1x640xf32, #tpu.memory_space<vmem_shared>> -> memref<640xf32, #tpu.memory_space<vmem_shared>>
      tpu.wait_dma2 semaphore(%run_scoped3A_195 : memref<!tpu.dma_semaphore, #tpu.memory_space<semaphore_mem>>) src(%dma_wait3A_201 : memref<640xf32, #tpu.memory_space<vmem_shared>>) dst(%arg10 : memref<640xf32, #tpu.memory_space<vmem>>)
      tpu.yield
    }) : () -> ()
    %scan3A_76 = arith.constant 0 : i32
    %scan3A_77 = arith.constant 0 : i32
    %scan3A_78 = arith.constant 40 : i32
    %scan3A_79 = arith.addi %scan3A_77, %scan3A_78 : i32
    %scan3A_80 = arith.constant 1 : i32
    %scan3A_81 = scf.for %scan3A_195 = %scan3A_77 to %scan3A_79 step %scan3A_80 iter_args(%scan3A_196 = %scan3A_76) -> (i32)  : i32 {
      %mul3A_197 = arith.constant 16 : i32
      %mul3A_198 = arith.muli %scan3A_195, %mul3A_197 : i32
      %get3A = arith.index_cast %mul3A_198 : i32 to index
      %get3A_199 = tpu.vector_load %arg11[%get3A] {strides = array<i32>} : memref<640xf32, #tpu.memory_space<vmem>>, vector<16xf32>,
      %mul3A_200 = arith.constant 16 : i32
      %mul3A_201 = arith.muli %scan3A_195, %mul3A_200 : i32
      %get3A_202 = arith.index_cast %mul3A_201 : i32 to index
      %get3A_203 = tpu.vector_load %arg10[%get3A_202] {strides = array<i32>} : memref<640xf32, #tpu.memory_space<vmem>>, vector<16xf32>,
      %add3A_204 = arith.addf %get3A_199, %get3A_203 : vector<16xf32>
      %mul3A_205 = arith.constant 16 : i32
      %mul3A_206 = arith.muli %scan3A_195, %mul3A_205 : i32
      %swap3A = arith.index_cast %mul3A_206 : i32 to index
      %swap3A_207 = tpu.vector_load %arg11[%swap3A] {strides = array<i32>} : memref<640xf32, #tpu.memory_space<vmem>>, vector<16xf32>,
      tpu.vector_store %arg11[%swap3A], %add3A_204 {strides = array<i32>} : memref<640xf32, #tpu.memory_space<vmem>>, vector<16xf32>,
      %scan3A_208 = arith.constant 0 : i32
      scf.yield %scan3A_208 : i32
    }
    %scan3A_82 = arith.constant 40 : i32
    %run_scoped3A_83 = arith.constant 2 : i32
    "tpu.region"() ({
      %run_scoped3A_195 = tpu.sem_alloc : memref<!tpu.dma_semaphore, #tpu.memory_space<semaphore_mem>>
      %dma_start3A = tpu.memref_slice %arg12[%run_scoped3A_83, %mul3A_60] : memref<16x10240xf32, #tpu.memory_space<vmem_shared>> -> memref<1x640xf32, #tpu.memory_space<vmem_shared>>
      %dma_start3A_196 = tpu.memref_squeeze %dma_start3A : memref<1x640xf32, #tpu.memory_space<vmem_shared>> -> memref<640xf32, #tpu.memory_space<vmem_shared>>
      %dma_start3A_197 = tpu.memref_slice %arg12[%run_scoped3A_83, %mul3A_60] : memref<16x10240xf32, #tpu.memory_space<vmem_shared>> -> memref<1x640xf32, #tpu.memory_space<vmem_shared>>
      %dma_start3A_198 = tpu.memref_squeeze %dma_start3A_197 : memref<1x640xf32, #tpu.memory_space<vmem_shared>> -> memref<640xf32, #tpu.memory_space<vmem_shared>>
      tpu.enqueue_dma source(%dma_start3A_198 : memref<640xf32, #tpu.memory_space<vmem_shared>>) target(%arg10 : memref<640xf32, #tpu.memory_space<vmem>>) target_semaphore(%run_scoped3A_195 : memref<!tpu.dma_semaphore, #tpu.memory_space<semaphore_mem>>)
      %dma_wait3A = tpu.memref_slice %arg12[%run_scoped3A_83, %mul3A_60] : memref<16x10240xf32, #tpu.memory_space<vmem_shared>> -> memref<1x640xf32, #tpu.memory_space<vmem_shared>>
      %dma_wait3A_199 = tpu.memref_squeeze %dma_wait3A : memref<1x640xf32, #tpu.memory_space<vmem_shared>> -> memref<640xf32, #tpu.memory_space<vmem_shared>>
      %dma_wait3A_200 = tpu.memref_slice %arg12[%run_scoped3A_83, %mul3A_60] : memref<16x10240xf32, #tpu.memory_space<vmem_shared>> -> memref<1x640xf32, #tpu.memory_space<vmem_shared>>
      %dma_wait3A_201 = tpu.memref_squeeze %dma_wait3A_200 : memref<1x640xf32, #tpu.memory_space<vmem_shared>> -> memref<640xf32, #tpu.memory_space<vmem_shared>>
      tpu.wait_dma2 semaphore(%run_scoped3A_195 : memref<!tpu.dma_semaphore, #tpu.memory_space<semaphore_mem>>) src(%dma_wait3A_201 : memref<640xf32, #tpu.memory_space<vmem_shared>>) dst(%arg10 : memref<640xf32, #tpu.memory_space<vmem>>)
      tpu.yield
    }) : () -> ()
    %scan3A_84 = arith.constant 0 : i32
    %scan3A_85 = arith.constant 0 : i32
    %scan3A_86 = arith.constant 40 : i32
    %scan3A_87 = arith.addi %scan3A_85, %scan3A_86 : i32
    %scan3A_88 = arith.constant 1 : i32
    %scan3A_89 = scf.for %scan3A_195 = %scan3A_85 to %scan3A_87 step %scan3A_88 iter_args(%scan3A_196 = %scan3A_84) -> (i32)  : i32 {
      %mul3A_197 = arith.constant 16 : i32
      %mul3A_198 = arith.muli %scan3A_195, %mul3A_197 : i32
      %get3A = arith.index_cast %mul3A_198 : i32 to index
      %get3A_199 = tpu.vector_load %arg11[%get3A] {strides = array<i32>} : memref<640xf32, #tpu.memory_space<vmem>>, vector<16xf32>,
      %mul3A_200 = arith.constant 16 : i32
      %mul3A_201 = arith.muli %scan3A_195, %mul3A_200 : i32
      %get3A_202 = arith.index_cast %mul3A_201 : i32 to index
      %get3A_203 = tpu.vector_load %arg10[%get3A_202] {strides = array<i32>} : memref<640xf32, #tpu.memory_space<vmem>>, vector<16xf32>,
      %add3A_204 = arith.addf %get3A_199, %get3A_203 : vector<16xf32>
      %mul3A_205 = arith.constant 16 : i32
      %mul3A_206 = arith.muli %scan3A_195, %mul3A_205 : i32
      %swap3A = arith.index_cast %mul3A_206 : i32 to index
      %swap3A_207 = tpu.vector_load %arg11[%swap3A] {strides = array<i32>} : memref<640xf32, #tpu.memory_space<vmem>>, vector<16xf32>,
      tpu.vector_store %arg11[%swap3A], %add3A_204 {strides = array<i32>} : memref<640xf32, #tpu.memory_space<vmem>>, vector<16xf32>,
      %scan3A_208 = arith.constant 0 : i32
      scf.yield %scan3A_208 : i32
    }
    %scan3A_90 = arith.constant 40 : i32
    %run_scoped3A_91 = arith.constant 3 : i32
    "tpu.region"() ({
      %run_scoped3A_195 = tpu.sem_alloc : memref<!tpu.dma_semaphore, #tpu.memory_space<semaphore_mem>>
      %dma_start3A = tpu.memref_slice %arg12[%run_scoped3A_91, %mul3A_60] : memref<16x10240xf32, #tpu.memory_space<vmem_shared>> -> memref<1x640xf32, #tpu.memory_space<vmem_shared>>
      %dma_start3A_196 = tpu.memref_squeeze %dma_start3A : memref<1x640xf32, #tpu.memory_space<vmem_shared>> -> memref<640xf32, #tpu.memory_space<vmem_shared>>
      %dma_start3A_197 = tpu.memref_slice %arg12[%run_scoped3A_91, %mul3A_60] : memref<16x10240xf32, #tpu.memory_space<vmem_shared>> -> memref<1x640xf32, #tpu.memory_space<vmem_shared>>
      %dma_start3A_198 = tpu.memref_squeeze %dma_start3A_197 : memref<1x640xf32, #tpu.memory_space<vmem_shared>> -> memref<640xf32, #tpu.memory_space<vmem_shared>>
      tpu.enqueue_dma source(%dma_start3A_198 : memref<640xf32, #tpu.memory_space<vmem_shared>>) target(%arg10 : memref<640xf32, #tpu.memory_space<vmem>>) target_semaphore(%run_scoped3A_195 : memref<!tpu.dma_semaphore, #tpu.memory_space<semaphore_mem>>)
      %dma_wait3A = tpu.memref_slice %arg12[%run_scoped3A_91, %mul3A_60] : memref<16x10240xf32, #tpu.memory_space<vmem_shared>> -> memref<1x640xf32, #tpu.memory_space<vmem_shared>>
      %dma_wait3A_199 = tpu.memref_squeeze %dma_wait3A : memref<1x640xf32, #tpu.memory_space<vmem_shared>> -> memref<640xf32, #tpu.memory_space<vmem_shared>>
      %dma_wait3A_200 = tpu.memref_slice %arg12[%run_scoped3A_91, %mul3A_60] : memref<16x10240xf32, #tpu.memory_space<vmem_shared>> -> memref<1x640xf32, #tpu.memory_space<vmem_shared>>
      %dma_wait3A_201 = tpu.memref_squeeze %dma_wait3A_200 : memref<1x640xf32, #tpu.memory_space<vmem_shared>> -> memref<640xf32, #tpu.memory_space<vmem_shared>>
      tpu.wait_dma2 semaphore(%run_scoped3A_195 : memref<!tpu.dma_semaphore, #tpu.memory_space<semaphore_mem>>) src(%dma_wait3A_201 : memref<640xf32, #tpu.memory_space<vmem_shared>>) dst(%arg10 : memref<640xf32, #tpu.memory_space<vmem>>)
      tpu.yield
    }) : () -> ()
    %scan3A_92 = arith.constant 0 : i32
    %scan3A_93 = arith.constant 0 : i32
    %scan3A_94 = arith.constant 40 : i32
    %scan3A_95 = arith.addi %scan3A_93, %scan3A_94 : i32
    %scan3A_96 = arith.constant 1 : i32
    %scan3A_97 = scf.for %scan3A_195 = %scan3A_93 to %scan3A_95 step %scan3A_96 iter_args(%scan3A_196 = %scan3A_92) -> (i32)  : i32 {
      %mul3A_197 = arith.constant 16 : i32
      %mul3A_198 = arith.muli %scan3A_195, %mul3A_197 : i32
      %get3A = arith.index_cast %mul3A_198 : i32 to index
      %get3A_199 = tpu.vector_load %arg11[%get3A] {strides = array<i32>} : memref<640xf32, #tpu.memory_space<vmem>>, vector<16xf32>,
      %mul3A_200 = arith.constant 16 : i32
      %mul3A_201 = arith.muli %scan3A_195, %mul3A_200 : i32
      %get3A_202 = arith.index_cast %mul3A_201 : i32 to index
      %get3A_203 = tpu.vector_load %arg10[%get3A_202] {strides = array<i32>} : memref<640xf32, #tpu.memory_space<vmem>>, vector<16xf32>,
      %add3A_204 = arith.addf %get3A_199, %get3A_203 : vector<16xf32>
      %mul3A_205 = arith.constant 16 : i32
      %mul3A_206 = arith.muli %scan3A_195, %mul3A_205 : i32
      %swap3A = arith.index_cast %mul3A_206 : i32 to index
      %swap3A_207 = tpu.vector_load %arg11[%swap3A] {strides = array<i32>} : memref<640xf32, #tpu.memory_space<vmem>>, vector<16xf32>,
      tpu.vector_store %arg11[%swap3A], %add3A_204 {strides = array<i32>} : memref<640xf32, #tpu.memory_space<vmem>>, vector<16xf32>,
      %scan3A_208 = arith.constant 0 : i32
      scf.yield %scan3A_208 : i32
    }
    %scan3A_98 = arith.constant 40 : i32
    %run_scoped3A_99 = arith.constant 4 : i32
    "tpu.region"() ({
      %run_scoped3A_195 = tpu.sem_alloc : memref<!tpu.dma_semaphore, #tpu.memory_space<semaphore_mem>>
      %dma_start3A = tpu.memref_slice %arg12[%run_scoped3A_99, %mul3A_60] : memref<16x10240xf32, #tpu.memory_space<vmem_shared>> -> memref<1x640xf32, #tpu.memory_space<vmem_shared>>
      %dma_start3A_196 = tpu.memref_squeeze %dma_start3A : memref<1x640xf32, #tpu.memory_space<vmem_shared>> -> memref<640xf32, #tpu.memory_space<vmem_shared>>
      %dma_start3A_197 = tpu.memref_slice %arg12[%run_scoped3A_99, %mul3A_60] : memref<16x10240xf32, #tpu.memory_space<vmem_shared>> -> memref<1x640xf32, #tpu.memory_space<vmem_shared>>
      %dma_start3A_198 = tpu.memref_squeeze %dma_start3A_197 : memref<1x640xf32, #tpu.memory_space<vmem_shared>> -> memref<640xf32, #tpu.memory_space<vmem_shared>>
      tpu.enqueue_dma source(%dma_start3A_198 : memref<640xf32, #tpu.memory_space<vmem_shared>>) target(%arg10 : memref<640xf32, #tpu.memory_space<vmem>>) target_semaphore(%run_scoped3A_195 : memref<!tpu.dma_semaphore, #tpu.memory_space<semaphore_mem>>)
      %dma_wait3A = tpu.memref_slice %arg12[%run_scoped3A_99, %mul3A_60] : memref<16x10240xf32, #tpu.memory_space<vmem_shared>> -> memref<1x640xf32, #tpu.memory_space<vmem_shared>>
      %dma_wait3A_199 = tpu.memref_squeeze %dma_wait3A : memref<1x640xf32, #tpu.memory_space<vmem_shared>> -> memref<640xf32, #tpu.memory_space<vmem_shared>>
      %dma_wait3A_200 = tpu.memref_slice %arg12[%run_scoped3A_99, %mul3A_60] : memref<16x10240xf32, #tpu.memory_space<vmem_shared>> -> memref<1x640xf32, #tpu.memory_space<vmem_shared>>
      %dma_wait3A_201 = tpu.memref_squeeze %dma_wait3A_200 : memref<1x640xf32, #tpu.memory_space<vmem_shared>> -> memref<640xf32, #tpu.memory_space<vmem_shared>>
      tpu.wait_dma2 semaphore(%run_scoped3A_195 : memref<!tpu.dma_semaphore, #tpu.memory_space<semaphore_mem>>) src(%dma_wait3A_201 : memref<640xf32, #tpu.memory_space<vmem_shared>>) dst(%arg10 : memref<640xf32, #tpu.memory_space<vmem>>)
      tpu.yield
    }) : () -> ()
    %scan3A_100 = arith.constant 0 : i32
    %scan3A_101 = arith.constant 0 : i32
    %scan3A_102 = arith.constant 40 : i32
    %scan3A_103 = arith.addi %scan3A_101, %scan3A_102 : i32
    %scan3A_104 = arith.constant 1 : i32
    %scan3A_105 = scf.for %scan3A_195 = %scan3A_101 to %scan3A_103 step %scan3A_104 iter_args(%scan3A_196 = %scan3A_100) -> (i32)  : i32 {
      %mul3A_197 = arith.constant 16 : i32
      %mul3A_198 = arith.muli %scan3A_195, %mul3A_197 : i32
      %get3A = arith.index_cast %mul3A_198 : i32 to index
      %get3A_199 = tpu.vector_load %arg11[%get3A] {strides = array<i32>} : memref<640xf32, #tpu.memory_space<vmem>>, vector<16xf32>,
      %mul3A_200 = arith.constant 16 : i32
      %mul3A_201 = arith.muli %scan3A_195, %mul3A_200 : i32
      %get3A_202 = arith.index_cast %mul3A_201 : i32 to index
      %get3A_203 = tpu.vector_load %arg10[%get3A_202] {strides = array<i32>} : memref<640xf32, #tpu.memory_space<vmem>>, vector<16xf32>,
      %add3A_204 = arith.addf %get3A_199, %get3A_203 : vector<16xf32>
      %mul3A_205 = arith.constant 16 : i32
      %mul3A_206 = arith.muli %scan3A_195, %mul3A_205 : i32
      %swap3A = arith.index_cast %mul3A_206 : i32 to index
      %swap3A_207 = tpu.vector_load %arg11[%swap3A] {strides = array<i32>} : memref<640xf32, #tpu.memory_space<vmem>>, vector<16xf32>,
      tpu.vector_store %arg11[%swap3A], %add3A_204 {strides = array<i32>} : memref<640xf32, #tpu.memory_space<vmem>>, vector<16xf32>,
      %scan3A_208 = arith.constant 0 : i32
      scf.yield %scan3A_208 : i32
    }
    %scan3A_106 = arith.constant 40 : i32
    %run_scoped3A_107 = arith.constant 5 : i32
    "tpu.region"() ({
      %run_scoped3A_195 = tpu.sem_alloc : memref<!tpu.dma_semaphore, #tpu.memory_space<semaphore_mem>>
      %dma_start3A = tpu.memref_slice %arg12[%run_scoped3A_107, %mul3A_60] : memref<16x10240xf32, #tpu.memory_space<vmem_shared>> -> memref<1x640xf32, #tpu.memory_space<vmem_shared>>
      %dma_start3A_196 = tpu.memref_squeeze %dma_start3A : memref<1x640xf32, #tpu.memory_space<vmem_shared>> -> memref<640xf32, #tpu.memory_space<vmem_shared>>
      %dma_start3A_197 = tpu.memref_slice %arg12[%run_scoped3A_107, %mul3A_60] : memref<16x10240xf32, #tpu.memory_space<vmem_shared>> -> memref<1x640xf32, #tpu.memory_space<vmem_shared>>
      %dma_start3A_198 = tpu.memref_squeeze %dma_start3A_197 : memref<1x640xf32, #tpu.memory_space<vmem_shared>> -> memref<640xf32, #tpu.memory_space<vmem_shared>>
      tpu.enqueue_dma source(%dma_start3A_198 : memref<640xf32, #tpu.memory_space<vmem_shared>>) target(%arg10 : memref<640xf32, #tpu.memory_space<vmem>>) target_semaphore(%run_scoped3A_195 : memref<!tpu.dma_semaphore, #tpu.memory_space<semaphore_mem>>)
      %dma_wait3A = tpu.memref_slice %arg12[%run_scoped3A_107, %mul3A_60] : memref<16x10240xf32, #tpu.memory_space<vmem_shared>> -> memref<1x640xf32, #tpu.memory_space<vmem_shared>>
      %dma_wait3A_199 = tpu.memref_squeeze %dma_wait3A : memref<1x640xf32, #tpu.memory_space<vmem_shared>> -> memref<640xf32, #tpu.memory_space<vmem_shared>>
      %dma_wait3A_200 = tpu.memref_slice %arg12[%run_scoped3A_107, %mul3A_60] : memref<16x10240xf32, #tpu.memory_space<vmem_shared>> -> memref<1x640xf32, #tpu.memory_space<vmem_shared>>
      %dma_wait3A_201 = tpu.memref_squeeze %dma_wait3A_200 : memref<1x640xf32, #tpu.memory_space<vmem_shared>> -> memref<640xf32, #tpu.memory_space<vmem_shared>>
      tpu.wait_dma2 semaphore(%run_scoped3A_195 : memref<!tpu.dma_semaphore, #tpu.memory_space<semaphore_mem>>) src(%dma_wait3A_201 : memref<640xf32, #tpu.memory_space<vmem_shared>>) dst(%arg10 : memref<640xf32, #tpu.memory_space<vmem>>)
      tpu.yield
    }) : () -> ()
    %scan3A_108 = arith.constant 0 : i32
    %scan3A_109 = arith.constant 0 : i32
    %scan3A_110 = arith.constant 40 : i32
    %scan3A_111 = arith.addi %scan3A_109, %scan3A_110 : i32
    %scan3A_112 = arith.constant 1 : i32
    %scan3A_113 = scf.for %scan3A_195 = %scan3A_109 to %scan3A_111 step %scan3A_112 iter_args(%scan3A_196 = %scan3A_108) -> (i32)  : i32 {
      %mul3A_197 = arith.constant 16 : i32
      %mul3A_198 = arith.muli %scan3A_195, %mul3A_197 : i32
      %get3A = arith.index_cast %mul3A_198 : i32 to index
      %get3A_199 = tpu.vector_load %arg11[%get3A] {strides = array<i32>} : memref<640xf32, #tpu.memory_space<vmem>>, vector<16xf32>,
      %mul3A_200 = arith.constant 16 : i32
      %mul3A_201 = arith.muli %scan3A_195, %mul3A_200 : i32
      %get3A_202 = arith.index_cast %mul3A_201 : i32 to index
      %get3A_203 = tpu.vector_load %arg10[%get3A_202] {strides = array<i32>} : memref<640xf32, #tpu.memory_space<vmem>>, vector<16xf32>,
      %add3A_204 = arith.addf %get3A_199, %get3A_203 : vector<16xf32>
      %mul3A_205 = arith.constant 16 : i32
      %mul3A_206 = arith.muli %scan3A_195, %mul3A_205 : i32
      %swap3A = arith.index_cast %mul3A_206 : i32 to index
      %swap3A_207 = tpu.vector_load %arg11[%swap3A] {strides = array<i32>} : memref<640xf32, #tpu.memory_space<vmem>>, vector<16xf32>,
      tpu.vector_store %arg11[%swap3A], %add3A_204 {strides = array<i32>} : memref<640xf32, #tpu.memory_space<vmem>>, vector<16xf32>,
      %scan3A_208 = arith.constant 0 : i32
      scf.yield %scan3A_208 : i32
    }
    %scan3A_114 = arith.constant 40 : i32
    %run_scoped3A_115 = arith.constant 6 : i32
    "tpu.region"() ({
      %run_scoped3A_195 = tpu.sem_alloc : memref<!tpu.dma_semaphore, #tpu.memory_space<semaphore_mem>>
      %dma_start3A = tpu.memref_slice %arg12[%run_scoped3A_115, %mul3A_60] : memref<16x10240xf32, #tpu.memory_space<vmem_shared>> -> memref<1x640xf32, #tpu.memory_space<vmem_shared>>
      %dma_start3A_196 = tpu.memref_squeeze %dma_start3A : memref<1x640xf32, #tpu.memory_space<vmem_shared>> -> memref<640xf32, #tpu.memory_space<vmem_shared>>
      %dma_start3A_197 = tpu.memref_slice %arg12[%run_scoped3A_115, %mul3A_60] : memref<16x10240xf32, #tpu.memory_space<vmem_shared>> -> memref<1x640xf32, #tpu.memory_space<vmem_shared>>
      %dma_start3A_198 = tpu.memref_squeeze %dma_start3A_197 : memref<1x640xf32, #tpu.memory_space<vmem_shared>> -> memref<640xf32, #tpu.memory_space<vmem_shared>>
      tpu.enqueue_dma source(%dma_start3A_198 : memref<640xf32, #tpu.memory_space<vmem_shared>>) target(%arg10 : memref<640xf32, #tpu.memory_space<vmem>>) target_semaphore(%run_scoped3A_195 : memref<!tpu.dma_semaphore, #tpu.memory_space<semaphore_mem>>)
      %dma_wait3A = tpu.memref_slice %arg12[%run_scoped3A_115, %mul3A_60] : memref<16x10240xf32, #tpu.memory_space<vmem_shared>> -> memref<1x640xf32, #tpu.memory_space<vmem_shared>>
      %dma_wait3A_199 = tpu.memref_squeeze %dma_wait3A : memref<1x640xf32, #tpu.memory_space<vmem_shared>> -> memref<640xf32, #tpu.memory_space<vmem_shared>>
      %dma_wait3A_200 = tpu.memref_slice %arg12[%run_scoped3A_115, %mul3A_60] : memref<16x10240xf32, #tpu.memory_space<vmem_shared>> -> memref<1x640xf32, #tpu.memory_space<vmem_shared>>
      %dma_wait3A_201 = tpu.memref_squeeze %dma_wait3A_200 : memref<1x640xf32, #tpu.memory_space<vmem_shared>> -> memref<640xf32, #tpu.memory_space<vmem_shared>>
      tpu.wait_dma2 semaphore(%run_scoped3A_195 : memref<!tpu.dma_semaphore, #tpu.memory_space<semaphore_mem>>) src(%dma_wait3A_201 : memref<640xf32, #tpu.memory_space<vmem_shared>>) dst(%arg10 : memref<640xf32, #tpu.memory_space<vmem>>)
      tpu.yield
    }) : () -> ()
    %scan3A_116 = arith.constant 0 : i32
    %scan3A_117 = arith.constant 0 : i32
    %scan3A_118 = arith.constant 40 : i32
    %scan3A_119 = arith.addi %scan3A_117, %scan3A_118 : i32
    %scan3A_120 = arith.constant 1 : i32
    %scan3A_121 = scf.for %scan3A_195 = %scan3A_117 to %scan3A_119 step %scan3A_120 iter_args(%scan3A_196 = %scan3A_116) -> (i32)  : i32 {
      %mul3A_197 = arith.constant 16 : i32
      %mul3A_198 = arith.muli %scan3A_195, %mul3A_197 : i32
      %get3A = arith.index_cast %mul3A_198 : i32 to index
      %get3A_199 = tpu.vector_load %arg11[%get3A] {strides = array<i32>} : memref<640xf32, #tpu.memory_space<vmem>>, vector<16xf32>,
      %mul3A_200 = arith.constant 16 : i32
      %mul3A_201 = arith.muli %scan3A_195, %mul3A_200 : i32
      %get3A_202 = arith.index_cast %mul3A_201 : i32 to index
      %get3A_203 = tpu.vector_load %arg10[%get3A_202] {strides = array<i32>} : memref<640xf32, #tpu.memory_space<vmem>>, vector<16xf32>,
      %add3A_204 = arith.addf %get3A_199, %get3A_203 : vector<16xf32>
      %mul3A_205 = arith.constant 16 : i32
      %mul3A_206 = arith.muli %scan3A_195, %mul3A_205 : i32
      %swap3A = arith.index_cast %mul3A_206 : i32 to index
      %swap3A_207 = tpu.vector_load %arg11[%swap3A] {strides = array<i32>} : memref<640xf32, #tpu.memory_space<vmem>>, vector<16xf32>,
      tpu.vector_store %arg11[%swap3A], %add3A_204 {strides = array<i32>} : memref<640xf32, #tpu.memory_space<vmem>>, vector<16xf32>,
      %scan3A_208 = arith.constant 0 : i32
      scf.yield %scan3A_208 : i32
    }
    %scan3A_122 = arith.constant 40 : i32
    %run_scoped3A_123 = arith.constant 7 : i32
    "tpu.region"() ({
      %run_scoped3A_195 = tpu.sem_alloc : memref<!tpu.dma_semaphore, #tpu.memory_space<semaphore_mem>>
      %dma_start3A = tpu.memref_slice %arg12[%run_scoped3A_123, %mul3A_60] : memref<16x10240xf32, #tpu.memory_space<vmem_shared>> -> memref<1x640xf32, #tpu.memory_space<vmem_shared>>
      %dma_start3A_196 = tpu.memref_squeeze %dma_start3A : memref<1x640xf32, #tpu.memory_space<vmem_shared>> -> memref<640xf32, #tpu.memory_space<vmem_shared>>
      %dma_start3A_197 = tpu.memref_slice %arg12[%run_scoped3A_123, %mul3A_60] : memref<16x10240xf32, #tpu.memory_space<vmem_shared>> -> memref<1x640xf32, #tpu.memory_space<vmem_shared>>
      %dma_start3A_198 = tpu.memref_squeeze %dma_start3A_197 : memref<1x640xf32, #tpu.memory_space<vmem_shared>> -> memref<640xf32, #tpu.memory_space<vmem_shared>>
      tpu.enqueue_dma source(%dma_start3A_198 : memref<640xf32, #tpu.memory_space<vmem_shared>>) target(%arg10 : memref<640xf32, #tpu.memory_space<vmem>>) target_semaphore(%run_scoped3A_195 : memref<!tpu.dma_semaphore, #tpu.memory_space<semaphore_mem>>)
      %dma_wait3A = tpu.memref_slice %arg12[%run_scoped3A_123, %mul3A_60] : memref<16x10240xf32, #tpu.memory_space<vmem_shared>> -> memref<1x640xf32, #tpu.memory_space<vmem_shared>>
      %dma_wait3A_199 = tpu.memref_squeeze %dma_wait3A : memref<1x640xf32, #tpu.memory_space<vmem_shared>> -> memref<640xf32, #tpu.memory_space<vmem_shared>>
      %dma_wait3A_200 = tpu.memref_slice %arg12[%run_scoped3A_123, %mul3A_60] : memref<16x10240xf32, #tpu.memory_space<vmem_shared>> -> memref<1x640xf32, #tpu.memory_space<vmem_shared>>
      %dma_wait3A_201 = tpu.memref_squeeze %dma_wait3A_200 : memref<1x640xf32, #tpu.memory_space<vmem_shared>> -> memref<640xf32, #tpu.memory_space<vmem_shared>>
      tpu.wait_dma2 semaphore(%run_scoped3A_195 : memref<!tpu.dma_semaphore, #tpu.memory_space<semaphore_mem>>) src(%dma_wait3A_201 : memref<640xf32, #tpu.memory_space<vmem_shared>>) dst(%arg10 : memref<640xf32, #tpu.memory_space<vmem>>)
      tpu.yield
    }) : () -> ()
    %scan3A_124 = arith.constant 0 : i32
    %scan3A_125 = arith.constant 0 : i32
    %scan3A_126 = arith.constant 40 : i32
    %scan3A_127 = arith.addi %scan3A_125, %scan3A_126 : i32
    %scan3A_128 = arith.constant 1 : i32
    %scan3A_129 = scf.for %scan3A_195 = %scan3A_125 to %scan3A_127 step %scan3A_128 iter_args(%scan3A_196 = %scan3A_124) -> (i32)  : i32 {
      %mul3A_197 = arith.constant 16 : i32
      %mul3A_198 = arith.muli %scan3A_195, %mul3A_197 : i32
      %get3A = arith.index_cast %mul3A_198 : i32 to index
      %get3A_199 = tpu.vector_load %arg11[%get3A] {strides = array<i32>} : memref<640xf32, #tpu.memory_space<vmem>>, vector<16xf32>,
      %mul3A_200 = arith.constant 16 : i32
      %mul3A_201 = arith.muli %scan3A_195, %mul3A_200 : i32
      %get3A_202 = arith.index_cast %mul3A_201 : i32 to index
      %get3A_203 = tpu.vector_load %arg10[%get3A_202] {strides = array<i32>} : memref<640xf32, #tpu.memory_space<vmem>>, vector<16xf32>,
      %add3A_204 = arith.addf %get3A_199, %get3A_203 : vector<16xf32>
      %mul3A_205 = arith.constant 16 : i32
      %mul3A_206 = arith.muli %scan3A_195, %mul3A_205 : i32
      %swap3A = arith.index_cast %mul3A_206 : i32 to index
      %swap3A_207 = tpu.vector_load %arg11[%swap3A] {strides = array<i32>} : memref<640xf32, #tpu.memory_space<vmem>>, vector<16xf32>,
      tpu.vector_store %arg11[%swap3A], %add3A_204 {strides = array<i32>} : memref<640xf32, #tpu.memory_space<vmem>>, vector<16xf32>,
      %scan3A_208 = arith.constant 0 : i32
      scf.yield %scan3A_208 : i32
    }
    %scan3A_130 = arith.constant 40 : i32
    %run_scoped3A_131 = arith.constant 8 : i32
    "tpu.region"() ({
      %run_scoped3A_195 = tpu.sem_alloc : memref<!tpu.dma_semaphore, #tpu.memory_space<semaphore_mem>>
      %dma_start3A = tpu.memref_slice %arg12[%run_scoped3A_131, %mul3A_60] : memref<16x10240xf32, #tpu.memory_space<vmem_shared>> -> memref<1x640xf32, #tpu.memory_space<vmem_shared>>
      %dma_start3A_196 = tpu.memref_squeeze %dma_start3A : memref<1x640xf32, #tpu.memory_space<vmem_shared>> -> memref<640xf32, #tpu.memory_space<vmem_shared>>
      %dma_start3A_197 = tpu.memref_slice %arg12[%run_scoped3A_131, %mul3A_60] : memref<16x10240xf32, #tpu.memory_space<vmem_shared>> -> memref<1x640xf32, #tpu.memory_space<vmem_shared>>
      %dma_start3A_198 = tpu.memref_squeeze %dma_start3A_197 : memref<1x640xf32, #tpu.memory_space<vmem_shared>> -> memref<640xf32, #tpu.memory_space<vmem_shared>>
      tpu.enqueue_dma source(%dma_start3A_198 : memref<640xf32, #tpu.memory_space<vmem_shared>>) target(%arg10 : memref<640xf32, #tpu.memory_space<vmem>>) target_semaphore(%run_scoped3A_195 : memref<!tpu.dma_semaphore, #tpu.memory_space<semaphore_mem>>)
      %dma_wait3A = tpu.memref_slice %arg12[%run_scoped3A_131, %mul3A_60] : memref<16x10240xf32, #tpu.memory_space<vmem_shared>> -> memref<1x640xf32, #tpu.memory_space<vmem_shared>>
      %dma_wait3A_199 = tpu.memref_squeeze %dma_wait3A : memref<1x640xf32, #tpu.memory_space<vmem_shared>> -> memref<640xf32, #tpu.memory_space<vmem_shared>>
      %dma_wait3A_200 = tpu.memref_slice %arg12[%run_scoped3A_131, %mul3A_60] : memref<16x10240xf32, #tpu.memory_space<vmem_shared>> -> memref<1x640xf32, #tpu.memory_space<vmem_shared>>
      %dma_wait3A_201 = tpu.memref_squeeze %dma_wait3A_200 : memref<1x640xf32, #tpu.memory_space<vmem_shared>> -> memref<640xf32, #tpu.memory_space<vmem_shared>>
      tpu.wait_dma2 semaphore(%run_scoped3A_195 : memref<!tpu.dma_semaphore, #tpu.memory_space<semaphore_mem>>) src(%dma_wait3A_201 : memref<640xf32, #tpu.memory_space<vmem_shared>>) dst(%arg10 : memref<640xf32, #tpu.memory_space<vmem>>)
      tpu.yield
    }) : () -> ()
    %scan3A_132 = arith.constant 0 : i32
    %scan3A_133 = arith.constant 0 : i32
    %scan3A_134 = arith.constant 40 : i32
    %scan3A_135 = arith.addi %scan3A_133, %scan3A_134 : i32
    %scan3A_136 = arith.constant 1 : i32
    %scan3A_137 = scf.for %scan3A_195 = %scan3A_133 to %scan3A_135 step %scan3A_136 iter_args(%scan3A_196 = %scan3A_132) -> (i32)  : i32 {
      %mul3A_197 = arith.constant 16 : i32
      %mul3A_198 = arith.muli %scan3A_195, %mul3A_197 : i32
      %get3A = arith.index_cast %mul3A_198 : i32 to index
      %get3A_199 = tpu.vector_load %arg11[%get3A] {strides = array<i32>} : memref<640xf32, #tpu.memory_space<vmem>>, vector<16xf32>,
      %mul3A_200 = arith.constant 16 : i32
      %mul3A_201 = arith.muli %scan3A_195, %mul3A_200 : i32
      %get3A_202 = arith.index_cast %mul3A_201 : i32 to index
      %get3A_203 = tpu.vector_load %arg10[%get3A_202] {strides = array<i32>} : memref<640xf32, #tpu.memory_space<vmem>>, vector<16xf32>,
      %add3A_204 = arith.addf %get3A_199, %get3A_203 : vector<16xf32>
      %mul3A_205 = arith.constant 16 : i32
      %mul3A_206 = arith.muli %scan3A_195, %mul3A_205 : i32
      %swap3A = arith.index_cast %mul3A_206 : i32 to index
      %swap3A_207 = tpu.vector_load %arg11[%swap3A] {strides = array<i32>} : memref<640xf32, #tpu.memory_space<vmem>>, vector<16xf32>,
      tpu.vector_store %arg11[%swap3A], %add3A_204 {strides = array<i32>} : memref<640xf32, #tpu.memory_space<vmem>>, vector<16xf32>,
      %scan3A_208 = arith.constant 0 : i32
      scf.yield %scan3A_208 : i32
    }
    %scan3A_138 = arith.constant 40 : i32
    %run_scoped3A_139 = arith.constant 9 : i32
    "tpu.region"() ({
      %run_scoped3A_195 = tpu.sem_alloc : memref<!tpu.dma_semaphore, #tpu.memory_space<semaphore_mem>>
      %dma_start3A = tpu.memref_slice %arg12[%run_scoped3A_139, %mul3A_60] : memref<16x10240xf32, #tpu.memory_space<vmem_shared>> -> memref<1x640xf32, #tpu.memory_space<vmem_shared>>
      %dma_start3A_196 = tpu.memref_squeeze %dma_start3A : memref<1x640xf32, #tpu.memory_space<vmem_shared>> -> memref<640xf32, #tpu.memory_space<vmem_shared>>
      %dma_start3A_197 = tpu.memref_slice %arg12[%run_scoped3A_139, %mul3A_60] : memref<16x10240xf32, #tpu.memory_space<vmem_shared>> -> memref<1x640xf32, #tpu.memory_space<vmem_shared>>
      %dma_start3A_198 = tpu.memref_squeeze %dma_start3A_197 : memref<1x640xf32, #tpu.memory_space<vmem_shared>> -> memref<640xf32, #tpu.memory_space<vmem_shared>>
      tpu.enqueue_dma source(%dma_start3A_198 : memref<640xf32, #tpu.memory_space<vmem_shared>>) target(%arg10 : memref<640xf32, #tpu.memory_space<vmem>>) target_semaphore(%run_scoped3A_195 : memref<!tpu.dma_semaphore, #tpu.memory_space<semaphore_mem>>)
      %dma_wait3A = tpu.memref_slice %arg12[%run_scoped3A_139, %mul3A_60] : memref<16x10240xf32, #tpu.memory_space<vmem_shared>> -> memref<1x640xf32, #tpu.memory_space<vmem_shared>>
      %dma_wait3A_199 = tpu.memref_squeeze %dma_wait3A : memref<1x640xf32, #tpu.memory_space<vmem_shared>> -> memref<640xf32, #tpu.memory_space<vmem_shared>>
      %dma_wait3A_200 = tpu.memref_slice %arg12[%run_scoped3A_139, %mul3A_60] : memref<16x10240xf32, #tpu.memory_space<vmem_shared>> -> memref<1x640xf32, #tpu.memory_space<vmem_shared>>
      %dma_wait3A_201 = tpu.memref_squeeze %dma_wait3A_200 : memref<1x640xf32, #tpu.memory_space<vmem_shared>> -> memref<640xf32, #tpu.memory_space<vmem_shared>>
      tpu.wait_dma2 semaphore(%run_scoped3A_195 : memref<!tpu.dma_semaphore, #tpu.memory_space<semaphore_mem>>) src(%dma_wait3A_201 : memref<640xf32, #tpu.memory_space<vmem_shared>>) dst(%arg10 : memref<640xf32, #tpu.memory_space<vmem>>)
      tpu.yield
    }) : () -> ()
    %scan3A_140 = arith.constant 0 : i32
    %scan3A_141 = arith.constant 0 : i32
    %scan3A_142 = arith.constant 40 : i32
    %scan3A_143 = arith.addi %scan3A_141, %scan3A_142 : i32
    %scan3A_144 = arith.constant 1 : i32
    %scan3A_145 = scf.for %scan3A_195 = %scan3A_141 to %scan3A_143 step %scan3A_144 iter_args(%scan3A_196 = %scan3A_140) -> (i32)  : i32 {
      %mul3A_197 = arith.constant 16 : i32
      %mul3A_198 = arith.muli %scan3A_195, %mul3A_197 : i32
      %get3A = arith.index_cast %mul3A_198 : i32 to index
      %get3A_199 = tpu.vector_load %arg11[%get3A] {strides = array<i32>} : memref<640xf32, #tpu.memory_space<vmem>>, vector<16xf32>,
      %mul3A_200 = arith.constant 16 : i32
      %mul3A_201 = arith.muli %scan3A_195, %mul3A_200 : i32
      %get3A_202 = arith.index_cast %mul3A_201 : i32 to index
      %get3A_203 = tpu.vector_load %arg10[%get3A_202] {strides = array<i32>} : memref<640xf32, #tpu.memory_space<vmem>>, vector<16xf32>,
      %add3A_204 = arith.addf %get3A_199, %get3A_203 : vector<16xf32>
      %mul3A_205 = arith.constant 16 : i32
      %mul3A_206 = arith.muli %scan3A_195, %mul3A_205 : i32
      %swap3A = arith.index_cast %mul3A_206 : i32 to index
      %swap3A_207 = tpu.vector_load %arg11[%swap3A] {strides = array<i32>} : memref<640xf32, #tpu.memory_space<vmem>>, vector<16xf32>,
      tpu.vector_store %arg11[%swap3A], %add3A_204 {strides = array<i32>} : memref<640xf32, #tpu.memory_space<vmem>>, vector<16xf32>,
      %scan3A_208 = arith.constant 0 : i32
      scf.yield %scan3A_208 : i32
    }
    %scan3A_146 = arith.constant 40 : i32
    %run_scoped3A_147 = arith.constant 10 : i32
    "tpu.region"() ({
      %run_scoped3A_195 = tpu.sem_alloc : memref<!tpu.dma_semaphore, #tpu.memory_space<semaphore_mem>>
      %dma_start3A = tpu.memref_slice %arg12[%run_scoped3A_147, %mul3A_60] : memref<16x10240xf32, #tpu.memory_space<vmem_shared>> -> memref<1x640xf32, #tpu.memory_space<vmem_shared>>
      %dma_start3A_196 = tpu.memref_squeeze %dma_start3A : memref<1x640xf32, #tpu.memory_space<vmem_shared>> -> memref<640xf32, #tpu.memory_space<vmem_shared>>
      %dma_start3A_197 = tpu.memref_slice %arg12[%run_scoped3A_147, %mul3A_60] : memref<16x10240xf32, #tpu.memory_space<vmem_shared>> -> memref<1x640xf32, #tpu.memory_space<vmem_shared>>
      %dma_start3A_198 = tpu.memref_squeeze %dma_start3A_197 : memref<1x640xf32, #tpu.memory_space<vmem_shared>> -> memref<640xf32, #tpu.memory_space<vmem_shared>>
      tpu.enqueue_dma source(%dma_start3A_198 : memref<640xf32, #tpu.memory_space<vmem_shared>>) target(%arg10 : memref<640xf32, #tpu.memory_space<vmem>>) target_semaphore(%run_scoped3A_195 : memref<!tpu.dma_semaphore, #tpu.memory_space<semaphore_mem>>)
      %dma_wait3A = tpu.memref_slice %arg12[%run_scoped3A_147, %mul3A_60] : memref<16x10240xf32, #tpu.memory_space<vmem_shared>> -> memref<1x640xf32, #tpu.memory_space<vmem_shared>>
      %dma_wait3A_199 = tpu.memref_squeeze %dma_wait3A : memref<1x640xf32, #tpu.memory_space<vmem_shared>> -> memref<640xf32, #tpu.memory_space<vmem_shared>>
      %dma_wait3A_200 = tpu.memref_slice %arg12[%run_scoped3A_147, %mul3A_60] : memref<16x10240xf32, #tpu.memory_space<vmem_shared>> -> memref<1x640xf32, #tpu.memory_space<vmem_shared>>
      %dma_wait3A_201 = tpu.memref_squeeze %dma_wait3A_200 : memref<1x640xf32, #tpu.memory_space<vmem_shared>> -> memref<640xf32, #tpu.memory_space<vmem_shared>>
      tpu.wait_dma2 semaphore(%run_scoped3A_195 : memref<!tpu.dma_semaphore, #tpu.memory_space<semaphore_mem>>) src(%dma_wait3A_201 : memref<640xf32, #tpu.memory_space<vmem_shared>>) dst(%arg10 : memref<640xf32, #tpu.memory_space<vmem>>)
      tpu.yield
    }) : () -> ()
    %scan3A_148 = arith.constant 0 : i32
    %scan3A_149 = arith.constant 0 : i32
    %scan3A_150 = arith.constant 40 : i32
    %scan3A_151 = arith.addi %scan3A_149, %scan3A_150 : i32
    %scan3A_152 = arith.constant 1 : i32
    %scan3A_153 = scf.for %scan3A_195 = %scan3A_149 to %scan3A_151 step %scan3A_152 iter_args(%scan3A_196 = %scan3A_148) -> (i32)  : i32 {
      %mul3A_197 = arith.constant 16 : i32
      %mul3A_198 = arith.muli %scan3A_195, %mul3A_197 : i32
      %get3A = arith.index_cast %mul3A_198 : i32 to index
      %get3A_199 = tpu.vector_load %arg11[%get3A] {strides = array<i32>} : memref<640xf32, #tpu.memory_space<vmem>>, vector<16xf32>,
      %mul3A_200 = arith.constant 16 : i32
      %mul3A_201 = arith.muli %scan3A_195, %mul3A_200 : i32
      %get3A_202 = arith.index_cast %mul3A_201 : i32 to index
      %get3A_203 = tpu.vector_load %arg10[%get3A_202] {strides = array<i32>} : memref<640xf32, #tpu.memory_space<vmem>>, vector<16xf32>,
      %add3A_204 = arith.addf %get3A_199, %get3A_203 : vector<16xf32>
      %mul3A_205 = arith.constant 16 : i32
      %mul3A_206 = arith.muli %scan3A_195, %mul3A_205 : i32
      %swap3A = arith.index_cast %mul3A_206 : i32 to index
      %swap3A_207 = tpu.vector_load %arg11[%swap3A] {strides = array<i32>} : memref<640xf32, #tpu.memory_space<vmem>>, vector<16xf32>,
      tpu.vector_store %arg11[%swap3A], %add3A_204 {strides = array<i32>} : memref<640xf32, #tpu.memory_space<vmem>>, vector<16xf32>,
      %scan3A_208 = arith.constant 0 : i32
      scf.yield %scan3A_208 : i32
    }
    %scan3A_154 = arith.constant 40 : i32
    %run_scoped3A_155 = arith.constant 11 : i32
    "tpu.region"() ({
      %run_scoped3A_195 = tpu.sem_alloc : memref<!tpu.dma_semaphore, #tpu.memory_space<semaphore_mem>>
      %dma_start3A = tpu.memref_slice %arg12[%run_scoped3A_155, %mul3A_60] : memref<16x10240xf32, #tpu.memory_space<vmem_shared>> -> memref<1x640xf32, #tpu.memory_space<vmem_shared>>
      %dma_start3A_196 = tpu.memref_squeeze %dma_start3A : memref<1x640xf32, #tpu.memory_space<vmem_shared>> -> memref<640xf32, #tpu.memory_space<vmem_shared>>
      %dma_start3A_197 = tpu.memref_slice %arg12[%run_scoped3A_155, %mul3A_60] : memref<16x10240xf32, #tpu.memory_space<vmem_shared>> -> memref<1x640xf32, #tpu.memory_space<vmem_shared>>
      %dma_start3A_198 = tpu.memref_squeeze %dma_start3A_197 : memref<1x640xf32, #tpu.memory_space<vmem_shared>> -> memref<640xf32, #tpu.memory_space<vmem_shared>>
      tpu.enqueue_dma source(%dma_start3A_198 : memref<640xf32, #tpu.memory_space<vmem_shared>>) target(%arg10 : memref<640xf32, #tpu.memory_space<vmem>>) target_semaphore(%run_scoped3A_195 : memref<!tpu.dma_semaphore, #tpu.memory_space<semaphore_mem>>)
      %dma_wait3A = tpu.memref_slice %arg12[%run_scoped3A_155, %mul3A_60] : memref<16x10240xf32, #tpu.memory_space<vmem_shared>> -> memref<1x640xf32, #tpu.memory_space<vmem_shared>>
      %dma_wait3A_199 = tpu.memref_squeeze %dma_wait3A : memref<1x640xf32, #tpu.memory_space<vmem_shared>> -> memref<640xf32, #tpu.memory_space<vmem_shared>>
      %dma_wait3A_200 = tpu.memref_slice %arg12[%run_scoped3A_155, %mul3A_60] : memref<16x10240xf32, #tpu.memory_space<vmem_shared>> -> memref<1x640xf32, #tpu.memory_space<vmem_shared>>
      %dma_wait3A_201 = tpu.memref_squeeze %dma_wait3A_200 : memref<1x640xf32, #tpu.memory_space<vmem_shared>> -> memref<640xf32, #tpu.memory_space<vmem_shared>>
      tpu.wait_dma2 semaphore(%run_scoped3A_195 : memref<!tpu.dma_semaphore, #tpu.memory_space<semaphore_mem>>) src(%dma_wait3A_201 : memref<640xf32, #tpu.memory_space<vmem_shared>>) dst(%arg10 : memref<640xf32, #tpu.memory_space<vmem>>)
      tpu.yield
    }) : () -> ()
    %scan3A_156 = arith.constant 0 : i32
    %scan3A_157 = arith.constant 0 : i32
    %scan3A_158 = arith.constant 40 : i32
    %scan3A_159 = arith.addi %scan3A_157, %scan3A_158 : i32
    %scan3A_160 = arith.constant 1 : i32
    %scan3A_161 = scf.for %scan3A_195 = %scan3A_157 to %scan3A_159 step %scan3A_160 iter_args(%scan3A_196 = %scan3A_156) -> (i32)  : i32 {
      %mul3A_197 = arith.constant 16 : i32
      %mul3A_198 = arith.muli %scan3A_195, %mul3A_197 : i32
      %get3A = arith.index_cast %mul3A_198 : i32 to index
      %get3A_199 = tpu.vector_load %arg11[%get3A] {strides = array<i32>} : memref<640xf32, #tpu.memory_space<vmem>>, vector<16xf32>,
      %mul3A_200 = arith.constant 16 : i32
      %mul3A_201 = arith.muli %scan3A_195, %mul3A_200 : i32
      %get3A_202 = arith.index_cast %mul3A_201 : i32 to index
      %get3A_203 = tpu.vector_load %arg10[%get3A_202] {strides = array<i32>} : memref<640xf32, #tpu.memory_space<vmem>>, vector<16xf32>,
      %add3A_204 = arith.addf %get3A_199, %get3A_203 : vector<16xf32>
      %mul3A_205 = arith.constant 16 : i32
      %mul3A_206 = arith.muli %scan3A_195, %mul3A_205 : i32
      %swap3A = arith.index_cast %mul3A_206 : i32 to index
      %swap3A_207 = tpu.vector_load %arg11[%swap3A] {strides = array<i32>} : memref<640xf32, #tpu.memory_space<vmem>>, vector<16xf32>,
      tpu.vector_store %arg11[%swap3A], %add3A_204 {strides = array<i32>} : memref<640xf32, #tpu.memory_space<vmem>>, vector<16xf32>,
      %scan3A_208 = arith.constant 0 : i32
      scf.yield %scan3A_208 : i32
    }
    %scan3A_162 = arith.constant 40 : i32
    %run_scoped3A_163 = arith.constant 12 : i32
    "tpu.region"() ({
      %run_scoped3A_195 = tpu.sem_alloc : memref<!tpu.dma_semaphore, #tpu.memory_space<semaphore_mem>>
      %dma_start3A = tpu.memref_slice %arg12[%run_scoped3A_163, %mul3A_60] : memref<16x10240xf32, #tpu.memory_space<vmem_shared>> -> memref<1x640xf32, #tpu.memory_space<vmem_shared>>
      %dma_start3A_196 = tpu.memref_squeeze %dma_start3A : memref<1x640xf32, #tpu.memory_space<vmem_shared>> -> memref<640xf32, #tpu.memory_space<vmem_shared>>
      %dma_start3A_197 = tpu.memref_slice %arg12[%run_scoped3A_163, %mul3A_60] : memref<16x10240xf32, #tpu.memory_space<vmem_shared>> -> memref<1x640xf32, #tpu.memory_space<vmem_shared>>
      %dma_start3A_198 = tpu.memref_squeeze %dma_start3A_197 : memref<1x640xf32, #tpu.memory_space<vmem_shared>> -> memref<640xf32, #tpu.memory_space<vmem_shared>>
      tpu.enqueue_dma source(%dma_start3A_198 : memref<640xf32, #tpu.memory_space<vmem_shared>>) target(%arg10 : memref<640xf32, #tpu.memory_space<vmem>>) target_semaphore(%run_scoped3A_195 : memref<!tpu.dma_semaphore, #tpu.memory_space<semaphore_mem>>)
      %dma_wait3A = tpu.memref_slice %arg12[%run_scoped3A_163, %mul3A_60] : memref<16x10240xf32, #tpu.memory_space<vmem_shared>> -> memref<1x640xf32, #tpu.memory_space<vmem_shared>>
      %dma_wait3A_199 = tpu.memref_squeeze %dma_wait3A : memref<1x640xf32, #tpu.memory_space<vmem_shared>> -> memref<640xf32, #tpu.memory_space<vmem_shared>>
      %dma_wait3A_200 = tpu.memref_slice %arg12[%run_scoped3A_163, %mul3A_60] : memref<16x10240xf32, #tpu.memory_space<vmem_shared>> -> memref<1x640xf32, #tpu.memory_space<vmem_shared>>
      %dma_wait3A_201 = tpu.memref_squeeze %dma_wait3A_200 : memref<1x640xf32, #tpu.memory_space<vmem_shared>> -> memref<640xf32, #tpu.memory_space<vmem_shared>>
      tpu.wait_dma2 semaphore(%run_scoped3A_195 : memref<!tpu.dma_semaphore, #tpu.memory_space<semaphore_mem>>) src(%dma_wait3A_201 : memref<640xf32, #tpu.memory_space<vmem_shared>>) dst(%arg10 : memref<640xf32, #tpu.memory_space<vmem>>)
      tpu.yield
    }) : () -> ()
    %scan3A_164 = arith.constant 0 : i32
    %scan3A_165 = arith.constant 0 : i32
    %scan3A_166 = arith.constant 40 : i32
    %scan3A_167 = arith.addi %scan3A_165, %scan3A_166 : i32
    %scan3A_168 = arith.constant 1 : i32
    %scan3A_169 = scf.for %scan3A_195 = %scan3A_165 to %scan3A_167 step %scan3A_168 iter_args(%scan3A_196 = %scan3A_164) -> (i32)  : i32 {
      %mul3A_197 = arith.constant 16 : i32
      %mul3A_198 = arith.muli %scan3A_195, %mul3A_197 : i32
      %get3A = arith.index_cast %mul3A_198 : i32 to index
      %get3A_199 = tpu.vector_load %arg11[%get3A] {strides = array<i32>} : memref<640xf32, #tpu.memory_space<vmem>>, vector<16xf32>,
      %mul3A_200 = arith.constant 16 : i32
      %mul3A_201 = arith.muli %scan3A_195, %mul3A_200 : i32
      %get3A_202 = arith.index_cast %mul3A_201 : i32 to index
      %get3A_203 = tpu.vector_load %arg10[%get3A_202] {strides = array<i32>} : memref<640xf32, #tpu.memory_space<vmem>>, vector<16xf32>,
      %add3A_204 = arith.addf %get3A_199, %get3A_203 : vector<16xf32>
      %mul3A_205 = arith.constant 16 : i32
      %mul3A_206 = arith.muli %scan3A_195, %mul3A_205 : i32
      %swap3A = arith.index_cast %mul3A_206 : i32 to index
      %swap3A_207 = tpu.vector_load %arg11[%swap3A] {strides = array<i32>} : memref<640xf32, #tpu.memory_space<vmem>>, vector<16xf32>,
      tpu.vector_store %arg11[%swap3A], %add3A_204 {strides = array<i32>} : memref<640xf32, #tpu.memory_space<vmem>>, vector<16xf32>,
      %scan3A_208 = arith.constant 0 : i32
      scf.yield %scan3A_208 : i32
    }
    %scan3A_170 = arith.constant 40 : i32
    %run_scoped3A_171 = arith.constant 13 : i32
    "tpu.region"() ({
      %run_scoped3A_195 = tpu.sem_alloc : memref<!tpu.dma_semaphore, #tpu.memory_space<semaphore_mem>>
      %dma_start3A = tpu.memref_slice %arg12[%run_scoped3A_171, %mul3A_60] : memref<16x10240xf32, #tpu.memory_space<vmem_shared>> -> memref<1x640xf32, #tpu.memory_space<vmem_shared>>
      %dma_start3A_196 = tpu.memref_squeeze %dma_start3A : memref<1x640xf32, #tpu.memory_space<vmem_shared>> -> memref<640xf32, #tpu.memory_space<vmem_shared>>
      %dma_start3A_197 = tpu.memref_slice %arg12[%run_scoped3A_171, %mul3A_60] : memref<16x10240xf32, #tpu.memory_space<vmem_shared>> -> memref<1x640xf32, #tpu.memory_space<vmem_shared>>
      %dma_start3A_198 = tpu.memref_squeeze %dma_start3A_197 : memref<1x640xf32, #tpu.memory_space<vmem_shared>> -> memref<640xf32, #tpu.memory_space<vmem_shared>>
      tpu.enqueue_dma source(%dma_start3A_198 : memref<640xf32, #tpu.memory_space<vmem_shared>>) target(%arg10 : memref<640xf32, #tpu.memory_space<vmem>>) target_semaphore(%run_scoped3A_195 : memref<!tpu.dma_semaphore, #tpu.memory_space<semaphore_mem>>)
      %dma_wait3A = tpu.memref_slice %arg12[%run_scoped3A_171, %mul3A_60] : memref<16x10240xf32, #tpu.memory_space<vmem_shared>> -> memref<1x640xf32, #tpu.memory_space<vmem_shared>>
      %dma_wait3A_199 = tpu.memref_squeeze %dma_wait3A : memref<1x640xf32, #tpu.memory_space<vmem_shared>> -> memref<640xf32, #tpu.memory_space<vmem_shared>>
      %dma_wait3A_200 = tpu.memref_slice %arg12[%run_scoped3A_171, %mul3A_60] : memref<16x10240xf32, #tpu.memory_space<vmem_shared>> -> memref<1x640xf32, #tpu.memory_space<vmem_shared>>
      %dma_wait3A_201 = tpu.memref_squeeze %dma_wait3A_200 : memref<1x640xf32, #tpu.memory_space<vmem_shared>> -> memref<640xf32, #tpu.memory_space<vmem_shared>>
      tpu.wait_dma2 semaphore(%run_scoped3A_195 : memref<!tpu.dma_semaphore, #tpu.memory_space<semaphore_mem>>) src(%dma_wait3A_201 : memref<640xf32, #tpu.memory_space<vmem_shared>>) dst(%arg10 : memref<640xf32, #tpu.memory_space<vmem>>)
      tpu.yield
    }) : () -> ()
    %scan3A_172 = arith.constant 0 : i32
    %scan3A_173 = arith.constant 0 : i32
    %scan3A_174 = arith.constant 40 : i32
    %scan3A_175 = arith.addi %scan3A_173, %scan3A_174 : i32
    %scan3A_176 = arith.constant 1 : i32
    %scan3A_177 = scf.for %scan3A_195 = %scan3A_173 to %scan3A_175 step %scan3A_176 iter_args(%scan3A_196 = %scan3A_172) -> (i32)  : i32 {
      %mul3A_197 = arith.constant 16 : i32
      %mul3A_198 = arith.muli %scan3A_195, %mul3A_197 : i32
      %get3A = arith.index_cast %mul3A_198 : i32 to index
      %get3A_199 = tpu.vector_load %arg11[%get3A] {strides = array<i32>} : memref<640xf32, #tpu.memory_space<vmem>>, vector<16xf32>,
      %mul3A_200 = arith.constant 16 : i32
      %mul3A_201 = arith.muli %scan3A_195, %mul3A_200 : i32
      %get3A_202 = arith.index_cast %mul3A_201 : i32 to index
      %get3A_203 = tpu.vector_load %arg10[%get3A_202] {strides = array<i32>} : memref<640xf32, #tpu.memory_space<vmem>>, vector<16xf32>,
      %add3A_204 = arith.addf %get3A_199, %get3A_203 : vector<16xf32>
      %mul3A_205 = arith.constant 16 : i32
      %mul3A_206 = arith.muli %scan3A_195, %mul3A_205 : i32
      %swap3A = arith.index_cast %mul3A_206 : i32 to index
      %swap3A_207 = tpu.vector_load %arg11[%swap3A] {strides = array<i32>} : memref<640xf32, #tpu.memory_space<vmem>>, vector<16xf32>,
      tpu.vector_store %arg11[%swap3A], %add3A_204 {strides = array<i32>} : memref<640xf32, #tpu.memory_space<vmem>>, vector<16xf32>,
      %scan3A_208 = arith.constant 0 : i32
      scf.yield %scan3A_208 : i32
    }
    %scan3A_178 = arith.constant 40 : i32
    %run_scoped3A_179 = arith.constant 14 : i32
    "tpu.region"() ({
      %run_scoped3A_195 = tpu.sem_alloc : memref<!tpu.dma_semaphore, #tpu.memory_space<semaphore_mem>>
      %dma_start3A = tpu.memref_slice %arg12[%run_scoped3A_179, %mul3A_60] : memref<16x10240xf32, #tpu.memory_space<vmem_shared>> -> memref<1x640xf32, #tpu.memory_space<vmem_shared>>
      %dma_start3A_196 = tpu.memref_squeeze %dma_start3A : memref<1x640xf32, #tpu.memory_space<vmem_shared>> -> memref<640xf32, #tpu.memory_space<vmem_shared>>
      %dma_start3A_197 = tpu.memref_slice %arg12[%run_scoped3A_179, %mul3A_60] : memref<16x10240xf32, #tpu.memory_space<vmem_shared>> -> memref<1x640xf32, #tpu.memory_space<vmem_shared>>
      %dma_start3A_198 = tpu.memref_squeeze %dma_start3A_197 : memref<1x640xf32, #tpu.memory_space<vmem_shared>> -> memref<640xf32, #tpu.memory_space<vmem_shared>>
      tpu.enqueue_dma source(%dma_start3A_198 : memref<640xf32, #tpu.memory_space<vmem_shared>>) target(%arg10 : memref<640xf32, #tpu.memory_space<vmem>>) target_semaphore(%run_scoped3A_195 : memref<!tpu.dma_semaphore, #tpu.memory_space<semaphore_mem>>)
      %dma_wait3A = tpu.memref_slice %arg12[%run_scoped3A_179, %mul3A_60] : memref<16x10240xf32, #tpu.memory_space<vmem_shared>> -> memref<1x640xf32, #tpu.memory_space<vmem_shared>>
      %dma_wait3A_199 = tpu.memref_squeeze %dma_wait3A : memref<1x640xf32, #tpu.memory_space<vmem_shared>> -> memref<640xf32, #tpu.memory_space<vmem_shared>>
      %dma_wait3A_200 = tpu.memref_slice %arg12[%run_scoped3A_179, %mul3A_60] : memref<16x10240xf32, #tpu.memory_space<vmem_shared>> -> memref<1x640xf32, #tpu.memory_space<vmem_shared>>
      %dma_wait3A_201 = tpu.memref_squeeze %dma_wait3A_200 : memref<1x640xf32, #tpu.memory_space<vmem_shared>> -> memref<640xf32, #tpu.memory_space<vmem_shared>>
      tpu.wait_dma2 semaphore(%run_scoped3A_195 : memref<!tpu.dma_semaphore, #tpu.memory_space<semaphore_mem>>) src(%dma_wait3A_201 : memref<640xf32, #tpu.memory_space<vmem_shared>>) dst(%arg10 : memref<640xf32, #tpu.memory_space<vmem>>)
      tpu.yield
    }) : () -> ()
    %scan3A_180 = arith.constant 0 : i32
    %scan3A_181 = arith.constant 0 : i32
    %scan3A_182 = arith.constant 40 : i32
    %scan3A_183 = arith.addi %scan3A_181, %scan3A_182 : i32
    %scan3A_184 = arith.constant 1 : i32
    %scan3A_185 = scf.for %scan3A_195 = %scan3A_181 to %scan3A_183 step %scan3A_184 iter_args(%scan3A_196 = %scan3A_180) -> (i32)  : i32 {
      %mul3A_197 = arith.constant 16 : i32
      %mul3A_198 = arith.muli %scan3A_195, %mul3A_197 : i32
      %get3A = arith.index_cast %mul3A_198 : i32 to index
      %get3A_199 = tpu.vector_load %arg11[%get3A] {strides = array<i32>} : memref<640xf32, #tpu.memory_space<vmem>>, vector<16xf32>,
      %mul3A_200 = arith.constant 16 : i32
      %mul3A_201 = arith.muli %scan3A_195, %mul3A_200 : i32
      %get3A_202 = arith.index_cast %mul3A_201 : i32 to index
      %get3A_203 = tpu.vector_load %arg10[%get3A_202] {strides = array<i32>} : memref<640xf32, #tpu.memory_space<vmem>>, vector<16xf32>,
      %add3A_204 = arith.addf %get3A_199, %get3A_203 : vector<16xf32>
      %mul3A_205 = arith.constant 16 : i32
      %mul3A_206 = arith.muli %scan3A_195, %mul3A_205 : i32
      %swap3A = arith.index_cast %mul3A_206 : i32 to index
      %swap3A_207 = tpu.vector_load %arg11[%swap3A] {strides = array<i32>} : memref<640xf32, #tpu.memory_space<vmem>>, vector<16xf32>,
      tpu.vector_store %arg11[%swap3A], %add3A_204 {strides = array<i32>} : memref<640xf32, #tpu.memory_space<vmem>>, vector<16xf32>,
      %scan3A_208 = arith.constant 0 : i32
      scf.yield %scan3A_208 : i32
    }
    %scan3A_186 = arith.constant 40 : i32
    %run_scoped3A_187 = arith.constant 15 : i32
    "tpu.region"() ({
      %run_scoped3A_195 = tpu.sem_alloc : memref<!tpu.dma_semaphore, #tpu.memory_space<semaphore_mem>>
      %dma_start3A = tpu.memref_slice %arg12[%run_scoped3A_187, %mul3A_60] : memref<16x10240xf32, #tpu.memory_space<vmem_shared>> -> memref<1x640xf32, #tpu.memory_space<vmem_shared>>
      %dma_start3A_196 = tpu.memref_squeeze %dma_start3A : memref<1x640xf32, #tpu.memory_space<vmem_shared>> -> memref<640xf32, #tpu.memory_space<vmem_shared>>
      %dma_start3A_197 = tpu.memref_slice %arg12[%run_scoped3A_187, %mul3A_60] : memref<16x10240xf32, #tpu.memory_space<vmem_shared>> -> memref<1x640xf32, #tpu.memory_space<vmem_shared>>
      %dma_start3A_198 = tpu.memref_squeeze %dma_start3A_197 : memref<1x640xf32, #tpu.memory_space<vmem_shared>> -> memref<640xf32, #tpu.memory_space<vmem_shared>>
      tpu.enqueue_dma source(%dma_start3A_198 : memref<640xf32, #tpu.memory_space<vmem_shared>>) target(%arg10 : memref<640xf32, #tpu.memory_space<vmem>>) target_semaphore(%run_scoped3A_195 : memref<!tpu.dma_semaphore, #tpu.memory_space<semaphore_mem>>)
      %dma_wait3A = tpu.memref_slice %arg12[%run_scoped3A_187, %mul3A_60] : memref<16x10240xf32, #tpu.memory_space<vmem_shared>> -> memref<1x640xf32, #tpu.memory_space<vmem_shared>>
      %dma_wait3A_199 = tpu.memref_squeeze %dma_wait3A : memref<1x640xf32, #tpu.memory_space<vmem_shared>> -> memref<640xf32, #tpu.memory_space<vmem_shared>>
      %dma_wait3A_200 = tpu.memref_slice %arg12[%run_scoped3A_187, %mul3A_60] : memref<16x10240xf32, #tpu.memory_space<vmem_shared>> -> memref<1x640xf32, #tpu.memory_space<vmem_shared>>
      %dma_wait3A_201 = tpu.memref_squeeze %dma_wait3A_200 : memref<1x640xf32, #tpu.memory_space<vmem_shared>> -> memref<640xf32, #tpu.memory_space<vmem_shared>>
      tpu.wait_dma2 semaphore(%run_scoped3A_195 : memref<!tpu.dma_semaphore, #tpu.memory_space<semaphore_mem>>) src(%dma_wait3A_201 : memref<640xf32, #tpu.memory_space<vmem_shared>>) dst(%arg10 : memref<640xf32, #tpu.memory_space<vmem>>)
      tpu.yield
    }) : () -> ()
    %scan3A_188 = arith.constant 0 : i32
    %scan3A_189 = arith.constant 0 : i32
    %scan3A_190 = arith.constant 40 : i32
    %scan3A_191 = arith.addi %scan3A_189, %scan3A_190 : i32
    %scan3A_192 = arith.constant 1 : i32
    %scan3A_193 = scf.for %scan3A_195 = %scan3A_189 to %scan3A_191 step %scan3A_192 iter_args(%scan3A_196 = %scan3A_188) -> (i32)  : i32 {
      %mul3A_197 = arith.constant 16 : i32
      %mul3A_198 = arith.muli %scan3A_195, %mul3A_197 : i32
      %get3A = arith.index_cast %mul3A_198 : i32 to index
      %get3A_199 = tpu.vector_load %arg11[%get3A] {strides = array<i32>} : memref<640xf32, #tpu.memory_space<vmem>>, vector<16xf32>,
      %mul3A_200 = arith.constant 16 : i32
      %mul3A_201 = arith.muli %scan3A_195, %mul3A_200 : i32
      %get3A_202 = arith.index_cast %mul3A_201 : i32 to index
      %get3A_203 = tpu.vector_load %arg10[%get3A_202] {strides = array<i32>} : memref<640xf32, #tpu.memory_space<vmem>>, vector<16xf32>,
      %add3A_204 = arith.addf %get3A_199, %get3A_203 : vector<16xf32>
      %mul3A_205 = arith.constant 16 : i32
      %mul3A_206 = arith.muli %scan3A_195, %mul3A_205 : i32
      %swap3A = arith.index_cast %mul3A_206 : i32 to index
      %swap3A_207 = tpu.vector_load %arg11[%swap3A] {strides = array<i32>} : memref<640xf32, #tpu.memory_space<vmem>>, vector<16xf32>,
      tpu.vector_store %arg11[%swap3A], %add3A_204 {strides = array<i32>} : memref<640xf32, #tpu.memory_space<vmem>>, vector<16xf32>,
      %scan3A_208 = arith.constant 0 : i32
      scf.yield %scan3A_208 : i32
    }
    %scan3A_194 = arith.constant 40 : i32
    "tpu.region"() ({
      %run_scoped3A_195 = tpu.sem_alloc : memref<!tpu.dma_semaphore, #tpu.memory_space<semaphore_mem>>
      %dma_start3A = tpu.memref_slice %arg5[%arg0, %mul3A_60] : memref<2x10240xf32, #tpu.memory_space<hbm>> -> memref<1x640xf32, #tpu.memory_space<hbm>>
      %dma_start3A_196 = tpu.memref_squeeze %dma_start3A : memref<1x640xf32, #tpu.memory_space<hbm>> -> memref<640xf32, #tpu.memory_space<hbm>>
      %dma_start3A_197 = tpu.memref_slice %arg5[%arg0, %mul3A_60] : memref<2x10240xf32, #tpu.memory_space<hbm>> -> memref<1x640xf32, #tpu.memory_space<hbm>>
      %dma_start3A_198 = tpu.memref_squeeze %dma_start3A_197 : memref<1x640xf32, #tpu.memory_space<hbm>> -> memref<640xf32, #tpu.memory_space<hbm>>
      tpu.enqueue_dma source(%arg11 : memref<640xf32, #tpu.memory_space<vmem>>) target(%dma_start3A_198 : memref<640xf32, #tpu.memory_space<hbm>>) target_semaphore(%run_scoped3A_195 : memref<!tpu.dma_semaphore, #tpu.memory_space<semaphore_mem>>)
      %dma_wait3A = tpu.memref_slice %arg5[%arg0, %mul3A_60] : memref<2x10240xf32, #tpu.memory_space<hbm>> -> memref<1x640xf32, #tpu.memory_space<hbm>>
      %dma_wait3A_199 = tpu.memref_squeeze %dma_wait3A : memref<1x640xf32, #tpu.memory_space<hbm>> -> memref<640xf32, #tpu.memory_space<hbm>>
      %dma_wait3A_200 = tpu.memref_slice %arg5[%arg0, %mul3A_60] : memref<2x10240xf32, #tpu.memory_space<hbm>> -> memref<1x640xf32, #tpu.memory_space<hbm>>
      %dma_wait3A_201 = tpu.memref_squeeze %dma_wait3A_200 : memref<1x640xf32, #tpu.memory_space<hbm>> -> memref<640xf32, #tpu.memory_space<hbm>>
      tpu.wait_dma2 semaphore(%run_scoped3A_195 : memref<!tpu.dma_semaphore, #tpu.memory_space<semaphore_mem>>) src(%arg11 : memref<640xf32, #tpu.memory_space<vmem>>) dst(%dma_wait3A_201 : memref<640xf32, #tpu.memory_space<hbm>>)
      tpu.yield
    }) : () -> ()
    return
  }
}

module attributes {stable_mosaic.version = 14 : i64} {
  func.func @_k2_body(%arg0: i32, %arg1: memref<2x1000x1xf32, #tpu.memory_space<vmem>>, %arg2: memref<1000x128xf32, #tpu.memory_space<vmem>>, %arg3: memref<1000x1xf32, #tpu.memory_space<vmem>>, %arg4: memref<1000x128xf32, #tpu.memory_space<vmem>>) attributes {dimension_semantics = [#tpu.dimension_semantics<arbitrary>], iteration_bounds = array<i64: 10>, scalar_prefetch = 0 : i64, scratch_operands = 0 : i64, tpu.core_type = #tpu.core_type<tc>, window_params = [{transform_indices = @transform_0, window_bounds = array<i64: 2, 1000, 1>}, {transform_indices = @transform_1, window_bounds = array<i64: 1000, 128>}, {transform_indices = @transform_2, window_bounds = array<i64: 1000, 1>}, {transform_indices = @transform_3, window_bounds = array<i64: 1000, 128>}]} {
    %get3A = arith.constant 0 : index
    %get3A_0 = arith.constant 0 : index
    %get3A_1 = arith.constant 0 : index
    %get3A_2 = vector.load %arg1[%get3A, %get3A_0, %get3A_1] : memref<2x1000x1xf32, #tpu.memory_space<vmem>>, vector<1x1000x1xf32>
    %get3A_3 = vector.shape_cast %get3A_2 : vector<1x1000x1xf32> to vector<1000x1xf32>
    %get3A_4 = arith.constant 1 : index
    %get3A_5 = arith.constant 0 : index
    %get3A_6 = arith.constant 0 : index
    %get3A_7 = vector.load %arg1[%get3A_4, %get3A_5, %get3A_6] : memref<2x1000x1xf32, #tpu.memory_space<vmem>>, vector<1x1000x1xf32>
    %get3A_8 = vector.shape_cast %get3A_7 : vector<1x1000x1xf32> to vector<1000x1xf32>
    %add3A = arith.addf %get3A_3, %get3A_8 : vector<1000x1xf32>
    %gt3A = arith.constant 0.000000e+00 : f32
    %gt3A_9 = vector.broadcast %gt3A : f32 to vector<1000x1xf32>
    %gt3A_10 = arith.cmpf ogt, %add3A, %gt3A_9 : vector<1000x1xf32>
    %jit3A = arith.constant 1.000000e+00 : f32
    %broadcast_in_dim3A = vector.broadcast %jit3A : f32 to vector<1000x1xf32>
    %select_n3A = arith.select %gt3A_10, %add3A, %broadcast_in_dim3A : vector<1000x1xi1>, vector<1000x1xf32>
    %rsqrt3A = math.rsqrt %select_n3A : vector<1000x1xf32>
    %jit3A_11 = arith.constant 0.000000e+00 : f32
    %broadcast_in_dim3A_12 = vector.broadcast %jit3A_11 : f32 to vector<1000x1xf32>
    %select_n3A_13 = arith.select %gt3A_10, %rsqrt3A, %broadcast_in_dim3A_12 : vector<1000x1xi1>, vector<1000x1xf32>
    %swap3A = arith.constant 0 : index
    %swap3A_14 = arith.constant 0 : index
    %swap3A_15 = vector.load %arg3[%swap3A, %swap3A_14] : memref<1000x1xf32, #tpu.memory_space<vmem>>, vector<1000x1xf32>
    tpu.vector_store %arg3[%swap3A, %swap3A_14], %select_n3A_13 {strides = array<i32>} : memref<1000x1xf32, #tpu.memory_space<vmem>>, vector<1000x1xf32>,
    %get3A_16 = arith.constant 0 : index
    %get3A_17 = arith.constant 0 : index
    %get3A_18 = vector.load %arg2[%get3A_16, %get3A_17] : memref<1000x128xf32, #tpu.memory_space<vmem>>, vector<1000x128xf32>
    %mul3A = vector.broadcast %select_n3A_13 : vector<1000x1xf32> to vector<1000x128xf32>
    %mul3A_19 = arith.mulf %mul3A, %get3A_18 : vector<1000x128xf32>
    %swap3A_20 = arith.constant 0 : index
    %swap3A_21 = arith.constant 0 : index
    %swap3A_22 = vector.load %arg4[%swap3A_20, %swap3A_21] : memref<1000x128xf32, #tpu.memory_space<vmem>>, vector<1000x128xf32>
    tpu.vector_store %arg4[%swap3A_20, %swap3A_21], %mul3A_19 {strides = array<i32>} : memref<1000x128xf32, #tpu.memory_space<vmem>>, vector<1000x128xf32>,
    return
  }
  func.func @transform_0(%arg0: i32) -> (i32, i32, i32) {
    %c0_i32 = arith.constant 0 : i32
    %c0_i32_0 = arith.constant 0 : i32
    %c0_i32_1 = arith.constant 0 : i32
    return %c0_i32, %arg0, %c0_i32_0 : i32, i32, i32
  }
  func.func @transform_1(%arg0: i32) -> (i32, i32) {
    %c0_i32 = arith.constant 0 : i32
    %c0_i32_0 = arith.constant 0 : i32
    return %arg0, %c0_i32 : i32, i32
  }
  func.func @transform_2(%arg0: i32) -> (i32, i32) {
    %c0_i32 = arith.constant 0 : i32
    %c0_i32_0 = arith.constant 0 : i32
    return %arg0, %c0_i32 : i32, i32
  }
  func.func @transform_3(%arg0: i32) -> (i32, i32) {
    %c0_i32 = arith.constant 0 : i32
    %c0_i32_0 = arith.constant 0 : i32
    return %arg0, %c0_i32 : i32, i32
  }
}

module attributes {stable_mosaic.version = 14 : i64} {
  func.func @_k4_body(%arg0: i32, %arg1: memref<2x1000x128xf32, #tpu.memory_space<vmem>>, %arg2: memref<1000x1xf32, #tpu.memory_space<vmem>>, %arg3: memref<1000x128xf32, #tpu.memory_space<vmem>>, %arg4: memref<1000x128xf32, #tpu.memory_space<vmem>>) attributes {dimension_semantics = [#tpu.dimension_semantics<arbitrary>], iteration_bounds = array<i64: 10>, scalar_prefetch = 0 : i64, scratch_operands = 0 : i64, tpu.core_type = #tpu.core_type<tc>, window_params = [{transform_indices = @transform_0, window_bounds = array<i64: 2, 1000, 128>}, {transform_indices = @transform_1, window_bounds = array<i64: 1000, 1>}, {transform_indices = @transform_2, window_bounds = array<i64: 1000, 128>}, {transform_indices = @transform_3, window_bounds = array<i64: 1000, 128>}]} {
    %get3A = arith.constant 0 : index
    %get3A_0 = arith.constant 0 : index
    %get3A_1 = arith.constant 0 : index
    %get3A_2 = vector.load %arg1[%get3A, %get3A_0, %get3A_1] : memref<2x1000x128xf32, #tpu.memory_space<vmem>>, vector<1x1000x128xf32>
    %get3A_3 = vector.shape_cast %get3A_2 : vector<1x1000x128xf32> to vector<1000x128xf32>
    %get3A_4 = arith.constant 1 : index
    %get3A_5 = arith.constant 0 : index
    %get3A_6 = arith.constant 0 : index
    %get3A_7 = vector.load %arg1[%get3A_4, %get3A_5, %get3A_6] : memref<2x1000x128xf32, #tpu.memory_space<vmem>>, vector<1x1000x128xf32>
    %get3A_8 = vector.shape_cast %get3A_7 : vector<1x1000x128xf32> to vector<1000x128xf32>
    %add3A = arith.addf %get3A_3, %get3A_8 : vector<1000x128xf32>
    %get3A_9 = arith.constant 0 : index
    %get3A_10 = arith.constant 0 : index
    %get3A_11 = vector.load %arg2[%get3A_9, %get3A_10] : memref<1000x1xf32, #tpu.memory_space<vmem>>, vector<1000x1xf32>
    %neg3A = arith.constant 0.000000e+00 : f32
    %neg3A_12 = vector.broadcast %neg3A : f32 to vector<1000x1xf32>
    %neg3A_13 = arith.subf %neg3A_12, %get3A_11 : vector<1000x1xf32>
    %mul3A = vector.broadcast %neg3A_13 : vector<1000x1xf32> to vector<1000x128xf32>
    %mul3A_14 = arith.mulf %mul3A, %add3A : vector<1000x128xf32>
    %swap3A = arith.constant 0 : index
    %swap3A_15 = arith.constant 0 : index
    %swap3A_16 = vector.load %arg3[%swap3A, %swap3A_15] : memref<1000x128xf32, #tpu.memory_space<vmem>>, vector<1000x128xf32>
    tpu.vector_store %arg3[%swap3A, %swap3A_15], %mul3A_14 {strides = array<i32>} : memref<1000x128xf32, #tpu.memory_space<vmem>>, vector<1000x128xf32>,
    %mul3A_17 = vector.broadcast %get3A_11 : vector<1000x1xf32> to vector<1000x128xf32>
    %mul3A_18 = arith.mulf %mul3A_17, %mul3A_14 : vector<1000x128xf32>
    %swap3A_19 = arith.constant 0 : index
    %swap3A_20 = arith.constant 0 : index
    %swap3A_21 = vector.load %arg4[%swap3A_19, %swap3A_20] : memref<1000x128xf32, #tpu.memory_space<vmem>>, vector<1000x128xf32>
    tpu.vector_store %arg4[%swap3A_19, %swap3A_20], %mul3A_18 {strides = array<i32>} : memref<1000x128xf32, #tpu.memory_space<vmem>>, vector<1000x128xf32>,
    return
  }
  func.func @transform_0(%arg0: i32) -> (i32, i32, i32) {
    %c0_i32 = arith.constant 0 : i32
    %c0_i32_0 = arith.constant 0 : i32
    %c0_i32_1 = arith.constant 0 : i32
    return %c0_i32, %arg0, %c0_i32_0 : i32, i32, i32
  }
  func.func @transform_1(%arg0: i32) -> (i32, i32) {
    %c0_i32 = arith.constant 0 : i32
    %c0_i32_0 = arith.constant 0 : i32
    return %arg0, %c0_i32 : i32, i32
  }
  func.func @transform_2(%arg0: i32) -> (i32, i32) {
    %c0_i32 = arith.constant 0 : i32
    %c0_i32_0 = arith.constant 0 : i32
    return %arg0, %c0_i32 : i32, i32
  }
  func.func @transform_3(%arg0: i32) -> (i32, i32) {
    %c0_i32 = arith.constant 0 : i32
    %c0_i32_0 = arith.constant 0 : i32
    return %arg0, %c0_i32 : i32, i32
  }
}

module attributes {stable_mosaic.version = 14 : i64} {
  func.func @_k6_body(%arg0: i32, %arg1: memref<1000x128xf32, #tpu.memory_space<vmem>>, %arg2: memref<1000x128xf32, #tpu.memory_space<vmem>>, %arg3: memref<2x1000x128xf32, #tpu.memory_space<vmem>>, %arg4: memref<1000x1xf32, #tpu.memory_space<vmem>>, %arg5: memref<3x128x128xf32, #tpu.memory_space<vmem>>, %arg6: memref<1x128xf32, #tpu.memory_space<vmem>>, %arg7: memref<1000x128xf32, #tpu.memory_space<vmem>>) attributes {dimension_semantics = [#tpu.dimension_semantics<arbitrary>], iteration_bounds = array<i64: 10>, scalar_prefetch = 0 : i64, scratch_operands = 0 : i64, tpu.core_type = #tpu.core_type<tc>, window_params = [{transform_indices = @transform_0, window_bounds = array<i64: 1000, 128>}, {transform_indices = @transform_1, window_bounds = array<i64: 1000, 128>}, {transform_indices = @transform_2, window_bounds = array<i64: 2, 1000, 128>}, {transform_indices = @transform_3, window_bounds = array<i64: 1000, 1>}, {pipeline_mode = #tpu.pipeline_mode<synchronous>, transform_indices = @transform_4, window_bounds = array<i64: 3, 128, 128>}, {pipeline_mode = #tpu.pipeline_mode<synchronous>, transform_indices = @transform_5, window_bounds = array<i64: 1, 128>}, {transform_indices = @transform_6, window_bounds = array<i64: 1000, 128>}]} {
    %get3A = arith.constant 0 : index
    %get3A_0 = arith.constant 0 : index
    %get3A_1 = arith.constant 0 : index
    %get3A_2 = vector.load %arg3[%get3A, %get3A_0, %get3A_1] : memref<2x1000x128xf32, #tpu.memory_space<vmem>>, vector<1x1000x128xf32>
    %get3A_3 = vector.shape_cast %get3A_2 : vector<1x1000x128xf32> to vector<1000x128xf32>
    %get3A_4 = arith.constant 1 : index
    %get3A_5 = arith.constant 0 : index
    %get3A_6 = arith.constant 0 : index
    %get3A_7 = vector.load %arg3[%get3A_4, %get3A_5, %get3A_6] : memref<2x1000x128xf32, #tpu.memory_space<vmem>>, vector<1x1000x128xf32>
    %get3A_8 = vector.shape_cast %get3A_7 : vector<1x1000x128xf32> to vector<1000x128xf32>
    %add3A = arith.addf %get3A_3, %get3A_8 : vector<1000x128xf32>
    %get3A_9 = arith.constant 0 : index
    %get3A_10 = arith.constant 0 : index
    %get3A_11 = vector.load %arg1[%get3A_9, %get3A_10] : memref<1000x128xf32, #tpu.memory_space<vmem>>, vector<1000x128xf32>
    %get3A_12 = arith.constant 0 : index
    %get3A_13 = arith.constant 0 : index
    %get3A_14 = vector.load %arg2[%get3A_12, %get3A_13] : memref<1000x128xf32, #tpu.memory_space<vmem>>, vector<1000x128xf32>
    %get3A_15 = arith.constant 0 : index
    %get3A_16 = arith.constant 0 : index
    %get3A_17 = vector.load %arg4[%get3A_15, %get3A_16] : memref<1000x1xf32, #tpu.memory_space<vmem>>, vector<1000x1xf32>
    %mul3A = arith.constant -2.000000e+00 : f32
    %mul3A_18 = vector.broadcast %mul3A : f32 to vector<1000x1xf32>
    %mul3A_19 = arith.mulf %mul3A_18, %get3A_17 : vector<1000x1xf32>
    %mul3A_20 = vector.broadcast %mul3A_19 : vector<1000x1xf32> to vector<1000x128xf32>
    %mul3A_21 = arith.mulf %mul3A_20, %add3A : vector<1000x128xf32>
    %sub3A = arith.subf %mul3A_21, %get3A_11 : vector<1000x128xf32>
    %get3A_22 = arith.constant 0 : index
    %get3A_23 = arith.constant 0 : index
    %get3A_24 = arith.constant 0 : index
    %get3A_25 = vector.load %arg5[%get3A_22, %get3A_23, %get3A_24] : memref<3x128x128xf32, #tpu.memory_space<vmem>>, vector<1x128x128xf32>
    %get3A_26 = vector.shape_cast %get3A_25 : vector<1x128x128xf32> to vector<128x128xf32>
    %dot_general3A = arith.constant dense<0.000000e+00> : vector<1000x128xf32>
    %dot_general3A_27 = tpu.matmul %get3A_11, %get3A_26, %dot_general3A {dimension_numbers = #tpu.dot_dimension_numbers<[1], [0], [0], [1], [0, 0, 1, 1], [], []>, transpose_lhs_hint = false} : vector<1000x128xf32>, vector<128x128xf32>, vector<1000x128xf32> -> vector<1000x128xf32>
    %get3A_28 = arith.constant 1 : index
    %get3A_29 = arith.constant 0 : index
    %get3A_30 = arith.constant 0 : index
    %get3A_31 = vector.load %arg5[%get3A_28, %get3A_29, %get3A_30] : memref<3x128x128xf32, #tpu.memory_space<vmem>>, vector<1x128x128xf32>
    %get3A_32 = vector.shape_cast %get3A_31 : vector<1x128x128xf32> to vector<128x128xf32>
    %dot_general3A_33 = arith.constant dense<0.000000e+00> : vector<1000x128xf32>
    %dot_general3A_34 = tpu.matmul %get3A_14, %get3A_32, %dot_general3A_33 {dimension_numbers = #tpu.dot_dimension_numbers<[1], [0], [0], [1], [0, 0, 1, 1], [], []>, transpose_lhs_hint = false} : vector<1000x128xf32>, vector<128x128xf32>, vector<1000x128xf32> -> vector<1000x128xf32>
    %add3A_35 = arith.addf %dot_general3A_27, %dot_general3A_34 : vector<1000x128xf32>
    %get3A_36 = arith.constant 2 : index
    %get3A_37 = arith.constant 0 : index
    %get3A_38 = arith.constant 0 : index
    %get3A_39 = vector.load %arg5[%get3A_36, %get3A_37, %get3A_38] : memref<3x128x128xf32, #tpu.memory_space<vmem>>, vector<1x128x128xf32>
    %get3A_40 = vector.shape_cast %get3A_39 : vector<1x128x128xf32> to vector<128x128xf32>
    %dot_general3A_41 = arith.constant dense<0.000000e+00> : vector<1000x128xf32>
    %dot_general3A_42 = tpu.matmul %sub3A, %get3A_40, %dot_general3A_41 {dimension_numbers = #tpu.dot_dimension_numbers<[1], [0], [0], [1], [0, 0, 1, 1], [], []>, transpose_lhs_hint = false} : vector<1000x128xf32>, vector<128x128xf32>, vector<1000x128xf32> -> vector<1000x128xf32>
    %add3A_43 = arith.addf %add3A_35, %dot_general3A_42 : vector<1000x128xf32>
    %get3A_44 = arith.constant 0 : index
    %get3A_45 = arith.constant 0 : index
    %get3A_46 = vector.load %arg6[%get3A_44, %get3A_45] : memref<1x128xf32, #tpu.memory_space<vmem>>, vector<1x128xf32>
    %add3A_47 = vector.broadcast %get3A_46 : vector<1x128xf32> to vector<1000x128xf32>
    %add3A_48 = arith.addf %add3A_43, %add3A_47 : vector<1000x128xf32>
    %swap3A = arith.constant 0 : index
    %swap3A_49 = arith.constant 0 : index
    %swap3A_50 = vector.load %arg7[%swap3A, %swap3A_49] : memref<1000x128xf32, #tpu.memory_space<vmem>>, vector<1000x128xf32>
    tpu.vector_store %arg7[%swap3A, %swap3A_49], %add3A_48 {strides = array<i32>} : memref<1000x128xf32, #tpu.memory_space<vmem>>, vector<1000x128xf32>,
    return
  }
  func.func @transform_0(%arg0: i32) -> (i32, i32) {
    %c0_i32 = arith.constant 0 : i32
    %c0_i32_0 = arith.constant 0 : i32
    return %arg0, %c0_i32 : i32, i32
  }
  func.func @transform_1(%arg0: i32) -> (i32, i32) {
    %c0_i32 = arith.constant 0 : i32
    %c0_i32_0 = arith.constant 0 : i32
    return %arg0, %c0_i32 : i32, i32
  }
  func.func @transform_2(%arg0: i32) -> (i32, i32, i32) {
    %c0_i32 = arith.constant 0 : i32
    %c0_i32_0 = arith.constant 0 : i32
    %c0_i32_1 = arith.constant 0 : i32
    return %c0_i32, %arg0, %c0_i32_0 : i32, i32, i32
  }
  func.func @transform_3(%arg0: i32) -> (i32, i32) {
    %c0_i32 = arith.constant 0 : i32
    %c0_i32_0 = arith.constant 0 : i32
    return %arg0, %c0_i32 : i32, i32
  }
  func.func @transform_4(%arg0: i32) -> (i32, i32, i32) {
    %c0_i32 = arith.constant 0 : i32
    %c0_i32_0 = arith.constant 0 : i32
    %c0_i32_1 = arith.constant 0 : i32
    %c0_i32_2 = arith.constant 0 : i32
    return %c0_i32, %c0_i32_0, %c0_i32_1 : i32, i32, i32
  }
  func.func @transform_5(%arg0: i32) -> (i32, i32) {
    %c0_i32 = arith.constant 0 : i32
    %c0_i32_0 = arith.constant 0 : i32
    %c0_i32_1 = arith.constant 0 : i32
    return %c0_i32, %c0_i32_0 : i32, i32
  }
  func.func @transform_6(%arg0: i32) -> (i32, i32) {
    %c0_i32 = arith.constant 0 : i32
    %c0_i32_0 = arith.constant 0 : i32
    return %arg0, %c0_i32 : i32, i32
  }
}

</mosaic_0001>

<sc_bundles>
// kernel: kernel.11.cloned.1.call-start
scs
__scs_entry_jumppad:
0x0: {  	(pc) =	sbr.rel $0x88, $3  }
0x1: {  	(tag) =	ssettag $0x0;
	lr =	simm.s32 $0x1  }
0x2: {  	[smem:$0x3F9D] =	sst lr;
	_ =	strace $0xD0000000  }
0x3: {  	_ = 	snop  }
0x4: {  	_ = 	snop  }
0x5: {  	_ = 	snop  }
0x6: {  	_ = 	snop  }
0x7: {  	_ = 	snop  }
__scs_overlays_trampoline_lowered:
0x8: {  	[smem:$0x3FAC] =	sst s0  }
0x9: {  	[smem:$0x3FAD] =	sst s1  }
0xa: {  	[smem:$0x3FAE] =	sst s2  }
0xb: {  	[smem:$0x3FAF] =	sst s3  }
0xc: {  	[smem:$0x3FB0] =	sst s4  }
0xd: {  	[smem:$0x3FB1] =	sst s5  }
0xe: {  	[smem:$0x3FB2] =	sst s6  }
0xf: {  	[smem:$0x3FB3] =	sst s7  }
0x10: {  	[smem:$0x3FB4] =	sst s8  }
0x11: {  	[smem:$0x3FB5] =	sst s9;
	s0 =	simm.s32 @!p0 $0x0  }
0x12: {  	s1 =	sld [smem:$0x3F9B];
	s0 =	simm.s32 @p0 $0x1  }
0x13: {  	[smem:$0x3FB6] =	sst s0;
	s0 =	simm.s32 @!p1 $0x0  }
0x14: {  	s2 =	sld [smem:$0x3F9A];
	s0 =	simm.s32 @p1 $0x1  }
0x15: {  	[smem:$0x3FB7] =	sst s0;
	s0 =	simm.s32 @!p2 $0x0  }
0x16: {  	s3 =	sld [smem:$0x3FDB];
	s0 =	simm.s32 @p2 $0x1  }
0x17: {  	s4 =	simm.s32 $0x1BF5;
	[smem:$0x3FB9] =	sst s0  }
0x18: {  	s0 =	sld [smem:$0x3F9C];
	_ =	swait.ge [sflag:s4], $0x0  }
0x19: {  	s7 =	sld [smem:$0x3F9D]  }
0x1a: {  	s8 =	sadd.s32 $0xFFFFE003, lr  }
0x1b: {  	s9 =	sadd.s32 $0xFFFFFEF7, lr;
	s5 =	simm.s32 $0xFFFFFFFF;
	p2 =	slt.u32 s8, $0xFFFFF086  }
0x1c: {  	p1 =	slt.u32 s9, $0xF7A;
	s5 =	simm.s32 @!p2 $0x0  }
0x1d: {  	s5 =	simm.s32 @p1 $0x1;
	p0 =	seq.s32 s7, s2  }
0x1e: {  	s7 =	smul.u32 @!p0 $0xF7A, s2;
	p2 =	seq.s32 @!p0 s5, $0x0  }
0x1f: {  	s9 =	smul.u32 $0xF7A, s1;
	s8 =	simm.s32 @!p0 $0x1BF5;
	p2 =	por !p2, p0  }
0x20: {  	[sflag:s8] =	ssyncset.s32 @!p0 $0xFFFFF086;
	s6 =	sadd.s32 @!p0 s3, s7;
	s7 =	simm.s32 @!p0 $0x108  }
0x21: {  	s3 =	sadd.s32 s3, s9;
	s6 =	sadd.s32 @!p0 $0x88, s6;
	s7 =	simm.s32 @p2 $0x1082  }
0x22: {  	[simem:s7], [sflag:s8] =	dma.local @!p0 [hbm:s6], $0xF7A  }
0x23: {  	s9 =	sor.u32 $0xD0000000, s2;
	s6 =	simm.s32 $0x108;
	_ =	swait.ge @!p0 [sflag:s8], $0x0  }
0x24: {  	s3 =	sadd.s32 $0x88, s3;
	s6 =	simm.s32 @!p1 $0x1082;
	[sflag:s4] =	ssyncset.s32 $0xFFFFF086  }
0x25: {  	[simem:s6], [sflag:s4] =	dma.local [hbm:s3], $0xF7A  }
0x26: {  	[smem:$0x3F9D] =	sst s1;
	(tag) =	ssettag s2;
	_ =	strace s9  }
0x27: {  	s1 =	sld [smem:$0x3FAD]  }
0x28: {  	s2 =	sld [smem:$0x3FAE]  }
0x29: {  	s4 =	sld [smem:$0x3FB0]  }
0x2a: {  	p0 =	seq.s32 s5, $0x0;
	s5 =	sld [smem:$0x3FB1]  }
0x2b: {  	s6 =	sld [smem:$0x3FB2]  }
0x2c: {  	s7 =	sld [smem:$0x3FB3]  }
0x2d: {  	s3 =	simm.s32 $0x108;
	s8 =	sld [smem:$0x3FB4]  }
0x2e: {  	s3 =	simm.s32 @!p0 $0x1082;
	s9 =	sld [smem:$0x3FB5]  }
0x2f: {  	lr =	sadd.s32 s0, s3;
	s0 =	sld [smem:$0x3FAC]  }
0x30: {  	s3 =	sld [smem:$0x3FAF]  }
0x31: {  	[smem:$0x3FB8] =	sst s10  }
0x32: {  	s10 =	sld [smem:$0x3FB6];
	_ =	sdelay $0x3  }
0x33: {  	p0 =	seq.s32 s10, $0x1;
	s10 =	sld [smem:$0x3FB8];
	_ =	sdelay $0x3  }
0x34: {  	[smem:$0x3FB8] =	sst s10  }
0x35: {  	s10 =	sld [smem:$0x3FB7];
	_ =	sdelay $0x3  }
0x36: {  	p1 =	seq.s32 s10, $0x1;
	s10 =	sld [smem:$0x3FB8];
	_ =	sdelay $0x3  }
0x37: {  	[smem:$0x3FB8] =	sst s10  }
0x38: {  	s10 =	sld [smem:$0x3FB9]  }
0x39: {  	_ = 	snop;
	(pc) =	sbr.ind lr, $3  }
0x3a: {  	_ = 	snop  }
0x3b: {  	_ = 	snop  }
0x3c: {  	p2 =	seq.s32 s10, $0x1;
	s10 =	sld [smem:$0x3FB8]  }
0x3d: {  	_ =	shalt  }
0x3e: {  	_ =	shalt  }
0x3f: {  	_ =	shalt  }
0x40: {  	_ =	shalt  }
0x41: {  	_ =	shalt  }
0x42: {  	_ =	shalt  }
0x43: {  	_ =	shalt  }
0x44: {  	_ =	shalt  }
0x45: {  	_ =	shalt  }
0x46: {  	_ =	shalt  }
0x47: {  	_ =	shalt  }
0x48: {  	_ =	shalt  }
0x49: {  	_ =	shalt  }
0x4a: {  	_ =	shalt  }
0x4b: {  	_ =	shalt  }
0x4c: {  	_ =	shalt  }
0x4d: {  	_ =	shalt  }
0x4e: {  	_ =	shalt  }
0x4f: {  	_ =	shalt  }
0x50: {  	_ =	shalt  }
0x51: {  	_ =	shalt  }
0x52: {  	_ =	shalt  }
0x53: {  	_ =	shalt  }
0x54: {  	_ =	shalt  }
0x55: {  	_ =	shalt  }
0x56: {  	_ =	shalt  }
0x57: {  	_ =	shalt  }
0x58: {  	_ =	shalt  }
0x59: {  	_ =	shalt  }
0x5a: {  	_ =	shalt  }
0x5b: {  	_ =	shalt  }
0x5c: {  	_ =	shalt  }
0x5d: {  	_ =	shalt  }
0x5e: {  	_ =	shalt  }
0x5f: {  	_ =	shalt  }
0x60: {  	_ =	shalt  }
0x61: {  	_ =	shalt  }
0x62: {  	_ =	shalt  }
0x63: {  	_ =	shalt  }
0x64: {  	_ =	shalt  }
0x65: {  	_ =	shalt  }
0x66: {  	_ =	shalt  }
0x67: {  	_ =	shalt  }
0x68: {  	_ =	shalt  }
0x69: {  	_ =	shalt  }
0x6a: {  	_ =	shalt  }
0x6b: {  	_ =	shalt  }
0x6c: {  	_ =	shalt  }
0x6d: {  	_ =	shalt  }
0x6e: {  	_ =	shalt  }
0x6f: {  	_ =	shalt  }
0x70: {  	_ =	shalt  }
0x71: {  	_ =	shalt  }
0x72: {  	_ =	shalt  }
0x73: {  	_ =	shalt  }
0x74: {  	_ =	shalt  }
0x75: {  	_ =	shalt  }
0x76: {  	_ =	shalt  }
0x77: {  	_ =	shalt  }
0x78: {  	_ =	shalt  }
0x79: {  	_ =	shalt  }
0x7a: {  	_ =	shalt  }
0x7b: {  	_ =	shalt  }
0x7c: {  	_ =	shalt  }
0x7d: {  	_ =	shalt  }
0x7e: {  	_ =	shalt  }
0x7f: {  	_ =	shalt  }
0x80: {  	_ =	shalt  }
0x81: {  	_ =	shalt  }
0x82: {  	_ =	shalt  }
0x83: {  	_ =	shalt  }
0x84: {  	_ =	shalt  }
0x85: {  	_ =	shalt  }
0x86: {  	_ =	shalt  }
0x87: {  	_ =	shalt  }
.Lfunc_end0:
.L_simem_size_0:
called_computation.1_lowered:
.L_overlay_start_0:
0x88: {  	s2 =	sld [smem:$0x3FD9]  }
0x89: {  	s3 =	sld [smem:$0x3FFE];
	_ =	sdelay $0x1  }
0x8a: {  	s1 =	srdreg.scid  }
0x8b: {  	s0 =	sand.u32 $0x1, s1  }
0x8c: {  	s14 =	sshll.u32 s0, $0xA;
	s2 =	sadd.s32 s3, s2  }
0x8d: {  	s2 =	sadd.s32 s2, s14  }
0x8e: {  	[smem:$0x3FC4] =	sst s2  }
0x8f: {  	_ = 	snop  }
0x90: {  	s2 =	sld [smem:$0x3FD0];
	_ =	sdelay $0x2  }
0x91: {  	s15 =	simm.s32 $0xA;
	s4 =	simm.s32 $0x10  }
0x92: {  	[smem:s4], [sflag:s15] =	dma.local [hbm:s2], $0x1  }
0x93: {  	_ =	swait.eq [sflag:s15], $0x1  }
0x94: {  	[sflag:s15] =	ssyncset.done $0x0  }
0x95: {  	[sflag:s15] =	ssyncadd.s32 $0xFFFFFFFF  }
0x96: {  	s16 =	sld [smem:$0x10];
	(tm) =	ssettm $0x1  }
0x97: {  	s17 =	sld [smem:$0x3FFB];
	_ =	sdelay $0x3  }
0x98: {  	_ =	strace s17  }
0x99: {  	s3 =	sld [smem:$0x3FFC];
	_ =	sdelay $0x3  }
0x9a: {  	_ =	strace s3  }
0x9b: {  	s3 =	sld [smem:$0x3FFD];
	_ =	sdelay $0x3  }
0x9c: {  	_ =	strace s3  }
0x9d: {  	_ =	strace $0x8FFFFFFF  }
0x9e: {  	s18 =	sld [smem:$0x3FDB];
	_ =	sdelay $0x1  }
0x9f: {  	s19 =	simm.s32 $_scs_section_size  }
0xa0: {  	s5 =	simm.s32 $_size__tile_overlayer_lowered;
	s6 =	simm.s32 $_tile_overlayer_lowered  }
0xa1: {  	s22 =	simm.s32 $0x1BFF;
	s21 =	sshll.u32 s6, $0x1;
	s3 =	sadd.s32 s19, s18  }
0xa2: {  	s7 =	simm.s32 $0x0;
	s20 =	sshll.u32 s5, $0x1;
	s5 =	sadd.s32 s21, s3  }
0xa3: {  	[timem:s7], [sflag:s22] =	dma.local [hbm:s5], s20  }
0xa4: {  	_ =	swait.ge [sflag:s22], s20  }
0xa5: {  	s4 =	ssub.s32 $0x0, s20;
	[sflag:s22] =	ssyncset.done $0x0  }
0xa6: {  	[sflag:s22] =	ssyncadd.s32 s4;
	_ =	sdelay $0x1  }
0xa7: {  	s23 =	simm.s32 $0x1B8B  }
0xa8: {  	_ =	swait.ge [sflag:s23], $0x1  }
0xa9: {  	[sflag:s23] =	ssyncset.done $0x0  }
0xaa: {  	s25 =	simm.s32 $0x1B8E;
	s24 =	sld [smem:$0x3FFE];
	[sflag:s23] =	ssyncadd.s32 $0xFFFFFFFF  }
0xab: {  	s26 =	simm.s32 $execute0_lowered;
	[smem:$0x3FD2] =	sst s25  }
0xac: {  	s5 =	sshll.u32 s26, $0x1;
	_ =	strace $0x80000049;
	[dreg:$0x1] =	wrdreg $0xFFFFFFFF  }
0xad: {  	s28 =	simm.s32 $_size_execute0_lowered;
	s3 =	sadd.s32 s3, s5;
	[dreg:$0x0] =	wrdreg $0x0  }
0xae: {  	s5 =	sshll.u32 s28, $0x1;
	[dreg:$0x2] =	wrdreg s3  }
0xaf: {  	[dreg:$0x3] =	wrdreg s5  }
0xb0: {  	[dreg:$0x4] =	wrdreg $0xC0  }
0xb1: {  	_ =	task [dreg:s7], $0x5FFFF  }
0xb2: {  	[dreg:$0x1] =	wrdreg $0xFFFFFFFF  }
0xb3: {  	[dreg:$0x0] =	wrdreg $0x60  }
0xb4: {  	[dreg:$0x2] =	wrdreg s16  }
0xb5: {  	[dreg:$0x3] =	wrdreg s24  }
0xb6: {  	[dreg:$0x4] =	wrdreg $0x82000  }
0xb7: {  	[dreg:$0x5] =	wrdreg $0x9  }
0xb8: {  	_ =	task.clear_ibuf [dreg:s7], $0x6FFFF;
	_ =	strace $0x90000049  }
0xb9: {  	s29 =	simm.s32 $0x9;
	_ =	strace $0x8000004B  }
0xba: {  	_ =	swait.ge [sflag:s29], $0x1  }
0xbb: {  	[sflag:s29] =	ssyncadd.s32 $0xFFFFFFFF  }
0xbc: {  	_ =	strace $0x9000004B  }
0xbd: {  	_ =	sfence  }
0xbe: {  	s30 =	sld [smem:$0x0];
	_ =	sdelay $0x2  }
0xbf: {  	s31 =	sshll.u32 s1, $0xD;
	s1 =	sshrl.u32 s1, $0x2  }
0xc0: {  	s3 =	sand.u32 $0x4000, s31;
	s1 =	sadd.s32 s1, s30  }
0xc1: {  	s0 =	sor.u32 s3, s0;
	s1 =	sshll.u32 s1, $0x11  }
0xc2: {  	s0 =	sor.u32 s1, s0  }
0xc3: {  	s0 =	sadd.s32 $0x8F2B, s0  }
0xc4: {  	[sflag:s0] =	ssyncadd.remote.s32 $0x1  }
0xc5: {  	_ =	sfence.sel $0xFFFF  }
0xc6: {  	[dreg:$0x0] =	wrdreg $0xFFFFFFFF;
	(pc) =	sbr.abs _section_cstart, $3  }
0xc7: {  	[dreg:$0x1] =	wrdreg $0xFFFFFFFF  }
0xc8: {  	_ =	task.clear_ibuf [dreg:s7], $0x2FFFF;
	_ =	strace $0x9FFFFFFF  }
0xc9: {  	(tm) =	ssettm $0x7FFFFFFF  }
tec
execute0_lowered:
.L_overlay_start_1:
0x0: {  	(tag) =	ssettag $0x1  }
0x1: {  	s0 =	rddreg [dreg:$0x0]  }
0x2: {  	s1 =	srdreg.scid;
	s3 =	rddreg [dreg:$0x1];
	s2 =	simm.s32 $0x0  }
0x3: {  	s17 =	stileid.u32;
	s29 =	simm.s32 $0x180;
	s30 =	simm.s32 $0x0  }
0x4: {  	s4 =	sand.u32 $0x1, s1;
	[smem:$0x7FF] =	sst s2;
	s6 =	smul.u32 $0x14000, s17  }
0x5: {  	s7 =	sadd.s32 $0x20600, s3;
	s20 =	sshll.u32 s17, $0x1;
	s1 =	ssub.s32 $0x2, s4  }
0x6: {  	s17 =	smul.u32 $0x50000, s17;
	s5 =	sshrl.u32 s1, $0x1;
	s8 =	sor.u32 $0x2000, s6  }
0x7: {  	s9 =	sadd.s32 $0x4000, s6;
	s10 =	sadd.s32 $0x6000, s6;
	s11 =	sadd.s32 $0x8000, s6  }
0x8: {  	s1 =	ssub.s32 s1, s5;
	s5 =	sor.u32 s4, s20;
	s4 =	smul.u32 $0x140000, s4  }
0x9: {  	s13 =	sadd.s32 $0xA000, s6;
	s14 =	sadd.s32 $0xC000, s6;
	s25 =	sadd.s32 $0xE000, s6  }
0xa: {  	s26 =	sadd.s32 $0x10000, s6;
	s1 =	smax.u32 s1, $0x1;
	s12 =	sadd.s32 s6, s4  }
0xb: {  	s15 =	sadd.s32 s4, s8;
	s6 =	sadd.s32 $0x12000, s6;
	s22 =	sadd.s32 s4, s9  }
0xc: {  	s23 =	sadd.s32 s4, s10;
	s16 =	sadd.s32 s4, s11;
	s18 =	sadd.s32 s4, s13  }
0xd: {  	s19 =	sadd.s32 s4, s14;
	s20 =	sadd.s32 s4, s25;
	s12 =	sshrl.u32 s12, $0x3  }
0xe: {  	s15 =	sshrl.u32 s15, $0x3;
	s24 =	sshrl.u32 s23, $0x3;
	s12 =	sadd.s32 s7, s12  }
0xf: {  	s31 =	sshrl.u32 s16, $0x3;
	s21 =	sadd.s32 s7, s15;
	[dreg:$0x4] =	wrdreg s12  }
0x10: {  	s16 =	sadd.s32 s7, s31;
	[dreg:$0x5] =	wrdreg s21;
	s12 =	sshrl.u32 s22, $0x3  }
0x11: {  	[dreg:$0x8] =	wrdreg s16;
	s22 =	sshrl.u32 s20, $0x3;
	s12 =	sadd.s32 s7, s12  }
0x12: {  	s21 =	sshrl.u32 s19, $0x3;
	s23 =	sadd.s32 s7, s22;
	[dreg:$0x6] =	wrdreg s12  }
0x13: {  	s16 =	sadd.s32 $0x2000, s3;
	s12 =	sadd.s32 s7, s24;
	[dreg:$0xb] =	wrdreg s23  }
0x14: {  	s24 =	sadd.s32 s4, s26;
	[dreg:$0x7] =	wrdreg s12;
	s12 =	sshrl.u32 s18, $0x3  }
0x15: {  	s4 =	sadd.s32 s4, s6;
	s31 =	sshrl.u32 s24, $0x3;
	s12 =	sadd.s32 s7, s12  }
0x16: {  	s4 =	sshrl.u32 s4, $0x3;
	s15 =	sadd.s32 s7, s31;
	[dreg:$0x9] =	wrdreg s12  }
0x17: {  	s22 =	smul.u32 $0x2800, s5;
	s4 =	sadd.s32 s7, s4;
	[dreg:$0xc] =	wrdreg s15  }
0x18: {  	s5 =	simm.s32 $0x100;
	s12 =	sadd.s32 s7, s21;
	[dreg:$0xd] =	wrdreg s4  }
0x19: {  	s15 =	sadd.s32 $0x16600, s3;
	s7 =	sshrl.u32 s17, $0x2;
	[dreg:$0xa] =	wrdreg s12  }
0x1a: {  	s4 =	simm.s32 $0x5;
	s12 =	rddreg [dreg:$0x2];
	_ =	strace $0x8000004A  }
0x1b: {  	s3 =	sadd.s32 s7, s12;
	s18 =	sadd.s32 s8, s12;
	s19 =	sadd.s32 s9, s12  }
0x1c: {  	s20 =	sadd.s32 s10, s12;
	s21 =	sadd.s32 s11, s12;
	s23 =	sadd.s32 s13, s12  }
0x1d: {  	s24 =	sadd.s32 s14, s12;
	s25 =	sadd.s32 s25, s12;
	s26 =	sadd.s32 s26, s12  }
0x1e: {  	s28 =	sadd.s32 s6, s12;
	s13 =	sshrl.u32 s22, $0x3;
	[dreg:$0x13] =	wrdreg s1  }
0x1f: {  	s6 =	simm.s32 $0x7D;
	s7 =	simm.s32 $0x80;
	s8 =	simm.s32 $0x1  }
0x20: {  	s9 =	simm.s32 $0x4;
	[dreg:$0xe] =	wrdreg s3;
	s14 =	sadd.s32 s15, s13  }
0x21: {  	s17 =	sadd.s32 s16, s13;
	s3 =	sor.u32 $0x10, s13;
	[dreg:$0xf] =	wrdreg s14  }
0x22: {  	s11 =	simm.s32 $0x4200;
	[dreg:$0x10] =	wrdreg s17;
	s31 =	sadd.s32 s15, s3  }
0x23: {  	s13 =	simm.s32 $0x2;
	s3 =	sadd.s32 s16, s3;
	[dreg:$0x11] =	wrdreg s31  }
0x24: {  	v0 =	vimm.f32 $0.0e+00;
	s14 =	simm.s32 $0x3;
	[dreg:$0x12] =	wrdreg s3;
	s3 =	simm.s32 $0x200  }
.LBB2_1:
0x25: {  	s1 =	sand.u32 $0x7E00, s2  }
0x26: {  	s31 =	sand.u32 $0x70, s2;
	s1 =	sshrl.u32 s1, $0x2  }
0x27: {  	s10 =	simm.s32 $0x40;
	s1 =	sor.u32 s31, s1;
	s31 =	simm.s32 $0x0  }
.LBB2_2:
0x28: {  	p0 =	sne.s32 s10, $0x7FC0  }
0x29: {  	[tilespmem:s1+$0x200] =	vst v0;
	s31 =	sadd.s32 $0x10, s31;
	s1 =	smov.u32 s10;
	s10 =	sadd.s32 $0x40, s10  }
.Ltmp0:
0x2a: {  	(pc) =	sbr.rel @p0 .LBB2_2-.Ltmp0, $4  }
0x2b: {  	_ = 	snop  }
0x2c: {  	s1 =	sand.u32 $0x7E00, s1  }
0x2d: {  	s17 =	sand.u32 $0x70, s31;
	s1 =	sshrl.u32 s1, $0x2  }
0x2e: {  	s1 =	sor.u32 s17, s1  }
0x2f: {  	[tilespmem:s1+$0x200] =	vst v0;
	s17 =	rddreg [dreg:$0xe]  }
0x30: {  	[spmem:s17] =	stream.linear.scatter [tilespmem:s3], [sflag:$0x5], $0x2000, $0x38;
	[tilespmem:$0x1C200] =	vst v63  }
0x31: {  	_ =	swait.ge [sflag:s4], $0x2000  }
0x32: {  	[sflag:s4] =	ssyncset.done $0x0  }
0x33: {  	[sflag:s4] =	ssyncadd.s32 $0xFFFFE000  }
0x34: {  	[spmem:s18] =	stream.linear.scatter [tilespmem:s3], [sflag:$0x5], $0x2000, $0x38;
	[tilespmem:$0x1C200] =	vst v63  }
0x35: {  	_ =	swait.ge [sflag:s4], $0x2000  }
0x36: {  	[sflag:s4] =	ssyncset.done $0x0  }
0x37: {  	[sflag:s4] =	ssyncadd.s32 $0xFFFFE000  }
0x38: {  	[spmem:s19] =	stream.linear.scatter [tilespmem:s3], [sflag:$0x5], $0x2000, $0x38;
	[tilespmem:$0x1C200] =	vst v63  }
0x39: {  	_ =	swait.ge [sflag:s4], $0x2000  }
0x3a: {  	[sflag:s4] =	ssyncset.done $0x0  }
0x3b: {  	[sflag:s4] =	ssyncadd.s32 $0xFFFFE000  }
0x3c: {  	[spmem:s20] =	stream.linear.scatter [tilespmem:s3], [sflag:$0x5], $0x2000, $0x38;
	[tilespmem:$0x1C200] =	vst v63  }
0x3d: {  	_ =	swait.ge [sflag:s4], $0x2000  }
0x3e: {  	[sflag:s4] =	ssyncset.done $0x0  }
0x3f: {  	[sflag:s4] =	ssyncadd.s32 $0xFFFFE000  }
0x40: {  	[spmem:s21] =	stream.linear.scatter [tilespmem:s3], [sflag:$0x5], $0x2000, $0x38;
	[tilespmem:$0x1C200] =	vst v63  }
0x41: {  	_ =	swait.ge [sflag:s4], $0x2000  }
0x42: {  	[sflag:s4] =	ssyncset.done $0x0  }
0x43: {  	[sflag:s4] =	ssyncadd.s32 $0xFFFFE000  }
0x44: {  	[spmem:s23] =	stream.linear.scatter [tilespmem:s3], [sflag:$0x5], $0x2000, $0x38;
	[tilespmem:$0x1C200] =	vst v63  }
0x45: {  	_ =	swait.ge [sflag:s4], $0x2000  }
0x46: {  	[sflag:s4] =	ssyncset.done $0x0  }
0x47: {  	[sflag:s4] =	ssyncadd.s32 $0xFFFFE000  }
0x48: {  	[spmem:s24] =	stream.linear.scatter [tilespmem:s3], [sflag:$0x5], $0x2000, $0x38;
	[tilespmem:$0x1C200] =	vst v63  }
0x49: {  	_ =	swait.ge [sflag:s4], $0x2000  }
0x4a: {  	[sflag:s4] =	ssyncset.done $0x0  }
0x4b: {  	[sflag:s4] =	ssyncadd.s32 $0xFFFFE000  }
0x4c: {  	[spmem:s25] =	stream.linear.scatter [tilespmem:s3], [sflag:$0x5], $0x2000, $0x38;
	[tilespmem:$0x1C200] =	vst v63  }
0x4d: {  	_ =	swait.ge [sflag:s4], $0x2000  }
0x4e: {  	[sflag:s4] =	ssyncset.done $0x0  }
0x4f: {  	[sflag:s4] =	ssyncadd.s32 $0xFFFFE000  }
0x50: {  	[spmem:s26] =	stream.linear.scatter [tilespmem:s3], [sflag:$0x5], $0x2000, $0x38;
	[tilespmem:$0x1C200] =	vst v63  }
0x51: {  	_ =	swait.ge [sflag:s4], $0x2000  }
0x52: {  	[sflag:s4] =	ssyncset.done $0x0  }
0x53: {  	[sflag:s4] =	ssyncadd.s32 $0xFFFFE000  }
0x54: {  	[spmem:s28] =	stream.linear.scatter [tilespmem:s3], [sflag:$0x5], $0x2000, $0x38;
	[tilespmem:$0x1C200] =	vst v63  }
0x55: {  	_ =	swait.ge [sflag:s4], $0x2000  }
0x56: {  	[sflag:s4] =	ssyncset.done $0x0  }
0x57: {  	[sflag:s4] =	ssyncadd.s32 $0xFFFFE000  }
0x58: {  	[bflag:$0x0] =	sbarrier.arrive $0xFFFF  }
0x59: {  	s10 =	rddreg [dreg:$0xf]  }
0x5a: {  	[tilespmem:s2], [sflag:$0x5] =	stream.linear.gather [hbm4b:s10+s2], $0x80, $0x38;
	[tilespmem:$0x1C200] =	vst v63  }
0x5b: {  	_ =	swait.ge [sflag:s4], $0x80  }
0x5c: {  	[sflag:s4] =	ssyncset.done $0x0  }
0x5d: {  	s17 =	rddreg [dreg:$0x10];
	[sflag:s4] =	ssyncadd.s32 $0xFFFFFF80  }
0x5e: {  	[tilespmem:s5], [sflag:$0x5] =	stream.linear.gather [hbm4b:s17+s2], $0x80, $0x38;
	[tilespmem:$0x1C200] =	vst v63  }
0x5f: {  	_ =	swait.ge [sflag:s4], $0x80  }
0x60: {  	[sflag:s4] =	ssyncset.done $0x0  }
0x61: {  	[sflag:s4] =	ssyncadd.s32 $0xFFFFFF80  }
0x62: {  	[tilespmem:s3], [sflag:$0x1] =	stream.indirect.gather [hbm4b:s0+s6], $0x80, s2, s6, $0xb8;
	[tilespmem:$0x1C200] =	vst v63  }
0x63: {  	s10 =	rddreg [dreg:$0x11]  }
0x64: {  	[tilespmem:s7], [sflag:$0x4] =	stream.linear.gather [hbm4b:s10+s2], $0x80, $0x38;
	[tilespmem:$0x1C200] =	vst v63  }
0x65: {  	s1 =	simm.s32 $0x180;
	s10 =	rddreg [dreg:$0x12]  }
0x66: {  	[tilespmem:s1], [sflag:$0x4] =	stream.linear.gather [hbm4b:s10+s2], $0x80, $0x38;
	[tilespmem:$0x1C200] =	vst v63  }
0x67: {  	_ =	swait.ge [sflag:s8], $0x3E80  }
0x68: {  	[sflag:s8] =	ssyncset.done $0x0  }
0x69: {  	[sflag:s8] =	ssyncadd.s32 $0xFFFFC180  }
0x6a: {  	_ =	swait.ge [sflag:s9], $0x80  }
0x6b: {  	[sflag:s9] =	ssyncset.done $0x0  }
0x6c: {  	[sflag:s9] =	ssyncadd.s32 $0xFFFFFF80  }
0x6d: {  	_ =	swait.ge [sflag:s9], $0x80  }
0x6e: {  	s10 =	simm.s32 $0x100;
	[sflag:s9] =	ssyncset.done $0x0  }
0x6f: {  	s17 =	sand.u32 $0x7C00, s10;
	[sflag:s9] =	ssyncadd.s32 $0xFFFFFF80  }
0x70: {  	[tilespmem:s11], [sflag:$0x2] =	stream.indirect.gather [hbm4b:s0+s6], $0x80, s7, s6, $0xb8;
	[tilespmem:$0x1C200] =	vst v63  }
0x71: {  	s10 =	sand.u32 $0x300, s10;
	s17 =	sadd.s32 s22, s17  }
0x72: {  	[spmem:s12] =	stream.indirect.scatter.add.f32 [tilespmem:s3], [sflag:$0x5], $0x80, s5, s6, $0xb8;
	[tilespmem:$0x1C200] =	vst v63  }
0x73: {  	s10 =	sor.u32 s10, s17;
	_ =	swait.ge [sflag:s4], $0x3E80  }
0x74: {  	s10 =	sshrl.u32 s10, $0x3;
	[sflag:s4] =	ssyncset.done $0x0  }
0x75: {  	s17 =	sadd.s32 s15, s10;
	[sflag:s4] =	ssyncadd.s32 $0xFFFFC180  }
0x76: {  	[tilespmem:s2], [sflag:$0x3] =	stream.linear.gather [hbm4b:s17+s2], $0x80, $0x38;
	[tilespmem:$0x1C200] =	vst v63  }
0x77: {  	s10 =	sadd.s32 s16, s10  }
0x78: {  	[tilespmem:s5], [sflag:$0x3] =	stream.linear.gather [hbm4b:s10+s2], $0x80, $0x38;
	[tilespmem:$0x1C200] =	vst v63  }
0x79: {  	_ =	swait.ge [sflag:s13], $0x3E80  }
0x7a: {  	[sflag:s13] =	ssyncset.done $0x0  }
0x7b: {  	[sflag:s13] =	ssyncadd.s32 $0xFFFFC180  }
0x7c: {  	_ =	swait.ge [sflag:s14], $0x80  }
0x7d: {  	[sflag:s14] =	ssyncset.done $0x0  }
0x7e: {  	[sflag:s14] =	ssyncadd.s32 $0xFFFFFF80  }
0x7f: {  	_ =	swait.ge [sflag:s14], $0x80  }
0x80: {  	[sflag:s14] =	ssyncset.done $0x0  }
0x81: {  	s17 =	sand.u32 $0x7C00, s1;
	[sflag:s14] =	ssyncadd.s32 $0xFFFFFF80  }
0x82: {  	[tilespmem:s3], [sflag:$0x1] =	stream.indirect.gather [hbm4b:s0+s6], $0x80, s2, s6, $0xb8;
	[tilespmem:$0x1C200] =	vst v63  }
0x83: {  	s1 =	sand.u32 $0x380, s1;
	s10 =	sadd.s32 s22, s17  }
0x84: {  	[spmem:s12] =	stream.indirect.scatter.add.f32 [tilespmem:s11], [sflag:$0x5], $0x80, s29, s6, $0xb8;
	[tilespmem:$0x1C200] =	vst v63  }
0x85: {  	s1 =	sor.u32 s1, s10;
	_ =	swait.ge [sflag:s4], $0x3E80  }
0x86: {  	s31 =	simm.s32 $0x280;
	s1 =	sshrl.u32 s1, $0x3;
	[sflag:s4] =	ssyncset.done $0x0  }
0x87: {  	s17 =	sadd.s32 s15, s1;
	s1 =	sadd.s32 s16, s1;
	[sflag:s4] =	ssyncadd.s32 $0xFFFFC180  }
0x88: {  	[tilespmem:s7], [sflag:$0x4] =	stream.linear.gather [hbm4b:s17+s2], $0x80, $0x38;
	[tilespmem:$0x1C200] =	vst v63  }
.LBB2_4:
0x89: {  	p0 =	sne.s32 s31, $0x2780;
	s10 =	smov.u32 s31;
	s31 =	sadd.s32 $0x100, s31  }
0x8a: {  	[tilespmem:s29], [sflag:$0x4] =	stream.linear.gather [hbm4b:s1+s2], $0x80, $0x38;
	[tilespmem:$0x1C200] =	vst v63  }
0x8b: {  	_ =	swait.ge [sflag:s8], $0x3E80  }
0x8c: {  	[sflag:s8] =	ssyncset.done $0x0  }
0x8d: {  	[sflag:s8] =	ssyncadd.s32 $0xFFFFC180  }
0x8e: {  	_ =	swait.ge [sflag:s9], $0x80  }
0x8f: {  	[sflag:s9] =	ssyncset.done $0x0  }
0x90: {  	[sflag:s9] =	ssyncadd.s32 $0xFFFFFF80  }
0x91: {  	_ =	swait.ge [sflag:s9], $0x80  }
0x92: {  	[sflag:s9] =	ssyncset.done $0x0  }
0x93: {  	s1 =	sadd.s32 $0xFFFFFF80, s10;
	[sflag:s9] =	ssyncadd.s32 $0xFFFFFF80  }
0x94: {  	[tilespmem:s11], [sflag:$0x2] =	stream.indirect.gather [hbm4b:s0+s6], $0x80, s7, s6, $0xb8;
	[tilespmem:$0x1C200] =	vst v63  }
0x95: {  	s17 =	sand.u32 $0x7C00, s1;
	s1 =	sand.u32 $0x300, s1  }
0x96: {  	[spmem:s12] =	stream.indirect.scatter.add.f32 [tilespmem:s3], [sflag:$0x5], $0x80, s5, s6, $0xb8;
	[tilespmem:$0x1C200] =	vst v63  }
0x97: {  	s17 =	sadd.s32 s22, s17;
	_ =	swait.ge [sflag:s4], $0x3E80  }
0x98: {  	s1 =	sor.u32 s1, s17;
	[sflag:s4] =	ssyncset.done $0x0  }
0x99: {  	s1 =	sshrl.u32 s1, $0x3;
	[sflag:s4] =	ssyncadd.s32 $0xFFFFC180  }
0x9a: {  	s17 =	sadd.s32 s15, s1;
	s1 =	sadd.s32 s16, s1  }
0x9b: {  	[tilespmem:s2], [sflag:$0x3] =	stream.linear.gather [hbm4b:s17+s2], $0x80, $0x38;
	[tilespmem:$0x1C200] =	vst v63  }
0x9c: {  	_ = 	snop  }
0x9d: {  	[tilespmem:s5], [sflag:$0x3] =	stream.linear.gather [hbm4b:s1+s2], $0x80, $0x38;
	[tilespmem:$0x1C200] =	vst v63  }
0x9e: {  	_ =	swait.ge [sflag:s13], $0x3E80  }
0x9f: {  	[sflag:s13] =	ssyncset.done $0x0  }
0xa0: {  	[sflag:s13] =	ssyncadd.s32 $0xFFFFC180  }
0xa1: {  	_ =	swait.ge [sflag:s14], $0x80  }
0xa2: {  	[sflag:s14] =	ssyncset.done $0x0  }
0xa3: {  	[sflag:s14] =	ssyncadd.s32 $0xFFFFFF80  }
0xa4: {  	_ =	swait.ge [sflag:s14], $0x80  }
0xa5: {  	[sflag:s14] =	ssyncset.done $0x0  }
0xa6: {  	s1 =	sand.u32 $0x7C00, s10;
	[sflag:s14] =	ssyncadd.s32 $0xFFFFFF80  }
0xa7: {  	[tilespmem:s3], [sflag:$0x1] =	stream.indirect.gather [hbm4b:s0+s6], $0x80, s2, s6, $0xb8;
	[tilespmem:$0x1C200] =	vst v63  }
0xa8: {  	s10 =	sand.u32 $0x380, s10;
	s1 =	sadd.s32 s22, s1  }
0xa9: {  	[spmem:s12] =	stream.indirect.scatter.add.f32 [tilespmem:s11], [sflag:$0x5], $0x80, s29, s6, $0xb8;
	[tilespmem:$0x1C200] =	vst v63  }
.Ltmp1:
0xaa: {  	_ = 	snop;
	(pc) =	sbr.rel @p0 .LBB2_4-.Ltmp1, $4  }
0xab: {  	s1 =	sor.u32 s10, s1;
	_ =	swait.ge [sflag:s4], $0x3E80  }
0xac: {  	s1 =	sshrl.u32 s1, $0x3;
	[sflag:s4] =	ssyncset.done $0x0  }
0xad: {  	s10 =	sadd.s32 s15, s1;
	s1 =	sadd.s32 s16, s1;
	[sflag:s4] =	ssyncadd.s32 $0xFFFFC180  }
0xae: {  	[tilespmem:s7], [sflag:$0x4] =	stream.linear.gather [hbm4b:s10+s2], $0x80, $0x38;
	[tilespmem:$0x1C200] =	vst v63  }
0xaf: {  	[tilespmem:s29], [sflag:$0x4] =	stream.linear.gather [hbm4b:s1+s2], $0x80, $0x38;
	[tilespmem:$0x1C200] =	vst v63  }
0xb0: {  	_ =	swait.ge [sflag:s8], $0x3E80  }
0xb1: {  	[sflag:s8] =	ssyncset.done $0x0  }
0xb2: {  	[sflag:s8] =	ssyncadd.s32 $0xFFFFC180  }
0xb3: {  	_ =	swait.ge [sflag:s9], $0x80  }
0xb4: {  	[sflag:s9] =	ssyncset.done $0x0  }
0xb5: {  	[sflag:s9] =	ssyncadd.s32 $0xFFFFFF80  }
0xb6: {  	_ =	swait.ge [sflag:s9], $0x80  }
0xb7: {  	[sflag:s9] =	ssyncset.done $0x0  }
0xb8: {  	[sflag:s9] =	ssyncadd.s32 $0xFFFFFF80  }
0xb9: {  	[tilespmem:s11], [sflag:$0x2] =	stream.indirect.gather [hbm4b:s0+s6], $0x80, s7, s6, $0xb8;
	[tilespmem:$0x1C200] =	vst v63  }
0xba: {  	_ = 	snop  }
0xbb: {  	[spmem:s12] =	stream.indirect.scatter.add.f32 [tilespmem:s3], [sflag:$0x5], $0x80, s5, s6, $0xb8;
	[tilespmem:$0x1C200] =	vst v63  }
0xbc: {  	_ =	swait.ge [sflag:s4], $0x3E80  }
0xbd: {  	[sflag:s4] =	ssyncset.done $0x0  }
0xbe: {  	[sflag:s4] =	ssyncadd.s32 $0xFFFFC180  }
0xbf: {  	_ =	swait.ge [sflag:s13], $0x3E80  }
0xc0: {  	[sflag:s13] =	ssyncset.done $0x0  }
0xc1: {  	[sflag:s13] =	ssyncadd.s32 $0xFFFFC180  }
0xc2: {  	[spmem:s12] =	stream.indirect.scatter.add.f32 [tilespmem:s11], [sflag:$0x5], $0x80, s29, s6, $0xb8;
	[tilespmem:$0x1C200] =	vst v63  }
0xc3: {  	_ =	swait.ge [sflag:s4], $0x3E80  }
0xc4: {  	[sflag:s4] =	ssyncset.done $0x0  }
0xc5: {  	[sflag:s4] =	ssyncadd.s32 $0xFFFFC180  }
0xc6: {  	[bflag:$0x0] =	sbarrier.arrive $0xFFFF  }
0xc7: {  	s10 =	rddreg [dreg:$0xe]  }
0xc8: {  	[tilespmem:s3], [sflag:$0x5] =	stream.linear.gather [spmem:s10], $0x2000, $0x38;
	[tilespmem:$0x1C200] =	vst v63  }
0xc9: {  	_ =	swait.ge [sflag:s4], $0x2000  }
0xca: {  	[sflag:s4] =	ssyncset.done $0x0  }
0xcb: {  	s17 =	rddreg [dreg:$0x4];
	[sflag:s4] =	ssyncadd.s32 $0xFFFFE000  }
0xcc: {  	[hbm4b:s17+s2] =	stream.linear.scatter [tilespmem:s3], [sflag:$0x5], $0x2000, $0x38;
	[tilespmem:$0x1C200] =	vst v63  }
0xcd: {  	_ =	swait.ge [sflag:s4], $0x2000  }
0xce: {  	[sflag:s4] =	ssyncset.done $0x0  }
0xcf: {  	[sflag:s4] =	ssyncadd.s32 $0xFFFFE000  }
0xd0: {  	[tilespmem:s3], [sflag:$0x5] =	stream.linear.gather [spmem:s18], $0x2000, $0x38;
	[tilespmem:$0x1C200] =	vst v63  }
0xd1: {  	_ =	swait.ge [sflag:s4], $0x2000  }
0xd2: {  	[sflag:s4] =	ssyncset.done $0x0  }
0xd3: {  	s31 =	rddreg [dreg:$0x5];
	[sflag:s4] =	ssyncadd.s32 $0xFFFFE000  }
0xd4: {  	[hbm4b:s31+s2] =	stream.linear.scatter [tilespmem:s3], [sflag:$0x5], $0x2000, $0x38;
	[tilespmem:$0x1C200] =	vst v63  }
0xd5: {  	_ =	swait.ge [sflag:s4], $0x2000  }
0xd6: {  	[sflag:s4] =	ssyncset.done $0x0  }
0xd7: {  	[sflag:s4] =	ssyncadd.s32 $0xFFFFE000  }
0xd8: {  	[tilespmem:s3], [sflag:$0x5] =	stream.linear.gather [spmem:s19], $0x2000, $0x38;
	[tilespmem:$0x1C200] =	vst v63  }
0xd9: {  	_ =	swait.ge [sflag:s4], $0x2000  }
0xda: {  	[sflag:s4] =	ssyncset.done $0x0  }
0xdb: {  	s10 =	rddreg [dreg:$0x6];
	[sflag:s4] =	ssyncadd.s32 $0xFFFFE000  }
0xdc: {  	[hbm4b:s10+s2] =	stream.linear.scatter [tilespmem:s3], [sflag:$0x5], $0x2000, $0x38;
	[tilespmem:$0x1C200] =	vst v63  }
0xdd: {  	_ =	swait.ge [sflag:s4], $0x2000  }
0xde: {  	[sflag:s4] =	ssyncset.done $0x0  }
0xdf: {  	[sflag:s4] =	ssyncadd.s32 $0xFFFFE000  }
0xe0: {  	[tilespmem:s3], [sflag:$0x5] =	stream.linear.gather [spmem:s20], $0x2000, $0x38;
	[tilespmem:$0x1C200] =	vst v63  }
0xe1: {  	_ =	swait.ge [sflag:s4], $0x2000  }
0xe2: {  	[sflag:s4] =	ssyncset.done $0x0  }
0xe3: {  	s17 =	rddreg [dreg:$0x7];
	[sflag:s4] =	ssyncadd.s32 $0xFFFFE000  }
0xe4: {  	[hbm4b:s17+s2] =	stream.linear.scatter [tilespmem:s3], [sflag:$0x5], $0x2000, $0x38;
	[tilespmem:$0x1C200] =	vst v63  }
0xe5: {  	_ =	swait.ge [sflag:s4], $0x2000  }
0xe6: {  	[sflag:s4] =	ssyncset.done $0x0  }
0xe7: {  	[sflag:s4] =	ssyncadd.s32 $0xFFFFE000  }
0xe8: {  	[tilespmem:s3], [sflag:$0x5] =	stream.linear.gather [spmem:s21], $0x2000, $0x38;
	[tilespmem:$0x1C200] =	vst v63  }
0xe9: {  	_ =	swait.ge [sflag:s4], $0x2000  }
0xea: {  	[sflag:s4] =	ssyncset.done $0x0  }
0xeb: {  	s31 =	rddreg [dreg:$0x8];
	[sflag:s4] =	ssyncadd.s32 $0xFFFFE000  }
0xec: {  	[hbm4b:s31+s2] =	stream.linear.scatter [tilespmem:s3], [sflag:$0x5], $0x2000, $0x38;
	[tilespmem:$0x1C200] =	vst v63  }
0xed: {  	_ =	swait.ge [sflag:s4], $0x2000  }
0xee: {  	[sflag:s4] =	ssyncset.done $0x0  }
0xef: {  	[sflag:s4] =	ssyncadd.s32 $0xFFFFE000  }
0xf0: {  	[tilespmem:s3], [sflag:$0x5] =	stream.linear.gather [spmem:s23], $0x2000, $0x38;
	[tilespmem:$0x1C200] =	vst v63  }
0xf1: {  	_ =	swait.ge [sflag:s4], $0x2000  }
0xf2: {  	[sflag:s4] =	ssyncset.done $0x0  }
0xf3: {  	s10 =	rddreg [dreg:$0x9];
	[sflag:s4] =	ssyncadd.s32 $0xFFFFE000  }
0xf4: {  	[hbm4b:s10+s2] =	stream.linear.scatter [tilespmem:s3], [sflag:$0x5], $0x2000, $0x38;
	[tilespmem:$0x1C200] =	vst v63  }
0xf5: {  	_ =	swait.ge [sflag:s4], $0x2000  }
0xf6: {  	[sflag:s4] =	ssyncset.done $0x0  }
0xf7: {  	[sflag:s4] =	ssyncadd.s32 $0xFFFFE000  }
0xf8: {  	[tilespmem:s3], [sflag:$0x5] =	stream.linear.gather [spmem:s24], $0x2000, $0x38;
	[tilespmem:$0x1C200] =	vst v63  }
0xf9: {  	_ =	swait.ge [sflag:s4], $0x2000  }
0xfa: {  	[sflag:s4] =	ssyncset.done $0x0  }
0xfb: {  	s17 =	rddreg [dreg:$0xa];
	[sflag:s4] =	ssyncadd.s32 $0xFFFFE000  }
0xfc: {  	[hbm4b:s17+s2] =	stream.linear.scatter [tilespmem:s3], [sflag:$0x5], $0x2000, $0x38;
	[tilespmem:$0x1C200] =	vst v63  }
0xfd: {  	_ =	swait.ge [sflag:s4], $0x2000  }
0xfe: {  	[sflag:s4] =	ssyncset.done $0x0  }
0xff: {  	[sflag:s4] =	ssyncadd.s32 $0xFFFFE000  }
0x100: {  	[tilespmem:s3], [sflag:$0x5] =	stream.linear.gather [spmem:s25], $0x2000, $0x38;
	[tilespmem:$0x1C200] =	vst v63  }
0x101: {  	_ =	swait.ge [sflag:s4], $0x2000  }
0x102: {  	[sflag:s4] =	ssyncset.done $0x0  }
0x103: {  	s31 =	rddreg [dreg:$0xb];
	[sflag:s4] =	ssyncadd.s32 $0xFFFFE000  }
0x104: {  	[hbm4b:s31+s2] =	stream.linear.scatter [tilespmem:s3], [sflag:$0x5], $0x2000, $0x38;
	[tilespmem:$0x1C200] =	vst v63  }
0x105: {  	_ =	swait.ge [sflag:s4], $0x2000  }
0x106: {  	[sflag:s4] =	ssyncset.done $0x0  }
0x107: {  	[sflag:s4] =	ssyncadd.s32 $0xFFFFE000  }
0x108: {  	[tilespmem:s3], [sflag:$0x5] =	stream.linear.gather [spmem:s26], $0x2000, $0x38;
	[tilespmem:$0x1C200] =	vst v63  }
0x109: {  	_ =	swait.ge [sflag:s4], $0x2000  }
0x10a: {  	[sflag:s4] =	ssyncset.done $0x0  }
0x10b: {  	s10 =	rddreg [dreg:$0xc];
	[sflag:s4] =	ssyncadd.s32 $0xFFFFE000  }
0x10c: {  	[hbm4b:s10+s2] =	stream.linear.scatter [tilespmem:s3], [sflag:$0x5], $0x2000, $0x38;
	[tilespmem:$0x1C200] =	vst v63  }
0x10d: {  	_ =	swait.ge [sflag:s4], $0x2000  }
0x10e: {  	[sflag:s4] =	ssyncset.done $0x0  }
0x10f: {  	[sflag:s4] =	ssyncadd.s32 $0xFFFFE000  }
0x110: {  	[tilespmem:s3], [sflag:$0x5] =	stream.linear.gather [spmem:s28], $0x2000, $0x38;
	[tilespmem:$0x1C200] =	vst v63  }
0x111: {  	_ =	swait.ge [sflag:s4], $0x2000  }
0x112: {  	[sflag:s4] =	ssyncset.done $0x0  }
0x113: {  	s17 =	rddreg [dreg:$0xd];
	[sflag:s4] =	ssyncadd.s32 $0xFFFFE000  }
0x114: {  	[hbm4b:s17+s2] =	stream.linear.scatter [tilespmem:s3], [sflag:$0x5], $0x2000, $0x38;
	[tilespmem:$0x1C200] =	vst v63  }
0x115: {  	_ =	swait.ge [sflag:s4], $0x2000  }
0x116: {  	s30 =	sadd.s32 $0x1, s30;
	s31 =	rddreg [dreg:$0x13]  }
0x117: {  	p0 =	sne.s32 s30, s31  }
.Ltmp2:
0x118: {  	_ = 	snop;
	(pc) =	sbr.rel @p0 .LBB2_1-.Ltmp2, $3  }
0x119: {  	_ =	sdelay $0x1  }
0x11a: {  	[sflag:s4] =	ssyncset.done $0x0  }
0x11b: {  	[sflag:s4] =	ssyncadd.s32 $0xFFFFE000  }
0x11c: {  	_ =	sfence.sel $0x180000  }
0x11d: {  	[bflag:$0x0] =	sbarrier.arrive $0xFFFF  }
0x11e: {  	_ =	strace $0x9000004A  }
0x11f: {  	s0 =	stileid.u32;
	[bflag:$0x2] =	sbarrier.arrive $0xFFFF  }
0x120: {  	p0 =	sne.s32 s0, $0x0;
	s0 =	rddreg [dreg:$0x3]  }
0x121: {  	s0 =	sadd.s32 @!p0 $0x100000, s0  }
0x122: {  	[sflag:s0] =	ssyncadd.tile.s32 @!p0 $0x1;
	_ =	shalt  }
.Lfunc_end2:
_tile_overlayer_lowered:
.L_overlay_start_2:
0x123: {  	(tag) =	ssettag $0x2  }
0x124: {  	s0 =	rddreg [dreg:$0x0];
	s2 =	stileid.u32  }
0x125: {  	s1 =	rddreg [dreg:$0x1];
	p0 =	sne.s32 s2, $0x0  }
0x126: {  	s3 =	rddreg [dreg:$0x2];
	[bflag:$0x3] =	sbarrier.arrive $0xFFFF;
	s2 =	simm.s32 @!p0 $0x1C05  }
0x127: {  	[timem:s3], [sflag:s2] =	dma.local @!p0 [hbm:s0], s1  }
0x128: {  	s0 =	simm.s32 @!p0 $0x5  }
0x129: {  	_ =	swait.ge @!p0 [sflag:s0], s1  }
0x12a: {  	s1 =	ssub.s32 @!p0 $0x0, s1;
	[sflag:s0] =	ssyncset.done @!p0 $0x0  }
0x12b: {  	[sflag:s0] =	ssyncadd.s32 @!p0 s1  }
0x12c: {  	[bflag:$0x3] =	sbarrier.arrive $0xFFFF  }
0x12d: {  	_ =	shalt  }

// kernel: kernel.14.cloned.1.call-start
scs
__scs_entry_jumppad:
0x0: {  	(pc) =	sbr.rel $0x88, $3  }
0x1: {  	(tag) =	ssettag $0x0;
	lr =	simm.s32 $0x1  }
0x2: {  	[smem:$0x3F9D] =	sst lr;
	_ =	strace $0xD0000000  }
0x3: {  	_ = 	snop  }
0x4: {  	_ = 	snop  }
0x5: {  	_ = 	snop  }
0x6: {  	_ = 	snop  }
0x7: {  	_ = 	snop  }
__scs_overlays_trampoline_lowered:
0x8: {  	[smem:$0x3FAC] =	sst s0  }
0x9: {  	[smem:$0x3FAD] =	sst s1  }
0xa: {  	[smem:$0x3FAE] =	sst s2  }
0xb: {  	[smem:$0x3FAF] =	sst s3  }
0xc: {  	[smem:$0x3FB0] =	sst s4  }
0xd: {  	[smem:$0x3FB1] =	sst s5  }
0xe: {  	[smem:$0x3FB2] =	sst s6  }
0xf: {  	[smem:$0x3FB3] =	sst s7  }
0x10: {  	[smem:$0x3FB4] =	sst s8  }
0x11: {  	[smem:$0x3FB5] =	sst s9;
	s0 =	simm.s32 @!p0 $0x0  }
0x12: {  	s1 =	sld [smem:$0x3F9B];
	s0 =	simm.s32 @p0 $0x1  }
0x13: {  	[smem:$0x3FB6] =	sst s0;
	s0 =	simm.s32 @!p1 $0x0  }
0x14: {  	s2 =	sld [smem:$0x3F9A];
	s0 =	simm.s32 @p1 $0x1  }
0x15: {  	[smem:$0x3FB7] =	sst s0;
	s0 =	simm.s32 @!p2 $0x0  }
0x16: {  	s3 =	sld [smem:$0x3FDB];
	s0 =	simm.s32 @p2 $0x1  }
0x17: {  	s4 =	simm.s32 $0x1BF5;
	[smem:$0x3FB9] =	sst s0  }
0x18: {  	s0 =	sld [smem:$0x3F9C];
	_ =	swait.ge [sflag:s4], $0x0  }
0x19: {  	s7 =	sld [smem:$0x3F9D]  }
0x1a: {  	s8 =	sadd.s32 $0xFFFFE003, lr  }
0x1b: {  	s9 =	sadd.s32 $0xFFFFFEF7, lr;
	s5 =	simm.s32 $0xFFFFFFFF;
	p2 =	slt.u32 s8, $0xFFFFF086  }
0x1c: {  	p1 =	slt.u32 s9, $0xF7A;
	s5 =	simm.s32 @!p2 $0x0  }
0x1d: {  	s5 =	simm.s32 @p1 $0x1;
	p0 =	seq.s32 s7, s2  }
0x1e: {  	s7 =	smul.u32 @!p0 $0xF7A, s2;
	p2 =	seq.s32 @!p0 s5, $0x0  }
0x1f: {  	s9 =	smul.u32 $0xF7A, s1;
	s8 =	simm.s32 @!p0 $0x1BF5;
	p2 =	por !p2, p0  }
0x20: {  	[sflag:s8] =	ssyncset.s32 @!p0 $0xFFFFF086;
	s6 =	sadd.s32 @!p0 s3, s7;
	s7 =	simm.s32 @!p0 $0x108  }
0x21: {  	s3 =	sadd.s32 s3, s9;
	s6 =	sadd.s32 @!p0 $0x88, s6;
	s7 =	simm.s32 @p2 $0x1082  }
0x22: {  	[simem:s7], [sflag:s8] =	dma.local @!p0 [hbm:s6], $0xF7A  }
0x23: {  	s9 =	sor.u32 $0xD0000000, s2;
	s6 =	simm.s32 $0x108;
	_ =	swait.ge @!p0 [sflag:s8], $0x0  }
0x24: {  	s3 =	sadd.s32 $0x88, s3;
	s6 =	simm.s32 @!p1 $0x1082;
	[sflag:s4] =	ssyncset.s32 $0xFFFFF086  }
0x25: {  	[simem:s6], [sflag:s4] =	dma.local [hbm:s3], $0xF7A  }
0x26: {  	[smem:$0x3F9D] =	sst s1;
	(tag) =	ssettag s2;
	_ =	strace s9  }
0x27: {  	s1 =	sld [smem:$0x3FAD]  }
0x28: {  	s2 =	sld [smem:$0x3FAE]  }
0x29: {  	s4 =	sld [smem:$0x3FB0]  }
0x2a: {  	p0 =	seq.s32 s5, $0x0;
	s5 =	sld [smem:$0x3FB1]  }
0x2b: {  	s6 =	sld [smem:$0x3FB2]  }
0x2c: {  	s7 =	sld [smem:$0x3FB3]  }
0x2d: {  	s3 =	simm.s32 $0x108;
	s8 =	sld [smem:$0x3FB4]  }
0x2e: {  	s3 =	simm.s32 @!p0 $0x1082;
	s9 =	sld [smem:$0x3FB5]  }
0x2f: {  	lr =	sadd.s32 s0, s3;
	s0 =	sld [smem:$0x3FAC]  }
0x30: {  	s3 =	sld [smem:$0x3FAF]  }
0x31: {  	[smem:$0x3FB8] =	sst s10  }
0x32: {  	s10 =	sld [smem:$0x3FB6];
	_ =	sdelay $0x3  }
0x33: {  	p0 =	seq.s32 s10, $0x1;
	s10 =	sld [smem:$0x3FB8];
	_ =	sdelay $0x3  }
0x34: {  	[smem:$0x3FB8] =	sst s10  }
0x35: {  	s10 =	sld [smem:$0x3FB7];
	_ =	sdelay $0x3  }
0x36: {  	p1 =	seq.s32 s10, $0x1;
	s10 =	sld [smem:$0x3FB8];
	_ =	sdelay $0x3  }
0x37: {  	[smem:$0x3FB8] =	sst s10  }
0x38: {  	s10 =	sld [smem:$0x3FB9]  }
0x39: {  	_ = 	snop;
	(pc) =	sbr.ind lr, $3  }
0x3a: {  	_ = 	snop  }
0x3b: {  	_ = 	snop  }
0x3c: {  	p2 =	seq.s32 s10, $0x1;
	s10 =	sld [smem:$0x3FB8]  }
0x3d: {  	_ =	shalt  }
0x3e: {  	_ =	shalt  }
0x3f: {  	_ =	shalt  }
0x40: {  	_ =	shalt  }
0x41: {  	_ =	shalt  }
0x42: {  	_ =	shalt  }
0x43: {  	_ =	shalt  }
0x44: {  	_ =	shalt  }
0x45: {  	_ =	shalt  }
0x46: {  	_ =	shalt  }
0x47: {  	_ =	shalt  }
0x48: {  	_ =	shalt  }
0x49: {  	_ =	shalt  }
0x4a: {  	_ =	shalt  }
0x4b: {  	_ =	shalt  }
0x4c: {  	_ =	shalt  }
0x4d: {  	_ =	shalt  }
0x4e: {  	_ =	shalt  }
0x4f: {  	_ =	shalt  }
0x50: {  	_ =	shalt  }
0x51: {  	_ =	shalt  }
0x52: {  	_ =	shalt  }
0x53: {  	_ =	shalt  }
0x54: {  	_ =	shalt  }
0x55: {  	_ =	shalt  }
0x56: {  	_ =	shalt  }
0x57: {  	_ =	shalt  }
0x58: {  	_ =	shalt  }
0x59: {  	_ =	shalt  }
0x5a: {  	_ =	shalt  }
0x5b: {  	_ =	shalt  }
0x5c: {  	_ =	shalt  }
0x5d: {  	_ =	shalt  }
0x5e: {  	_ =	shalt  }
0x5f: {  	_ =	shalt  }
0x60: {  	_ =	shalt  }
0x61: {  	_ =	shalt  }
0x62: {  	_ =	shalt  }
0x63: {  	_ =	shalt  }
0x64: {  	_ =	shalt  }
0x65: {  	_ =	shalt  }
0x66: {  	_ =	shalt  }
0x67: {  	_ =	shalt  }
0x68: {  	_ =	shalt  }
0x69: {  	_ =	shalt  }
0x6a: {  	_ =	shalt  }
0x6b: {  	_ =	shalt  }
0x6c: {  	_ =	shalt  }
0x6d: {  	_ =	shalt  }
0x6e: {  	_ =	shalt  }
0x6f: {  	_ =	shalt  }
0x70: {  	_ =	shalt  }
0x71: {  	_ =	shalt  }
0x72: {  	_ =	shalt  }
0x73: {  	_ =	shalt  }
0x74: {  	_ =	shalt  }
0x75: {  	_ =	shalt  }
0x76: {  	_ =	shalt  }
0x77: {  	_ =	shalt  }
0x78: {  	_ =	shalt  }
0x79: {  	_ =	shalt  }
0x7a: {  	_ =	shalt  }
0x7b: {  	_ =	shalt  }
0x7c: {  	_ =	shalt  }
0x7d: {  	_ =	shalt  }
0x7e: {  	_ =	shalt  }
0x7f: {  	_ =	shalt  }
0x80: {  	_ =	shalt  }
0x81: {  	_ =	shalt  }
0x82: {  	_ =	shalt  }
0x83: {  	_ =	shalt  }
0x84: {  	_ =	shalt  }
0x85: {  	_ =	shalt  }
0x86: {  	_ =	shalt  }
0x87: {  	_ =	shalt  }
.Lfunc_end0:
.L_simem_size_0:
called_computation.2_lowered:
.L_overlay_start_0:
0x88: {  	s2 =	sld [smem:$0x3FD9]  }
0x89: {  	s3 =	sld [smem:$0x3FFE];
	_ =	sdelay $0x1  }
0x8a: {  	s1 =	srdreg.scid  }
0x8b: {  	s0 =	sand.u32 $0x1, s1  }
0x8c: {  	s14 =	sshll.u32 s0, $0xA;
	s2 =	sadd.s32 s3, s2  }
0x8d: {  	s2 =	sadd.s32 s2, s14  }
0x8e: {  	[smem:$0x3FC4] =	sst s2  }
0x8f: {  	_ = 	snop  }
0x90: {  	s2 =	sld [smem:$0x3FD0];
	_ =	sdelay $0x2  }
0x91: {  	s15 =	simm.s32 $0xA;
	s4 =	simm.s32 $0x10  }
0x92: {  	[smem:s4], [sflag:s15] =	dma.local [hbm:s2], $0x1  }
0x93: {  	_ =	swait.eq [sflag:s15], $0x1  }
0x94: {  	[sflag:s15] =	ssyncset.done $0x0  }
0x95: {  	[sflag:s15] =	ssyncadd.s32 $0xFFFFFFFF  }
0x96: {  	s16 =	sld [smem:$0x10];
	(tm) =	ssettm $0x1  }
0x97: {  	s17 =	sld [smem:$0x3FFB];
	_ =	sdelay $0x3  }
0x98: {  	_ =	strace s17  }
0x99: {  	s3 =	sld [smem:$0x3FFC];
	_ =	sdelay $0x3  }
0x9a: {  	_ =	strace s3  }
0x9b: {  	s3 =	sld [smem:$0x3FFD];
	_ =	sdelay $0x3  }
0x9c: {  	_ =	strace s3  }
0x9d: {  	_ =	strace $0x8FFFFFFF  }
0x9e: {  	s18 =	sld [smem:$0x3FDB];
	_ =	sdelay $0x1  }
0x9f: {  	s19 =	simm.s32 $_scs_section_size  }
0xa0: {  	s5 =	simm.s32 $_size__tile_overlayer_lowered;
	s6 =	simm.s32 $_tile_overlayer_lowered  }
0xa1: {  	s22 =	simm.s32 $0x1BFF;
	s21 =	sshll.u32 s6, $0x1;
	s3 =	sadd.s32 s19, s18  }
0xa2: {  	s7 =	simm.s32 $0x0;
	s20 =	sshll.u32 s5, $0x1;
	s5 =	sadd.s32 s21, s3  }
0xa3: {  	[timem:s7], [sflag:s22] =	dma.local [hbm:s5], s20  }
0xa4: {  	_ =	swait.ge [sflag:s22], s20  }
0xa5: {  	s4 =	ssub.s32 $0x0, s20;
	[sflag:s22] =	ssyncset.done $0x0  }
0xa6: {  	[sflag:s22] =	ssyncadd.s32 s4;
	_ =	sdelay $0x1  }
0xa7: {  	s23 =	simm.s32 $0x1B8B  }
0xa8: {  	_ =	swait.ge [sflag:s23], $0x1  }
0xa9: {  	[sflag:s23] =	ssyncset.done $0x0  }
0xaa: {  	s25 =	simm.s32 $0x1B8E;
	s24 =	sld [smem:$0x3FFE];
	[sflag:s23] =	ssyncadd.s32 $0xFFFFFFFF  }
0xab: {  	s26 =	simm.s32 $execute0_lowered;
	[smem:$0x3FD2] =	sst s25  }
0xac: {  	s5 =	sshll.u32 s26, $0x1;
	_ =	strace $0x8000004C;
	[dreg:$0x1] =	wrdreg $0xFFFFFFFF  }
0xad: {  	s28 =	simm.s32 $_size_execute0_lowered;
	s3 =	sadd.s32 s3, s5;
	[dreg:$0x0] =	wrdreg $0x0  }
0xae: {  	s5 =	sshll.u32 s28, $0x1;
	[dreg:$0x2] =	wrdreg s3  }
0xaf: {  	[dreg:$0x3] =	wrdreg s5  }
0xb0: {  	[dreg:$0x4] =	wrdreg $0xC0  }
0xb1: {  	_ =	task [dreg:s7], $0x5FFFF  }
0xb2: {  	[dreg:$0x1] =	wrdreg $0xFFFFFFFF  }
0xb3: {  	[dreg:$0x0] =	wrdreg $0x60  }
0xb4: {  	[dreg:$0x2] =	wrdreg s16  }
0xb5: {  	[dreg:$0x3] =	wrdreg s24  }
0xb6: {  	[dreg:$0x4] =	wrdreg $0x82000  }
0xb7: {  	[dreg:$0x5] =	wrdreg $0x9  }
0xb8: {  	_ =	task.clear_ibuf [dreg:s7], $0x6FFFF;
	_ =	strace $0x9000004C  }
0xb9: {  	s29 =	simm.s32 $0x9;
	_ =	strace $0x8000004E  }
0xba: {  	_ =	swait.ge [sflag:s29], $0x1  }
0xbb: {  	[sflag:s29] =	ssyncadd.s32 $0xFFFFFFFF  }
0xbc: {  	_ =	strace $0x9000004E  }
0xbd: {  	_ =	sfence  }
0xbe: {  	s30 =	sld [smem:$0x0];
	_ =	sdelay $0x2  }
0xbf: {  	s31 =	sshll.u32 s1, $0xD;
	s1 =	sshrl.u32 s1, $0x2  }
0xc0: {  	s3 =	sand.u32 $0x4000, s31;
	s1 =	sadd.s32 s1, s30  }
0xc1: {  	s0 =	sor.u32 s3, s0;
	s1 =	sshll.u32 s1, $0x11  }
0xc2: {  	s0 =	sor.u32 s1, s0  }
0xc3: {  	s0 =	sadd.s32 $0x8F2B, s0  }
0xc4: {  	[sflag:s0] =	ssyncadd.remote.s32 $0x1  }
0xc5: {  	_ =	sfence.sel $0xFFFF  }
0xc6: {  	[dreg:$0x0] =	wrdreg $0xFFFFFFFF;
	(pc) =	sbr.abs _section_cstart, $3  }
0xc7: {  	[dreg:$0x1] =	wrdreg $0xFFFFFFFF  }
0xc8: {  	_ =	task.clear_ibuf [dreg:s7], $0x2FFFF;
	_ =	strace $0x9FFFFFFF  }
0xc9: {  	(tm) =	ssettm $0x7FFFFFFF  }
tec
execute0_lowered:
.L_overlay_start_1:
0x0: {  	(tag) =	ssettag $0x1  }
0x1: {  	s0 =	rddreg [dreg:$0x0]  }
0x2: {  	s1 =	srdreg.scid;
	s3 =	rddreg [dreg:$0x1];
	s2 =	simm.s32 $0x0  }
0x3: {  	s17 =	stileid.u32;
	s29 =	simm.s32 $0x180;
	s30 =	simm.s32 $0x0  }
0x4: {  	s4 =	sand.u32 $0x1, s1;
	[smem:$0x7FF] =	sst s2;
	s6 =	smul.u32 $0x14000, s17  }
0x5: {  	s7 =	sadd.s32 $0x20600, s3;
	s20 =	sshll.u32 s17, $0x1;
	s1 =	ssub.s32 $0x2, s4  }
0x6: {  	s17 =	smul.u32 $0x50000, s17;
	s5 =	sshrl.u32 s1, $0x1;
	s8 =	sor.u32 $0x2000, s6  }
0x7: {  	s9 =	sadd.s32 $0x4000, s6;
	s10 =	sadd.s32 $0x6000, s6;
	s11 =	sadd.s32 $0x8000, s6  }
0x8: {  	s1 =	ssub.s32 s1, s5;
	s5 =	sor.u32 s4, s20;
	s4 =	smul.u32 $0x140000, s4  }
0x9: {  	s13 =	sadd.s32 $0xA000, s6;
	s14 =	sadd.s32 $0xC000, s6;
	s25 =	sadd.s32 $0xE000, s6  }
0xa: {  	s26 =	sadd.s32 $0x10000, s6;
	s1 =	smax.u32 s1, $0x1;
	s12 =	sadd.s32 s6, s4  }
0xb: {  	s15 =	sadd.s32 s4, s8;
	s6 =	sadd.s32 $0x12000, s6;
	s22 =	sadd.s32 s4, s9  }
0xc: {  	s23 =	sadd.s32 s4, s10;
	s16 =	sadd.s32 s4, s11;
	s18 =	sadd.s32 s4, s13  }
0xd: {  	s19 =	sadd.s32 s4, s14;
	s20 =	sadd.s32 s4, s25;
	s12 =	sshrl.u32 s12, $0x3  }
0xe: {  	s15 =	sshrl.u32 s15, $0x3;
	s24 =	sshrl.u32 s23, $0x3;
	s12 =	sadd.s32 s7, s12  }
0xf: {  	s31 =	sshrl.u32 s16, $0x3;
	s21 =	sadd.s32 s7, s15;
	[dreg:$0x4] =	wrdreg s12  }
0x10: {  	s16 =	sadd.s32 s7, s31;
	[dreg:$0x5] =	wrdreg s21;
	s12 =	sshrl.u32 s22, $0x3  }
0x11: {  	[dreg:$0x8] =	wrdreg s16;
	s22 =	sshrl.u32 s20, $0x3;
	s12 =	sadd.s32 s7, s12  }
0x12: {  	s21 =	sshrl.u32 s19, $0x3;
	s23 =	sadd.s32 s7, s22;
	[dreg:$0x6] =	wrdreg s12  }
0x13: {  	s16 =	sadd.s32 $0x2000, s3;
	s12 =	sadd.s32 s7, s24;
	[dreg:$0xb] =	wrdreg s23  }
0x14: {  	s24 =	sadd.s32 s4, s26;
	[dreg:$0x7] =	wrdreg s12;
	s12 =	sshrl.u32 s18, $0x3  }
0x15: {  	s4 =	sadd.s32 s4, s6;
	s31 =	sshrl.u32 s24, $0x3;
	s12 =	sadd.s32 s7, s12  }
0x16: {  	s4 =	sshrl.u32 s4, $0x3;
	s15 =	sadd.s32 s7, s31;
	[dreg:$0x9] =	wrdreg s12  }
0x17: {  	s22 =	smul.u32 $0x2800, s5;
	s4 =	sadd.s32 s7, s4;
	[dreg:$0xc] =	wrdreg s15  }
0x18: {  	s5 =	simm.s32 $0x100;
	s12 =	sadd.s32 s7, s21;
	[dreg:$0xd] =	wrdreg s4  }
0x19: {  	s15 =	sadd.s32 $0x16600, s3;
	s7 =	sshrl.u32 s17, $0x2;
	[dreg:$0xa] =	wrdreg s12  }
0x1a: {  	s4 =	simm.s32 $0x5;
	s12 =	rddreg [dreg:$0x2];
	_ =	strace $0x8000004D  }
0x1b: {  	s3 =	sadd.s32 s7, s12;
	s18 =	sadd.s32 s8, s12;
	s19 =	sadd.s32 s9, s12  }
0x1c: {  	s20 =	sadd.s32 s10, s12;
	s21 =	sadd.s32 s11, s12;
	s23 =	sadd.s32 s13, s12  }
0x1d: {  	s24 =	sadd.s32 s14, s12;
	s25 =	sadd.s32 s25, s12;
	s26 =	sadd.s32 s26, s12  }
0x1e: {  	s28 =	sadd.s32 s6, s12;
	s13 =	sshrl.u32 s22, $0x3;
	[dreg:$0x13] =	wrdreg s1  }
0x1f: {  	s6 =	simm.s32 $0x7D;
	s7 =	simm.s32 $0x80;
	s8 =	simm.s32 $0x1  }
0x20: {  	s9 =	simm.s32 $0x4;
	[dreg:$0xe] =	wrdreg s3;
	s14 =	sadd.s32 s15, s13  }
0x21: {  	s17 =	sadd.s32 s16, s13;
	s3 =	sor.u32 $0x10, s13;
	[dreg:$0xf] =	wrdreg s14  }
0x22: {  	s11 =	simm.s32 $0x4200;
	[dreg:$0x10] =	wrdreg s17;
	s31 =	sadd.s32 s15, s3  }
0x23: {  	s13 =	simm.s32 $0x2;
	s3 =	sadd.s32 s16, s3;
	[dreg:$0x11] =	wrdreg s31  }
0x24: {  	v0 =	vimm.f32 $0.0e+00;
	s14 =	simm.s32 $0x3;
	[dreg:$0x12] =	wrdreg s3;
	s3 =	simm.s32 $0x200  }
.LBB2_1:
0x25: {  	s1 =	sand.u32 $0x7E00, s2  }
0x26: {  	s31 =	sand.u32 $0x70, s2;
	s1 =	sshrl.u32 s1, $0x2  }
0x27: {  	s10 =	simm.s32 $0x40;
	s1 =	sor.u32 s31, s1;
	s31 =	simm.s32 $0x0  }
.LBB2_2:
0x28: {  	p0 =	sne.s32 s10, $0x7FC0  }
0x29: {  	[tilespmem:s1+$0x200] =	vst v0;
	s31 =	sadd.s32 $0x10, s31;
	s1 =	smov.u32 s10;
	s10 =	sadd.s32 $0x40, s10  }
.Ltmp0:
0x2a: {  	(pc) =	sbr.rel @p0 .LBB2_2-.Ltmp0, $4  }
0x2b: {  	_ = 	snop  }
0x2c: {  	s1 =	sand.u32 $0x7E00, s1  }
0x2d: {  	s17 =	sand.u32 $0x70, s31;
	s1 =	sshrl.u32 s1, $0x2  }
0x2e: {  	s1 =	sor.u32 s17, s1  }
0x2f: {  	[tilespmem:s1+$0x200] =	vst v0;
	s17 =	rddreg [dreg:$0xe]  }
0x30: {  	[spmem:s17] =	stream.linear.scatter [tilespmem:s3], [sflag:$0x5], $0x2000, $0x38;
	[tilespmem:$0x1C200] =	vst v63  }
0x31: {  	_ =	swait.ge [sflag:s4], $0x2000  }
0x32: {  	[sflag:s4] =	ssyncset.done $0x0  }
0x33: {  	[sflag:s4] =	ssyncadd.s32 $0xFFFFE000  }
0x34: {  	[spmem:s18] =	stream.linear.scatter [tilespmem:s3], [sflag:$0x5], $0x2000, $0x38;
	[tilespmem:$0x1C200] =	vst v63  }
0x35: {  	_ =	swait.ge [sflag:s4], $0x2000  }
0x36: {  	[sflag:s4] =	ssyncset.done $0x0  }
0x37: {  	[sflag:s4] =	ssyncadd.s32 $0xFFFFE000  }
0x38: {  	[spmem:s19] =	stream.linear.scatter [tilespmem:s3], [sflag:$0x5], $0x2000, $0x38;
	[tilespmem:$0x1C200] =	vst v63  }
0x39: {  	_ =	swait.ge [sflag:s4], $0x2000  }
0x3a: {  	[sflag:s4] =	ssyncset.done $0x0  }
0x3b: {  	[sflag:s4] =	ssyncadd.s32 $0xFFFFE000  }
0x3c: {  	[spmem:s20] =	stream.linear.scatter [tilespmem:s3], [sflag:$0x5], $0x2000, $0x38;
	[tilespmem:$0x1C200] =	vst v63  }
0x3d: {  	_ =	swait.ge [sflag:s4], $0x2000  }
0x3e: {  	[sflag:s4] =	ssyncset.done $0x0  }
0x3f: {  	[sflag:s4] =	ssyncadd.s32 $0xFFFFE000  }
0x40: {  	[spmem:s21] =	stream.linear.scatter [tilespmem:s3], [sflag:$0x5], $0x2000, $0x38;
	[tilespmem:$0x1C200] =	vst v63  }
0x41: {  	_ =	swait.ge [sflag:s4], $0x2000  }
0x42: {  	[sflag:s4] =	ssyncset.done $0x0  }
0x43: {  	[sflag:s4] =	ssyncadd.s32 $0xFFFFE000  }
0x44: {  	[spmem:s23] =	stream.linear.scatter [tilespmem:s3], [sflag:$0x5], $0x2000, $0x38;
	[tilespmem:$0x1C200] =	vst v63  }
0x45: {  	_ =	swait.ge [sflag:s4], $0x2000  }
0x46: {  	[sflag:s4] =	ssyncset.done $0x0  }
0x47: {  	[sflag:s4] =	ssyncadd.s32 $0xFFFFE000  }
0x48: {  	[spmem:s24] =	stream.linear.scatter [tilespmem:s3], [sflag:$0x5], $0x2000, $0x38;
	[tilespmem:$0x1C200] =	vst v63  }
0x49: {  	_ =	swait.ge [sflag:s4], $0x2000  }
0x4a: {  	[sflag:s4] =	ssyncset.done $0x0  }
0x4b: {  	[sflag:s4] =	ssyncadd.s32 $0xFFFFE000  }
0x4c: {  	[spmem:s25] =	stream.linear.scatter [tilespmem:s3], [sflag:$0x5], $0x2000, $0x38;
	[tilespmem:$0x1C200] =	vst v63  }
0x4d: {  	_ =	swait.ge [sflag:s4], $0x2000  }
0x4e: {  	[sflag:s4] =	ssyncset.done $0x0  }
0x4f: {  	[sflag:s4] =	ssyncadd.s32 $0xFFFFE000  }
0x50: {  	[spmem:s26] =	stream.linear.scatter [tilespmem:s3], [sflag:$0x5], $0x2000, $0x38;
	[tilespmem:$0x1C200] =	vst v63  }
0x51: {  	_ =	swait.ge [sflag:s4], $0x2000  }
0x52: {  	[sflag:s4] =	ssyncset.done $0x0  }
0x53: {  	[sflag:s4] =	ssyncadd.s32 $0xFFFFE000  }
0x54: {  	[spmem:s28] =	stream.linear.scatter [tilespmem:s3], [sflag:$0x5], $0x2000, $0x38;
	[tilespmem:$0x1C200] =	vst v63  }
0x55: {  	_ =	swait.ge [sflag:s4], $0x2000  }
0x56: {  	[sflag:s4] =	ssyncset.done $0x0  }
0x57: {  	[sflag:s4] =	ssyncadd.s32 $0xFFFFE000  }
0x58: {  	[bflag:$0x0] =	sbarrier.arrive $0xFFFF  }
0x59: {  	s10 =	rddreg [dreg:$0xf]  }
0x5a: {  	[tilespmem:s2], [sflag:$0x5] =	stream.linear.gather [hbm4b:s10+s2], $0x80, $0x38;
	[tilespmem:$0x1C200] =	vst v63  }
0x5b: {  	_ =	swait.ge [sflag:s4], $0x80  }
0x5c: {  	[sflag:s4] =	ssyncset.done $0x0  }
0x5d: {  	s17 =	rddreg [dreg:$0x10];
	[sflag:s4] =	ssyncadd.s32 $0xFFFFFF80  }
0x5e: {  	[tilespmem:s5], [sflag:$0x5] =	stream.linear.gather [hbm4b:s17+s2], $0x80, $0x38;
	[tilespmem:$0x1C200] =	vst v63  }
0x5f: {  	_ =	swait.ge [sflag:s4], $0x80  }
0x60: {  	[sflag:s4] =	ssyncset.done $0x0  }
0x61: {  	[sflag:s4] =	ssyncadd.s32 $0xFFFFFF80  }
0x62: {  	[tilespmem:s3], [sflag:$0x1] =	stream.indirect.gather [hbm4b:s0+s6], $0x80, s2, s6, $0xb8;
	[tilespmem:$0x1C200] =	vst v63  }
0x63: {  	s10 =	rddreg [dreg:$0x11]  }
0x64: {  	[tilespmem:s7], [sflag:$0x4] =	stream.linear.gather [hbm4b:s10+s2], $0x80, $0x38;
	[tilespmem:$0x1C200] =	vst v63  }
0x65: {  	s1 =	simm.s32 $0x180;
	s10 =	rddreg [dreg:$0x12]  }
0x66: {  	[tilespmem:s1], [sflag:$0x4] =	stream.linear.gather [hbm4b:s10+s2], $0x80, $0x38;
	[tilespmem:$0x1C200] =	vst v63  }
0x67: {  	_ =	swait.ge [sflag:s8], $0x3E80  }
0x68: {  	[sflag:s8] =	ssyncset.done $0x0  }
0x69: {  	[sflag:s8] =	ssyncadd.s32 $0xFFFFC180  }
0x6a: {  	_ =	swait.ge [sflag:s9], $0x80  }
0x6b: {  	[sflag:s9] =	ssyncset.done $0x0  }
0x6c: {  	[sflag:s9] =	ssyncadd.s32 $0xFFFFFF80  }
0x6d: {  	_ =	swait.ge [sflag:s9], $0x80  }
0x6e: {  	s10 =	simm.s32 $0x100;
	[sflag:s9] =	ssyncset.done $0x0  }
0x6f: {  	s17 =	sand.u32 $0x7C00, s10;
	[sflag:s9] =	ssyncadd.s32 $0xFFFFFF80  }
0x70: {  	[tilespmem:s11], [sflag:$0x2] =	stream.indirect.gather [hbm4b:s0+s6], $0x80, s7, s6, $0xb8;
	[tilespmem:$0x1C200] =	vst v63  }
0x71: {  	s10 =	sand.u32 $0x300, s10;
	s17 =	sadd.s32 s22, s17  }
0x72: {  	[spmem:s12] =	stream.indirect.scatter.add.f32 [tilespmem:s3], [sflag:$0x5], $0x80, s5, s6, $0xb8;
	[tilespmem:$0x1C200] =	vst v63  }
0x73: {  	s10 =	sor.u32 s10, s17;
	_ =	swait.ge [sflag:s4], $0x3E80  }
0x74: {  	s10 =	sshrl.u32 s10, $0x3;
	[sflag:s4] =	ssyncset.done $0x0  }
0x75: {  	s17 =	sadd.s32 s15, s10;
	[sflag:s4] =	ssyncadd.s32 $0xFFFFC180  }
0x76: {  	[tilespmem:s2], [sflag:$0x3] =	stream.linear.gather [hbm4b:s17+s2], $0x80, $0x38;
	[tilespmem:$0x1C200] =	vst v63  }
0x77: {  	s10 =	sadd.s32 s16, s10  }
0x78: {  	[tilespmem:s5], [sflag:$0x3] =	stream.linear.gather [hbm4b:s10+s2], $0x80, $0x38;
	[tilespmem:$0x1C200] =	vst v63  }
0x79: {  	_ =	swait.ge [sflag:s13], $0x3E80  }
0x7a: {  	[sflag:s13] =	ssyncset.done $0x0  }
0x7b: {  	[sflag:s13] =	ssyncadd.s32 $0xFFFFC180  }
0x7c: {  	_ =	swait.ge [sflag:s14], $0x80  }
0x7d: {  	[sflag:s14] =	ssyncset.done $0x0  }
0x7e: {  	[sflag:s14] =	ssyncadd.s32 $0xFFFFFF80  }
0x7f: {  	_ =	swait.ge [sflag:s14], $0x80  }
0x80: {  	[sflag:s14] =	ssyncset.done $0x0  }
0x81: {  	s17 =	sand.u32 $0x7C00, s1;
	[sflag:s14] =	ssyncadd.s32 $0xFFFFFF80  }
0x82: {  	[tilespmem:s3], [sflag:$0x1] =	stream.indirect.gather [hbm4b:s0+s6], $0x80, s2, s6, $0xb8;
	[tilespmem:$0x1C200] =	vst v63  }
0x83: {  	s1 =	sand.u32 $0x380, s1;
	s10 =	sadd.s32 s22, s17  }
0x84: {  	[spmem:s12] =	stream.indirect.scatter.add.f32 [tilespmem:s11], [sflag:$0x5], $0x80, s29, s6, $0xb8;
	[tilespmem:$0x1C200] =	vst v63  }
0x85: {  	s1 =	sor.u32 s1, s10;
	_ =	swait.ge [sflag:s4], $0x3E80  }
0x86: {  	s31 =	simm.s32 $0x280;
	s1 =	sshrl.u32 s1, $0x3;
	[sflag:s4] =	ssyncset.done $0x0  }
0x87: {  	s17 =	sadd.s32 s15, s1;
	s1 =	sadd.s32 s16, s1;
	[sflag:s4] =	ssyncadd.s32 $0xFFFFC180  }
0x88: {  	[tilespmem:s7], [sflag:$0x4] =	stream.linear.gather [hbm4b:s17+s2], $0x80, $0x38;
	[tilespmem:$0x1C200] =	vst v63  }
.LBB2_4:
0x89: {  	p0 =	sne.s32 s31, $0x2780;
	s10 =	smov.u32 s31;
	s31 =	sadd.s32 $0x100, s31  }
0x8a: {  	[tilespmem:s29], [sflag:$0x4] =	stream.linear.gather [hbm4b:s1+s2], $0x80, $0x38;
	[tilespmem:$0x1C200] =	vst v63  }
0x8b: {  	_ =	swait.ge [sflag:s8], $0x3E80  }
0x8c: {  	[sflag:s8] =	ssyncset.done $0x0  }
0x8d: {  	[sflag:s8] =	ssyncadd.s32 $0xFFFFC180  }
0x8e: {  	_ =	swait.ge [sflag:s9], $0x80  }
0x8f: {  	[sflag:s9] =	ssyncset.done $0x0  }
0x90: {  	[sflag:s9] =	ssyncadd.s32 $0xFFFFFF80  }
0x91: {  	_ =	swait.ge [sflag:s9], $0x80  }
0x92: {  	[sflag:s9] =	ssyncset.done $0x0  }
0x93: {  	s1 =	sadd.s32 $0xFFFFFF80, s10;
	[sflag:s9] =	ssyncadd.s32 $0xFFFFFF80  }
0x94: {  	[tilespmem:s11], [sflag:$0x2] =	stream.indirect.gather [hbm4b:s0+s6], $0x80, s7, s6, $0xb8;
	[tilespmem:$0x1C200] =	vst v63  }
0x95: {  	s17 =	sand.u32 $0x7C00, s1;
	s1 =	sand.u32 $0x300, s1  }
0x96: {  	[spmem:s12] =	stream.indirect.scatter.add.f32 [tilespmem:s3], [sflag:$0x5], $0x80, s5, s6, $0xb8;
	[tilespmem:$0x1C200] =	vst v63  }
0x97: {  	s17 =	sadd.s32 s22, s17;
	_ =	swait.ge [sflag:s4], $0x3E80  }
0x98: {  	s1 =	sor.u32 s1, s17;
	[sflag:s4] =	ssyncset.done $0x0  }
0x99: {  	s1 =	sshrl.u32 s1, $0x3;
	[sflag:s4] =	ssyncadd.s32 $0xFFFFC180  }
0x9a: {  	s17 =	sadd.s32 s15, s1;
	s1 =	sadd.s32 s16, s1  }
0x9b: {  	[tilespmem:s2], [sflag:$0x3] =	stream.linear.gather [hbm4b:s17+s2], $0x80, $0x38;
	[tilespmem:$0x1C200] =	vst v63  }
0x9c: {  	_ = 	snop  }
0x9d: {  	[tilespmem:s5], [sflag:$0x3] =	stream.linear.gather [hbm4b:s1+s2], $0x80, $0x38;
	[tilespmem:$0x1C200] =	vst v63  }
0x9e: {  	_ =	swait.ge [sflag:s13], $0x3E80  }
0x9f: {  	[sflag:s13] =	ssyncset.done $0x0  }
0xa0: {  	[sflag:s13] =	ssyncadd.s32 $0xFFFFC180  }
0xa1: {  	_ =	swait.ge [sflag:s14], $0x80  }
0xa2: {  	[sflag:s14] =	ssyncset.done $0x0  }
0xa3: {  	[sflag:s14] =	ssyncadd.s32 $0xFFFFFF80  }
0xa4: {  	_ =	swait.ge [sflag:s14], $0x80  }
0xa5: {  	[sflag:s14] =	ssyncset.done $0x0  }
0xa6: {  	s1 =	sand.u32 $0x7C00, s10;
	[sflag:s14] =	ssyncadd.s32 $0xFFFFFF80  }
0xa7: {  	[tilespmem:s3], [sflag:$0x1] =	stream.indirect.gather [hbm4b:s0+s6], $0x80, s2, s6, $0xb8;
	[tilespmem:$0x1C200] =	vst v63  }
0xa8: {  	s10 =	sand.u32 $0x380, s10;
	s1 =	sadd.s32 s22, s1  }
0xa9: {  	[spmem:s12] =	stream.indirect.scatter.add.f32 [tilespmem:s11], [sflag:$0x5], $0x80, s29, s6, $0xb8;
	[tilespmem:$0x1C200] =	vst v63  }
.Ltmp1:
0xaa: {  	_ = 	snop;
	(pc) =	sbr.rel @p0 .LBB2_4-.Ltmp1, $4  }
0xab: {  	s1 =	sor.u32 s10, s1;
	_ =	swait.ge [sflag:s4], $0x3E80  }
0xac: {  	s1 =	sshrl.u32 s1, $0x3;
	[sflag:s4] =	ssyncset.done $0x0  }
0xad: {  	s10 =	sadd.s32 s15, s1;
	s1 =	sadd.s32 s16, s1;
	[sflag:s4] =	ssyncadd.s32 $0xFFFFC180  }
0xae: {  	[tilespmem:s7], [sflag:$0x4] =	stream.linear.gather [hbm4b:s10+s2], $0x80, $0x38;
	[tilespmem:$0x1C200] =	vst v63  }
0xaf: {  	[tilespmem:s29], [sflag:$0x4] =	stream.linear.gather [hbm4b:s1+s2], $0x80, $0x38;
	[tilespmem:$0x1C200] =	vst v63  }
0xb0: {  	_ =	swait.ge [sflag:s8], $0x3E80  }
0xb1: {  	[sflag:s8] =	ssyncset.done $0x0  }
0xb2: {  	[sflag:s8] =	ssyncadd.s32 $0xFFFFC180  }
0xb3: {  	_ =	swait.ge [sflag:s9], $0x80  }
0xb4: {  	[sflag:s9] =	ssyncset.done $0x0  }
0xb5: {  	[sflag:s9] =	ssyncadd.s32 $0xFFFFFF80  }
0xb6: {  	_ =	swait.ge [sflag:s9], $0x80  }
0xb7: {  	[sflag:s9] =	ssyncset.done $0x0  }
0xb8: {  	[sflag:s9] =	ssyncadd.s32 $0xFFFFFF80  }
0xb9: {  	[tilespmem:s11], [sflag:$0x2] =	stream.indirect.gather [hbm4b:s0+s6], $0x80, s7, s6, $0xb8;
	[tilespmem:$0x1C200] =	vst v63  }
0xba: {  	_ = 	snop  }
0xbb: {  	[spmem:s12] =	stream.indirect.scatter.add.f32 [tilespmem:s3], [sflag:$0x5], $0x80, s5, s6, $0xb8;
	[tilespmem:$0x1C200] =	vst v63  }
0xbc: {  	_ =	swait.ge [sflag:s4], $0x3E80  }
0xbd: {  	[sflag:s4] =	ssyncset.done $0x0  }
0xbe: {  	[sflag:s4] =	ssyncadd.s32 $0xFFFFC180  }
0xbf: {  	_ =	swait.ge [sflag:s13], $0x3E80  }
0xc0: {  	[sflag:s13] =	ssyncset.done $0x0  }
0xc1: {  	[sflag:s13] =	ssyncadd.s32 $0xFFFFC180  }
0xc2: {  	[spmem:s12] =	stream.indirect.scatter.add.f32 [tilespmem:s11], [sflag:$0x5], $0x80, s29, s6, $0xb8;
	[tilespmem:$0x1C200] =	vst v63  }
0xc3: {  	_ =	swait.ge [sflag:s4], $0x3E80  }
0xc4: {  	[sflag:s4] =	ssyncset.done $0x0  }
0xc5: {  	[sflag:s4] =	ssyncadd.s32 $0xFFFFC180  }
0xc6: {  	[bflag:$0x0] =	sbarrier.arrive $0xFFFF  }
0xc7: {  	s10 =	rddreg [dreg:$0xe]  }
0xc8: {  	[tilespmem:s3], [sflag:$0x5] =	stream.linear.gather [spmem:s10], $0x2000, $0x38;
	[tilespmem:$0x1C200] =	vst v63  }
0xc9: {  	_ =	swait.ge [sflag:s4], $0x2000  }
0xca: {  	[sflag:s4] =	ssyncset.done $0x0  }
0xcb: {  	s17 =	rddreg [dreg:$0x4];
	[sflag:s4] =	ssyncadd.s32 $0xFFFFE000  }
0xcc: {  	[hbm4b:s17+s2] =	stream.linear.scatter [tilespmem:s3], [sflag:$0x5], $0x2000, $0x38;
	[tilespmem:$0x1C200] =	vst v63  }
0xcd: {  	_ =	swait.ge [sflag:s4], $0x2000  }
0xce: {  	[sflag:s4] =	ssyncset.done $0x0  }
0xcf: {  	[sflag:s4] =	ssyncadd.s32 $0xFFFFE000  }
0xd0: {  	[tilespmem:s3], [sflag:$0x5] =	stream.linear.gather [spmem:s18], $0x2000, $0x38;
	[tilespmem:$0x1C200] =	vst v63  }
0xd1: {  	_ =	swait.ge [sflag:s4], $0x2000  }
0xd2: {  	[sflag:s4] =	ssyncset.done $0x0  }
0xd3: {  	s31 =	rddreg [dreg:$0x5];
	[sflag:s4] =	ssyncadd.s32 $0xFFFFE000  }
0xd4: {  	[hbm4b:s31+s2] =	stream.linear.scatter [tilespmem:s3], [sflag:$0x5], $0x2000, $0x38;
	[tilespmem:$0x1C200] =	vst v63  }
0xd5: {  	_ =	swait.ge [sflag:s4], $0x2000  }
0xd6: {  	[sflag:s4] =	ssyncset.done $0x0  }
0xd7: {  	[sflag:s4] =	ssyncadd.s32 $0xFFFFE000  }
0xd8: {  	[tilespmem:s3], [sflag:$0x5] =	stream.linear.gather [spmem:s19], $0x2000, $0x38;
	[tilespmem:$0x1C200] =	vst v63  }
0xd9: {  	_ =	swait.ge [sflag:s4], $0x2000  }
0xda: {  	[sflag:s4] =	ssyncset.done $0x0  }
0xdb: {  	s10 =	rddreg [dreg:$0x6];
	[sflag:s4] =	ssyncadd.s32 $0xFFFFE000  }
0xdc: {  	[hbm4b:s10+s2] =	stream.linear.scatter [tilespmem:s3], [sflag:$0x5], $0x2000, $0x38;
	[tilespmem:$0x1C200] =	vst v63  }
0xdd: {  	_ =	swait.ge [sflag:s4], $0x2000  }
0xde: {  	[sflag:s4] =	ssyncset.done $0x0  }
0xdf: {  	[sflag:s4] =	ssyncadd.s32 $0xFFFFE000  }
0xe0: {  	[tilespmem:s3], [sflag:$0x5] =	stream.linear.gather [spmem:s20], $0x2000, $0x38;
	[tilespmem:$0x1C200] =	vst v63  }
0xe1: {  	_ =	swait.ge [sflag:s4], $0x2000  }
0xe2: {  	[sflag:s4] =	ssyncset.done $0x0  }
0xe3: {  	s17 =	rddreg [dreg:$0x7];
	[sflag:s4] =	ssyncadd.s32 $0xFFFFE000  }
0xe4: {  	[hbm4b:s17+s2] =	stream.linear.scatter [tilespmem:s3], [sflag:$0x5], $0x2000, $0x38;
	[tilespmem:$0x1C200] =	vst v63  }
0xe5: {  	_ =	swait.ge [sflag:s4], $0x2000  }
0xe6: {  	[sflag:s4] =	ssyncset.done $0x0  }
0xe7: {  	[sflag:s4] =	ssyncadd.s32 $0xFFFFE000  }
0xe8: {  	[tilespmem:s3], [sflag:$0x5] =	stream.linear.gather [spmem:s21], $0x2000, $0x38;
	[tilespmem:$0x1C200] =	vst v63  }
0xe9: {  	_ =	swait.ge [sflag:s4], $0x2000  }
0xea: {  	[sflag:s4] =	ssyncset.done $0x0  }
0xeb: {  	s31 =	rddreg [dreg:$0x8];
	[sflag:s4] =	ssyncadd.s32 $0xFFFFE000  }
0xec: {  	[hbm4b:s31+s2] =	stream.linear.scatter [tilespmem:s3], [sflag:$0x5], $0x2000, $0x38;
	[tilespmem:$0x1C200] =	vst v63  }
0xed: {  	_ =	swait.ge [sflag:s4], $0x2000  }
0xee: {  	[sflag:s4] =	ssyncset.done $0x0  }
0xef: {  	[sflag:s4] =	ssyncadd.s32 $0xFFFFE000  }
0xf0: {  	[tilespmem:s3], [sflag:$0x5] =	stream.linear.gather [spmem:s23], $0x2000, $0x38;
	[tilespmem:$0x1C200] =	vst v63  }
0xf1: {  	_ =	swait.ge [sflag:s4], $0x2000  }
0xf2: {  	[sflag:s4] =	ssyncset.done $0x0  }
0xf3: {  	s10 =	rddreg [dreg:$0x9];
	[sflag:s4] =	ssyncadd.s32 $0xFFFFE000  }
0xf4: {  	[hbm4b:s10+s2] =	stream.linear.scatter [tilespmem:s3], [sflag:$0x5], $0x2000, $0x38;
	[tilespmem:$0x1C200] =	vst v63  }
0xf5: {  	_ =	swait.ge [sflag:s4], $0x2000  }
0xf6: {  	[sflag:s4] =	ssyncset.done $0x0  }
0xf7: {  	[sflag:s4] =	ssyncadd.s32 $0xFFFFE000  }
0xf8: {  	[tilespmem:s3], [sflag:$0x5] =	stream.linear.gather [spmem:s24], $0x2000, $0x38;
	[tilespmem:$0x1C200] =	vst v63  }
0xf9: {  	_ =	swait.ge [sflag:s4], $0x2000  }
0xfa: {  	[sflag:s4] =	ssyncset.done $0x0  }
0xfb: {  	s17 =	rddreg [dreg:$0xa];
	[sflag:s4] =	ssyncadd.s32 $0xFFFFE000  }
0xfc: {  	[hbm4b:s17+s2] =	stream.linear.scatter [tilespmem:s3], [sflag:$0x5], $0x2000, $0x38;
	[tilespmem:$0x1C200] =	vst v63  }
0xfd: {  	_ =	swait.ge [sflag:s4], $0x2000  }
0xfe: {  	[sflag:s4] =	ssyncset.done $0x0  }
0xff: {  	[sflag:s4] =	ssyncadd.s32 $0xFFFFE000  }
0x100: {  	[tilespmem:s3], [sflag:$0x5] =	stream.linear.gather [spmem:s25], $0x2000, $0x38;
	[tilespmem:$0x1C200] =	vst v63  }
0x101: {  	_ =	swait.ge [sflag:s4], $0x2000  }
0x102: {  	[sflag:s4] =	ssyncset.done $0x0  }
0x103: {  	s31 =	rddreg [dreg:$0xb];
	[sflag:s4] =	ssyncadd.s32 $0xFFFFE000  }
0x104: {  	[hbm4b:s31+s2] =	stream.linear.scatter [tilespmem:s3], [sflag:$0x5], $0x2000, $0x38;
	[tilespmem:$0x1C200] =	vst v63  }
0x105: {  	_ =	swait.ge [sflag:s4], $0x2000  }
0x106: {  	[sflag:s4] =	ssyncset.done $0x0  }
0x107: {  	[sflag:s4] =	ssyncadd.s32 $0xFFFFE000  }
0x108: {  	[tilespmem:s3], [sflag:$0x5] =	stream.linear.gather [spmem:s26], $0x2000, $0x38;
	[tilespmem:$0x1C200] =	vst v63  }
0x109: {  	_ =	swait.ge [sflag:s4], $0x2000  }
0x10a: {  	[sflag:s4] =	ssyncset.done $0x0  }
0x10b: {  	s10 =	rddreg [dreg:$0xc];
	[sflag:s4] =	ssyncadd.s32 $0xFFFFE000  }
0x10c: {  	[hbm4b:s10+s2] =	stream.linear.scatter [tilespmem:s3], [sflag:$0x5], $0x2000, $0x38;
	[tilespmem:$0x1C200] =	vst v63  }
0x10d: {  	_ =	swait.ge [sflag:s4], $0x2000  }
0x10e: {  	[sflag:s4] =	ssyncset.done $0x0  }
0x10f: {  	[sflag:s4] =	ssyncadd.s32 $0xFFFFE000  }
0x110: {  	[tilespmem:s3], [sflag:$0x5] =	stream.linear.gather [spmem:s28], $0x2000, $0x38;
	[tilespmem:$0x1C200] =	vst v63  }
0x111: {  	_ =	swait.ge [sflag:s4], $0x2000  }
0x112: {  	[sflag:s4] =	ssyncset.done $0x0  }
0x113: {  	s17 =	rddreg [dreg:$0xd];
	[sflag:s4] =	ssyncadd.s32 $0xFFFFE000  }
0x114: {  	[hbm4b:s17+s2] =	stream.linear.scatter [tilespmem:s3], [sflag:$0x5], $0x2000, $0x38;
	[tilespmem:$0x1C200] =	vst v63  }
0x115: {  	_ =	swait.ge [sflag:s4], $0x2000  }
0x116: {  	s30 =	sadd.s32 $0x1, s30;
	s31 =	rddreg [dreg:$0x13]  }
0x117: {  	p0 =	sne.s32 s30, s31  }
.Ltmp2:
0x118: {  	_ = 	snop;
	(pc) =	sbr.rel @p0 .LBB2_1-.Ltmp2, $3  }
0x119: {  	_ =	sdelay $0x1  }
0x11a: {  	[sflag:s4] =	ssyncset.done $0x0  }
0x11b: {  	[sflag:s4] =	ssyncadd.s32 $0xFFFFE000  }
0x11c: {  	_ =	sfence.sel $0x180000  }
0x11d: {  	[bflag:$0x0] =	sbarrier.arrive $0xFFFF  }
0x11e: {  	_ =	strace $0x9000004D  }
0x11f: {  	s0 =	stileid.u32;
	[bflag:$0x2] =	sbarrier.arrive $0xFFFF  }
0x120: {  	p0 =	sne.s32 s0, $0x0;
	s0 =	rddreg [dreg:$0x3]  }
0x121: {  	s0 =	sadd.s32 @!p0 $0x100000, s0  }
0x122: {  	[sflag:s0] =	ssyncadd.tile.s32 @!p0 $0x1;
	_ =	shalt  }
.Lfunc_end2:
_tile_overlayer_lowered:
.L_overlay_start_2:
0x123: {  	(tag) =	ssettag $0x2  }
0x124: {  	s0 =	rddreg [dreg:$0x0];
	s2 =	stileid.u32  }
0x125: {  	s1 =	rddreg [dreg:$0x1];
	p0 =	sne.s32 s2, $0x0  }
0x126: {  	s3 =	rddreg [dreg:$0x2];
	[bflag:$0x3] =	sbarrier.arrive $0xFFFF;
	s2 =	simm.s32 @!p0 $0x1C05  }
0x127: {  	[timem:s3], [sflag:s2] =	dma.local @!p0 [hbm:s0], s1  }
0x128: {  	s0 =	simm.s32 @!p0 $0x5  }
0x129: {  	_ =	swait.ge @!p0 [sflag:s0], s1  }
0x12a: {  	s1 =	ssub.s32 @!p0 $0x0, s1;
	[sflag:s0] =	ssyncset.done @!p0 $0x0  }
0x12b: {  	[sflag:s0] =	ssyncadd.s32 @!p0 s1  }
0x12c: {  	[bflag:$0x3] =	sbarrier.arrive $0xFFFF  }
0x12d: {  	_ =	shalt  }

// kernel: kernel.8.cloned.1.call-start
scs
__scs_entry_jumppad:
0x0: {  	(pc) =	sbr.rel $0x88, $3  }
0x1: {  	(tag) =	ssettag $0x0;
	lr =	simm.s32 $0x1  }
0x2: {  	[smem:$0x3F9D] =	sst lr;
	_ =	strace $0xD0000000  }
0x3: {  	_ = 	snop  }
0x4: {  	_ = 	snop  }
0x5: {  	_ = 	snop  }
0x6: {  	_ = 	snop  }
0x7: {  	_ = 	snop  }
__scs_overlays_trampoline_lowered:
0x8: {  	[smem:$0x3FAC] =	sst s0  }
0x9: {  	[smem:$0x3FAD] =	sst s1  }
0xa: {  	[smem:$0x3FAE] =	sst s2  }
0xb: {  	[smem:$0x3FAF] =	sst s3  }
0xc: {  	[smem:$0x3FB0] =	sst s4  }
0xd: {  	[smem:$0x3FB1] =	sst s5  }
0xe: {  	[smem:$0x3FB2] =	sst s6  }
0xf: {  	[smem:$0x3FB3] =	sst s7  }
0x10: {  	[smem:$0x3FB4] =	sst s8  }
0x11: {  	[smem:$0x3FB5] =	sst s9;
	s0 =	simm.s32 @!p0 $0x0  }
0x12: {  	s1 =	sld [smem:$0x3F9B];
	s0 =	simm.s32 @p0 $0x1  }
0x13: {  	[smem:$0x3FB6] =	sst s0;
	s0 =	simm.s32 @!p1 $0x0  }
0x14: {  	s2 =	sld [smem:$0x3F9A];
	s0 =	simm.s32 @p1 $0x1  }
0x15: {  	[smem:$0x3FB7] =	sst s0;
	s0 =	simm.s32 @!p2 $0x0  }
0x16: {  	s3 =	sld [smem:$0x3FDB];
	s0 =	simm.s32 @p2 $0x1  }
0x17: {  	s4 =	simm.s32 $0x1BF5;
	[smem:$0x3FB9] =	sst s0  }
0x18: {  	s0 =	sld [smem:$0x3F9C];
	_ =	swait.ge [sflag:s4], $0x0  }
0x19: {  	s7 =	sld [smem:$0x3F9D]  }
0x1a: {  	s8 =	sadd.s32 $0xFFFFE003, lr  }
0x1b: {  	s9 =	sadd.s32 $0xFFFFFEF7, lr;
	s5 =	simm.s32 $0xFFFFFFFF;
	p2 =	slt.u32 s8, $0xFFFFF086  }
0x1c: {  	p1 =	slt.u32 s9, $0xF7A;
	s5 =	simm.s32 @!p2 $0x0  }
0x1d: {  	s5 =	simm.s32 @p1 $0x1;
	p0 =	seq.s32 s7, s2  }
0x1e: {  	s7 =	smul.u32 @!p0 $0xF7A, s2;
	p2 =	seq.s32 @!p0 s5, $0x0  }
0x1f: {  	s9 =	smul.u32 $0xF7A, s1;
	s8 =	simm.s32 @!p0 $0x1BF5;
	p2 =	por !p2, p0  }
0x20: {  	[sflag:s8] =	ssyncset.s32 @!p0 $0xFFFFF086;
	s6 =	sadd.s32 @!p0 s3, s7;
	s7 =	simm.s32 @!p0 $0x108  }
0x21: {  	s3 =	sadd.s32 s3, s9;
	s6 =	sadd.s32 @!p0 $0x88, s6;
	s7 =	simm.s32 @p2 $0x1082  }
0x22: {  	[simem:s7], [sflag:s8] =	dma.local @!p0 [hbm:s6], $0xF7A  }
0x23: {  	s9 =	sor.u32 $0xD0000000, s2;
	s6 =	simm.s32 $0x108;
	_ =	swait.ge @!p0 [sflag:s8], $0x0  }
0x24: {  	s3 =	sadd.s32 $0x88, s3;
	s6 =	simm.s32 @!p1 $0x1082;
	[sflag:s4] =	ssyncset.s32 $0xFFFFF086  }
0x25: {  	[simem:s6], [sflag:s4] =	dma.local [hbm:s3], $0xF7A  }
0x26: {  	[smem:$0x3F9D] =	sst s1;
	(tag) =	ssettag s2;
	_ =	strace s9  }
0x27: {  	s1 =	sld [smem:$0x3FAD]  }
0x28: {  	s2 =	sld [smem:$0x3FAE]  }
0x29: {  	s4 =	sld [smem:$0x3FB0]  }
0x2a: {  	p0 =	seq.s32 s5, $0x0;
	s5 =	sld [smem:$0x3FB1]  }
0x2b: {  	s6 =	sld [smem:$0x3FB2]  }
0x2c: {  	s7 =	sld [smem:$0x3FB3]  }
0x2d: {  	s3 =	simm.s32 $0x108;
	s8 =	sld [smem:$0x3FB4]  }
0x2e: {  	s3 =	simm.s32 @!p0 $0x1082;
	s9 =	sld [smem:$0x3FB5]  }
0x2f: {  	lr =	sadd.s32 s0, s3;
	s0 =	sld [smem:$0x3FAC]  }
0x30: {  	s3 =	sld [smem:$0x3FAF]  }
0x31: {  	[smem:$0x3FB8] =	sst s10  }
0x32: {  	s10 =	sld [smem:$0x3FB6];
	_ =	sdelay $0x3  }
0x33: {  	p0 =	seq.s32 s10, $0x1;
	s10 =	sld [smem:$0x3FB8];
	_ =	sdelay $0x3  }
0x34: {  	[smem:$0x3FB8] =	sst s10  }
0x35: {  	s10 =	sld [smem:$0x3FB7];
	_ =	sdelay $0x3  }
0x36: {  	p1 =	seq.s32 s10, $0x1;
	s10 =	sld [smem:$0x3FB8];
	_ =	sdelay $0x3  }
0x37: {  	[smem:$0x3FB8] =	sst s10  }
0x38: {  	s10 =	sld [smem:$0x3FB9]  }
0x39: {  	_ = 	snop;
	(pc) =	sbr.ind lr, $3  }
0x3a: {  	_ = 	snop  }
0x3b: {  	_ = 	snop  }
0x3c: {  	p2 =	seq.s32 s10, $0x1;
	s10 =	sld [smem:$0x3FB8]  }
0x3d: {  	_ =	shalt  }
0x3e: {  	_ =	shalt  }
0x3f: {  	_ =	shalt  }
0x40: {  	_ =	shalt  }
0x41: {  	_ =	shalt  }
0x42: {  	_ =	shalt  }
0x43: {  	_ =	shalt  }
0x44: {  	_ =	shalt  }
0x45: {  	_ =	shalt  }
0x46: {  	_ =	shalt  }
0x47: {  	_ =	shalt  }
0x48: {  	_ =	shalt  }
0x49: {  	_ =	shalt  }
0x4a: {  	_ =	shalt  }
0x4b: {  	_ =	shalt  }
0x4c: {  	_ =	shalt  }
0x4d: {  	_ =	shalt  }
0x4e: {  	_ =	shalt  }
0x4f: {  	_ =	shalt  }
0x50: {  	_ =	shalt  }
0x51: {  	_ =	shalt  }
0x52: {  	_ =	shalt  }
0x53: {  	_ =	shalt  }
0x54: {  	_ =	shalt  }
0x55: {  	_ =	shalt  }
0x56: {  	_ =	shalt  }
0x57: {  	_ =	shalt  }
0x58: {  	_ =	shalt  }
0x59: {  	_ =	shalt  }
0x5a: {  	_ =	shalt  }
0x5b: {  	_ =	shalt  }
0x5c: {  	_ =	shalt  }
0x5d: {  	_ =	shalt  }
0x5e: {  	_ =	shalt  }
0x5f: {  	_ =	shalt  }
0x60: {  	_ =	shalt  }
0x61: {  	_ =	shalt  }
0x62: {  	_ =	shalt  }
0x63: {  	_ =	shalt  }
0x64: {  	_ =	shalt  }
0x65: {  	_ =	shalt  }
0x66: {  	_ =	shalt  }
0x67: {  	_ =	shalt  }
0x68: {  	_ =	shalt  }
0x69: {  	_ =	shalt  }
0x6a: {  	_ =	shalt  }
0x6b: {  	_ =	shalt  }
0x6c: {  	_ =	shalt  }
0x6d: {  	_ =	shalt  }
0x6e: {  	_ =	shalt  }
0x6f: {  	_ =	shalt  }
0x70: {  	_ =	shalt  }
0x71: {  	_ =	shalt  }
0x72: {  	_ =	shalt  }
0x73: {  	_ =	shalt  }
0x74: {  	_ =	shalt  }
0x75: {  	_ =	shalt  }
0x76: {  	_ =	shalt  }
0x77: {  	_ =	shalt  }
0x78: {  	_ =	shalt  }
0x79: {  	_ =	shalt  }
0x7a: {  	_ =	shalt  }
0x7b: {  	_ =	shalt  }
0x7c: {  	_ =	shalt  }
0x7d: {  	_ =	shalt  }
0x7e: {  	_ =	shalt  }
0x7f: {  	_ =	shalt  }
0x80: {  	_ =	shalt  }
0x81: {  	_ =	shalt  }
0x82: {  	_ =	shalt  }
0x83: {  	_ =	shalt  }
0x84: {  	_ =	shalt  }
0x85: {  	_ =	shalt  }
0x86: {  	_ =	shalt  }
0x87: {  	_ =	shalt  }
.Lfunc_end0:
.L_simem_size_0:
called_computation_lowered:
.L_overlay_start_0:
0x88: {  	s2 =	sld [smem:$0x3FD9]  }
0x89: {  	s3 =	sld [smem:$0x3FFE];
	_ =	sdelay $0x1  }
0x8a: {  	s1 =	srdreg.scid  }
0x8b: {  	s0 =	sand.u32 $0x1, s1  }
0x8c: {  	s14 =	sshll.u32 s0, $0xA;
	s2 =	sadd.s32 s3, s2  }
0x8d: {  	s2 =	sadd.s32 s2, s14  }
0x8e: {  	[smem:$0x3FC4] =	sst s2  }
0x8f: {  	_ = 	snop  }
0x90: {  	s2 =	sld [smem:$0x3FD0];
	_ =	sdelay $0x2  }
0x91: {  	s15 =	simm.s32 $0xA;
	s4 =	simm.s32 $0x10  }
0x92: {  	[smem:s4], [sflag:s15] =	dma.local [hbm:s2], $0x1  }
0x93: {  	_ =	swait.eq [sflag:s15], $0x1  }
0x94: {  	[sflag:s15] =	ssyncset.done $0x0  }
0x95: {  	[sflag:s15] =	ssyncadd.s32 $0xFFFFFFFF  }
0x96: {  	s16 =	sld [smem:$0x10];
	(tm) =	ssettm $0x1  }
0x97: {  	s17 =	sld [smem:$0x3FFB];
	_ =	sdelay $0x3  }
0x98: {  	_ =	strace s17  }
0x99: {  	s3 =	sld [smem:$0x3FFC];
	_ =	sdelay $0x3  }
0x9a: {  	_ =	strace s3  }
0x9b: {  	s3 =	sld [smem:$0x3FFD];
	_ =	sdelay $0x3  }
0x9c: {  	_ =	strace s3  }
0x9d: {  	_ =	strace $0x8FFFFFFF  }
0x9e: {  	s18 =	sld [smem:$0x3FDB];
	_ =	sdelay $0x1  }
0x9f: {  	s19 =	simm.s32 $_scs_section_size  }
0xa0: {  	s5 =	simm.s32 $_size__tile_overlayer_lowered;
	s6 =	simm.s32 $_tile_overlayer_lowered  }
0xa1: {  	s22 =	simm.s32 $0x1BFF;
	s21 =	sshll.u32 s6, $0x1;
	s3 =	sadd.s32 s19, s18  }
0xa2: {  	s7 =	simm.s32 $0x0;
	s20 =	sshll.u32 s5, $0x1;
	s5 =	sadd.s32 s21, s3  }
0xa3: {  	[timem:s7], [sflag:s22] =	dma.local [hbm:s5], s20  }
0xa4: {  	_ =	swait.ge [sflag:s22], s20  }
0xa5: {  	s4 =	ssub.s32 $0x0, s20;
	[sflag:s22] =	ssyncset.done $0x0  }
0xa6: {  	[sflag:s22] =	ssyncadd.s32 s4;
	_ =	sdelay $0x1  }
0xa7: {  	s23 =	simm.s32 $0x1B8B  }
0xa8: {  	_ =	swait.ge [sflag:s23], $0x1  }
0xa9: {  	[sflag:s23] =	ssyncset.done $0x0  }
0xaa: {  	s25 =	simm.s32 $0x1B8E;
	s24 =	sld [smem:$0x3FFE];
	[sflag:s23] =	ssyncadd.s32 $0xFFFFFFFF  }
0xab: {  	s26 =	simm.s32 $execute0_lowered;
	[smem:$0x3FD2] =	sst s25  }
0xac: {  	s5 =	sshll.u32 s26, $0x1;
	_ =	strace $0x80000046;
	[dreg:$0x1] =	wrdreg $0xFFFFFFFF  }
0xad: {  	s28 =	simm.s32 $_size_execute0_lowered;
	s3 =	sadd.s32 s3, s5;
	[dreg:$0x0] =	wrdreg $0x0  }
0xae: {  	s5 =	sshll.u32 s28, $0x1;
	[dreg:$0x2] =	wrdreg s3  }
0xaf: {  	[dreg:$0x3] =	wrdreg s5  }
0xb0: {  	[dreg:$0x4] =	wrdreg $0xC0  }
0xb1: {  	_ =	task [dreg:s7], $0x5FFFF  }
0xb2: {  	[dreg:$0x1] =	wrdreg $0xFFFFFFFF  }
0xb3: {  	[dreg:$0x0] =	wrdreg $0x60  }
0xb4: {  	[dreg:$0x2] =	wrdreg s24  }
0xb5: {  	[dreg:$0x3] =	wrdreg s16  }
0xb6: {  	[dreg:$0x4] =	wrdreg $0x45000  }
0xb7: {  	[dreg:$0x5] =	wrdreg $0x9  }
0xb8: {  	_ =	task.clear_ibuf [dreg:s7], $0x6FFFF;
	_ =	strace $0x90000046  }
0xb9: {  	s29 =	simm.s32 $0x9;
	_ =	strace $0x80000048  }
0xba: {  	_ =	swait.ge [sflag:s29], $0x1  }
0xbb: {  	[sflag:s29] =	ssyncadd.s32 $0xFFFFFFFF  }
0xbc: {  	_ =	strace $0x90000048  }
0xbd: {  	_ =	sfence  }
0xbe: {  	s30 =	sld [smem:$0x0];
	_ =	sdelay $0x2  }
0xbf: {  	s31 =	sshll.u32 s1, $0xD;
	s1 =	sshrl.u32 s1, $0x2  }
0xc0: {  	s3 =	sand.u32 $0x4000, s31;
	s1 =	sadd.s32 s1, s30  }
0xc1: {  	s0 =	sor.u32 s3, s0;
	s1 =	sshll.u32 s1, $0x11  }
0xc2: {  	s0 =	sor.u32 s1, s0  }
0xc3: {  	s0 =	sadd.s32 $0x8F2B, s0  }
0xc4: {  	[sflag:s0] =	ssyncadd.remote.s32 $0x1  }
0xc5: {  	_ =	sfence.sel $0xFFFF  }
0xc6: {  	[dreg:$0x0] =	wrdreg $0xFFFFFFFF;
	(pc) =	sbr.abs _section_cstart, $3  }
0xc7: {  	[dreg:$0x1] =	wrdreg $0xFFFFFFFF  }
0xc8: {  	_ =	task.clear_ibuf [dreg:s7], $0x2FFFF;
	_ =	strace $0x9FFFFFFF  }
0xc9: {  	(tm) =	ssettm $0x7FFFFFFF  }
tec
execute0_lowered:
.L_overlay_start_1:
0x0: {  	(tag) =	ssettag $0x1  }
0x1: {  	s0 =	rddreg [dreg:$0x0]  }
0x2: {  	s1 =	rddreg [dreg:$0x1]  }
0x3: {  	s3 =	rddreg [dreg:$0x2]  }
0x4: {  	s2 =	simm.s32 $0x0;
	s4 =	srdreg.scid;
	s10 =	stileid.u32  }
0x5: {  	[smem:$0x7FF] =	sst s2;
	s4 =	sand.u32 $0x1, s4;
	s5 =	sshll.u32 s10, $0x1  }
0x6: {  	s6 =	smul.u32 $0x500, s10;
	s7 =	sadd.s32 $0x2000, s0;
	s9 =	sadd.s32 $0xC800, s0  }
0x7: {  	s22 =	sshrl.u32 s10, $0x3;
	s24 =	smul.u32 $0x5000, s10;
	s5 =	sor.u32 s4, s5  }
0x8: {  	s25 =	sshll.u32 s10, $0x7;
	s10 =	simm.s32 $0x1000;
	s5 =	smul.u32 $0x2710, s5  }
0x9: {  	_ =	strace $0x80000047;
	s8 =	sshll.u32 s4, $0x7;
	s4 =	ssub.s32 $0x2, s4  }
0xa: {  	s6 =	sor.u32 s8, s6;
	s26 =	sshrl.u32 s4, $0x1;
	s5 =	sshrl.u32 s5, $0x3  }
0xb: {  	s8 =	smul.u32 $0x50000, s22;
	s6 =	sshrl.u32 s6, $0x3;
	s11 =	sadd.s32 s7, s5  }
0xc: {  	s4 =	ssub.s32 s4, s26;
	s12 =	sadd.s32 s1, s5;
	[dreg:$0x4] =	wrdreg s11  }
0xd: {  	s13 =	sadd.s32 s9, s5;
	s14 =	sadd.s32 $0xFA, s5;
	[dreg:$0x5] =	wrdreg s12  }
0xe: {  	s0 =	sadd.s32 s6, s0;
	[dreg:$0x6] =	wrdreg s13;
	s15 =	sadd.s32 s7, s14  }
0xf: {  	s26 =	sshrl.u32 s8, $0x2;
	s16 =	sadd.s32 s1, s14;
	[dreg:$0x7] =	wrdreg s15  }
0x10: {  	s17 =	sadd.s32 $0x1F4, s5;
	s6 =	sadd.s32 s9, s14;
	[dreg:$0x8] =	wrdreg s16  }
0x11: {  	s8 =	simm.s32 $0x800;
	s18 =	sadd.s32 s7, s17;
	[dreg:$0x9] =	wrdreg s6  }
0x12: {  	s21 =	sadd.s32 $0x2EE, s5;
	s19 =	sadd.s32 s1, s17;
	[dreg:$0xa] =	wrdreg s18  }
0x13: {  	s5 =	sadd.s32 $0x3E8, s5;
	s20 =	sadd.s32 s9, s17;
	[dreg:$0xb] =	wrdreg s19  }
0x14: {  	s11 =	sadd.s32 s7, s21;
	s23 =	sadd.s32 s1, s21;
	[dreg:$0xc] =	wrdreg s20  }
0x15: {  	s7 =	sadd.s32 s7, s5;
	s1 =	sadd.s32 s1, s5;
	[dreg:$0xd] =	wrdreg s11  }
0x16: {  	s17 =	sadd.s32 s9, s5;
	s5 =	sadd.s32 s26, s3;
	[dreg:$0xe] =	wrdreg s23  }
0x17: {  	s12 =	simm.s32 $0x400;
	s13 =	simm.s32 $0x4000;
	[dreg:$0x10] =	wrdreg s7  }
0x18: {  	s6 =	sadd.s32 s9, s21;
	[dreg:$0x11] =	wrdreg s1;
	s1 =	sand.u32 $0x380, s25  }
0x19: {  	s25 =	smax.u32 s4, $0x1;
	s7 =	simm.s32 $0x1;
	s9 =	simm.s32 $0x1800  }
0x1a: {  	s11 =	simm.s32 $0x80;
	[dreg:$0xf] =	wrdreg s6;
	s6 =	sshrl.u32 s24, $0x2  }
0x1b: {  	s19 =	sadd.s32 s1, s5;
	s24 =	sadd.s32 $0xBE00, s0;
	s18 =	sadd.s32 s6, s3  }
0x1c: {  	s20 =	sadd.s32 $0x80, s18;
	s21 =	sadd.s32 $0x100, s18;
	s22 =	sadd.s32 $0x180, s18  }
0x1d: {  	s23 =	sadd.s32 $0x200, s18;
	s26 =	sadd.s32 $0x280, s18;
	s28 =	sadd.s32 $0x300, s18  }
0x1e: {  	s29 =	sadd.s32 $0x380, s18;
	s30 =	sadd.s32 $0x14000, s18;
	s31 =	sadd.s32 $0x14080, s18  }
0x1f: {  	s0 =	sadd.s32 $0x14100, s18;
	s1 =	sadd.s32 $0x14180, s18;
	s3 =	sadd.s32 $0x14200, s18  }
0x20: {  	v0 =	vimm.f32 $0.0e+00;
	v1 =	vimm.f32 $1.000000000e+00;
	s4 =	sadd.s32 $0x14280, s18;
	s5 =	sadd.s32 $0x14300, s18;
	s6 =	sadd.s32 $0x14380, s18  }
.LBB2_1:
0x21: {  	s14 =	simm.s32 $0x40;
	s15 =	simm.s32 $0x0  }
.LBB2_2:
0x22: {  	p0 =	sne.s32 s14, $0x9FC0;
	[tilespmem:s15+$0x1800] =	vst v0;
	s15 =	smov.u32 s14;
	s14 =	sadd.s32 $0x40, s14  }
.Ltmp0:
0x23: {  	(pc) =	sbr.rel @p0 .LBB2_2-.Ltmp0, $2  }
0x24: {  	_ =	sdelay $0x2  }
0x25: {  	s15 =	sshra.s32 s15, $0x2  }
0x26: {  	[tilespmem:s15+$0x1800] =	vst v0;
	s14 =	simm.s32 $0x0;
	s16 =	rddreg [dreg:$0x4]  }
0x27: {  	[tilespmem:s14], [sflag:$0x1] =	stream.linear.gather [hbm4b:s16+s14], $0x7D0, $0x38;
	[tilespmem:$0x6D00] =	vst v63  }
0x28: {  	_ =	swait.ge [sflag:s7], $0x7D0  }
0x29: {  	[sflag:s7] =	ssyncset.done $0x0  }
0x2a: {  	s16 =	rddreg [dreg:$0x5];
	[sflag:s7] =	ssyncadd.s32 $0xFFFFF830  }
0x2b: {  	[tilespmem:s8], [sflag:$0x1] =	stream.linear.gather [hbm4b:s16+s14], $0x7D0, $0x38;
	[tilespmem:$0x6D00] =	vst v63  }
0x2c: {  	_ =	swait.ge [sflag:s7], $0x7D0  }
0x2d: {  	[sflag:s7] =	ssyncset.done $0x0  }
0x2e: {  	s14 =	simm.s32 $0x0;
	[sflag:s7] =	ssyncadd.s32 $0xFFFFF830  }
0x2f: {  	s15 =	simm.s32 $0x40;
	v2 =	vld [tilespmem:s14+$0x800]  }
.LBB2_4:
0x30: {  	p0 =	sne.s32 s15, $0x1F00;
	v3 =	vld [tilespmem:s14+$0x0];
	_ =	sdelay $0x4  }
0x31: {  	vm0 =	vne.s32 v3, v2;
	_ =	sdelay $0x2  }
.Ltmp1:
0x32: {  	(pc) =	sbr.rel @p0 .LBB2_4-.Ltmp1, $4  }
0x33: {  	v2 =	vnsel vm0, $0x2710, v2  }
0x34: {  	[tilespmem:s14+$0x1000] =	vst v2  }
0x35: {  	s14 =	sshra.s32 s15, $0x2;
	[tilespmem:v3+s9+$0x0] =	vst.idx.add.f32.msk vm0, v1  }
0x36: {  	s15 =	sadd.s32 $0x40, s15;
	v2 =	vld [tilespmem:s14+$0x800]  }
0x37: {  	v3 =	vld [tilespmem:s14+$0x0];
	_ =	sdelay $0x4  }
0x38: {  	vm0 =	vne.s32 v3, v2;
	_ =	sdelay $0x3  }
0x39: {  	v2 =	vnsel vm0, $0x2710, v2  }
0x3a: {  	[tilespmem:s14+$0x1000] =	vst v2  }
0x3b: {  	s15 =	rddreg [dreg:$0x6];
	s14 =	simm.s32 $0x0;
	[tilespmem:v3+s9+$0x0] =	vst.idx.add.f32.msk vm0, v1  }
0x3c: {  	[hbm4b:s15+s14] =	stream.linear.scatter [tilespmem:s10], [sflag:$0x1], $0x7D0, $0x38;
	[tilespmem:$0x6D00] =	vst v63  }
0x3d: {  	_ =	swait.ge [sflag:s7], $0x7D0  }
0x3e: {  	[sflag:s7] =	ssyncset.done $0x0  }
0x3f: {  	s16 =	rddreg [dreg:$0x7];
	[sflag:s7] =	ssyncadd.s32 $0xFFFFF830  }
0x40: {  	[tilespmem:s14], [sflag:$0x1] =	stream.linear.gather [hbm4b:s16+s14], $0x7D0, $0x38;
	[tilespmem:$0x6D00] =	vst v63  }
0x41: {  	_ =	swait.ge [sflag:s7], $0x7D0  }
0x42: {  	[sflag:s7] =	ssyncset.done $0x0  }
0x43: {  	s16 =	rddreg [dreg:$0x8];
	[sflag:s7] =	ssyncadd.s32 $0xFFFFF830  }
0x44: {  	[tilespmem:s8], [sflag:$0x1] =	stream.linear.gather [hbm4b:s16+s14], $0x7D0, $0x38;
	[tilespmem:$0x6D00] =	vst v63  }
0x45: {  	_ =	swait.ge [sflag:s7], $0x7D0  }
0x46: {  	[sflag:s7] =	ssyncset.done $0x0  }
0x47: {  	s14 =	simm.s32 $0x0;
	[sflag:s7] =	ssyncadd.s32 $0xFFFFF830  }
0x48: {  	s15 =	simm.s32 $0x40;
	v2 =	vld [tilespmem:s14+$0x800]  }
.LBB2_6:
0x49: {  	p0 =	sne.s32 s15, $0x1F00;
	v3 =	vld [tilespmem:s14+$0x0];
	_ =	sdelay $0x4  }
0x4a: {  	vm0 =	vne.s32 v3, v2;
	_ =	sdelay $0x2  }
.Ltmp2:
0x4b: {  	(pc) =	sbr.rel @p0 .LBB2_6-.Ltmp2, $4  }
0x4c: {  	v2 =	vnsel vm0, $0x2710, v2  }
0x4d: {  	[tilespmem:s14+$0x1000] =	vst v2  }
0x4e: {  	s14 =	sshra.s32 s15, $0x2;
	[tilespmem:v3+s9+$0x0] =	vst.idx.add.f32.msk vm0, v1  }
0x4f: {  	s15 =	sadd.s32 $0x40, s15;
	v2 =	vld [tilespmem:s14+$0x800]  }
0x50: {  	v3 =	vld [tilespmem:s14+$0x0];
	_ =	sdelay $0x4  }
0x51: {  	vm0 =	vne.s32 v3, v2;
	_ =	sdelay $0x3  }
0x52: {  	v2 =	vnsel vm0, $0x2710, v2  }
0x53: {  	[tilespmem:s14+$0x1000] =	vst v2  }
0x54: {  	s15 =	rddreg [dreg:$0x9];
	s14 =	simm.s32 $0x0;
	[tilespmem:v3+s9+$0x0] =	vst.idx.add.f32.msk vm0, v1  }
0x55: {  	[hbm4b:s15+s14] =	stream.linear.scatter [tilespmem:s10], [sflag:$0x1], $0x7D0, $0x38;
	[tilespmem:$0x6D00] =	vst v63  }
0x56: {  	_ =	swait.ge [sflag:s7], $0x7D0  }
0x57: {  	[sflag:s7] =	ssyncset.done $0x0  }
0x58: {  	s16 =	rddreg [dreg:$0xa];
	[sflag:s7] =	ssyncadd.s32 $0xFFFFF830  }
0x59: {  	[tilespmem:s14], [sflag:$0x1] =	stream.linear.gather [hbm4b:s16+s14], $0x7D0, $0x38;
	[tilespmem:$0x6D00] =	vst v63  }
0x5a: {  	_ =	swait.ge [sflag:s7], $0x7D0  }
0x5b: {  	[sflag:s7] =	ssyncset.done $0x0  }
0x5c: {  	s16 =	rddreg [dreg:$0xb];
	[sflag:s7] =	ssyncadd.s32 $0xFFFFF830  }
0x5d: {  	[tilespmem:s8], [sflag:$0x1] =	stream.linear.gather [hbm4b:s16+s14], $0x7D0, $0x38;
	[tilespmem:$0x6D00] =	vst v63  }
0x5e: {  	_ =	swait.ge [sflag:s7], $0x7D0  }
0x5f: {  	[sflag:s7] =	ssyncset.done $0x0  }
0x60: {  	s14 =	simm.s32 $0x0;
	[sflag:s7] =	ssyncadd.s32 $0xFFFFF830  }
0x61: {  	s15 =	simm.s32 $0x40;
	v2 =	vld [tilespmem:s14+$0x800]  }
.LBB2_8:
0x62: {  	p0 =	sne.s32 s15, $0x1F00;
	v3 =	vld [tilespmem:s14+$0x0];
	_ =	sdelay $0x4  }
0x63: {  	vm0 =	vne.s32 v3, v2;
	_ =	sdelay $0x2  }
.Ltmp3:
0x64: {  	(pc) =	sbr.rel @p0 .LBB2_8-.Ltmp3, $4  }
0x65: {  	v2 =	vnsel vm0, $0x2710, v2  }
0x66: {  	[tilespmem:s14+$0x1000] =	vst v2  }
0x67: {  	s14 =	sshra.s32 s15, $0x2;
	[tilespmem:v3+s9+$0x0] =	vst.idx.add.f32.msk vm0, v1  }
0x68: {  	s15 =	sadd.s32 $0x40, s15;
	v2 =	vld [tilespmem:s14+$0x800]  }
0x69: {  	v3 =	vld [tilespmem:s14+$0x0];
	_ =	sdelay $0x4  }
0x6a: {  	vm0 =	vne.s32 v3, v2;
	_ =	sdelay $0x3  }
0x6b: {  	v2 =	vnsel vm0, $0x2710, v2  }
0x6c: {  	[tilespmem:s14+$0x1000] =	vst v2  }
0x6d: {  	s15 =	rddreg [dreg:$0xc];
	s14 =	simm.s32 $0x0;
	[tilespmem:v3+s9+$0x0] =	vst.idx.add.f32.msk vm0, v1  }
0x6e: {  	[hbm4b:s15+s14] =	stream.linear.scatter [tilespmem:s10], [sflag:$0x1], $0x7D0, $0x38;
	[tilespmem:$0x6D00] =	vst v63  }
0x6f: {  	_ =	swait.ge [sflag:s7], $0x7D0  }
0x70: {  	[sflag:s7] =	ssyncset.done $0x0  }
0x71: {  	s16 =	rddreg [dreg:$0xd];
	[sflag:s7] =	ssyncadd.s32 $0xFFFFF830  }
0x72: {  	[tilespmem:s14], [sflag:$0x1] =	stream.linear.gather [hbm4b:s16+s14], $0x7D0, $0x38;
	[tilespmem:$0x6D00] =	vst v63  }
0x73: {  	_ =	swait.ge [sflag:s7], $0x7D0  }
0x74: {  	[sflag:s7] =	ssyncset.done $0x0  }
0x75: {  	s16 =	rddreg [dreg:$0xe];
	[sflag:s7] =	ssyncadd.s32 $0xFFFFF830  }
0x76: {  	[tilespmem:s8], [sflag:$0x1] =	stream.linear.gather [hbm4b:s16+s14], $0x7D0, $0x38;
	[tilespmem:$0x6D00] =	vst v63  }
0x77: {  	_ =	swait.ge [sflag:s7], $0x7D0  }
0x78: {  	[sflag:s7] =	ssyncset.done $0x0  }
0x79: {  	s14 =	simm.s32 $0x0;
	[sflag:s7] =	ssyncadd.s32 $0xFFFFF830  }
0x7a: {  	s15 =	simm.s32 $0x40;
	v2 =	vld [tilespmem:s14+$0x800]  }
.LBB2_10:
0x7b: {  	p0 =	sne.s32 s15, $0x1F00;
	v3 =	vld [tilespmem:s14+$0x0];
	_ =	sdelay $0x4  }
0x7c: {  	vm0 =	vne.s32 v3, v2;
	_ =	sdelay $0x2  }
.Ltmp4:
0x7d: {  	(pc) =	sbr.rel @p0 .LBB2_10-.Ltmp4, $4  }
0x7e: {  	v2 =	vnsel vm0, $0x2710, v2  }
0x7f: {  	[tilespmem:s14+$0x1000] =	vst v2  }
0x80: {  	s14 =	sshra.s32 s15, $0x2;
	[tilespmem:v3+s9+$0x0] =	vst.idx.add.f32.msk vm0, v1  }
0x81: {  	s15 =	sadd.s32 $0x40, s15;
	v2 =	vld [tilespmem:s14+$0x800]  }
0x82: {  	v3 =	vld [tilespmem:s14+$0x0];
	_ =	sdelay $0x4  }
0x83: {  	vm0 =	vne.s32 v3, v2;
	_ =	sdelay $0x3  }
0x84: {  	v2 =	vnsel vm0, $0x2710, v2  }
0x85: {  	[tilespmem:s14+$0x1000] =	vst v2  }
0x86: {  	s15 =	rddreg [dreg:$0xf];
	s14 =	simm.s32 $0x0;
	[tilespmem:v3+s9+$0x0] =	vst.idx.add.f32.msk vm0, v1  }
0x87: {  	[hbm4b:s15+s14] =	stream.linear.scatter [tilespmem:s10], [sflag:$0x1], $0x7D0, $0x38;
	[tilespmem:$0x6D00] =	vst v63  }
0x88: {  	_ =	swait.ge [sflag:s7], $0x7D0  }
0x89: {  	[sflag:s7] =	ssyncset.done $0x0  }
0x8a: {  	s16 =	rddreg [dreg:$0x10];
	[sflag:s7] =	ssyncadd.s32 $0xFFFFF830  }
0x8b: {  	[tilespmem:s14], [sflag:$0x1] =	stream.linear.gather [hbm4b:s16+s14], $0x7D0, $0x38;
	[tilespmem:$0x6D00] =	vst v63  }
0x8c: {  	_ =	swait.ge [sflag:s7], $0x7D0  }
0x8d: {  	[sflag:s7] =	ssyncset.done $0x0  }
0x8e: {  	s16 =	rddreg [dreg:$0x11];
	[sflag:s7] =	ssyncadd.s32 $0xFFFFF830  }
0x8f: {  	[tilespmem:s8], [sflag:$0x1] =	stream.linear.gather [hbm4b:s16+s14], $0x7D0, $0x38;
	[tilespmem:$0x6D00] =	vst v63  }
0x90: {  	_ =	swait.ge [sflag:s7], $0x7D0  }
0x91: {  	[sflag:s7] =	ssyncset.done $0x0  }
0x92: {  	s14 =	simm.s32 $0x0;
	[sflag:s7] =	ssyncadd.s32 $0xFFFFF830  }
0x93: {  	s15 =	simm.s32 $0x40;
	v2 =	vld [tilespmem:s14+$0x800]  }
.LBB2_12:
0x94: {  	p0 =	sne.s32 s15, $0x1F00;
	v3 =	vld [tilespmem:s14+$0x0];
	_ =	sdelay $0x4  }
0x95: {  	vm0 =	vne.s32 v3, v2;
	_ =	sdelay $0x2  }
.Ltmp5:
0x96: {  	(pc) =	sbr.rel @p0 .LBB2_12-.Ltmp5, $4  }
0x97: {  	v2 =	vnsel vm0, $0x2710, v2  }
0x98: {  	[tilespmem:s14+$0x1000] =	vst v2  }
0x99: {  	s14 =	sshra.s32 s15, $0x2;
	[tilespmem:v3+s9+$0x0] =	vst.idx.add.f32.msk vm0, v1  }
0x9a: {  	s15 =	sadd.s32 $0x40, s15;
	v2 =	vld [tilespmem:s14+$0x800]  }
0x9b: {  	v3 =	vld [tilespmem:s14+$0x0];
	_ =	sdelay $0x4  }
0x9c: {  	vm0 =	vne.s32 v3, v2;
	_ =	sdelay $0x3  }
0x9d: {  	v2 =	vnsel vm0, $0x2710, v2  }
0x9e: {  	[tilespmem:s14+$0x1000] =	vst v2  }
0x9f: {  	s16 =	simm.s32 $0x0;
	[tilespmem:v3+s9+$0x0] =	vst.idx.add.f32.msk vm0, v1  }
0xa0: {  	[hbm4b:s17+s16] =	stream.linear.scatter [tilespmem:s10], [sflag:$0x1], $0x7D0, $0x38;
	[tilespmem:$0x6D00] =	vst v63  }
0xa1: {  	_ =	swait.ge [sflag:s7], $0x7D0  }
0xa2: {  	[sflag:s7] =	ssyncset.done $0x0  }
0xa3: {  	[sflag:s7] =	ssyncadd.s32 $0xFFFFF830  }
0xa4: {  	[spmem:s19] =	stream.strided.scatter [tilespmem:s9], [sflag:$0x1], $0x2800, s12, s11, $0x38;
	[tilespmem:$0x6D00] =	vst v63  }
0xa5: {  	_ =	swait.ge [sflag:s7], $0x2800  }
0xa6: {  	[sflag:s7] =	ssyncset.done $0x0  }
0xa7: {  	[sflag:s7] =	ssyncadd.s32 $0xFFFFD800  }
0xa8: {  	[bflag:$0x0] =	sbarrier.arrive $0xFFFF  }
0xa9: {  	[tilespmem:$0x4280] =	vst v0  }
0xaa: {  	[tilespmem:$0x4290] =	vst v0  }
0xab: {  	[tilespmem:$0x42A0] =	vst v0  }
0xac: {  	[tilespmem:$0x42B0] =	vst v0  }
0xad: {  	[tilespmem:$0x42C0] =	vst v0  }
0xae: {  	[tilespmem:$0x42D0] =	vst v0  }
0xaf: {  	[tilespmem:$0x42E0] =	vst v0  }
0xb0: {  	[tilespmem:$0x42F0] =	vst v0  }
0xb1: {  	[tilespmem:$0x4300] =	vst v0  }
0xb2: {  	[tilespmem:$0x4310] =	vst v0  }
0xb3: {  	[tilespmem:$0x4320] =	vst v0  }
0xb4: {  	[tilespmem:$0x4330] =	vst v0  }
0xb5: {  	[tilespmem:$0x4340] =	vst v0  }
0xb6: {  	[tilespmem:$0x4350] =	vst v0  }
0xb7: {  	[tilespmem:$0x4360] =	vst v0  }
0xb8: {  	[tilespmem:$0x4370] =	vst v0  }
0xb9: {  	[tilespmem:$0x4380] =	vst v0  }
0xba: {  	[tilespmem:$0x4390] =	vst v0  }
0xbb: {  	[tilespmem:$0x43A0] =	vst v0  }
0xbc: {  	[tilespmem:$0x43B0] =	vst v0  }
0xbd: {  	[tilespmem:$0x43C0] =	vst v0  }
0xbe: {  	[tilespmem:$0x43D0] =	vst v0  }
0xbf: {  	[tilespmem:$0x43E0] =	vst v0  }
0xc0: {  	[tilespmem:$0x43F0] =	vst v0  }
0xc1: {  	[tilespmem:$0x4400] =	vst v0  }
0xc2: {  	[tilespmem:$0x4410] =	vst v0  }
0xc3: {  	[tilespmem:$0x4420] =	vst v0  }
0xc4: {  	[tilespmem:$0x4430] =	vst v0  }
0xc5: {  	[tilespmem:$0x4440] =	vst v0  }
0xc6: {  	[tilespmem:$0x4450] =	vst v0  }
0xc7: {  	[tilespmem:$0x4460] =	vst v0  }
0xc8: {  	[tilespmem:$0x4470] =	vst v0  }
0xc9: {  	[tilespmem:$0x4480] =	vst v0  }
0xca: {  	[tilespmem:$0x4490] =	vst v0  }
0xcb: {  	[tilespmem:$0x44A0] =	vst v0  }
0xcc: {  	[tilespmem:$0x44B0] =	vst v0  }
0xcd: {  	[tilespmem:$0x44C0] =	vst v0  }
0xce: {  	[tilespmem:$0x44D0] =	vst v0  }
0xcf: {  	[tilespmem:$0x44E0] =	vst v0  }
0xd0: {  	[tilespmem:$0x44F0] =	vst v0  }
0xd1: {  	[tilespmem:s13], [sflag:$0x1] =	stream.strided.gather [spmem:s18], $0x280, s12, s11, $0x38;
	[tilespmem:$0x6D00] =	vst v63  }
0xd2: {  	_ =	swait.ge [sflag:s7], $0x280  }
0xd3: {  	[sflag:s7] =	ssyncset.done $0x0  }
0xd4: {  	s14 =	simm.s32 $0x0;
	[sflag:s7] =	ssyncadd.s32 $0xFFFFFD80  }
0xd5: {  	s15 =	simm.s32 $0x40;
	v2 =	vld [tilespmem:s14+$0x4000]  }
.LBB2_14:
0xd6: {  	p0 =	sne.s32 s15, $0x9C0;
	v3 =	vld [tilespmem:s14+$0x4280];
	_ =	sdelay $0x2  }
.Ltmp6:
0xd7: {  	(pc) =	sbr.rel @p0 .LBB2_14-.Ltmp6, $4  }
0xd8: {  	_ = 	snop  }
0xd9: {  	v3 =	vadd.f32 v2, v3  }
0xda: {  	s16 =	sshra.s32 s15, $0x2  }
0xdb: {  	s15 =	sadd.s32 $0x40, s15;
	v2 =	vld [tilespmem:s16+$0x4000];
	[tilespmem:s14+$0x4280] =	vst v3;
	s14 =	smov.u32 s16  }
0xdc: {  	v3 =	vld [tilespmem:s14+$0x4280];
	_ =	sdelay $0x4  }
0xdd: {  	v2 =	vadd.f32 v2, v3;
	_ =	sdelay $0x1  }
0xde: {  	[tilespmem:s14+$0x4280] =	vst v2  }
0xdf: {  	[tilespmem:s13], [sflag:$0x1] =	stream.strided.gather [spmem:s20], $0x280, s12, s11, $0x38;
	[tilespmem:$0x6D00] =	vst v63  }
0xe0: {  	_ =	swait.ge [sflag:s7], $0x280  }
0xe1: {  	[sflag:s7] =	ssyncset.done $0x0  }
0xe2: {  	s14 =	simm.s32 $0x0;
	[sflag:s7] =	ssyncadd.s32 $0xFFFFFD80  }
0xe3: {  	s15 =	simm.s32 $0x40;
	v2 =	vld [tilespmem:s14+$0x4000]  }
.LBB2_16:
0xe4: {  	p0 =	sne.s32 s15, $0x9C0;
	v3 =	vld [tilespmem:s14+$0x4280];
	_ =	sdelay $0x2  }
.Ltmp7:
0xe5: {  	(pc) =	sbr.rel @p0 .LBB2_16-.Ltmp7, $4  }
0xe6: {  	_ = 	snop  }
0xe7: {  	v3 =	vadd.f32 v2, v3  }
0xe8: {  	s16 =	sshra.s32 s15, $0x2  }
0xe9: {  	s15 =	sadd.s32 $0x40, s15;
	v2 =	vld [tilespmem:s16+$0x4000];
	[tilespmem:s14+$0x4280] =	vst v3;
	s14 =	smov.u32 s16  }
0xea: {  	v3 =	vld [tilespmem:s14+$0x4280];
	_ =	sdelay $0x4  }
0xeb: {  	v2 =	vadd.f32 v2, v3;
	_ =	sdelay $0x1  }
0xec: {  	[tilespmem:s14+$0x4280] =	vst v2  }
0xed: {  	[tilespmem:s13], [sflag:$0x1] =	stream.strided.gather [spmem:s21], $0x280, s12, s11, $0x38;
	[tilespmem:$0x6D00] =	vst v63  }
0xee: {  	_ =	swait.ge [sflag:s7], $0x280  }
0xef: {  	[sflag:s7] =	ssyncset.done $0x0  }
0xf0: {  	s14 =	simm.s32 $0x0;
	[sflag:s7] =	ssyncadd.s32 $0xFFFFFD80  }
0xf1: {  	s15 =	simm.s32 $0x40;
	v2 =	vld [tilespmem:s14+$0x4000]  }
.LBB2_18:
0xf2: {  	p0 =	sne.s32 s15, $0x9C0;
	v3 =	vld [tilespmem:s14+$0x4280];
	_ =	sdelay $0x2  }
.Ltmp8:
0xf3: {  	(pc) =	sbr.rel @p0 .LBB2_18-.Ltmp8, $4  }
0xf4: {  	_ = 	snop  }
0xf5: {  	v3 =	vadd.f32 v2, v3  }
0xf6: {  	s16 =	sshra.s32 s15, $0x2  }
0xf7: {  	s15 =	sadd.s32 $0x40, s15;
	v2 =	vld [tilespmem:s16+$0x4000];
	[tilespmem:s14+$0x4280] =	vst v3;
	s14 =	smov.u32 s16  }
0xf8: {  	v3 =	vld [tilespmem:s14+$0x4280];
	_ =	sdelay $0x4  }
0xf9: {  	v2 =	vadd.f32 v2, v3;
	_ =	sdelay $0x1  }
0xfa: {  	[tilespmem:s14+$0x4280] =	vst v2  }
0xfb: {  	[tilespmem:s13], [sflag:$0x1] =	stream.strided.gather [spmem:s22], $0x280, s12, s11, $0x38;
	[tilespmem:$0x6D00] =	vst v63  }
0xfc: {  	_ =	swait.ge [sflag:s7], $0x280  }
0xfd: {  	[sflag:s7] =	ssyncset.done $0x0  }
0xfe: {  	s14 =	simm.s32 $0x0;
	[sflag:s7] =	ssyncadd.s32 $0xFFFFFD80  }
0xff: {  	s15 =	simm.s32 $0x40;
	v2 =	vld [tilespmem:s14+$0x4000]  }
.LBB2_20:
0x100: {  	p0 =	sne.s32 s15, $0x9C0;
	v3 =	vld [tilespmem:s14+$0x4280];
	_ =	sdelay $0x2  }
.Ltmp9:
0x101: {  	(pc) =	sbr.rel @p0 .LBB2_20-.Ltmp9, $4  }
0x102: {  	_ = 	snop  }
0x103: {  	v3 =	vadd.f32 v2, v3  }
0x104: {  	s16 =	sshra.s32 s15, $0x2  }
0x105: {  	s15 =	sadd.s32 $0x40, s15;
	v2 =	vld [tilespmem:s16+$0x4000];
	[tilespmem:s14+$0x4280] =	vst v3;
	s14 =	smov.u32 s16  }
0x106: {  	v3 =	vld [tilespmem:s14+$0x4280];
	_ =	sdelay $0x4  }
0x107: {  	v2 =	vadd.f32 v2, v3;
	_ =	sdelay $0x1  }
0x108: {  	[tilespmem:s14+$0x4280] =	vst v2  }
0x109: {  	[tilespmem:s13], [sflag:$0x1] =	stream.strided.gather [spmem:s23], $0x280, s12, s11, $0x38;
	[tilespmem:$0x6D00] =	vst v63  }
0x10a: {  	_ =	swait.ge [sflag:s7], $0x280  }
0x10b: {  	[sflag:s7] =	ssyncset.done $0x0  }
0x10c: {  	s14 =	simm.s32 $0x0;
	[sflag:s7] =	ssyncadd.s32 $0xFFFFFD80  }
0x10d: {  	s15 =	simm.s32 $0x40;
	v2 =	vld [tilespmem:s14+$0x4000]  }
.LBB2_22:
0x10e: {  	p0 =	sne.s32 s15, $0x9C0;
	v3 =	vld [tilespmem:s14+$0x4280];
	_ =	sdelay $0x2  }
.Ltmp10:
0x10f: {  	(pc) =	sbr.rel @p0 .LBB2_22-.Ltmp10, $4  }
0x110: {  	_ = 	snop  }
0x111: {  	v3 =	vadd.f32 v2, v3  }
0x112: {  	s16 =	sshra.s32 s15, $0x2  }
0x113: {  	s15 =	sadd.s32 $0x40, s15;
	v2 =	vld [tilespmem:s16+$0x4000];
	[tilespmem:s14+$0x4280] =	vst v3;
	s14 =	smov.u32 s16  }
0x114: {  	v3 =	vld [tilespmem:s14+$0x4280];
	_ =	sdelay $0x4  }
0x115: {  	v2 =	vadd.f32 v2, v3;
	_ =	sdelay $0x1  }
0x116: {  	[tilespmem:s14+$0x4280] =	vst v2  }
0x117: {  	[tilespmem:s13], [sflag:$0x1] =	stream.strided.gather [spmem:s26], $0x280, s12, s11, $0x38;
	[tilespmem:$0x6D00] =	vst v63  }
0x118: {  	_ =	swait.ge [sflag:s7], $0x280  }
0x119: {  	[sflag:s7] =	ssyncset.done $0x0  }
0x11a: {  	s14 =	simm.s32 $0x0;
	[sflag:s7] =	ssyncadd.s32 $0xFFFFFD80  }
0x11b: {  	s15 =	simm.s32 $0x40;
	v2 =	vld [tilespmem:s14+$0x4000]  }
.LBB2_24:
0x11c: {  	p0 =	sne.s32 s15, $0x9C0;
	v3 =	vld [tilespmem:s14+$0x4280];
	_ =	sdelay $0x2  }
.Ltmp11:
0x11d: {  	(pc) =	sbr.rel @p0 .LBB2_24-.Ltmp11, $4  }
0x11e: {  	_ = 	snop  }
0x11f: {  	v3 =	vadd.f32 v2, v3  }
0x120: {  	s16 =	sshra.s32 s15, $0x2  }
0x121: {  	s15 =	sadd.s32 $0x40, s15;
	v2 =	vld [tilespmem:s16+$0x4000];
	[tilespmem:s14+$0x4280] =	vst v3;
	s14 =	smov.u32 s16  }
0x122: {  	v3 =	vld [tilespmem:s14+$0x4280];
	_ =	sdelay $0x4  }
0x123: {  	v2 =	vadd.f32 v2, v3;
	_ =	sdelay $0x1  }
0x124: {  	[tilespmem:s14+$0x4280] =	vst v2  }
0x125: {  	[tilespmem:s13], [sflag:$0x1] =	stream.strided.gather [spmem:s28], $0x280, s12, s11, $0x38;
	[tilespmem:$0x6D00] =	vst v63  }
0x126: {  	_ =	swait.ge [sflag:s7], $0x280  }
0x127: {  	[sflag:s7] =	ssyncset.done $0x0  }
0x128: {  	s14 =	simm.s32 $0x0;
	[sflag:s7] =	ssyncadd.s32 $0xFFFFFD80  }
0x129: {  	s15 =	simm.s32 $0x40;
	v2 =	vld [tilespmem:s14+$0x4000]  }
.LBB2_26:
0x12a: {  	p0 =	sne.s32 s15, $0x9C0;
	v3 =	vld [tilespmem:s14+$0x4280];
	_ =	sdelay $0x2  }
.Ltmp12:
0x12b: {  	(pc) =	sbr.rel @p0 .LBB2_26-.Ltmp12, $4  }
0x12c: {  	_ = 	snop  }
0x12d: {  	v3 =	vadd.f32 v2, v3  }
0x12e: {  	s16 =	sshra.s32 s15, $0x2  }
0x12f: {  	s15 =	sadd.s32 $0x40, s15;
	v2 =	vld [tilespmem:s16+$0x4000];
	[tilespmem:s14+$0x4280] =	vst v3;
	s14 =	smov.u32 s16  }
0x130: {  	v3 =	vld [tilespmem:s14+$0x4280];
	_ =	sdelay $0x4  }
0x131: {  	v2 =	vadd.f32 v2, v3;
	_ =	sdelay $0x1  }
0x132: {  	[tilespmem:s14+$0x4280] =	vst v2  }
0x133: {  	[tilespmem:s13], [sflag:$0x1] =	stream.strided.gather [spmem:s29], $0x280, s12, s11, $0x38;
	[tilespmem:$0x6D00] =	vst v63  }
0x134: {  	_ =	swait.ge [sflag:s7], $0x280  }
0x135: {  	[sflag:s7] =	ssyncset.done $0x0  }
0x136: {  	s14 =	simm.s32 $0x0;
	[sflag:s7] =	ssyncadd.s32 $0xFFFFFD80  }
0x137: {  	s15 =	simm.s32 $0x40;
	v2 =	vld [tilespmem:s14+$0x4000]  }
.LBB2_28:
0x138: {  	p0 =	sne.s32 s15, $0x9C0;
	v3 =	vld [tilespmem:s14+$0x4280];
	_ =	sdelay $0x2  }
.Ltmp13:
0x139: {  	(pc) =	sbr.rel @p0 .LBB2_28-.Ltmp13, $4  }
0x13a: {  	_ = 	snop  }
0x13b: {  	v3 =	vadd.f32 v2, v3  }
0x13c: {  	s16 =	sshra.s32 s15, $0x2  }
0x13d: {  	s15 =	sadd.s32 $0x40, s15;
	v2 =	vld [tilespmem:s16+$0x4000];
	[tilespmem:s14+$0x4280] =	vst v3;
	s14 =	smov.u32 s16  }
0x13e: {  	v3 =	vld [tilespmem:s14+$0x4280];
	_ =	sdelay $0x4  }
0x13f: {  	v2 =	vadd.f32 v2, v3;
	_ =	sdelay $0x1  }
0x140: {  	[tilespmem:s14+$0x4280] =	vst v2  }
0x141: {  	[tilespmem:s13], [sflag:$0x1] =	stream.strided.gather [spmem:s30], $0x280, s12, s11, $0x38;
	[tilespmem:$0x6D00] =	vst v63  }
0x142: {  	_ =	swait.ge [sflag:s7], $0x280  }
0x143: {  	[sflag:s7] =	ssyncset.done $0x0  }
0x144: {  	s14 =	simm.s32 $0x0;
	[sflag:s7] =	ssyncadd.s32 $0xFFFFFD80  }
0x145: {  	s15 =	simm.s32 $0x40;
	v2 =	vld [tilespmem:s14+$0x4000]  }
.LBB2_30:
0x146: {  	p0 =	sne.s32 s15, $0x9C0;
	v3 =	vld [tilespmem:s14+$0x4280];
	_ =	sdelay $0x2  }
.Ltmp14:
0x147: {  	(pc) =	sbr.rel @p0 .LBB2_30-.Ltmp14, $4  }
0x148: {  	_ = 	snop  }
0x149: {  	v3 =	vadd.f32 v2, v3  }
0x14a: {  	s16 =	sshra.s32 s15, $0x2  }
0x14b: {  	s15 =	sadd.s32 $0x40, s15;
	v2 =	vld [tilespmem:s16+$0x4000];
	[tilespmem:s14+$0x4280] =	vst v3;
	s14 =	smov.u32 s16  }
0x14c: {  	v3 =	vld [tilespmem:s14+$0x4280];
	_ =	sdelay $0x4  }
0x14d: {  	v2 =	vadd.f32 v2, v3;
	_ =	sdelay $0x1  }
0x14e: {  	[tilespmem:s14+$0x4280] =	vst v2  }
0x14f: {  	[tilespmem:s13], [sflag:$0x1] =	stream.strided.gather [spmem:s31], $0x280, s12, s11, $0x38;
	[tilespmem:$0x6D00] =	vst v63  }
0x150: {  	_ =	swait.ge [sflag:s7], $0x280  }
0x151: {  	[sflag:s7] =	ssyncset.done $0x0  }
0x152: {  	s14 =	simm.s32 $0x0;
	[sflag:s7] =	ssyncadd.s32 $0xFFFFFD80  }
0x153: {  	s15 =	simm.s32 $0x40;
	v2 =	vld [tilespmem:s14+$0x4000]  }
.LBB2_32:
0x154: {  	p0 =	sne.s32 s15, $0x9C0;
	v3 =	vld [tilespmem:s14+$0x4280];
	_ =	sdelay $0x2  }
.Ltmp15:
0x155: {  	(pc) =	sbr.rel @p0 .LBB2_32-.Ltmp15, $4  }
0x156: {  	_ = 	snop  }
0x157: {  	v3 =	vadd.f32 v2, v3  }
0x158: {  	s16 =	sshra.s32 s15, $0x2  }
0x159: {  	s15 =	sadd.s32 $0x40, s15;
	v2 =	vld [tilespmem:s16+$0x4000];
	[tilespmem:s14+$0x4280] =	vst v3;
	s14 =	smov.u32 s16  }
0x15a: {  	v3 =	vld [tilespmem:s14+$0x4280];
	_ =	sdelay $0x4  }
0x15b: {  	v2 =	vadd.f32 v2, v3;
	_ =	sdelay $0x1  }
0x15c: {  	[tilespmem:s14+$0x4280] =	vst v2  }
0x15d: {  	[tilespmem:s13], [sflag:$0x1] =	stream.strided.gather [spmem:s0], $0x280, s12, s11, $0x38;
	[tilespmem:$0x6D00] =	vst v63  }
0x15e: {  	_ =	swait.ge [sflag:s7], $0x280  }
0x15f: {  	[sflag:s7] =	ssyncset.done $0x0  }
0x160: {  	s14 =	simm.s32 $0x0;
	[sflag:s7] =	ssyncadd.s32 $0xFFFFFD80  }
0x161: {  	s15 =	simm.s32 $0x40;
	v2 =	vld [tilespmem:s14+$0x4000]  }
.LBB2_34:
0x162: {  	p0 =	sne.s32 s15, $0x9C0;
	v3 =	vld [tilespmem:s14+$0x4280];
	_ =	sdelay $0x2  }
.Ltmp16:
0x163: {  	(pc) =	sbr.rel @p0 .LBB2_34-.Ltmp16, $4  }
0x164: {  	_ = 	snop  }
0x165: {  	v3 =	vadd.f32 v2, v3  }
0x166: {  	s16 =	sshra.s32 s15, $0x2  }
0x167: {  	s15 =	sadd.s32 $0x40, s15;
	v2 =	vld [tilespmem:s16+$0x4000];
	[tilespmem:s14+$0x4280] =	vst v3;
	s14 =	smov.u32 s16  }
0x168: {  	v3 =	vld [tilespmem:s14+$0x4280];
	_ =	sdelay $0x4  }
0x169: {  	v2 =	vadd.f32 v2, v3;
	_ =	sdelay $0x1  }
0x16a: {  	[tilespmem:s14+$0x4280] =	vst v2  }
0x16b: {  	[tilespmem:s13], [sflag:$0x1] =	stream.strided.gather [spmem:s1], $0x280, s12, s11, $0x38;
	[tilespmem:$0x6D00] =	vst v63  }
0x16c: {  	_ =	swait.ge [sflag:s7], $0x280  }
0x16d: {  	[sflag:s7] =	ssyncset.done $0x0  }
0x16e: {  	s14 =	simm.s32 $0x0;
	[sflag:s7] =	ssyncadd.s32 $0xFFFFFD80  }
0x16f: {  	s15 =	simm.s32 $0x40;
	v2 =	vld [tilespmem:s14+$0x4000]  }
.LBB2_36:
0x170: {  	p0 =	sne.s32 s15, $0x9C0;
	v3 =	vld [tilespmem:s14+$0x4280];
	_ =	sdelay $0x2  }
.Ltmp17:
0x171: {  	(pc) =	sbr.rel @p0 .LBB2_36-.Ltmp17, $4  }
0x172: {  	_ = 	snop  }
0x173: {  	v3 =	vadd.f32 v2, v3  }
0x174: {  	s16 =	sshra.s32 s15, $0x2  }
0x175: {  	s15 =	sadd.s32 $0x40, s15;
	v2 =	vld [tilespmem:s16+$0x4000];
	[tilespmem:s14+$0x4280] =	vst v3;
	s14 =	smov.u32 s16  }
0x176: {  	v3 =	vld [tilespmem:s14+$0x4280];
	_ =	sdelay $0x4  }
0x177: {  	v2 =	vadd.f32 v2, v3;
	_ =	sdelay $0x1  }
0x178: {  	[tilespmem:s14+$0x4280] =	vst v2  }
0x179: {  	[tilespmem:s13], [sflag:$0x1] =	stream.strided.gather [spmem:s3], $0x280, s12, s11, $0x38;
	[tilespmem:$0x6D00] =	vst v63  }
0x17a: {  	_ =	swait.ge [sflag:s7], $0x280  }
0x17b: {  	[sflag:s7] =	ssyncset.done $0x0  }
0x17c: {  	s14 =	simm.s32 $0x0;
	[sflag:s7] =	ssyncadd.s32 $0xFFFFFD80  }
0x17d: {  	s15 =	simm.s32 $0x40;
	v2 =	vld [tilespmem:s14+$0x4000]  }
.LBB2_38:
0x17e: {  	p0 =	sne.s32 s15, $0x9C0;
	v3 =	vld [tilespmem:s14+$0x4280];
	_ =	sdelay $0x2  }
.Ltmp18:
0x17f: {  	(pc) =	sbr.rel @p0 .LBB2_38-.Ltmp18, $4  }
0x180: {  	_ = 	snop  }
0x181: {  	v3 =	vadd.f32 v2, v3  }
0x182: {  	s16 =	sshra.s32 s15, $0x2  }
0x183: {  	s15 =	sadd.s32 $0x40, s15;
	v2 =	vld [tilespmem:s16+$0x4000];
	[tilespmem:s14+$0x4280] =	vst v3;
	s14 =	smov.u32 s16  }
0x184: {  	v3 =	vld [tilespmem:s14+$0x4280];
	_ =	sdelay $0x4  }
0x185: {  	v2 =	vadd.f32 v2, v3;
	_ =	sdelay $0x1  }
0x186: {  	[tilespmem:s14+$0x4280] =	vst v2  }
0x187: {  	[tilespmem:s13], [sflag:$0x1] =	stream.strided.gather [spmem:s4], $0x280, s12, s11, $0x38;
	[tilespmem:$0x6D00] =	vst v63  }
0x188: {  	_ =	swait.ge [sflag:s7], $0x280  }
0x189: {  	[sflag:s7] =	ssyncset.done $0x0  }
0x18a: {  	s14 =	simm.s32 $0x0;
	[sflag:s7] =	ssyncadd.s32 $0xFFFFFD80  }
0x18b: {  	s15 =	simm.s32 $0x40;
	v2 =	vld [tilespmem:s14+$0x4000]  }
.LBB2_40:
0x18c: {  	p0 =	sne.s32 s15, $0x9C0;
	v3 =	vld [tilespmem:s14+$0x4280];
	_ =	sdelay $0x2  }
.Ltmp19:
0x18d: {  	(pc) =	sbr.rel @p0 .LBB2_40-.Ltmp19, $4  }
0x18e: {  	_ = 	snop  }
0x18f: {  	v3 =	vadd.f32 v2, v3  }
0x190: {  	s16 =	sshra.s32 s15, $0x2  }
0x191: {  	s15 =	sadd.s32 $0x40, s15;
	v2 =	vld [tilespmem:s16+$0x4000];
	[tilespmem:s14+$0x4280] =	vst v3;
	s14 =	smov.u32 s16  }
0x192: {  	v3 =	vld [tilespmem:s14+$0x4280];
	_ =	sdelay $0x4  }
0x193: {  	v2 =	vadd.f32 v2, v3;
	_ =	sdelay $0x1  }
0x194: {  	[tilespmem:s14+$0x4280] =	vst v2  }
0x195: {  	[tilespmem:s13], [sflag:$0x1] =	stream.strided.gather [spmem:s5], $0x280, s12, s11, $0x38;
	[tilespmem:$0x6D00] =	vst v63  }
0x196: {  	_ =	swait.ge [sflag:s7], $0x280  }
0x197: {  	[sflag:s7] =	ssyncset.done $0x0  }
0x198: {  	s14 =	simm.s32 $0x0;
	[sflag:s7] =	ssyncadd.s32 $0xFFFFFD80  }
0x199: {  	s15 =	simm.s32 $0x40;
	v2 =	vld [tilespmem:s14+$0x4000]  }
.LBB2_42:
0x19a: {  	p0 =	sne.s32 s15, $0x9C0;
	v3 =	vld [tilespmem:s14+$0x4280];
	_ =	sdelay $0x2  }
.Ltmp20:
0x19b: {  	(pc) =	sbr.rel @p0 .LBB2_42-.Ltmp20, $4  }
0x19c: {  	_ = 	snop  }
0x19d: {  	v3 =	vadd.f32 v2, v3  }
0x19e: {  	s16 =	sshra.s32 s15, $0x2  }
0x19f: {  	s15 =	sadd.s32 $0x40, s15;
	v2 =	vld [tilespmem:s16+$0x4000];
	[tilespmem:s14+$0x4280] =	vst v3;
	s14 =	smov.u32 s16  }
0x1a0: {  	v3 =	vld [tilespmem:s14+$0x4280];
	_ =	sdelay $0x4  }
0x1a1: {  	v2 =	vadd.f32 v2, v3;
	_ =	sdelay $0x1  }
0x1a2: {  	[tilespmem:s14+$0x4280] =	vst v2  }
0x1a3: {  	[tilespmem:s13], [sflag:$0x1] =	stream.strided.gather [spmem:s6], $0x280, s12, s11, $0x38;
	[tilespmem:$0x6D00] =	vst v63  }
0x1a4: {  	_ =	swait.ge [sflag:s7], $0x280  }
0x1a5: {  	[sflag:s7] =	ssyncset.done $0x0  }
0x1a6: {  	s14 =	simm.s32 $0x0;
	[sflag:s7] =	ssyncadd.s32 $0xFFFFFD80  }
0x1a7: {  	s15 =	simm.s32 $0x40;
	v2 =	vld [tilespmem:s14+$0x4000]  }
.LBB2_44:
0x1a8: {  	p0 =	sne.s32 s15, $0x9C0;
	v3 =	vld [tilespmem:s14+$0x4280];
	_ =	sdelay $0x2  }
.Ltmp21:
0x1a9: {  	(pc) =	sbr.rel @p0 .LBB2_44-.Ltmp21, $4  }
0x1aa: {  	_ = 	snop  }
0x1ab: {  	v3 =	vadd.f32 v2, v3  }
0x1ac: {  	s16 =	sshra.s32 s15, $0x2  }
0x1ad: {  	s15 =	sadd.s32 $0x40, s15;
	v2 =	vld [tilespmem:s16+$0x4000];
	[tilespmem:s14+$0x4280] =	vst v3;
	s14 =	smov.u32 s16  }
0x1ae: {  	v3 =	vld [tilespmem:s14+$0x4280];
	_ =	sdelay $0x4  }
0x1af: {  	s2 =	sadd.s32 $0x1, s2;
	v2 =	vadd.f32 v2, v3  }
0x1b0: {  	p0 =	sne.s32 s2, s25  }
.Ltmp22:
0x1b1: {  	s16 =	simm.s32 $0x100;
	s15 =	simm.s32 $0x4280;
	[tilespmem:s14+$0x4280] =	vst v2;
	(pc) =	sbr.rel @p0 .LBB2_1-.Ltmp22, $4  }
0x1b2: {  	[hbm4b:s24+s11] =	stream.strided.scatter [tilespmem:s15], [sflag:$0x1], $0x280, s16, s11, $0x38;
	[tilespmem:$0x6D00] =	vst v63  }
0x1b3: {  	_ =	swait.ge [sflag:s7], $0x280  }
0x1b4: {  	[sflag:s7] =	ssyncset.done $0x0  }
0x1b5: {  	[sflag:s7] =	ssyncadd.s32 $0xFFFFFD80  }
0x1b6: {  	_ =	sfence.sel $0x180000  }
0x1b7: {  	[bflag:$0x0] =	sbarrier.arrive $0xFFFF  }
0x1b8: {  	_ =	strace $0x90000047  }
0x1b9: {  	s0 =	stileid.u32;
	[bflag:$0x2] =	sbarrier.arrive $0xFFFF  }
0x1ba: {  	p0 =	sne.s32 s0, $0x0;
	s0 =	rddreg [dreg:$0x3]  }
0x1bb: {  	s0 =	sadd.s32 @!p0 $0x100000, s0  }
0x1bc: {  	[sflag:s0] =	ssyncadd.tile.s32 @!p0 $0x1;
	_ =	shalt  }
.Lfunc_end2:
_tile_overlayer_lowered:
.L_overlay_start_2:
0x1bd: {  	(tag) =	ssettag $0x2  }
0x1be: {  	s0 =	rddreg [dreg:$0x0];
	s2 =	stileid.u32  }
0x1bf: {  	s1 =	rddreg [dreg:$0x1];
	p0 =	sne.s32 s2, $0x0  }
0x1c0: {  	s3 =	rddreg [dreg:$0x2];
	[bflag:$0x3] =	sbarrier.arrive $0xFFFF;
	s2 =	simm.s32 @!p0 $0x1C01  }
0x1c1: {  	[timem:s3], [sflag:s2] =	dma.local @!p0 [hbm:s0], s1  }
0x1c2: {  	s0 =	simm.s32 @!p0 $0x1  }
0x1c3: {  	_ =	swait.ge @!p0 [sflag:s0], s1  }
0x1c4: {  	s1 =	ssub.s32 @!p0 $0x0, s1;
	[sflag:s0] =	ssyncset.done @!p0 $0x0  }
0x1c5: {  	[sflag:s0] =	ssyncadd.s32 @!p0 s1  }
0x1c6: {  	[bflag:$0x3] =	sbarrier.arrive $0xFFFF  }
0x1c7: {  	_ =	shalt  }

</sc_bundles>
